<compile_context>
chip_gen: v7x
topology: tpu7x:2x2x1
jax: 0.10.2.dev20260603
libtpu: 0.0.44.dev20260713+nightly
codegen_flags: <defaults>
</compile_context>

<pallas_src>
import functools

import jax
import jax.numpy as jnp
from jax import lax
from jax.experimental import pallas as pl
from jax.experimental.pallas import tpu as pltpu
from jax.experimental.pallas import tpu_sc as plsc

N = 10000
NP = 10240
E = 320000
EP = 327680
H = 128
C = 16
N1 = 500
N1P = 512
E1 = 5000
E1P = 5120

NC = 2
NS = 16
NW = NC * NS

_BN_RS = 0.9999950000374997

_f32 = jnp.float32
_i32 = jnp.int32


def _mesh():
    return plsc.VectorSubcoreMesh(
        core_axis_name="c", subcore_axis_name="s", num_cores=NC, num_subcores=NS
    )



def _pre_body(dst0, p1, dst1, fidx1, deg_out, cnt_out, deg1_out, a_out,
              zbuf, cbuf, ones_a, ones_b, bufd0, bufp, bufd, fidx,
              deg_sh, cnt_sh, deg1_sh, a_sh,
              sem_a, sem_b, sem_c):
    cid = lax.axis_index("c")
    sid = lax.axis_index("s")
    w = cid * NS + sid

    z16 = jnp.zeros((16,), _f32)
    o16 = jnp.full((16,), 1.0, _f32)
    for k in range(2048 // 16):
        zbuf[pl.ds(k * 16, 16)] = z16
    for k in range(128 // 16):
        ones_a[pl.ds(k * 16, 16)] = o16
    for k in range(80 // 16):
        ones_b[pl.ds(k * 16, 16)] = o16

    pltpu.sync_copy(zbuf.at[pl.ds(0, 640)], deg_sh.at[pl.ds(sid * 640, 640)])
    pltpu.sync_copy(zbuf.at[pl.ds(0, 32)], cnt_sh.at[pl.ds(sid * 32, 32)])
    pltpu.sync_copy(zbuf.at[pl.ds(0, 32)], deg1_sh.at[pl.ds(sid * 32, 32)])

    @pl.loop(0, 8)
    def _(t):
        pltpu.sync_copy(zbuf, a_sh.at[pl.ds(sid * 16384 + t * 2048, 2048)])
    plsc.subcore_barrier()

    pltpu.sync_copy(dst0.at[pl.ds(w * 80, 80)], bufd0)

    @pl.loop(0, 80)
    def _(j):
        pltpu.async_copy(ones_a, deg_sh.at[bufd0.at[j]], sem_a, add=True)

    pltpu.sync_copy(p1.at[pl.ds(w * 4, 4)], bufp)
    for j in range(4):
        pltpu.async_copy(ones_b, cnt_sh.at[bufp.at[j]], sem_b, add=True)

    pltpu.sync_copy(dst1.at[pl.ds(sid * 4, 4)], bufd)
    for j in range(4):
        pltpu.async_copy(ones_b, deg1_sh.at[bufd.at[j]], sem_c, add=True)

    @pl.loop(0, 80)
    def _(j):
        pltpu.make_async_copy(ones_a, deg_sh.at[bufd0.at[j]], sem_a).wait()
    for j in range(4):
        pltpu.make_async_copy(ones_b, cnt_sh.at[bufp.at[j]], sem_b).wait()
        pltpu.make_async_copy(ones_b, deg1_sh.at[bufd.at[j]], sem_c).wait()
    plsc.subcore_barrier()

    row0 = cid * 32 + sid * 2
    pltpu.sync_copy(fidx1.at[pl.ds(row0, 2)], fidx)
    for j in range(2):
        pltpu.sync_copy(ones_b, a_sh.at[fidx.at[j]], add=True)
    plsc.subcore_barrier()

    pltpu.sync_copy(deg_sh.at[pl.ds(sid * 640, 640)], zbuf.at[pl.ds(0, 640)])
    pltpu.sync_copy(zbuf.at[pl.ds(0, 640)], deg_out.at[cid, sid])

    @pl.when(sid == 0)
    def _():
        pltpu.sync_copy(cnt_sh, cbuf)
        pltpu.sync_copy(cbuf, cnt_out.at[cid])

    @pl.when(sid == 1)
    def _():
        pltpu.sync_copy(deg1_sh, cbuf)
        pltpu.sync_copy(cbuf, deg1_out.at[cid])

    @pl.loop(0, 8)
    def _(t):
        pltpu.sync_copy(a_sh.at[pl.ds(sid * 16384 + t * 2048, 2048)], zbuf)
        pltpu.sync_copy(zbuf, a_out.at[cid, sid * 8 + t])


def _make_pre_kernel():
    return pl.kernel(
        _pre_body,
        out_type=(
            jax.ShapeDtypeStruct((NC, NS, 640), _f32),
            jax.ShapeDtypeStruct((NC, N1P), _f32),
            jax.ShapeDtypeStruct((NC, N1P), _f32),
            jax.ShapeDtypeStruct((NC, 128, 2048), _f32),
        ),
        mesh=_mesh(),
        scratch_types=[
            pltpu.VMEM((2048,), _f32),
            pltpu.VMEM((N1P,), _f32),
            pltpu.VMEM((128,), _f32),
            pltpu.VMEM((80,), _f32),
            pltpu.VMEM((80, 128), _i32),
            pltpu.VMEM((4, 80), _i32),
            pltpu.VMEM((4, 80), _i32),
            pltpu.VMEM((2, 80), _i32),
            pltpu.VMEM_SHARED((NP,), _f32),
            pltpu.VMEM_SHARED((N1P,), _f32),
            pltpu.VMEM_SHARED((N1P,), _f32),
            pltpu.VMEM_SHARED((N1P * N1P,), _f32),
            pltpu.SemaphoreType.DMA,
            pltpu.SemaphoreType.DMA,
            pltpu.SemaphoreType.DMA,
        ],
    )



def _make_row_scatter(n_in, n_out, ep, ch):
    eper = ep // NW
    nch = eper // ch
    assert eper % ch == 0 and ch % 8 == 0 and ch <= 128
    rps = n_out // NS
    S = 4 if (nch % 4 == 0 and nch >= 4) else 1

    def body(src_r, dst_r, tab_r, out_r, *refs):
        idxs = refs[0:S]
        idxd = refs[S:2 * S]
        rows = refs[2 * S:3 * S]
        acc_sh = refs[3 * S]
        isem = refs[3 * S + 1:4 * S + 1]
        gsem = refs[4 * S + 1:5 * S + 1]
        ssem = refs[5 * S + 1:6 * S + 1]

        cid = lax.axis_index("c")
        sid = lax.axis_index("s")
        w = cid * NS + sid

        z16 = jnp.zeros((16,), _f32)

        @pl.loop(0, min(ch, rps))
        def _(r):
            for k in range(H // 16):
                rows[0][r, pl.ds(k * 16, 16)] = z16

        if rps >= ch:
            @pl.loop(0, rps // ch)
            def _(t):
                pltpu.sync_copy(rows[0],
                                acc_sh.at[pl.ds(sid * rps + t * ch, ch)])
        else:
            pltpu.sync_copy(rows[0].at[pl.ds(0, rps)],
                            acc_sh.at[pl.ds(sid * rps, rps)])
        plsc.subcore_barrier()

        def idx_start(i, b):
            base = w * eper + i * ch
            pltpu.async_copy(src_r.at[pl.ds(base, ch)], idxs[b], isem[b])
            pltpu.async_copy(dst_r.at[pl.ds(base, ch)], idxd[b], isem[b])

        def idx_wait(b):
            pltpu.make_async_copy(src_r.at[pl.ds(0, ch)], idxs[b],
                                  isem[b]).wait()
            pltpu.make_async_copy(dst_r.at[pl.ds(0, ch)], idxd[b],
                                  isem[b]).wait()

        def gather_start(i, b):
            pltpu.async_copy(tab_r.at[idxs[b]], rows[b], gsem[b])

        def gather_wait(b):
            pltpu.make_async_copy(tab_r.at[idxs[b]], rows[b], gsem[b]).wait()

        def scatter_start(b):
            pltpu.async_copy(rows[b], acc_sh.at[idxd[b]], ssem[b], add=True)

        def scatter_wait(b):
            pltpu.make_async_copy(rows[b], acc_sh.at[idxd[b]],
                                  ssem[b]).wait()

        if S == 1:
            @pl.loop(0, nch)
            def _(i):
                idx_start(i, 0)
                idx_wait(0)
                pltpu.async_copy(tab_r.at[idxs[0]], rows[0], gsem[0]).wait()
                pltpu.sync_copy(rows[0], acc_sh.at[idxd[0]], add=True)
        else:
            idx_start(0, 0)
            idx_start(1, 1)
            idx_wait(0)
            gather_start(0, 0)

            def stage(i, s, first_peel=False, last_peel=False):
                if (not last_peel) or (s < S - 2):
                    if (not first_peel) or (s + 2 >= S):
                        if (not last_peel) or (nch - S + s + 2 >= S):
                            scatter_wait((s + 2) % S)
                    if not last_peel:
                        idx_start(i + 2, (s + 2) % S)
                    elif s < S - 2:
                        idx_start(i + 2, (s + 2) % S)
                if (not last_peel) or (s < S - 1):
                    idx_wait((s + 1) % S)
                    gather_start(i + 1, (s + 1) % S)
                gather_wait(s)
                scatter_start(s)

            if nch > S:
                for s in range(S):
                    stage(s, s, first_peel=True)

                @pl.loop(1, nch // S - 1)
                def _(o):
                    for s in range(S):
                        stage(o * S + s, s)

            for s in range(S):
                stage(nch - S + s, s, first_peel=(nch == S), last_peel=True)

            for b in range(S):
                scatter_wait(b)

        plsc.subcore_barrier()
        pltpu.sync_copy(acc_sh.at[pl.ds(sid * rps, rps)],
                        out_r.at[cid, pl.ds(sid * rps, rps)])

    return pl.kernel(
        body,
        out_type=jax.ShapeDtypeStruct((NC, n_out, H), _f32),
        mesh=_mesh(),
        scratch_types=(
            [pltpu.VMEM((ch,), _i32) for _ in range(S)]
            + [pltpu.VMEM((ch,), _i32) for _ in range(S)]
            + [pltpu.VMEM((ch, H), _f32) for _ in range(S)]
            + [pltpu.VMEM_SHARED((n_out, H), _f32)]
            + [pltpu.SemaphoreType.DMA for _ in range(3 * S)]
        ),
    )



_BR = 2048


def _dinv_of(dref):
    deg = dref[0] + dref[1]
    return jnp.where(deg > 0, lax.rsqrt(deg), 0.0)


def _tc_in_body(x_ref, w_ref, d_ref, o_ref):
    dinv = _dinv_of(d_ref)
    o_ref[...] = jnp.dot(x_ref[...], w_ref[...],
                         preferred_element_type=_f32) * dinv[:, None]


def _tc_in(x, w, degp):
    return pl.pallas_call(
        _tc_in_body,
        grid=(NP // _BR,),
        in_specs=[
            pl.BlockSpec((_BR, H), lambda i: (i, 0)),
            pl.BlockSpec((H, H), lambda i: (0, 0)),
            pl.BlockSpec((NC, _BR), lambda i: (0, i)),
        ],
        out_specs=pl.BlockSpec((_BR, H), lambda i: (i, 0)),
        out_shape=jax.ShapeDtypeStruct((NP, H), _f32),
    )(x, w, degp)


def _tc_mid_body(a_ref, d_ref, w_ref, b_ref, g_ref, be_ref, o_ref):
    dinv = _dinv_of(d_ref)
    t = (a_ref[0] + a_ref[1]) * dinv[:, None] + b_ref[...]
    t = t * (g_ref[...] * _BN_RS) + be_ref[...]
    t = jnp.maximum(t, 0.0)
    o_ref[...] = jnp.dot(t, w_ref[...],
                         preferred_element_type=_f32) * dinv[:, None]


def _tc_mid(acc, degp, w, b, g, be):
    return pl.pallas_call(
        _tc_mid_body,
        grid=(NP // _BR,),
        in_specs=[
            pl.BlockSpec((NC, _BR, H), lambda i: (0, i, 0)),
            pl.BlockSpec((NC, _BR), lambda i: (0, i)),
            pl.BlockSpec((H, H), lambda i: (0, 0)),
            pl.BlockSpec((1, H), lambda i: (0, 0)),
            pl.BlockSpec((1, H), lambda i: (0, 0)),
            pl.BlockSpec((1, H), lambda i: (0, 0)),
        ],
        out_specs=pl.BlockSpec((_BR, H), lambda i: (i, 0)),
        out_shape=jax.ShapeDtypeStruct((NP, H), _f32),
    )(acc, degp, w, b, g, be)


def _tc_post_body(a_ref, d_ref, b_ref, g_ref, be_ref, o_ref):
    dinv = _dinv_of(d_ref)
    t = (a_ref[0] + a_ref[1]) * dinv[:, None] + b_ref[...]
    o_ref[...] = t * (g_ref[...] * _BN_RS) + be_ref[...]


def _tc_post(acc, degp, b, g, be):
    return pl.pallas_call(
        _tc_post_body,
        grid=(NP // _BR,),
        in_specs=[
            pl.BlockSpec((NC, _BR, H), lambda i: (0, i, 0)),
            pl.BlockSpec((NC, _BR), lambda i: (0, i)),
            pl.BlockSpec((1, H), lambda i: (0, 0)),
            pl.BlockSpec((1, H), lambda i: (0, 0)),
            pl.BlockSpec((1, H), lambda i: (0, 0)),
        ],
        out_specs=pl.BlockSpec((_BR, H), lambda i: (i, 0)),
        out_shape=jax.ShapeDtypeStruct((NP, H), _f32),
    )(acc, degp, b, g, be)


def _tc_tail_body(p_ref, c_ref, a_ref, d1_ref, wl_ref, bl_ref, xp_ref, wa_ref,
                  wb_ref, w1_ref, b0_ref, g0_ref, be0_ref, b1_ref, g1_ref,
                  be1_ref, wlf_ref, blf_ref, nl_ref, gl_ref):
    deg1 = d1_ref[0]
    dinv1 = jnp.where(deg1 > 0, lax.rsqrt(deg1), 0.0)
    adj = (a_ref[0] + a_ref[1]) * dinv1[:, None] * dinv1[None, :]
    cnt = c_ref[0] + c_ref[1]
    pooled = (p_ref[0] + p_ref[1]) / jnp.maximum(cnt, 1.0)[:, None]
    nl = jnp.dot(pooled, wl_ref[...], preferred_element_type=_f32) + bl_ref[...]
    nl_ref[...] = nl
    h1 = jnp.dot(nl, wa_ref[...], preferred_element_type=_f32)
    h1 = h1 + xp_ref[0][:, None] * wb_ref[...]
    t = jnp.dot(adj, h1, preferred_element_type=_f32) + b0_ref[...]
    t = t * (g0_ref[...] * _BN_RS) + be0_ref[...]
    t = jnp.maximum(t, 0.0)
    h2 = jnp.dot(t, w1_ref[...], preferred_element_type=_f32)
    t = jnp.dot(adj, h2, preferred_element_type=_f32) + b1_ref[...]
    t = t * (g1_ref[...] * _BN_RS) + be1_ref[...]
    rows = lax.broadcasted_iota(_i32, (N1P, H), 0)
    t = jnp.where(rows < N1, t, 0.0)
    g_mean = jnp.sum(t, axis=0, keepdims=True) * (1.0 / N1)
    gl_ref[...] = jnp.dot(g_mean, wlf_ref[...],
                          preferred_element_type=_f32) + blf_ref[...]


def _tc_tail(pacc, cntp, adjp, deg1p, wl, bl, xp, wa, wb, w1, b0, g0, be0,
             b1, g1, be1, wlf, blf):
    return pl.pallas_call(
        _tc_tail_body,
        out_shape=(
            jax.ShapeDtypeStruct((N1P, H), _f32),
            jax.ShapeDtypeStruct((1, H), _f32),
        ),
    )(pacc, cntp, adjp, deg1p, wl, bl, xp, wa, wb, w1, b0, g0, be0, b1, g1,
      be1, wlf, blf)



def kernel(x, edge_index, pool1, x_pool1, edge_index_pool1,
           W0_p0, b0_p0, g0_p0, be0_p0, W1_p0, b1_p0, g1_p0, be1_p0,
           Wl_p0, bl_p0,
           W0_p1, b0_p1, g0_p1, be0_p1, W1_p1, b1_p1, g1_p1, be1_p1,
           Wl_p1, bl_p1):
    ei = edge_index.astype(_i32)
    pad_big = N + (jnp.arange(EP - E, dtype=_i32) % (NP - N))
    src_p = jnp.concatenate([ei[0], pad_big])
    dst_p = jnp.concatenate([ei[1], pad_big])
    x_p = jnp.pad(x, ((0, NP - N), (0, 0)))

    pool1_p = jnp.concatenate(
        [pool1.astype(_i32), jnp.full((NP - N,), N1, _i32)])
    ei1 = edge_index_pool1.astype(_i32)
    pad_sm = N1 + (jnp.arange(E1P - E1, dtype=_i32) % (N1P - N1))
    src1_p = jnp.concatenate([ei1[0], pad_sm])
    dst1_p = jnp.concatenate([ei1[1], pad_sm])

    dst_2d = dst_p.reshape(EP // 128, 128)
    pool1_2d = pool1_p.reshape(NP // 80, 80)
    dst1_2d = dst1_p.reshape(E1P // 80, 80)
    fidx1 = (dst1_p * N1P + src1_p).reshape(E1P // 80, 80)

    iota_np = jnp.arange(NP, dtype=_i32)
    xp_row = jnp.pad(x_pool1, ((0, N1P - N1), (0, 0))).reshape(1, N1P)

    wl0 = jnp.pad(Wl_p0, ((0, 0), (0, H - C)))
    bl0 = jnp.pad(bl_p0, (0, H - C)).reshape(1, H)
    wa = jnp.pad(W0_p1[:C], ((0, H - C), (0, 0)))
    wb = W0_p1[C:C + 1]
    wl1 = jnp.pad(Wl_p1, ((0, 0), (0, H - C)))
    bl1 = jnp.pad(bl_p1, (0, H - C)).reshape(1, H)

    r = lambda v: v.reshape(1, H)

    pre_k = _make_pre_kernel()
    scat_big = _make_row_scatter(NP, NP, EP, 80)
    scat_pool = _make_row_scatter(NP, N1P, NP, 80)

    degp, cntp, deg1p, adjp = pre_k(dst_2d, pool1_2d, dst1_2d, fidx1)
    degp = degp.reshape(NC, NP)
    adjp = adjp.reshape(NC, N1P, N1P)

    hs0 = _tc_in(x_p, W0_p0, degp)
    acc0 = scat_big(src_p, dst_p, hs0)
    hs1 = _tc_mid(acc0, degp, W1_p0, r(b0_p0), r(g0_p0), r(be0_p0))
    acc1 = scat_big(src_p, dst_p, hs1)
    hf = _tc_post(acc1, degp, r(b1_p0), r(g1_p0), r(be1_p0))

    pacc = scat_pool(iota_np, pool1_p, hf)
    nlf, gl = _tc_tail(pacc, cntp, adjp, deg1p, wl0, bl0, xp_row, wa, wb,
                       W1_p1, r(b0_p1), r(g0_p1), r(be0_p1),
                       r(b1_p1), r(g1_p1), r(be1_p1), wl1, bl1)

    return gl[:, :C], nlf[:N1, :C]

# --- scband reference (transcript-rebuilt; emitter-appended) ---
"""Pipeline reference for scband-gcnhierarchical-classifier-82351702934233 (READ-ONLY COPY).

The authoritative reference and input builder live on the scoring server;
editing this copy changes nothing except your own understanding.
"""

import jax, jax.numpy as jnp
import numpy as np

N = 10000
E = 320000
F_IN = 128
H = 128
C = 16
N1 = 500
E1 = 5000

def gcn_conv(x, src, dst, W, b, n_nodes):
    deg = jax.ops.segment_sum(jnp.ones_like(src, dtype=x.dtype), dst, num_segments=n_nodes)
    dinv = jnp.where(deg > 0, 1.0 / jnp.sqrt(jnp.maximum(deg, 1e-12)), 0.0)
    norm = dinv[src] * dinv[dst]
    h = x @ W
    out = jax.ops.segment_sum(h[src] * norm[:, None], dst, num_segments=n_nodes)
    return out + b

def bn_eval(x, gamma, beta):
    return gamma * x / jnp.sqrt(1.0 + 1e-5) + beta

def segment_mean(x, seg, num_segments):
    s = jax.ops.segment_sum(x, seg, num_segments=num_segments)
    c = jax.ops.segment_sum(jnp.ones((x.shape[0],), x.dtype), seg, num_segments=num_segments)
    return s / jnp.maximum(c, 1.0)[:, None]

def setup_inputs(seed: int = 0):
    key = jax.random.key(seed)
    ks = jax.random.split(key, 32)
    def w(k, fi, fo):
        return jax.random.normal(k, (fi, fo), dtype=jnp.float32) / np.sqrt(fi)
    inp = {}
    inp['x'] = jax.random.normal(ks[0], (N, F_IN), dtype=jnp.float32)
    inp['edge_index'] = jax.random.randint(ks[1], (2, E), 0, N)
    inp['pool1'] = jnp.sort(jax.random.randint(ks[2], (N,), 0, N1))
    inp['x_pool1'] = jax.random.normal(ks[3], (N1, 1), dtype=jnp.float32)
    inp['edge_index_pool1'] = jax.random.randint(ks[4], (2, E1), 0, N1)
    inp['W0_p0'] = w(ks[5], F_IN, H); inp['b0_p0'] = jnp.zeros((H,), jnp.float32)
    inp['g0_p0'] = 1.0 + 0.1 * jax.random.normal(ks[6], (H,), dtype=jnp.float32)
    inp['be0_p0'] = 0.1 * jax.random.normal(ks[7], (H,), dtype=jnp.float32)
    inp['W1_p0'] = w(ks[8], H, H); inp['b1_p0'] = jnp.zeros((H,), jnp.float32)
    inp['g1_p0'] = 1.0 + 0.1 * jax.random.normal(ks[9], (H,), dtype=jnp.float32)
    inp['be1_p0'] = 0.1 * jax.random.normal(ks[10], (H,), dtype=jnp.float32)
    inp['Wl_p0'] = w(ks[11], H, C); inp['bl_p0'] = jnp.zeros((C,), jnp.float32)
    inp['W0_p1'] = w(ks[12], C + 1, H); inp['b0_p1'] = jnp.zeros((H,), jnp.float32)
    inp['g0_p1'] = 1.0 + 0.1 * jax.random.normal(ks[13], (H,), dtype=jnp.float32)
    inp['be0_p1'] = 0.1 * jax.random.normal(ks[14], (H,), dtype=jnp.float32)
    inp['W1_p1'] = w(ks[15], H, H); inp['b1_p1'] = jnp.zeros((H,), jnp.float32)
    inp['g1_p1'] = 1.0 + 0.1 * jax.random.normal(ks[16], (H,), dtype=jnp.float32)
    inp['be1_p1'] = 0.1 * jax.random.normal(ks[17], (H,), dtype=jnp.float32)
    inp['Wl_p1'] = w(ks[18], H, C); inp['bl_p1'] = jnp.zeros((C,), jnp.float32)
    return inp

def reference(x, edge_index, pool1, x_pool1, edge_index_pool1,
              W0_p0, b0_p0, g0_p0, be0_p0, W1_p0, b1_p0, g1_p0, be1_p0, Wl_p0, bl_p0,
              W0_p1, b0_p1, g0_p1, be0_p1, W1_p1, b1_p1, g1_p1, be1_p1, Wl_p1, bl_p1):
    src, dst = edge_index[0], edge_index[1]
    # pool0 GCN stack: conv -> bn -> relu, conv -> bn (no act on last layer)
    h = gcn_conv(x, src, dst, W0_p0, b0_p0, N)
    h = bn_eval(h, g0_p0, be0_p0)
    h = jax.nn.relu(h)
    h = gcn_conv(h, src, dst, W1_p0, b1_p0, N)
    h = bn_eval(h, g1_p0, be1_p0)
    # hierarchical pool: global_mean_pool over pool1 assignment -> supernodes
    pooled = segment_mean(h, pool1, N1)
    # intermediate (node/limb) classifier
    node_logits = pooled @ Wl_p0 + bl_p0
    # concatenate extra pool1 node features
    h1 = jnp.concatenate([node_logits, x_pool1], axis=1)
    s1, d1 = edge_index_pool1[0], edge_index_pool1[1]
    # pool1 GCN stack on pooled graph
    h1 = gcn_conv(h1, s1, d1, W0_p1, b0_p1, N1)
    h1 = bn_eval(h1, g0_p1, be0_p1)
    h1 = jax.nn.relu(h1)
    h1 = gcn_conv(h1, s1, d1, W1_p1, b1_p1, N1)
    h1 = bn_eval(h1, g1_p1, be1_p1)
    # global mean pool over whole (single) graph + final classifier
    g = jnp.mean(h1, axis=0, keepdims=True)
    graph_logits = g @ Wl_p1 + bl_p1
    return graph_logits, node_logits

if __name__ == "__main__":
    import jax
    _d = setup_inputs()
    print(jax.jit(kernel)(*tuple(_d.values())))

</pallas_src>

<mosaic_0001>
#map = affine_map<(d0, d1) -> (0, 0)>
#map1 = affine_map<(d0, d1) -> (0, 0, 0)>
module attributes {stable_mosaic.version = 14 : i64} {
  func.func @_pre_body(%arg0: i32, %arg1: i32, %arg2: memref<2560x128xi32, #tpu.memory_space<hbm>>, %arg3: memref<128x80xi32, #tpu.memory_space<hbm>>, %arg4: memref<64x80xi32, #tpu.memory_space<hbm>>, %arg5: memref<64x80xi32, #tpu.memory_space<hbm>>, %arg6: memref<2x16x640xf32, #tpu.memory_space<hbm>>, %arg7: memref<2x512xf32, #tpu.memory_space<hbm>>, %arg8: memref<2x512xf32, #tpu.memory_space<hbm>>, %arg9: memref<2x128x2048xf32, #tpu.memory_space<hbm>>, %arg10: memref<2048xf32, #tpu.memory_space<vmem>>, %arg11: memref<512xf32, #tpu.memory_space<vmem>>, %arg12: memref<128xf32, #tpu.memory_space<vmem>>, %arg13: memref<80xf32, #tpu.memory_space<vmem>>, %arg14: memref<80x128xi32, #tpu.memory_space<vmem>>, %arg15: memref<4x80xi32, #tpu.memory_space<vmem>>, %arg16: memref<4x80xi32, #tpu.memory_space<vmem>>, %arg17: memref<2x80xi32, #tpu.memory_space<vmem>>, %arg18: memref<10240xf32, #tpu.memory_space<vmem_shared>>, %arg19: memref<512xf32, #tpu.memory_space<vmem_shared>>, %arg20: memref<512xf32, #tpu.memory_space<vmem_shared>>, %arg21: memref<262144xf32, #tpu.memory_space<vmem_shared>>, %arg22: memref<!tpu.dma_semaphore, #tpu.memory_space<semaphore_mem>>, %arg23: memref<!tpu.dma_semaphore, #tpu.memory_space<semaphore_mem>>, %arg24: memref<!tpu.dma_semaphore, #tpu.memory_space<semaphore_mem>>) attributes {dimension_semantics = [#tpu.dimension_semantics<core_parallel>, #tpu.dimension_semantics<subcore_parallel>], iteration_bounds = array<i64: 2, 16>, scalar_prefetch = 0 : i64, scratch_operands = 15 : i64, tpu.core_type = #tpu.core_type<sc_vector_subcore>, window_params = [{transform_indices = #map}, {transform_indices = #map}, {transform_indices = #map}, {transform_indices = #map}, {transform_indices = #map1}, {transform_indices = #map}, {transform_indices = #map}, {transform_indices = #map1}]} {
    %mul3A = arith.constant 16 : i32
    %mul3A_0 = arith.muli %arg0, %mul3A : i32
    %add3A = arith.addi %mul3A_0, %arg1 : i32
    %broadcast_in_dim3A = arith.constant 0.000000e+00 : f32
    %broadcast_in_dim3A_1 = vector.broadcast %broadcast_in_dim3A : f32 to vector<16xf32>
    %broadcast_in_dim3A_2 = arith.constant 1.000000e+00 : f32
    %broadcast_in_dim3A_3 = vector.broadcast %broadcast_in_dim3A_2 : f32 to vector<16xf32>
    %swap3A = arith.constant 0 : index
    %swap3A_4 = tpu.vector_load %arg10[%swap3A] {strides = array<i32>} : memref<2048xf32, #tpu.memory_space<vmem>>, vector<16xf32>,
    %swap3A_5 = vector.shape_cast %swap3A_4 : vector<16xf32> to vector<16xf32>
    %swap3A_6 = vector.shape_cast %broadcast_in_dim3A_1 : vector<16xf32> to vector<16xf32>
    tpu.vector_store %arg10[%swap3A], %swap3A_6 {strides = array<i32>} : memref<2048xf32, #tpu.memory_space<vmem>>, vector<16xf32>,
    %swap3A_7 = arith.constant 16 : index
    %swap3A_8 = tpu.vector_load %arg10[%swap3A_7] {strides = array<i32>} : memref<2048xf32, #tpu.memory_space<vmem>>, vector<16xf32>,
    %swap3A_9 = vector.shape_cast %swap3A_8 : vector<16xf32> to vector<16xf32>
    %swap3A_10 = vector.shape_cast %broadcast_in_dim3A_1 : vector<16xf32> to vector<16xf32>
    tpu.vector_store %arg10[%swap3A_7], %swap3A_10 {strides = array<i32>} : memref<2048xf32, #tpu.memory_space<vmem>>, vector<16xf32>,
    %swap3A_11 = arith.constant 32 : index
    %swap3A_12 = tpu.vector_load %arg10[%swap3A_11] {strides = array<i32>} : memref<2048xf32, #tpu.memory_space<vmem>>, vector<16xf32>,
    %swap3A_13 = vector.shape_cast %swap3A_12 : vector<16xf32> to vector<16xf32>
    %swap3A_14 = vector.shape_cast %broadcast_in_dim3A_1 : vector<16xf32> to vector<16xf32>
    tpu.vector_store %arg10[%swap3A_11], %swap3A_14 {strides = array<i32>} : memref<2048xf32, #tpu.memory_space<vmem>>, vector<16xf32>,
    %swap3A_15 = arith.constant 48 : index
    %swap3A_16 = tpu.vector_load %arg10[%swap3A_15] {strides = array<i32>} : memref<2048xf32, #tpu.memory_space<vmem>>, vector<16xf32>,
    %swap3A_17 = vector.shape_cast %swap3A_16 : vector<16xf32> to vector<16xf32>
    %swap3A_18 = vector.shape_cast %broadcast_in_dim3A_1 : vector<16xf32> to vector<16xf32>
    tpu.vector_store %arg10[%swap3A_15], %swap3A_18 {strides = array<i32>} : memref<2048xf32, #tpu.memory_space<vmem>>, vector<16xf32>,
    %swap3A_19 = arith.constant 64 : index
    %swap3A_20 = tpu.vector_load %arg10[%swap3A_19] {strides = array<i32>} : memref<2048xf32, #tpu.memory_space<vmem>>, vector<16xf32>,
    %swap3A_21 = vector.shape_cast %swap3A_20 : vector<16xf32> to vector<16xf32>
    %swap3A_22 = vector.shape_cast %broadcast_in_dim3A_1 : vector<16xf32> to vector<16xf32>
    tpu.vector_store %arg10[%swap3A_19], %swap3A_22 {strides = array<i32>} : memref<2048xf32, #tpu.memory_space<vmem>>, vector<16xf32>,
    %swap3A_23 = arith.constant 80 : index
    %swap3A_24 = tpu.vector_load %arg10[%swap3A_23] {strides = array<i32>} : memref<2048xf32, #tpu.memory_space<vmem>>, vector<16xf32>,
    %swap3A_25 = vector.shape_cast %swap3A_24 : vector<16xf32> to vector<16xf32>
    %swap3A_26 = vector.shape_cast %broadcast_in_dim3A_1 : vector<16xf32> to vector<16xf32>
    tpu.vector_store %arg10[%swap3A_23], %swap3A_26 {strides = array<i32>} : memref<2048xf32, #tpu.memory_space<vmem>>, vector<16xf32>,
    %swap3A_27 = arith.constant 96 : index
    %swap3A_28 = tpu.vector_load %arg10[%swap3A_27] {strides = array<i32>} : memref<2048xf32, #tpu.memory_space<vmem>>, vector<16xf32>,
    %swap3A_29 = vector.shape_cast %swap3A_28 : vector<16xf32> to vector<16xf32>
    %swap3A_30 = vector.shape_cast %broadcast_in_dim3A_1 : vector<16xf32> to vector<16xf32>
    tpu.vector_store %arg10[%swap3A_27], %swap3A_30 {strides = array<i32>} : memref<2048xf32, #tpu.memory_space<vmem>>, vector<16xf32>,
    %swap3A_31 = arith.constant 112 : index
    %swap3A_32 = tpu.vector_load %arg10[%swap3A_31] {strides = array<i32>} : memref<2048xf32, #tpu.memory_space<vmem>>, vector<16xf32>,
    %swap3A_33 = vector.shape_cast %swap3A_32 : vector<16xf32> to vector<16xf32>
    %swap3A_34 = vector.shape_cast %broadcast_in_dim3A_1 : vector<16xf32> to vector<16xf32>
    tpu.vector_store %arg10[%swap3A_31], %swap3A_34 {strides = array<i32>} : memref<2048xf32, #tpu.memory_space<vmem>>, vector<16xf32>,
    %swap3A_35 = arith.constant 128 : index
    %swap3A_36 = tpu.vector_load %arg10[%swap3A_35] {strides = array<i32>} : memref<2048xf32, #tpu.memory_space<vmem>>, vector<16xf32>,
    %swap3A_37 = vector.shape_cast %swap3A_36 : vector<16xf32> to vector<16xf32>
    %swap3A_38 = vector.shape_cast %broadcast_in_dim3A_1 : vector<16xf32> to vector<16xf32>
    tpu.vector_store %arg10[%swap3A_35], %swap3A_38 {strides = array<i32>} : memref<2048xf32, #tpu.memory_space<vmem>>, vector<16xf32>,
    %swap3A_39 = arith.constant 144 : index
    %swap3A_40 = tpu.vector_load %arg10[%swap3A_39] {strides = array<i32>} : memref<2048xf32, #tpu.memory_space<vmem>>, vector<16xf32>,
    %swap3A_41 = vector.shape_cast %swap3A_40 : vector<16xf32> to vector<16xf32>
    %swap3A_42 = vector.shape_cast %broadcast_in_dim3A_1 : vector<16xf32> to vector<16xf32>
    tpu.vector_store %arg10[%swap3A_39], %swap3A_42 {strides = array<i32>} : memref<2048xf32, #tpu.memory_space<vmem>>, vector<16xf32>,
    %swap3A_43 = arith.constant 160 : index
    %swap3A_44 = tpu.vector_load %arg10[%swap3A_43] {strides = array<i32>} : memref<2048xf32, #tpu.memory_space<vmem>>, vector<16xf32>,
    %swap3A_45 = vector.shape_cast %swap3A_44 : vector<16xf32> to vector<16xf32>
    %swap3A_46 = vector.shape_cast %broadcast_in_dim3A_1 : vector<16xf32> to vector<16xf32>
    tpu.vector_store %arg10[%swap3A_43], %swap3A_46 {strides = array<i32>} : memref<2048xf32, #tpu.memory_space<vmem>>, vector<16xf32>,
    %swap3A_47 = arith.constant 176 : index
    %swap3A_48 = tpu.vector_load %arg10[%swap3A_47] {strides = array<i32>} : memref<2048xf32, #tpu.memory_space<vmem>>, vector<16xf32>,
    %swap3A_49 = vector.shape_cast %swap3A_48 : vector<16xf32> to vector<16xf32>
    %swap3A_50 = vector.shape_cast %broadcast_in_dim3A_1 : vector<16xf32> to vector<16xf32>
    tpu.vector_store %arg10[%swap3A_47], %swap3A_50 {strides = array<i32>} : memref<2048xf32, #tpu.memory_space<vmem>>, vector<16xf32>,
    %swap3A_51 = arith.constant 192 : index
    %swap3A_52 = tpu.vector_load %arg10[%swap3A_51] {strides = array<i32>} : memref<2048xf32, #tpu.memory_space<vmem>>, vector<16xf32>,
    %swap3A_53 = vector.shape_cast %swap3A_52 : vector<16xf32> to vector<16xf32>
    %swap3A_54 = vector.shape_cast %broadcast_in_dim3A_1 : vector<16xf32> to vector<16xf32>
    tpu.vector_store %arg10[%swap3A_51], %swap3A_54 {strides = array<i32>} : memref<2048xf32, #tpu.memory_space<vmem>>, vector<16xf32>,
    %swap3A_55 = arith.constant 208 : index
    %swap3A_56 = tpu.vector_load %arg10[%swap3A_55] {strides = array<i32>} : memref<2048xf32, #tpu.memory_space<vmem>>, vector<16xf32>,
    %swap3A_57 = vector.shape_cast %swap3A_56 : vector<16xf32> to vector<16xf32>
    %swap3A_58 = vector.shape_cast %broadcast_in_dim3A_1 : vector<16xf32> to vector<16xf32>
    tpu.vector_store %arg10[%swap3A_55], %swap3A_58 {strides = array<i32>} : memref<2048xf32, #tpu.memory_space<vmem>>, vector<16xf32>,
    %swap3A_59 = arith.constant 224 : index
    %swap3A_60 = tpu.vector_load %arg10[%swap3A_59] {strides = array<i32>} : memref<2048xf32, #tpu.memory_space<vmem>>, vector<16xf32>,
    %swap3A_61 = vector.shape_cast %swap3A_60 : vector<16xf32> to vector<16xf32>
    %swap3A_62 = vector.shape_cast %broadcast_in_dim3A_1 : vector<16xf32> to vector<16xf32>
    tpu.vector_store %arg10[%swap3A_59], %swap3A_62 {strides = array<i32>} : memref<2048xf32, #tpu.memory_space<vmem>>, vector<16xf32>,
    %swap3A_63 = arith.constant 240 : index
    %swap3A_64 = tpu.vector_load %arg10[%swap3A_63] {strides = array<i32>} : memref<2048xf32, #tpu.memory_space<vmem>>, vector<16xf32>,
    %swap3A_65 = vector.shape_cast %swap3A_64 : vector<16xf32> to vector<16xf32>
    %swap3A_66 = vector.shape_cast %broadcast_in_dim3A_1 : vector<16xf32> to vector<16xf32>
    tpu.vector_store %arg10[%swap3A_63], %swap3A_66 {strides = array<i32>} : memref<2048xf32, #tpu.memory_space<vmem>>, vector<16xf32>,
    %swap3A_67 = arith.constant 256 : index
    %swap3A_68 = tpu.vector_load %arg10[%swap3A_67] {strides = array<i32>} : memref<2048xf32, #tpu.memory_space<vmem>>, vector<16xf32>,
    %swap3A_69 = vector.shape_cast %swap3A_68 : vector<16xf32> to vector<16xf32>
    %swap3A_70 = vector.shape_cast %broadcast_in_dim3A_1 : vector<16xf32> to vector<16xf32>
    tpu.vector_store %arg10[%swap3A_67], %swap3A_70 {strides = array<i32>} : memref<2048xf32, #tpu.memory_space<vmem>>, vector<16xf32>,
    %swap3A_71 = arith.constant 272 : index
    %swap3A_72 = tpu.vector_load %arg10[%swap3A_71] {strides = array<i32>} : memref<2048xf32, #tpu.memory_space<vmem>>, vector<16xf32>,
    %swap3A_73 = vector.shape_cast %swap3A_72 : vector<16xf32> to vector<16xf32>
    %swap3A_74 = vector.shape_cast %broadcast_in_dim3A_1 : vector<16xf32> to vector<16xf32>
    tpu.vector_store %arg10[%swap3A_71], %swap3A_74 {strides = array<i32>} : memref<2048xf32, #tpu.memory_space<vmem>>, vector<16xf32>,
    %swap3A_75 = arith.constant 288 : index
    %swap3A_76 = tpu.vector_load %arg10[%swap3A_75] {strides = array<i32>} : memref<2048xf32, #tpu.memory_space<vmem>>, vector<16xf32>,
    %swap3A_77 = vector.shape_cast %swap3A_76 : vector<16xf32> to vector<16xf32>
    %swap3A_78 = vector.shape_cast %broadcast_in_dim3A_1 : vector<16xf32> to vector<16xf32>
    tpu.vector_store %arg10[%swap3A_75], %swap3A_78 {strides = array<i32>} : memref<2048xf32, #tpu.memory_space<vmem>>, vector<16xf32>,
    %swap3A_79 = arith.constant 304 : index
    %swap3A_80 = tpu.vector_load %arg10[%swap3A_79] {strides = array<i32>} : memref<2048xf32, #tpu.memory_space<vmem>>, vector<16xf32>,
    %swap3A_81 = vector.shape_cast %swap3A_80 : vector<16xf32> to vector<16xf32>
    %swap3A_82 = vector.shape_cast %broadcast_in_dim3A_1 : vector<16xf32> to vector<16xf32>
    tpu.vector_store %arg10[%swap3A_79], %swap3A_82 {strides = array<i32>} : memref<2048xf32, #tpu.memory_space<vmem>>, vector<16xf32>,
    %swap3A_83 = arith.constant 320 : index
    %swap3A_84 = tpu.vector_load %arg10[%swap3A_83] {strides = array<i32>} : memref<2048xf32, #tpu.memory_space<vmem>>, vector<16xf32>,
    %swap3A_85 = vector.shape_cast %swap3A_84 : vector<16xf32> to vector<16xf32>
    %swap3A_86 = vector.shape_cast %broadcast_in_dim3A_1 : vector<16xf32> to vector<16xf32>
    tpu.vector_store %arg10[%swap3A_83], %swap3A_86 {strides = array<i32>} : memref<2048xf32, #tpu.memory_space<vmem>>, vector<16xf32>,
    %swap3A_87 = arith.constant 336 : index
    %swap3A_88 = tpu.vector_load %arg10[%swap3A_87] {strides = array<i32>} : memref<2048xf32, #tpu.memory_space<vmem>>, vector<16xf32>,
    %swap3A_89 = vector.shape_cast %swap3A_88 : vector<16xf32> to vector<16xf32>
    %swap3A_90 = vector.shape_cast %broadcast_in_dim3A_1 : vector<16xf32> to vector<16xf32>
    tpu.vector_store %arg10[%swap3A_87], %swap3A_90 {strides = array<i32>} : memref<2048xf32, #tpu.memory_space<vmem>>, vector<16xf32>,
    %swap3A_91 = arith.constant 352 : index
    %swap3A_92 = tpu.vector_load %arg10[%swap3A_91] {strides = array<i32>} : memref<2048xf32, #tpu.memory_space<vmem>>, vector<16xf32>,
    %swap3A_93 = vector.shape_cast %swap3A_92 : vector<16xf32> to vector<16xf32>
    %swap3A_94 = vector.shape_cast %broadcast_in_dim3A_1 : vector<16xf32> to vector<16xf32>
    tpu.vector_store %arg10[%swap3A_91], %swap3A_94 {strides = array<i32>} : memref<2048xf32, #tpu.memory_space<vmem>>, vector<16xf32>,
    %swap3A_95 = arith.constant 368 : index
    %swap3A_96 = tpu.vector_load %arg10[%swap3A_95] {strides = array<i32>} : memref<2048xf32, #tpu.memory_space<vmem>>, vector<16xf32>,
    %swap3A_97 = vector.shape_cast %swap3A_96 : vector<16xf32> to vector<16xf32>
    %swap3A_98 = vector.shape_cast %broadcast_in_dim3A_1 : vector<16xf32> to vector<16xf32>
    tpu.vector_store %arg10[%swap3A_95], %swap3A_98 {strides = array<i32>} : memref<2048xf32, #tpu.memory_space<vmem>>, vector<16xf32>,
    %swap3A_99 = arith.constant 384 : index
    %swap3A_100 = tpu.vector_load %arg10[%swap3A_99] {strides = array<i32>} : memref<2048xf32, #tpu.memory_space<vmem>>, vector<16xf32>,
    %swap3A_101 = vector.shape_cast %swap3A_100 : vector<16xf32> to vector<16xf32>
    %swap3A_102 = vector.shape_cast %broadcast_in_dim3A_1 : vector<16xf32> to vector<16xf32>
    tpu.vector_store %arg10[%swap3A_99], %swap3A_102 {strides = array<i32>} : memref<2048xf32, #tpu.memory_space<vmem>>, vector<16xf32>,
    %swap3A_103 = arith.constant 400 : index
    %swap3A_104 = tpu.vector_load %arg10[%swap3A_103] {strides = array<i32>} : memref<2048xf32, #tpu.memory_space<vmem>>, vector<16xf32>,
    %swap3A_105 = vector.shape_cast %swap3A_104 : vector<16xf32> to vector<16xf32>
    %swap3A_106 = vector.shape_cast %broadcast_in_dim3A_1 : vector<16xf32> to vector<16xf32>
    tpu.vector_store %arg10[%swap3A_103], %swap3A_106 {strides = array<i32>} : memref<2048xf32, #tpu.memory_space<vmem>>, vector<16xf32>,
    %swap3A_107 = arith.constant 416 : index
    %swap3A_108 = tpu.vector_load %arg10[%swap3A_107] {strides = array<i32>} : memref<2048xf32, #tpu.memory_space<vmem>>, vector<16xf32>,
    %swap3A_109 = vector.shape_cast %swap3A_108 : vector<16xf32> to vector<16xf32>
    %swap3A_110 = vector.shape_cast %broadcast_in_dim3A_1 : vector<16xf32> to vector<16xf32>
    tpu.vector_store %arg10[%swap3A_107], %swap3A_110 {strides = array<i32>} : memref<2048xf32, #tpu.memory_space<vmem>>, vector<16xf32>,
    %swap3A_111 = arith.constant 432 : index
    %swap3A_112 = tpu.vector_load %arg10[%swap3A_111] {strides = array<i32>} : memref<2048xf32, #tpu.memory_space<vmem>>, vector<16xf32>,
    %swap3A_113 = vector.shape_cast %swap3A_112 : vector<16xf32> to vector<16xf32>
    %swap3A_114 = vector.shape_cast %broadcast_in_dim3A_1 : vector<16xf32> to vector<16xf32>
    tpu.vector_store %arg10[%swap3A_111], %swap3A_114 {strides = array<i32>} : memref<2048xf32, #tpu.memory_space<vmem>>, vector<16xf32>,
    %swap3A_115 = arith.constant 448 : index
    %swap3A_116 = tpu.vector_load %arg10[%swap3A_115] {strides = array<i32>} : memref<2048xf32, #tpu.memory_space<vmem>>, vector<16xf32>,
    %swap3A_117 = vector.shape_cast %swap3A_116 : vector<16xf32> to vector<16xf32>
    %swap3A_118 = vector.shape_cast %broadcast_in_dim3A_1 : vector<16xf32> to vector<16xf32>
    tpu.vector_store %arg10[%swap3A_115], %swap3A_118 {strides = array<i32>} : memref<2048xf32, #tpu.memory_space<vmem>>, vector<16xf32>,
    %swap3A_119 = arith.constant 464 : index
    %swap3A_120 = tpu.vector_load %arg10[%swap3A_119] {strides = array<i32>} : memref<2048xf32, #tpu.memory_space<vmem>>, vector<16xf32>,
    %swap3A_121 = vector.shape_cast %swap3A_120 : vector<16xf32> to vector<16xf32>
    %swap3A_122 = vector.shape_cast %broadcast_in_dim3A_1 : vector<16xf32> to vector<16xf32>
    tpu.vector_store %arg10[%swap3A_119], %swap3A_122 {strides = array<i32>} : memref<2048xf32, #tpu.memory_space<vmem>>, vector<16xf32>,
    %swap3A_123 = arith.constant 480 : index
    %swap3A_124 = tpu.vector_load %arg10[%swap3A_123] {strides = array<i32>} : memref<2048xf32, #tpu.memory_space<vmem>>, vector<16xf32>,
    %swap3A_125 = vector.shape_cast %swap3A_124 : vector<16xf32> to vector<16xf32>
    %swap3A_126 = vector.shape_cast %broadcast_in_dim3A_1 : vector<16xf32> to vector<16xf32>
    tpu.vector_store %arg10[%swap3A_123], %swap3A_126 {strides = array<i32>} : memref<2048xf32, #tpu.memory_space<vmem>>, vector<16xf32>,
    %swap3A_127 = arith.constant 496 : index
    %swap3A_128 = tpu.vector_load %arg10[%swap3A_127] {strides = array<i32>} : memref<2048xf32, #tpu.memory_space<vmem>>, vector<16xf32>,
    %swap3A_129 = vector.shape_cast %swap3A_128 : vector<16xf32> to vector<16xf32>
    %swap3A_130 = vector.shape_cast %broadcast_in_dim3A_1 : vector<16xf32> to vector<16xf32>
    tpu.vector_store %arg10[%swap3A_127], %swap3A_130 {strides = array<i32>} : memref<2048xf32, #tpu.memory_space<vmem>>, vector<16xf32>,
    %swap3A_131 = arith.constant 512 : index
    %swap3A_132 = tpu.vector_load %arg10[%swap3A_131] {strides = array<i32>} : memref<2048xf32, #tpu.memory_space<vmem>>, vector<16xf32>,
    %swap3A_133 = vector.shape_cast %swap3A_132 : vector<16xf32> to vector<16xf32>
    %swap3A_134 = vector.shape_cast %broadcast_in_dim3A_1 : vector<16xf32> to vector<16xf32>
    tpu.vector_store %arg10[%swap3A_131], %swap3A_134 {strides = array<i32>} : memref<2048xf32, #tpu.memory_space<vmem>>, vector<16xf32>,
    %swap3A_135 = arith.constant 528 : index
    %swap3A_136 = tpu.vector_load %arg10[%swap3A_135] {strides = array<i32>} : memref<2048xf32, #tpu.memory_space<vmem>>, vector<16xf32>,
    %swap3A_137 = vector.shape_cast %swap3A_136 : vector<16xf32> to vector<16xf32>
    %swap3A_138 = vector.shape_cast %broadcast_in_dim3A_1 : vector<16xf32> to vector<16xf32>
    tpu.vector_store %arg10[%swap3A_135], %swap3A_138 {strides = array<i32>} : memref<2048xf32, #tpu.memory_space<vmem>>, vector<16xf32>,
    %swap3A_139 = arith.constant 544 : index
    %swap3A_140 = tpu.vector_load %arg10[%swap3A_139] {strides = array<i32>} : memref<2048xf32, #tpu.memory_space<vmem>>, vector<16xf32>,
    %swap3A_141 = vector.shape_cast %swap3A_140 : vector<16xf32> to vector<16xf32>
    %swap3A_142 = vector.shape_cast %broadcast_in_dim3A_1 : vector<16xf32> to vector<16xf32>
    tpu.vector_store %arg10[%swap3A_139], %swap3A_142 {strides = array<i32>} : memref<2048xf32, #tpu.memory_space<vmem>>, vector<16xf32>,
    %swap3A_143 = arith.constant 560 : index
    %swap3A_144 = tpu.vector_load %arg10[%swap3A_143] {strides = array<i32>} : memref<2048xf32, #tpu.memory_space<vmem>>, vector<16xf32>,
    %swap3A_145 = vector.shape_cast %swap3A_144 : vector<16xf32> to vector<16xf32>
    %swap3A_146 = vector.shape_cast %broadcast_in_dim3A_1 : vector<16xf32> to vector<16xf32>
    tpu.vector_store %arg10[%swap3A_143], %swap3A_146 {strides = array<i32>} : memref<2048xf32, #tpu.memory_space<vmem>>, vector<16xf32>,
    %swap3A_147 = arith.constant 576 : index
    %swap3A_148 = tpu.vector_load %arg10[%swap3A_147] {strides = array<i32>} : memref<2048xf32, #tpu.memory_space<vmem>>, vector<16xf32>,
    %swap3A_149 = vector.shape_cast %swap3A_148 : vector<16xf32> to vector<16xf32>
    %swap3A_150 = vector.shape_cast %broadcast_in_dim3A_1 : vector<16xf32> to vector<16xf32>
    tpu.vector_store %arg10[%swap3A_147], %swap3A_150 {strides = array<i32>} : memref<2048xf32, #tpu.memory_space<vmem>>, vector<16xf32>,
    %swap3A_151 = arith.constant 592 : index
    %swap3A_152 = tpu.vector_load %arg10[%swap3A_151] {strides = array<i32>} : memref<2048xf32, #tpu.memory_space<vmem>>, vector<16xf32>,
    %swap3A_153 = vector.shape_cast %swap3A_152 : vector<16xf32> to vector<16xf32>
    %swap3A_154 = vector.shape_cast %broadcast_in_dim3A_1 : vector<16xf32> to vector<16xf32>
    tpu.vector_store %arg10[%swap3A_151], %swap3A_154 {strides = array<i32>} : memref<2048xf32, #tpu.memory_space<vmem>>, vector<16xf32>,
    %swap3A_155 = arith.constant 608 : index
    %swap3A_156 = tpu.vector_load %arg10[%swap3A_155] {strides = array<i32>} : memref<2048xf32, #tpu.memory_space<vmem>>, vector<16xf32>,
    %swap3A_157 = vector.shape_cast %swap3A_156 : vector<16xf32> to vector<16xf32>
    %swap3A_158 = vector.shape_cast %broadcast_in_dim3A_1 : vector<16xf32> to vector<16xf32>
    tpu.vector_store %arg10[%swap3A_155], %swap3A_158 {strides = array<i32>} : memref<2048xf32, #tpu.memory_space<vmem>>, vector<16xf32>,
    %swap3A_159 = arith.constant 624 : index
    %swap3A_160 = tpu.vector_load %arg10[%swap3A_159] {strides = array<i32>} : memref<2048xf32, #tpu.memory_space<vmem>>, vector<16xf32>,
    %swap3A_161 = vector.shape_cast %swap3A_160 : vector<16xf32> to vector<16xf32>
    %swap3A_162 = vector.shape_cast %broadcast_in_dim3A_1 : vector<16xf32> to vector<16xf32>
    tpu.vector_store %arg10[%swap3A_159], %swap3A_162 {strides = array<i32>} : memref<2048xf32, #tpu.memory_space<vmem>>, vector<16xf32>,
    %swap3A_163 = arith.constant 640 : index
    %swap3A_164 = tpu.vector_load %arg10[%swap3A_163] {strides = array<i32>} : memref<2048xf32, #tpu.memory_space<vmem>>, vector<16xf32>,
    %swap3A_165 = vector.shape_cast %swap3A_164 : vector<16xf32> to vector<16xf32>
    %swap3A_166 = vector.shape_cast %broadcast_in_dim3A_1 : vector<16xf32> to vector<16xf32>
    tpu.vector_store %arg10[%swap3A_163], %swap3A_166 {strides = array<i32>} : memref<2048xf32, #tpu.memory_space<vmem>>, vector<16xf32>,
    %swap3A_167 = arith.constant 656 : index
    %swap3A_168 = tpu.vector_load %arg10[%swap3A_167] {strides = array<i32>} : memref<2048xf32, #tpu.memory_space<vmem>>, vector<16xf32>,
    %swap3A_169 = vector.shape_cast %swap3A_168 : vector<16xf32> to vector<16xf32>
    %swap3A_170 = vector.shape_cast %broadcast_in_dim3A_1 : vector<16xf32> to vector<16xf32>
    tpu.vector_store %arg10[%swap3A_167], %swap3A_170 {strides = array<i32>} : memref<2048xf32, #tpu.memory_space<vmem>>, vector<16xf32>,
    %swap3A_171 = arith.constant 672 : index
    %swap3A_172 = tpu.vector_load %arg10[%swap3A_171] {strides = array<i32>} : memref<2048xf32, #tpu.memory_space<vmem>>, vector<16xf32>,
    %swap3A_173 = vector.shape_cast %swap3A_172 : vector<16xf32> to vector<16xf32>
    %swap3A_174 = vector.shape_cast %broadcast_in_dim3A_1 : vector<16xf32> to vector<16xf32>
    tpu.vector_store %arg10[%swap3A_171], %swap3A_174 {strides = array<i32>} : memref<2048xf32, #tpu.memory_space<vmem>>, vector<16xf32>,
    %swap3A_175 = arith.constant 688 : index
    %swap3A_176 = tpu.vector_load %arg10[%swap3A_175] {strides = array<i32>} : memref<2048xf32, #tpu.memory_space<vmem>>, vector<16xf32>,
    %swap3A_177 = vector.shape_cast %swap3A_176 : vector<16xf32> to vector<16xf32>
    %swap3A_178 = vector.shape_cast %broadcast_in_dim3A_1 : vector<16xf32> to vector<16xf32>
    tpu.vector_store %arg10[%swap3A_175], %swap3A_178 {strides = array<i32>} : memref<2048xf32, #tpu.memory_space<vmem>>, vector<16xf32>,
    %swap3A_179 = arith.constant 704 : index
    %swap3A_180 = tpu.vector_load %arg10[%swap3A_179] {strides = array<i32>} : memref<2048xf32, #tpu.memory_space<vmem>>, vector<16xf32>,
    %swap3A_181 = vector.shape_cast %swap3A_180 : vector<16xf32> to vector<16xf32>
    %swap3A_182 = vector.shape_cast %broadcast_in_dim3A_1 : vector<16xf32> to vector<16xf32>
    tpu.vector_store %arg10[%swap3A_179], %swap3A_182 {strides = array<i32>} : memref<2048xf32, #tpu.memory_space<vmem>>, vector<16xf32>,
    %swap3A_183 = arith.constant 720 : index
    %swap3A_184 = tpu.vector_load %arg10[%swap3A_183] {strides = array<i32>} : memref<2048xf32, #tpu.memory_space<vmem>>, vector<16xf32>,
    %swap3A_185 = vector.shape_cast %swap3A_184 : vector<16xf32> to vector<16xf32>
    %swap3A_186 = vector.shape_cast %broadcast_in_dim3A_1 : vector<16xf32> to vector<16xf32>
    tpu.vector_store %arg10[%swap3A_183], %swap3A_186 {strides = array<i32>} : memref<2048xf32, #tpu.memory_space<vmem>>, vector<16xf32>,
    %swap3A_187 = arith.constant 736 : index
    %swap3A_188 = tpu.vector_load %arg10[%swap3A_187] {strides = array<i32>} : memref<2048xf32, #tpu.memory_space<vmem>>, vector<16xf32>,
    %swap3A_189 = vector.shape_cast %swap3A_188 : vector<16xf32> to vector<16xf32>
    %swap3A_190 = vector.shape_cast %broadcast_in_dim3A_1 : vector<16xf32> to vector<16xf32>
    tpu.vector_store %arg10[%swap3A_187], %swap3A_190 {strides = array<i32>} : memref<2048xf32, #tpu.memory_space<vmem>>, vector<16xf32>,
    %swap3A_191 = arith.constant 752 : index
    %swap3A_192 = tpu.vector_load %arg10[%swap3A_191] {strides = array<i32>} : memref<2048xf32, #tpu.memory_space<vmem>>, vector<16xf32>,
    %swap3A_193 = vector.shape_cast %swap3A_192 : vector<16xf32> to vector<16xf32>
    %swap3A_194 = vector.shape_cast %broadcast_in_dim3A_1 : vector<16xf32> to vector<16xf32>
    tpu.vector_store %arg10[%swap3A_191], %swap3A_194 {strides = array<i32>} : memref<2048xf32, #tpu.memory_space<vmem>>, vector<16xf32>,
    %swap3A_195 = arith.constant 768 : index
    %swap3A_196 = tpu.vector_load %arg10[%swap3A_195] {strides = array<i32>} : memref<2048xf32, #tpu.memory_space<vmem>>, vector<16xf32>,
    %swap3A_197 = vector.shape_cast %swap3A_196 : vector<16xf32> to vector<16xf32>
    %swap3A_198 = vector.shape_cast %broadcast_in_dim3A_1 : vector<16xf32> to vector<16xf32>
    tpu.vector_store %arg10[%swap3A_195], %swap3A_198 {strides = array<i32>} : memref<2048xf32, #tpu.memory_space<vmem>>, vector<16xf32>,
    %swap3A_199 = arith.constant 784 : index
    %swap3A_200 = tpu.vector_load %arg10[%swap3A_199] {strides = array<i32>} : memref<2048xf32, #tpu.memory_space<vmem>>, vector<16xf32>,
    %swap3A_201 = vector.shape_cast %swap3A_200 : vector<16xf32> to vector<16xf32>
    %swap3A_202 = vector.shape_cast %broadcast_in_dim3A_1 : vector<16xf32> to vector<16xf32>
    tpu.vector_store %arg10[%swap3A_199], %swap3A_202 {strides = array<i32>} : memref<2048xf32, #tpu.memory_space<vmem>>, vector<16xf32>,
    %swap3A_203 = arith.constant 800 : index
    %swap3A_204 = tpu.vector_load %arg10[%swap3A_203] {strides = array<i32>} : memref<2048xf32, #tpu.memory_space<vmem>>, vector<16xf32>,
    %swap3A_205 = vector.shape_cast %swap3A_204 : vector<16xf32> to vector<16xf32>
    %swap3A_206 = vector.shape_cast %broadcast_in_dim3A_1 : vector<16xf32> to vector<16xf32>
    tpu.vector_store %arg10[%swap3A_203], %swap3A_206 {strides = array<i32>} : memref<2048xf32, #tpu.memory_space<vmem>>, vector<16xf32>,
    %swap3A_207 = arith.constant 816 : index
    %swap3A_208 = tpu.vector_load %arg10[%swap3A_207] {strides = array<i32>} : memref<2048xf32, #tpu.memory_space<vmem>>, vector<16xf32>,
    %swap3A_209 = vector.shape_cast %swap3A_208 : vector<16xf32> to vector<16xf32>
    %swap3A_210 = vector.shape_cast %broadcast_in_dim3A_1 : vector<16xf32> to vector<16xf32>
    tpu.vector_store %arg10[%swap3A_207], %swap3A_210 {strides = array<i32>} : memref<2048xf32, #tpu.memory_space<vmem>>, vector<16xf32>,
    %swap3A_211 = arith.constant 832 : index
    %swap3A_212 = tpu.vector_load %arg10[%swap3A_211] {strides = array<i32>} : memref<2048xf32, #tpu.memory_space<vmem>>, vector<16xf32>,
    %swap3A_213 = vector.shape_cast %swap3A_212 : vector<16xf32> to vector<16xf32>
    %swap3A_214 = vector.shape_cast %broadcast_in_dim3A_1 : vector<16xf32> to vector<16xf32>
    tpu.vector_store %arg10[%swap3A_211], %swap3A_214 {strides = array<i32>} : memref<2048xf32, #tpu.memory_space<vmem>>, vector<16xf32>,
    %swap3A_215 = arith.constant 848 : index
    %swap3A_216 = tpu.vector_load %arg10[%swap3A_215] {strides = array<i32>} : memref<2048xf32, #tpu.memory_space<vmem>>, vector<16xf32>,
    %swap3A_217 = vector.shape_cast %swap3A_216 : vector<16xf32> to vector<16xf32>
    %swap3A_218 = vector.shape_cast %broadcast_in_dim3A_1 : vector<16xf32> to vector<16xf32>
    tpu.vector_store %arg10[%swap3A_215], %swap3A_218 {strides = array<i32>} : memref<2048xf32, #tpu.memory_space<vmem>>, vector<16xf32>,
    %swap3A_219 = arith.constant 864 : index
    %swap3A_220 = tpu.vector_load %arg10[%swap3A_219] {strides = array<i32>} : memref<2048xf32, #tpu.memory_space<vmem>>, vector<16xf32>,
    %swap3A_221 = vector.shape_cast %swap3A_220 : vector<16xf32> to vector<16xf32>
    %swap3A_222 = vector.shape_cast %broadcast_in_dim3A_1 : vector<16xf32> to vector<16xf32>
    tpu.vector_store %arg10[%swap3A_219], %swap3A_222 {strides = array<i32>} : memref<2048xf32, #tpu.memory_space<vmem>>, vector<16xf32>,
    %swap3A_223 = arith.constant 880 : index
    %swap3A_224 = tpu.vector_load %arg10[%swap3A_223] {strides = array<i32>} : memref<2048xf32, #tpu.memory_space<vmem>>, vector<16xf32>,
    %swap3A_225 = vector.shape_cast %swap3A_224 : vector<16xf32> to vector<16xf32>
    %swap3A_226 = vector.shape_cast %broadcast_in_dim3A_1 : vector<16xf32> to vector<16xf32>
    tpu.vector_store %arg10[%swap3A_223], %swap3A_226 {strides = array<i32>} : memref<2048xf32, #tpu.memory_space<vmem>>, vector<16xf32>,
    %swap3A_227 = arith.constant 896 : index
    %swap3A_228 = tpu.vector_load %arg10[%swap3A_227] {strides = array<i32>} : memref<2048xf32, #tpu.memory_space<vmem>>, vector<16xf32>,
    %swap3A_229 = vector.shape_cast %swap3A_228 : vector<16xf32> to vector<16xf32>
    %swap3A_230 = vector.shape_cast %broadcast_in_dim3A_1 : vector<16xf32> to vector<16xf32>
    tpu.vector_store %arg10[%swap3A_227], %swap3A_230 {strides = array<i32>} : memref<2048xf32, #tpu.memory_space<vmem>>, vector<16xf32>,
    %swap3A_231 = arith.constant 912 : index
    %swap3A_232 = tpu.vector_load %arg10[%swap3A_231] {strides = array<i32>} : memref<2048xf32, #tpu.memory_space<vmem>>, vector<16xf32>,
    %swap3A_233 = vector.shape_cast %swap3A_232 : vector<16xf32> to vector<16xf32>
    %swap3A_234 = vector.shape_cast %broadcast_in_dim3A_1 : vector<16xf32> to vector<16xf32>
    tpu.vector_store %arg10[%swap3A_231], %swap3A_234 {strides = array<i32>} : memref<2048xf32, #tpu.memory_space<vmem>>, vector<16xf32>,
    %swap3A_235 = arith.constant 928 : index
    %swap3A_236 = tpu.vector_load %arg10[%swap3A_235] {strides = array<i32>} : memref<2048xf32, #tpu.memory_space<vmem>>, vector<16xf32>,
    %swap3A_237 = vector.shape_cast %swap3A_236 : vector<16xf32> to vector<16xf32>
    %swap3A_238 = vector.shape_cast %broadcast_in_dim3A_1 : vector<16xf32> to vector<16xf32>
    tpu.vector_store %arg10[%swap3A_235], %swap3A_238 {strides = array<i32>} : memref<2048xf32, #tpu.memory_space<vmem>>, vector<16xf32>,
    %swap3A_239 = arith.constant 944 : index
    %swap3A_240 = tpu.vector_load %arg10[%swap3A_239] {strides = array<i32>} : memref<2048xf32, #tpu.memory_space<vmem>>, vector<16xf32>,
    %swap3A_241 = vector.shape_cast %swap3A_240 : vector<16xf32> to vector<16xf32>
    %swap3A_242 = vector.shape_cast %broadcast_in_dim3A_1 : vector<16xf32> to vector<16xf32>
    tpu.vector_store %arg10[%swap3A_239], %swap3A_242 {strides = array<i32>} : memref<2048xf32, #tpu.memory_space<vmem>>, vector<16xf32>,
    %swap3A_243 = arith.constant 960 : index
    %swap3A_244 = tpu.vector_load %arg10[%swap3A_243] {strides = array<i32>} : memref<2048xf32, #tpu.memory_space<vmem>>, vector<16xf32>,
    %swap3A_245 = vector.shape_cast %swap3A_244 : vector<16xf32> to vector<16xf32>
    %swap3A_246 = vector.shape_cast %broadcast_in_dim3A_1 : vector<16xf32> to vector<16xf32>
    tpu.vector_store %arg10[%swap3A_243], %swap3A_246 {strides = array<i32>} : memref<2048xf32, #tpu.memory_space<vmem>>, vector<16xf32>,
    %swap3A_247 = arith.constant 976 : index
    %swap3A_248 = tpu.vector_load %arg10[%swap3A_247] {strides = array<i32>} : memref<2048xf32, #tpu.memory_space<vmem>>, vector<16xf32>,
    %swap3A_249 = vector.shape_cast %swap3A_248 : vector<16xf32> to vector<16xf32>
    %swap3A_250 = vector.shape_cast %broadcast_in_dim3A_1 : vector<16xf32> to vector<16xf32>
    tpu.vector_store %arg10[%swap3A_247], %swap3A_250 {strides = array<i32>} : memref<2048xf32, #tpu.memory_space<vmem>>, vector<16xf32>,
    %swap3A_251 = arith.constant 992 : index
    %swap3A_252 = tpu.vector_load %arg10[%swap3A_251] {strides = array<i32>} : memref<2048xf32, #tpu.memory_space<vmem>>, vector<16xf32>,
    %swap3A_253 = vector.shape_cast %swap3A_252 : vector<16xf32> to vector<16xf32>
    %swap3A_254 = vector.shape_cast %broadcast_in_dim3A_1 : vector<16xf32> to vector<16xf32>
    tpu.vector_store %arg10[%swap3A_251], %swap3A_254 {strides = array<i32>} : memref<2048xf32, #tpu.memory_space<vmem>>, vector<16xf32>,
    %swap3A_255 = arith.constant 1008 : index
    %swap3A_256 = tpu.vector_load %arg10[%swap3A_255] {strides = array<i32>} : memref<2048xf32, #tpu.memory_space<vmem>>, vector<16xf32>,
    %swap3A_257 = vector.shape_cast %swap3A_256 : vector<16xf32> to vector<16xf32>
    %swap3A_258 = vector.shape_cast %broadcast_in_dim3A_1 : vector<16xf32> to vector<16xf32>
    tpu.vector_store %arg10[%swap3A_255], %swap3A_258 {strides = array<i32>} : memref<2048xf32, #tpu.memory_space<vmem>>, vector<16xf32>,
    %swap3A_259 = arith.constant 1024 : index
    %swap3A_260 = tpu.vector_load %arg10[%swap3A_259] {strides = array<i32>} : memref<2048xf32, #tpu.memory_space<vmem>>, vector<16xf32>,
    %swap3A_261 = vector.shape_cast %swap3A_260 : vector<16xf32> to vector<16xf32>
    %swap3A_262 = vector.shape_cast %broadcast_in_dim3A_1 : vector<16xf32> to vector<16xf32>
    tpu.vector_store %arg10[%swap3A_259], %swap3A_262 {strides = array<i32>} : memref<2048xf32, #tpu.memory_space<vmem>>, vector<16xf32>,
    %swap3A_263 = arith.constant 1040 : index
    %swap3A_264 = tpu.vector_load %arg10[%swap3A_263] {strides = array<i32>} : memref<2048xf32, #tpu.memory_space<vmem>>, vector<16xf32>,
    %swap3A_265 = vector.shape_cast %swap3A_264 : vector<16xf32> to vector<16xf32>
    %swap3A_266 = vector.shape_cast %broadcast_in_dim3A_1 : vector<16xf32> to vector<16xf32>
    tpu.vector_store %arg10[%swap3A_263], %swap3A_266 {strides = array<i32>} : memref<2048xf32, #tpu.memory_space<vmem>>, vector<16xf32>,
    %swap3A_267 = arith.constant 1056 : index
    %swap3A_268 = tpu.vector_load %arg10[%swap3A_267] {strides = array<i32>} : memref<2048xf32, #tpu.memory_space<vmem>>, vector<16xf32>,
    %swap3A_269 = vector.shape_cast %swap3A_268 : vector<16xf32> to vector<16xf32>
    %swap3A_270 = vector.shape_cast %broadcast_in_dim3A_1 : vector<16xf32> to vector<16xf32>
    tpu.vector_store %arg10[%swap3A_267], %swap3A_270 {strides = array<i32>} : memref<2048xf32, #tpu.memory_space<vmem>>, vector<16xf32>,
    %swap3A_271 = arith.constant 1072 : index
    %swap3A_272 = tpu.vector_load %arg10[%swap3A_271] {strides = array<i32>} : memref<2048xf32, #tpu.memory_space<vmem>>, vector<16xf32>,
    %swap3A_273 = vector.shape_cast %swap3A_272 : vector<16xf32> to vector<16xf32>
    %swap3A_274 = vector.shape_cast %broadcast_in_dim3A_1 : vector<16xf32> to vector<16xf32>
    tpu.vector_store %arg10[%swap3A_271], %swap3A_274 {strides = array<i32>} : memref<2048xf32, #tpu.memory_space<vmem>>, vector<16xf32>,
    %swap3A_275 = arith.constant 1088 : index
    %swap3A_276 = tpu.vector_load %arg10[%swap3A_275] {strides = array<i32>} : memref<2048xf32, #tpu.memory_space<vmem>>, vector<16xf32>,
    %swap3A_277 = vector.shape_cast %swap3A_276 : vector<16xf32> to vector<16xf32>
    %swap3A_278 = vector.shape_cast %broadcast_in_dim3A_1 : vector<16xf32> to vector<16xf32>
    tpu.vector_store %arg10[%swap3A_275], %swap3A_278 {strides = array<i32>} : memref<2048xf32, #tpu.memory_space<vmem>>, vector<16xf32>,
    %swap3A_279 = arith.constant 1104 : index
    %swap3A_280 = tpu.vector_load %arg10[%swap3A_279] {strides = array<i32>} : memref<2048xf32, #tpu.memory_space<vmem>>, vector<16xf32>,
    %swap3A_281 = vector.shape_cast %swap3A_280 : vector<16xf32> to vector<16xf32>
    %swap3A_282 = vector.shape_cast %broadcast_in_dim3A_1 : vector<16xf32> to vector<16xf32>
    tpu.vector_store %arg10[%swap3A_279], %swap3A_282 {strides = array<i32>} : memref<2048xf32, #tpu.memory_space<vmem>>, vector<16xf32>,
    %swap3A_283 = arith.constant 1120 : index
    %swap3A_284 = tpu.vector_load %arg10[%swap3A_283] {strides = array<i32>} : memref<2048xf32, #tpu.memory_space<vmem>>, vector<16xf32>,
    %swap3A_285 = vector.shape_cast %swap3A_284 : vector<16xf32> to vector<16xf32>
    %swap3A_286 = vector.shape_cast %broadcast_in_dim3A_1 : vector<16xf32> to vector<16xf32>
    tpu.vector_store %arg10[%swap3A_283], %swap3A_286 {strides = array<i32>} : memref<2048xf32, #tpu.memory_space<vmem>>, vector<16xf32>,
    %swap3A_287 = arith.constant 1136 : index
    %swap3A_288 = tpu.vector_load %arg10[%swap3A_287] {strides = array<i32>} : memref<2048xf32, #tpu.memory_space<vmem>>, vector<16xf32>,
    %swap3A_289 = vector.shape_cast %swap3A_288 : vector<16xf32> to vector<16xf32>
    %swap3A_290 = vector.shape_cast %broadcast_in_dim3A_1 : vector<16xf32> to vector<16xf32>
    tpu.vector_store %arg10[%swap3A_287], %swap3A_290 {strides = array<i32>} : memref<2048xf32, #tpu.memory_space<vmem>>, vector<16xf32>,
    %swap3A_291 = arith.constant 1152 : index
    %swap3A_292 = tpu.vector_load %arg10[%swap3A_291] {strides = array<i32>} : memref<2048xf32, #tpu.memory_space<vmem>>, vector<16xf32>,
    %swap3A_293 = vector.shape_cast %swap3A_292 : vector<16xf32> to vector<16xf32>
    %swap3A_294 = vector.shape_cast %broadcast_in_dim3A_1 : vector<16xf32> to vector<16xf32>
    tpu.vector_store %arg10[%swap3A_291], %swap3A_294 {strides = array<i32>} : memref<2048xf32, #tpu.memory_space<vmem>>, vector<16xf32>,
    %swap3A_295 = arith.constant 1168 : index
    %swap3A_296 = tpu.vector_load %arg10[%swap3A_295] {strides = array<i32>} : memref<2048xf32, #tpu.memory_space<vmem>>, vector<16xf32>,
    %swap3A_297 = vector.shape_cast %swap3A_296 : vector<16xf32> to vector<16xf32>
    %swap3A_298 = vector.shape_cast %broadcast_in_dim3A_1 : vector<16xf32> to vector<16xf32>
    tpu.vector_store %arg10[%swap3A_295], %swap3A_298 {strides = array<i32>} : memref<2048xf32, #tpu.memory_space<vmem>>, vector<16xf32>,
    %swap3A_299 = arith.constant 1184 : index
    %swap3A_300 = tpu.vector_load %arg10[%swap3A_299] {strides = array<i32>} : memref<2048xf32, #tpu.memory_space<vmem>>, vector<16xf32>,
    %swap3A_301 = vector.shape_cast %swap3A_300 : vector<16xf32> to vector<16xf32>
    %swap3A_302 = vector.shape_cast %broadcast_in_dim3A_1 : vector<16xf32> to vector<16xf32>
    tpu.vector_store %arg10[%swap3A_299], %swap3A_302 {strides = array<i32>} : memref<2048xf32, #tpu.memory_space<vmem>>, vector<16xf32>,
    %swap3A_303 = arith.constant 1200 : index
    %swap3A_304 = tpu.vector_load %arg10[%swap3A_303] {strides = array<i32>} : memref<2048xf32, #tpu.memory_space<vmem>>, vector<16xf32>,
    %swap3A_305 = vector.shape_cast %swap3A_304 : vector<16xf32> to vector<16xf32>
    %swap3A_306 = vector.shape_cast %broadcast_in_dim3A_1 : vector<16xf32> to vector<16xf32>
    tpu.vector_store %arg10[%swap3A_303], %swap3A_306 {strides = array<i32>} : memref<2048xf32, #tpu.memory_space<vmem>>, vector<16xf32>,
    %swap3A_307 = arith.constant 1216 : index
    %swap3A_308 = tpu.vector_load %arg10[%swap3A_307] {strides = array<i32>} : memref<2048xf32, #tpu.memory_space<vmem>>, vector<16xf32>,
    %swap3A_309 = vector.shape_cast %swap3A_308 : vector<16xf32> to vector<16xf32>
    %swap3A_310 = vector.shape_cast %broadcast_in_dim3A_1 : vector<16xf32> to vector<16xf32>
    tpu.vector_store %arg10[%swap3A_307], %swap3A_310 {strides = array<i32>} : memref<2048xf32, #tpu.memory_space<vmem>>, vector<16xf32>,
    %swap3A_311 = arith.constant 1232 : index
    %swap3A_312 = tpu.vector_load %arg10[%swap3A_311] {strides = array<i32>} : memref<2048xf32, #tpu.memory_space<vmem>>, vector<16xf32>,
    %swap3A_313 = vector.shape_cast %swap3A_312 : vector<16xf32> to vector<16xf32>
    %swap3A_314 = vector.shape_cast %broadcast_in_dim3A_1 : vector<16xf32> to vector<16xf32>
    tpu.vector_store %arg10[%swap3A_311], %swap3A_314 {strides = array<i32>} : memref<2048xf32, #tpu.memory_space<vmem>>, vector<16xf32>,
    %swap3A_315 = arith.constant 1248 : index
    %swap3A_316 = tpu.vector_load %arg10[%swap3A_315] {strides = array<i32>} : memref<2048xf32, #tpu.memory_space<vmem>>, vector<16xf32>,
    %swap3A_317 = vector.shape_cast %swap3A_316 : vector<16xf32> to vector<16xf32>
    %swap3A_318 = vector.shape_cast %broadcast_in_dim3A_1 : vector<16xf32> to vector<16xf32>
    tpu.vector_store %arg10[%swap3A_315], %swap3A_318 {strides = array<i32>} : memref<2048xf32, #tpu.memory_space<vmem>>, vector<16xf32>,
    %swap3A_319 = arith.constant 1264 : index
    %swap3A_320 = tpu.vector_load %arg10[%swap3A_319] {strides = array<i32>} : memref<2048xf32, #tpu.memory_space<vmem>>, vector<16xf32>,
    %swap3A_321 = vector.shape_cast %swap3A_320 : vector<16xf32> to vector<16xf32>
    %swap3A_322 = vector.shape_cast %broadcast_in_dim3A_1 : vector<16xf32> to vector<16xf32>
    tpu.vector_store %arg10[%swap3A_319], %swap3A_322 {strides = array<i32>} : memref<2048xf32, #tpu.memory_space<vmem>>, vector<16xf32>,
    %swap3A_323 = arith.constant 1280 : index
    %swap3A_324 = tpu.vector_load %arg10[%swap3A_323] {strides = array<i32>} : memref<2048xf32, #tpu.memory_space<vmem>>, vector<16xf32>,
    %swap3A_325 = vector.shape_cast %swap3A_324 : vector<16xf32> to vector<16xf32>
    %swap3A_326 = vector.shape_cast %broadcast_in_dim3A_1 : vector<16xf32> to vector<16xf32>
    tpu.vector_store %arg10[%swap3A_323], %swap3A_326 {strides = array<i32>} : memref<2048xf32, #tpu.memory_space<vmem>>, vector<16xf32>,
    %swap3A_327 = arith.constant 1296 : index
    %swap3A_328 = tpu.vector_load %arg10[%swap3A_327] {strides = array<i32>} : memref<2048xf32, #tpu.memory_space<vmem>>, vector<16xf32>,
    %swap3A_329 = vector.shape_cast %swap3A_328 : vector<16xf32> to vector<16xf32>
    %swap3A_330 = vector.shape_cast %broadcast_in_dim3A_1 : vector<16xf32> to vector<16xf32>
    tpu.vector_store %arg10[%swap3A_327], %swap3A_330 {strides = array<i32>} : memref<2048xf32, #tpu.memory_space<vmem>>, vector<16xf32>,
    %swap3A_331 = arith.constant 1312 : index
    %swap3A_332 = tpu.vector_load %arg10[%swap3A_331] {strides = array<i32>} : memref<2048xf32, #tpu.memory_space<vmem>>, vector<16xf32>,
    %swap3A_333 = vector.shape_cast %swap3A_332 : vector<16xf32> to vector<16xf32>
    %swap3A_334 = vector.shape_cast %broadcast_in_dim3A_1 : vector<16xf32> to vector<16xf32>
    tpu.vector_store %arg10[%swap3A_331], %swap3A_334 {strides = array<i32>} : memref<2048xf32, #tpu.memory_space<vmem>>, vector<16xf32>,
    %swap3A_335 = arith.constant 1328 : index
    %swap3A_336 = tpu.vector_load %arg10[%swap3A_335] {strides = array<i32>} : memref<2048xf32, #tpu.memory_space<vmem>>, vector<16xf32>,
    %swap3A_337 = vector.shape_cast %swap3A_336 : vector<16xf32> to vector<16xf32>
    %swap3A_338 = vector.shape_cast %broadcast_in_dim3A_1 : vector<16xf32> to vector<16xf32>
    tpu.vector_store %arg10[%swap3A_335], %swap3A_338 {strides = array<i32>} : memref<2048xf32, #tpu.memory_space<vmem>>, vector<16xf32>,
    %swap3A_339 = arith.constant 1344 : index
    %swap3A_340 = tpu.vector_load %arg10[%swap3A_339] {strides = array<i32>} : memref<2048xf32, #tpu.memory_space<vmem>>, vector<16xf32>,
    %swap3A_341 = vector.shape_cast %swap3A_340 : vector<16xf32> to vector<16xf32>
    %swap3A_342 = vector.shape_cast %broadcast_in_dim3A_1 : vector<16xf32> to vector<16xf32>
    tpu.vector_store %arg10[%swap3A_339], %swap3A_342 {strides = array<i32>} : memref<2048xf32, #tpu.memory_space<vmem>>, vector<16xf32>,
    %swap3A_343 = arith.constant 1360 : index
    %swap3A_344 = tpu.vector_load %arg10[%swap3A_343] {strides = array<i32>} : memref<2048xf32, #tpu.memory_space<vmem>>, vector<16xf32>,
    %swap3A_345 = vector.shape_cast %swap3A_344 : vector<16xf32> to vector<16xf32>
    %swap3A_346 = vector.shape_cast %broadcast_in_dim3A_1 : vector<16xf32> to vector<16xf32>
    tpu.vector_store %arg10[%swap3A_343], %swap3A_346 {strides = array<i32>} : memref<2048xf32, #tpu.memory_space<vmem>>, vector<16xf32>,
    %swap3A_347 = arith.constant 1376 : index
    %swap3A_348 = tpu.vector_load %arg10[%swap3A_347] {strides = array<i32>} : memref<2048xf32, #tpu.memory_space<vmem>>, vector<16xf32>,
    %swap3A_349 = vector.shape_cast %swap3A_348 : vector<16xf32> to vector<16xf32>
    %swap3A_350 = vector.shape_cast %broadcast_in_dim3A_1 : vector<16xf32> to vector<16xf32>
    tpu.vector_store %arg10[%swap3A_347], %swap3A_350 {strides = array<i32>} : memref<2048xf32, #tpu.memory_space<vmem>>, vector<16xf32>,
    %swap3A_351 = arith.constant 1392 : index
    %swap3A_352 = tpu.vector_load %arg10[%swap3A_351] {strides = array<i32>} : memref<2048xf32, #tpu.memory_space<vmem>>, vector<16xf32>,
    %swap3A_353 = vector.shape_cast %swap3A_352 : vector<16xf32> to vector<16xf32>
    %swap3A_354 = vector.shape_cast %broadcast_in_dim3A_1 : vector<16xf32> to vector<16xf32>
    tpu.vector_store %arg10[%swap3A_351], %swap3A_354 {strides = array<i32>} : memref<2048xf32, #tpu.memory_space<vmem>>, vector<16xf32>,
    %swap3A_355 = arith.constant 1408 : index
    %swap3A_356 = tpu.vector_load %arg10[%swap3A_355] {strides = array<i32>} : memref<2048xf32, #tpu.memory_space<vmem>>, vector<16xf32>,
    %swap3A_357 = vector.shape_cast %swap3A_356 : vector<16xf32> to vector<16xf32>
    %swap3A_358 = vector.shape_cast %broadcast_in_dim3A_1 : vector<16xf32> to vector<16xf32>
    tpu.vector_store %arg10[%swap3A_355], %swap3A_358 {strides = array<i32>} : memref<2048xf32, #tpu.memory_space<vmem>>, vector<16xf32>,
    %swap3A_359 = arith.constant 1424 : index
    %swap3A_360 = tpu.vector_load %arg10[%swap3A_359] {strides = array<i32>} : memref<2048xf32, #tpu.memory_space<vmem>>, vector<16xf32>,
    %swap3A_361 = vector.shape_cast %swap3A_360 : vector<16xf32> to vector<16xf32>
    %swap3A_362 = vector.shape_cast %broadcast_in_dim3A_1 : vector<16xf32> to vector<16xf32>
    tpu.vector_store %arg10[%swap3A_359], %swap3A_362 {strides = array<i32>} : memref<2048xf32, #tpu.memory_space<vmem>>, vector<16xf32>,
    %swap3A_363 = arith.constant 1440 : index
    %swap3A_364 = tpu.vector_load %arg10[%swap3A_363] {strides = array<i32>} : memref<2048xf32, #tpu.memory_space<vmem>>, vector<16xf32>,
    %swap3A_365 = vector.shape_cast %swap3A_364 : vector<16xf32> to vector<16xf32>
    %swap3A_366 = vector.shape_cast %broadcast_in_dim3A_1 : vector<16xf32> to vector<16xf32>
    tpu.vector_store %arg10[%swap3A_363], %swap3A_366 {strides = array<i32>} : memref<2048xf32, #tpu.memory_space<vmem>>, vector<16xf32>,
    %swap3A_367 = arith.constant 1456 : index
    %swap3A_368 = tpu.vector_load %arg10[%swap3A_367] {strides = array<i32>} : memref<2048xf32, #tpu.memory_space<vmem>>, vector<16xf32>,
    %swap3A_369 = vector.shape_cast %swap3A_368 : vector<16xf32> to vector<16xf32>
    %swap3A_370 = vector.shape_cast %broadcast_in_dim3A_1 : vector<16xf32> to vector<16xf32>
    tpu.vector_store %arg10[%swap3A_367], %swap3A_370 {strides = array<i32>} : memref<2048xf32, #tpu.memory_space<vmem>>, vector<16xf32>,
    %swap3A_371 = arith.constant 1472 : index
    %swap3A_372 = tpu.vector_load %arg10[%swap3A_371] {strides = array<i32>} : memref<2048xf32, #tpu.memory_space<vmem>>, vector<16xf32>,
    %swap3A_373 = vector.shape_cast %swap3A_372 : vector<16xf32> to vector<16xf32>
    %swap3A_374 = vector.shape_cast %broadcast_in_dim3A_1 : vector<16xf32> to vector<16xf32>
    tpu.vector_store %arg10[%swap3A_371], %swap3A_374 {strides = array<i32>} : memref<2048xf32, #tpu.memory_space<vmem>>, vector<16xf32>,
    %swap3A_375 = arith.constant 1488 : index
    %swap3A_376 = tpu.vector_load %arg10[%swap3A_375] {strides = array<i32>} : memref<2048xf32, #tpu.memory_space<vmem>>, vector<16xf32>,
    %swap3A_377 = vector.shape_cast %swap3A_376 : vector<16xf32> to vector<16xf32>
    %swap3A_378 = vector.shape_cast %broadcast_in_dim3A_1 : vector<16xf32> to vector<16xf32>
    tpu.vector_store %arg10[%swap3A_375], %swap3A_378 {strides = array<i32>} : memref<2048xf32, #tpu.memory_space<vmem>>, vector<16xf32>,
    %swap3A_379 = arith.constant 1504 : index
    %swap3A_380 = tpu.vector_load %arg10[%swap3A_379] {strides = array<i32>} : memref<2048xf32, #tpu.memory_space<vmem>>, vector<16xf32>,
    %swap3A_381 = vector.shape_cast %swap3A_380 : vector<16xf32> to vector<16xf32>
    %swap3A_382 = vector.shape_cast %broadcast_in_dim3A_1 : vector<16xf32> to vector<16xf32>
    tpu.vector_store %arg10[%swap3A_379], %swap3A_382 {strides = array<i32>} : memref<2048xf32, #tpu.memory_space<vmem>>, vector<16xf32>,
    %swap3A_383 = arith.constant 1520 : index
    %swap3A_384 = tpu.vector_load %arg10[%swap3A_383] {strides = array<i32>} : memref<2048xf32, #tpu.memory_space<vmem>>, vector<16xf32>,
    %swap3A_385 = vector.shape_cast %swap3A_384 : vector<16xf32> to vector<16xf32>
    %swap3A_386 = vector.shape_cast %broadcast_in_dim3A_1 : vector<16xf32> to vector<16xf32>
    tpu.vector_store %arg10[%swap3A_383], %swap3A_386 {strides = array<i32>} : memref<2048xf32, #tpu.memory_space<vmem>>, vector<16xf32>,
    %swap3A_387 = arith.constant 1536 : index
    %swap3A_388 = tpu.vector_load %arg10[%swap3A_387] {strides = array<i32>} : memref<2048xf32, #tpu.memory_space<vmem>>, vector<16xf32>,
    %swap3A_389 = vector.shape_cast %swap3A_388 : vector<16xf32> to vector<16xf32>
    %swap3A_390 = vector.shape_cast %broadcast_in_dim3A_1 : vector<16xf32> to vector<16xf32>
    tpu.vector_store %arg10[%swap3A_387], %swap3A_390 {strides = array<i32>} : memref<2048xf32, #tpu.memory_space<vmem>>, vector<16xf32>,
    %swap3A_391 = arith.constant 1552 : index
    %swap3A_392 = tpu.vector_load %arg10[%swap3A_391] {strides = array<i32>} : memref<2048xf32, #tpu.memory_space<vmem>>, vector<16xf32>,
    %swap3A_393 = vector.shape_cast %swap3A_392 : vector<16xf32> to vector<16xf32>
    %swap3A_394 = vector.shape_cast %broadcast_in_dim3A_1 : vector<16xf32> to vector<16xf32>
    tpu.vector_store %arg10[%swap3A_391], %swap3A_394 {strides = array<i32>} : memref<2048xf32, #tpu.memory_space<vmem>>, vector<16xf32>,
    %swap3A_395 = arith.constant 1568 : index
    %swap3A_396 = tpu.vector_load %arg10[%swap3A_395] {strides = array<i32>} : memref<2048xf32, #tpu.memory_space<vmem>>, vector<16xf32>,
    %swap3A_397 = vector.shape_cast %swap3A_396 : vector<16xf32> to vector<16xf32>
    %swap3A_398 = vector.shape_cast %broadcast_in_dim3A_1 : vector<16xf32> to vector<16xf32>
    tpu.vector_store %arg10[%swap3A_395], %swap3A_398 {strides = array<i32>} : memref<2048xf32, #tpu.memory_space<vmem>>, vector<16xf32>,
    %swap3A_399 = arith.constant 1584 : index
    %swap3A_400 = tpu.vector_load %arg10[%swap3A_399] {strides = array<i32>} : memref<2048xf32, #tpu.memory_space<vmem>>, vector<16xf32>,
    %swap3A_401 = vector.shape_cast %swap3A_400 : vector<16xf32> to vector<16xf32>
    %swap3A_402 = vector.shape_cast %broadcast_in_dim3A_1 : vector<16xf32> to vector<16xf32>
    tpu.vector_store %arg10[%swap3A_399], %swap3A_402 {strides = array<i32>} : memref<2048xf32, #tpu.memory_space<vmem>>, vector<16xf32>,
    %swap3A_403 = arith.constant 1600 : index
    %swap3A_404 = tpu.vector_load %arg10[%swap3A_403] {strides = array<i32>} : memref<2048xf32, #tpu.memory_space<vmem>>, vector<16xf32>,
    %swap3A_405 = vector.shape_cast %swap3A_404 : vector<16xf32> to vector<16xf32>
    %swap3A_406 = vector.shape_cast %broadcast_in_dim3A_1 : vector<16xf32> to vector<16xf32>
    tpu.vector_store %arg10[%swap3A_403], %swap3A_406 {strides = array<i32>} : memref<2048xf32, #tpu.memory_space<vmem>>, vector<16xf32>,
    %swap3A_407 = arith.constant 1616 : index
    %swap3A_408 = tpu.vector_load %arg10[%swap3A_407] {strides = array<i32>} : memref<2048xf32, #tpu.memory_space<vmem>>, vector<16xf32>,
    %swap3A_409 = vector.shape_cast %swap3A_408 : vector<16xf32> to vector<16xf32>
    %swap3A_410 = vector.shape_cast %broadcast_in_dim3A_1 : vector<16xf32> to vector<16xf32>
    tpu.vector_store %arg10[%swap3A_407], %swap3A_410 {strides = array<i32>} : memref<2048xf32, #tpu.memory_space<vmem>>, vector<16xf32>,
    %swap3A_411 = arith.constant 1632 : index
    %swap3A_412 = tpu.vector_load %arg10[%swap3A_411] {strides = array<i32>} : memref<2048xf32, #tpu.memory_space<vmem>>, vector<16xf32>,
    %swap3A_413 = vector.shape_cast %swap3A_412 : vector<16xf32> to vector<16xf32>
    %swap3A_414 = vector.shape_cast %broadcast_in_dim3A_1 : vector<16xf32> to vector<16xf32>
    tpu.vector_store %arg10[%swap3A_411], %swap3A_414 {strides = array<i32>} : memref<2048xf32, #tpu.memory_space<vmem>>, vector<16xf32>,
    %swap3A_415 = arith.constant 1648 : index
    %swap3A_416 = tpu.vector_load %arg10[%swap3A_415] {strides = array<i32>} : memref<2048xf32, #tpu.memory_space<vmem>>, vector<16xf32>,
    %swap3A_417 = vector.shape_cast %swap3A_416 : vector<16xf32> to vector<16xf32>
    %swap3A_418 = vector.shape_cast %broadcast_in_dim3A_1 : vector<16xf32> to vector<16xf32>
    tpu.vector_store %arg10[%swap3A_415], %swap3A_418 {strides = array<i32>} : memref<2048xf32, #tpu.memory_space<vmem>>, vector<16xf32>,
    %swap3A_419 = arith.constant 1664 : index
    %swap3A_420 = tpu.vector_load %arg10[%swap3A_419] {strides = array<i32>} : memref<2048xf32, #tpu.memory_space<vmem>>, vector<16xf32>,
    %swap3A_421 = vector.shape_cast %swap3A_420 : vector<16xf32> to vector<16xf32>
    %swap3A_422 = vector.shape_cast %broadcast_in_dim3A_1 : vector<16xf32> to vector<16xf32>
    tpu.vector_store %arg10[%swap3A_419], %swap3A_422 {strides = array<i32>} : memref<2048xf32, #tpu.memory_space<vmem>>, vector<16xf32>,
    %swap3A_423 = arith.constant 1680 : index
    %swap3A_424 = tpu.vector_load %arg10[%swap3A_423] {strides = array<i32>} : memref<2048xf32, #tpu.memory_space<vmem>>, vector<16xf32>,
    %swap3A_425 = vector.shape_cast %swap3A_424 : vector<16xf32> to vector<16xf32>
    %swap3A_426 = vector.shape_cast %broadcast_in_dim3A_1 : vector<16xf32> to vector<16xf32>
    tpu.vector_store %arg10[%swap3A_423], %swap3A_426 {strides = array<i32>} : memref<2048xf32, #tpu.memory_space<vmem>>, vector<16xf32>,
    %swap3A_427 = arith.constant 1696 : index
    %swap3A_428 = tpu.vector_load %arg10[%swap3A_427] {strides = array<i32>} : memref<2048xf32, #tpu.memory_space<vmem>>, vector<16xf32>,
    %swap3A_429 = vector.shape_cast %swap3A_428 : vector<16xf32> to vector<16xf32>
    %swap3A_430 = vector.shape_cast %broadcast_in_dim3A_1 : vector<16xf32> to vector<16xf32>
    tpu.vector_store %arg10[%swap3A_427], %swap3A_430 {strides = array<i32>} : memref<2048xf32, #tpu.memory_space<vmem>>, vector<16xf32>,
    %swap3A_431 = arith.constant 1712 : index
    %swap3A_432 = tpu.vector_load %arg10[%swap3A_431] {strides = array<i32>} : memref<2048xf32, #tpu.memory_space<vmem>>, vector<16xf32>,
    %swap3A_433 = vector.shape_cast %swap3A_432 : vector<16xf32> to vector<16xf32>
    %swap3A_434 = vector.shape_cast %broadcast_in_dim3A_1 : vector<16xf32> to vector<16xf32>
    tpu.vector_store %arg10[%swap3A_431], %swap3A_434 {strides = array<i32>} : memref<2048xf32, #tpu.memory_space<vmem>>, vector<16xf32>,
    %swap3A_435 = arith.constant 1728 : index
    %swap3A_436 = tpu.vector_load %arg10[%swap3A_435] {strides = array<i32>} : memref<2048xf32, #tpu.memory_space<vmem>>, vector<16xf32>,
    %swap3A_437 = vector.shape_cast %swap3A_436 : vector<16xf32> to vector<16xf32>
    %swap3A_438 = vector.shape_cast %broadcast_in_dim3A_1 : vector<16xf32> to vector<16xf32>
    tpu.vector_store %arg10[%swap3A_435], %swap3A_438 {strides = array<i32>} : memref<2048xf32, #tpu.memory_space<vmem>>, vector<16xf32>,
    %swap3A_439 = arith.constant 1744 : index
    %swap3A_440 = tpu.vector_load %arg10[%swap3A_439] {strides = array<i32>} : memref<2048xf32, #tpu.memory_space<vmem>>, vector<16xf32>,
    %swap3A_441 = vector.shape_cast %swap3A_440 : vector<16xf32> to vector<16xf32>
    %swap3A_442 = vector.shape_cast %broadcast_in_dim3A_1 : vector<16xf32> to vector<16xf32>
    tpu.vector_store %arg10[%swap3A_439], %swap3A_442 {strides = array<i32>} : memref<2048xf32, #tpu.memory_space<vmem>>, vector<16xf32>,
    %swap3A_443 = arith.constant 1760 : index
    %swap3A_444 = tpu.vector_load %arg10[%swap3A_443] {strides = array<i32>} : memref<2048xf32, #tpu.memory_space<vmem>>, vector<16xf32>,
    %swap3A_445 = vector.shape_cast %swap3A_444 : vector<16xf32> to vector<16xf32>
    %swap3A_446 = vector.shape_cast %broadcast_in_dim3A_1 : vector<16xf32> to vector<16xf32>
    tpu.vector_store %arg10[%swap3A_443], %swap3A_446 {strides = array<i32>} : memref<2048xf32, #tpu.memory_space<vmem>>, vector<16xf32>,
    %swap3A_447 = arith.constant 1776 : index
    %swap3A_448 = tpu.vector_load %arg10[%swap3A_447] {strides = array<i32>} : memref<2048xf32, #tpu.memory_space<vmem>>, vector<16xf32>,
    %swap3A_449 = vector.shape_cast %swap3A_448 : vector<16xf32> to vector<16xf32>
    %swap3A_450 = vector.shape_cast %broadcast_in_dim3A_1 : vector<16xf32> to vector<16xf32>
    tpu.vector_store %arg10[%swap3A_447], %swap3A_450 {strides = array<i32>} : memref<2048xf32, #tpu.memory_space<vmem>>, vector<16xf32>,
    %swap3A_451 = arith.constant 1792 : index
    %swap3A_452 = tpu.vector_load %arg10[%swap3A_451] {strides = array<i32>} : memref<2048xf32, #tpu.memory_space<vmem>>, vector<16xf32>,
    %swap3A_453 = vector.shape_cast %swap3A_452 : vector<16xf32> to vector<16xf32>
    %swap3A_454 = vector.shape_cast %broadcast_in_dim3A_1 : vector<16xf32> to vector<16xf32>
    tpu.vector_store %arg10[%swap3A_451], %swap3A_454 {strides = array<i32>} : memref<2048xf32, #tpu.memory_space<vmem>>, vector<16xf32>,
    %swap3A_455 = arith.constant 1808 : index
    %swap3A_456 = tpu.vector_load %arg10[%swap3A_455] {strides = array<i32>} : memref<2048xf32, #tpu.memory_space<vmem>>, vector<16xf32>,
    %swap3A_457 = vector.shape_cast %swap3A_456 : vector<16xf32> to vector<16xf32>
    %swap3A_458 = vector.shape_cast %broadcast_in_dim3A_1 : vector<16xf32> to vector<16xf32>
    tpu.vector_store %arg10[%swap3A_455], %swap3A_458 {strides = array<i32>} : memref<2048xf32, #tpu.memory_space<vmem>>, vector<16xf32>,
    %swap3A_459 = arith.constant 1824 : index
    %swap3A_460 = tpu.vector_load %arg10[%swap3A_459] {strides = array<i32>} : memref<2048xf32, #tpu.memory_space<vmem>>, vector<16xf32>,
    %swap3A_461 = vector.shape_cast %swap3A_460 : vector<16xf32> to vector<16xf32>
    %swap3A_462 = vector.shape_cast %broadcast_in_dim3A_1 : vector<16xf32> to vector<16xf32>
    tpu.vector_store %arg10[%swap3A_459], %swap3A_462 {strides = array<i32>} : memref<2048xf32, #tpu.memory_space<vmem>>, vector<16xf32>,
    %swap3A_463 = arith.constant 1840 : index
    %swap3A_464 = tpu.vector_load %arg10[%swap3A_463] {strides = array<i32>} : memref<2048xf32, #tpu.memory_space<vmem>>, vector<16xf32>,
    %swap3A_465 = vector.shape_cast %swap3A_464 : vector<16xf32> to vector<16xf32>
    %swap3A_466 = vector.shape_cast %broadcast_in_dim3A_1 : vector<16xf32> to vector<16xf32>
    tpu.vector_store %arg10[%swap3A_463], %swap3A_466 {strides = array<i32>} : memref<2048xf32, #tpu.memory_space<vmem>>, vector<16xf32>,
    %swap3A_467 = arith.constant 1856 : index
    %swap3A_468 = tpu.vector_load %arg10[%swap3A_467] {strides = array<i32>} : memref<2048xf32, #tpu.memory_space<vmem>>, vector<16xf32>,
    %swap3A_469 = vector.shape_cast %swap3A_468 : vector<16xf32> to vector<16xf32>
    %swap3A_470 = vector.shape_cast %broadcast_in_dim3A_1 : vector<16xf32> to vector<16xf32>
    tpu.vector_store %arg10[%swap3A_467], %swap3A_470 {strides = array<i32>} : memref<2048xf32, #tpu.memory_space<vmem>>, vector<16xf32>,
    %swap3A_471 = arith.constant 1872 : index
    %swap3A_472 = tpu.vector_load %arg10[%swap3A_471] {strides = array<i32>} : memref<2048xf32, #tpu.memory_space<vmem>>, vector<16xf32>,
    %swap3A_473 = vector.shape_cast %swap3A_472 : vector<16xf32> to vector<16xf32>
    %swap3A_474 = vector.shape_cast %broadcast_in_dim3A_1 : vector<16xf32> to vector<16xf32>
    tpu.vector_store %arg10[%swap3A_471], %swap3A_474 {strides = array<i32>} : memref<2048xf32, #tpu.memory_space<vmem>>, vector<16xf32>,
    %swap3A_475 = arith.constant 1888 : index
    %swap3A_476 = tpu.vector_load %arg10[%swap3A_475] {strides = array<i32>} : memref<2048xf32, #tpu.memory_space<vmem>>, vector<16xf32>,
    %swap3A_477 = vector.shape_cast %swap3A_476 : vector<16xf32> to vector<16xf32>
    %swap3A_478 = vector.shape_cast %broadcast_in_dim3A_1 : vector<16xf32> to vector<16xf32>
    tpu.vector_store %arg10[%swap3A_475], %swap3A_478 {strides = array<i32>} : memref<2048xf32, #tpu.memory_space<vmem>>, vector<16xf32>,
    %swap3A_479 = arith.constant 1904 : index
    %swap3A_480 = tpu.vector_load %arg10[%swap3A_479] {strides = array<i32>} : memref<2048xf32, #tpu.memory_space<vmem>>, vector<16xf32>,
    %swap3A_481 = vector.shape_cast %swap3A_480 : vector<16xf32> to vector<16xf32>
    %swap3A_482 = vector.shape_cast %broadcast_in_dim3A_1 : vector<16xf32> to vector<16xf32>
    tpu.vector_store %arg10[%swap3A_479], %swap3A_482 {strides = array<i32>} : memref<2048xf32, #tpu.memory_space<vmem>>, vector<16xf32>,
    %swap3A_483 = arith.constant 1920 : index
    %swap3A_484 = tpu.vector_load %arg10[%swap3A_483] {strides = array<i32>} : memref<2048xf32, #tpu.memory_space<vmem>>, vector<16xf32>,
    %swap3A_485 = vector.shape_cast %swap3A_484 : vector<16xf32> to vector<16xf32>
    %swap3A_486 = vector.shape_cast %broadcast_in_dim3A_1 : vector<16xf32> to vector<16xf32>
    tpu.vector_store %arg10[%swap3A_483], %swap3A_486 {strides = array<i32>} : memref<2048xf32, #tpu.memory_space<vmem>>, vector<16xf32>,
    %swap3A_487 = arith.constant 1936 : index
    %swap3A_488 = tpu.vector_load %arg10[%swap3A_487] {strides = array<i32>} : memref<2048xf32, #tpu.memory_space<vmem>>, vector<16xf32>,
    %swap3A_489 = vector.shape_cast %swap3A_488 : vector<16xf32> to vector<16xf32>
    %swap3A_490 = vector.shape_cast %broadcast_in_dim3A_1 : vector<16xf32> to vector<16xf32>
    tpu.vector_store %arg10[%swap3A_487], %swap3A_490 {strides = array<i32>} : memref<2048xf32, #tpu.memory_space<vmem>>, vector<16xf32>,
    %swap3A_491 = arith.constant 1952 : index
    %swap3A_492 = tpu.vector_load %arg10[%swap3A_491] {strides = array<i32>} : memref<2048xf32, #tpu.memory_space<vmem>>, vector<16xf32>,
    %swap3A_493 = vector.shape_cast %swap3A_492 : vector<16xf32> to vector<16xf32>
    %swap3A_494 = vector.shape_cast %broadcast_in_dim3A_1 : vector<16xf32> to vector<16xf32>
    tpu.vector_store %arg10[%swap3A_491], %swap3A_494 {strides = array<i32>} : memref<2048xf32, #tpu.memory_space<vmem>>, vector<16xf32>,
    %swap3A_495 = arith.constant 1968 : index
    %swap3A_496 = tpu.vector_load %arg10[%swap3A_495] {strides = array<i32>} : memref<2048xf32, #tpu.memory_space<vmem>>, vector<16xf32>,
    %swap3A_497 = vector.shape_cast %swap3A_496 : vector<16xf32> to vector<16xf32>
    %swap3A_498 = vector.shape_cast %broadcast_in_dim3A_1 : vector<16xf32> to vector<16xf32>
    tpu.vector_store %arg10[%swap3A_495], %swap3A_498 {strides = array<i32>} : memref<2048xf32, #tpu.memory_space<vmem>>, vector<16xf32>,
    %swap3A_499 = arith.constant 1984 : index
    %swap3A_500 = tpu.vector_load %arg10[%swap3A_499] {strides = array<i32>} : memref<2048xf32, #tpu.memory_space<vmem>>, vector<16xf32>,
    %swap3A_501 = vector.shape_cast %swap3A_500 : vector<16xf32> to vector<16xf32>
    %swap3A_502 = vector.shape_cast %broadcast_in_dim3A_1 : vector<16xf32> to vector<16xf32>
    tpu.vector_store %arg10[%swap3A_499], %swap3A_502 {strides = array<i32>} : memref<2048xf32, #tpu.memory_space<vmem>>, vector<16xf32>,
    %swap3A_503 = arith.constant 2000 : index
    %swap3A_504 = tpu.vector_load %arg10[%swap3A_503] {strides = array<i32>} : memref<2048xf32, #tpu.memory_space<vmem>>, vector<16xf32>,
    %swap3A_505 = vector.shape_cast %swap3A_504 : vector<16xf32> to vector<16xf32>
    %swap3A_506 = vector.shape_cast %broadcast_in_dim3A_1 : vector<16xf32> to vector<16xf32>
    tpu.vector_store %arg10[%swap3A_503], %swap3A_506 {strides = array<i32>} : memref<2048xf32, #tpu.memory_space<vmem>>, vector<16xf32>,
    %swap3A_507 = arith.constant 2016 : index
    %swap3A_508 = tpu.vector_load %arg10[%swap3A_507] {strides = array<i32>} : memref<2048xf32, #tpu.memory_space<vmem>>, vector<16xf32>,
    %swap3A_509 = vector.shape_cast %swap3A_508 : vector<16xf32> to vector<16xf32>
    %swap3A_510 = vector.shape_cast %broadcast_in_dim3A_1 : vector<16xf32> to vector<16xf32>
    tpu.vector_store %arg10[%swap3A_507], %swap3A_510 {strides = array<i32>} : memref<2048xf32, #tpu.memory_space<vmem>>, vector<16xf32>,
    %swap3A_511 = arith.constant 2032 : index
    %swap3A_512 = tpu.vector_load %arg10[%swap3A_511] {strides = array<i32>} : memref<2048xf32, #tpu.memory_space<vmem>>, vector<16xf32>,
    %swap3A_513 = vector.shape_cast %swap3A_512 : vector<16xf32> to vector<16xf32>
    %swap3A_514 = vector.shape_cast %broadcast_in_dim3A_1 : vector<16xf32> to vector<16xf32>
    tpu.vector_store %arg10[%swap3A_511], %swap3A_514 {strides = array<i32>} : memref<2048xf32, #tpu.memory_space<vmem>>, vector<16xf32>,
    %swap3A_515 = arith.constant 0 : index
    %swap3A_516 = tpu.vector_load %arg12[%swap3A_515] {strides = array<i32>} : memref<128xf32, #tpu.memory_space<vmem>>, vector<16xf32>,
    %swap3A_517 = vector.shape_cast %swap3A_516 : vector<16xf32> to vector<16xf32>
    %swap3A_518 = vector.shape_cast %broadcast_in_dim3A_3 : vector<16xf32> to vector<16xf32>
    tpu.vector_store %arg12[%swap3A_515], %swap3A_518 {strides = array<i32>} : memref<128xf32, #tpu.memory_space<vmem>>, vector<16xf32>,
    %swap3A_519 = arith.constant 16 : index
    %swap3A_520 = tpu.vector_load %arg12[%swap3A_519] {strides = array<i32>} : memref<128xf32, #tpu.memory_space<vmem>>, vector<16xf32>,
    %swap3A_521 = vector.shape_cast %swap3A_520 : vector<16xf32> to vector<16xf32>
    %swap3A_522 = vector.shape_cast %broadcast_in_dim3A_3 : vector<16xf32> to vector<16xf32>
    tpu.vector_store %arg12[%swap3A_519], %swap3A_522 {strides = array<i32>} : memref<128xf32, #tpu.memory_space<vmem>>, vector<16xf32>,
    %swap3A_523 = arith.constant 32 : index
    %swap3A_524 = tpu.vector_load %arg12[%swap3A_523] {strides = array<i32>} : memref<128xf32, #tpu.memory_space<vmem>>, vector<16xf32>,
    %swap3A_525 = vector.shape_cast %swap3A_524 : vector<16xf32> to vector<16xf32>
    %swap3A_526 = vector.shape_cast %broadcast_in_dim3A_3 : vector<16xf32> to vector<16xf32>
    tpu.vector_store %arg12[%swap3A_523], %swap3A_526 {strides = array<i32>} : memref<128xf32, #tpu.memory_space<vmem>>, vector<16xf32>,
    %swap3A_527 = arith.constant 48 : index
    %swap3A_528 = tpu.vector_load %arg12[%swap3A_527] {strides = array<i32>} : memref<128xf32, #tpu.memory_space<vmem>>, vector<16xf32>,
    %swap3A_529 = vector.shape_cast %swap3A_528 : vector<16xf32> to vector<16xf32>
    %swap3A_530 = vector.shape_cast %broadcast_in_dim3A_3 : vector<16xf32> to vector<16xf32>
    tpu.vector_store %arg12[%swap3A_527], %swap3A_530 {strides = array<i32>} : memref<128xf32, #tpu.memory_space<vmem>>, vector<16xf32>,
    %swap3A_531 = arith.constant 64 : index
    %swap3A_532 = tpu.vector_load %arg12[%swap3A_531] {strides = array<i32>} : memref<128xf32, #tpu.memory_space<vmem>>, vector<16xf32>,
    %swap3A_533 = vector.shape_cast %swap3A_532 : vector<16xf32> to vector<16xf32>
    %swap3A_534 = vector.shape_cast %broadcast_in_dim3A_3 : vector<16xf32> to vector<16xf32>
    tpu.vector_store %arg12[%swap3A_531], %swap3A_534 {strides = array<i32>} : memref<128xf32, #tpu.memory_space<vmem>>, vector<16xf32>,
    %swap3A_535 = arith.constant 80 : index
    %swap3A_536 = tpu.vector_load %arg12[%swap3A_535] {strides = array<i32>} : memref<128xf32, #tpu.memory_space<vmem>>, vector<16xf32>,
    %swap3A_537 = vector.shape_cast %swap3A_536 : vector<16xf32> to vector<16xf32>
    %swap3A_538 = vector.shape_cast %broadcast_in_dim3A_3 : vector<16xf32> to vector<16xf32>
    tpu.vector_store %arg12[%swap3A_535], %swap3A_538 {strides = array<i32>} : memref<128xf32, #tpu.memory_space<vmem>>, vector<16xf32>,
    %swap3A_539 = arith.constant 96 : index
    %swap3A_540 = tpu.vector_load %arg12[%swap3A_539] {strides = array<i32>} : memref<128xf32, #tpu.memory_space<vmem>>, vector<16xf32>,
    %swap3A_541 = vector.shape_cast %swap3A_540 : vector<16xf32> to vector<16xf32>
    %swap3A_542 = vector.shape_cast %broadcast_in_dim3A_3 : vector<16xf32> to vector<16xf32>
    tpu.vector_store %arg12[%swap3A_539], %swap3A_542 {strides = array<i32>} : memref<128xf32, #tpu.memory_space<vmem>>, vector<16xf32>,
    %swap3A_543 = arith.constant 112 : index
    %swap3A_544 = tpu.vector_load %arg12[%swap3A_543] {strides = array<i32>} : memref<128xf32, #tpu.memory_space<vmem>>, vector<16xf32>,
    %swap3A_545 = vector.shape_cast %swap3A_544 : vector<16xf32> to vector<16xf32>
    %swap3A_546 = vector.shape_cast %broadcast_in_dim3A_3 : vector<16xf32> to vector<16xf32>
    tpu.vector_store %arg12[%swap3A_543], %swap3A_546 {strides = array<i32>} : memref<128xf32, #tpu.memory_space<vmem>>, vector<16xf32>,
    %swap3A_547 = arith.constant 0 : index
    %swap3A_548 = tpu.vector_load %arg13[%swap3A_547] {strides = array<i32>} : memref<80xf32, #tpu.memory_space<vmem>>, vector<16xf32>,
    %swap3A_549 = vector.shape_cast %swap3A_548 : vector<16xf32> to vector<16xf32>
    %swap3A_550 = vector.shape_cast %broadcast_in_dim3A_3 : vector<16xf32> to vector<16xf32>
    tpu.vector_store %arg13[%swap3A_547], %swap3A_550 {strides = array<i32>} : memref<80xf32, #tpu.memory_space<vmem>>, vector<16xf32>,
    %swap3A_551 = arith.constant 16 : index
    %swap3A_552 = tpu.vector_load %arg13[%swap3A_551] {strides = array<i32>} : memref<80xf32, #tpu.memory_space<vmem>>, vector<16xf32>,
    %swap3A_553 = vector.shape_cast %swap3A_552 : vector<16xf32> to vector<16xf32>
    %swap3A_554 = vector.shape_cast %broadcast_in_dim3A_3 : vector<16xf32> to vector<16xf32>
    tpu.vector_store %arg13[%swap3A_551], %swap3A_554 {strides = array<i32>} : memref<80xf32, #tpu.memory_space<vmem>>, vector<16xf32>,
    %swap3A_555 = arith.constant 32 : index
    %swap3A_556 = tpu.vector_load %arg13[%swap3A_555] {strides = array<i32>} : memref<80xf32, #tpu.memory_space<vmem>>, vector<16xf32>,
    %swap3A_557 = vector.shape_cast %swap3A_556 : vector<16xf32> to vector<16xf32>
    %swap3A_558 = vector.shape_cast %broadcast_in_dim3A_3 : vector<16xf32> to vector<16xf32>
    tpu.vector_store %arg13[%swap3A_555], %swap3A_558 {strides = array<i32>} : memref<80xf32, #tpu.memory_space<vmem>>, vector<16xf32>,
    %swap3A_559 = arith.constant 48 : index
    %swap3A_560 = tpu.vector_load %arg13[%swap3A_559] {strides = array<i32>} : memref<80xf32, #tpu.memory_space<vmem>>, vector<16xf32>,
    %swap3A_561 = vector.shape_cast %swap3A_560 : vector<16xf32> to vector<16xf32>
    %swap3A_562 = vector.shape_cast %broadcast_in_dim3A_3 : vector<16xf32> to vector<16xf32>
    tpu.vector_store %arg13[%swap3A_559], %swap3A_562 {strides = array<i32>} : memref<80xf32, #tpu.memory_space<vmem>>, vector<16xf32>,
    %swap3A_563 = arith.constant 64 : index
    %swap3A_564 = tpu.vector_load %arg13[%swap3A_563] {strides = array<i32>} : memref<80xf32, #tpu.memory_space<vmem>>, vector<16xf32>,
    %swap3A_565 = vector.shape_cast %swap3A_564 : vector<16xf32> to vector<16xf32>
    %swap3A_566 = vector.shape_cast %broadcast_in_dim3A_3 : vector<16xf32> to vector<16xf32>
    tpu.vector_store %arg13[%swap3A_563], %swap3A_566 {strides = array<i32>} : memref<80xf32, #tpu.memory_space<vmem>>, vector<16xf32>,
    %mul3A_567 = arith.constant 640 : i32
    %mul3A_568 = arith.muli %arg1, %mul3A_567 : i32
    "tpu.region"() ({
      %run_scoped3A_709 = tpu.sem_alloc : memref<!tpu.dma_semaphore, #tpu.memory_space<semaphore_mem>>
      %dma_start3A_710 = arith.constant 0 : i32
      %dma_start3A_711 = tpu.memref_slice %arg10[%dma_start3A_710] : memref<2048xf32, #tpu.memory_space<vmem>> -> memref<640xf32, #tpu.memory_space<vmem>>
      %dma_start3A_712 = tpu.memref_slice %arg18[%mul3A_568] : memref<10240xf32, #tpu.memory_space<vmem_shared>> -> memref<640xf32, #tpu.memory_space<vmem_shared>>
      %dma_start3A_713 = tpu.memref_slice %arg18[%mul3A_568] : memref<10240xf32, #tpu.memory_space<vmem_shared>> -> memref<640xf32, #tpu.memory_space<vmem_shared>>
      %dma_start3A_714 = arith.constant 0 : i32
      %dma_start3A_715 = tpu.memref_slice %arg10[%dma_start3A_714] : memref<2048xf32, #tpu.memory_space<vmem>> -> memref<640xf32, #tpu.memory_space<vmem>>
      tpu.enqueue_dma source(%dma_start3A_715 : memref<640xf32, #tpu.memory_space<vmem>>) target(%dma_start3A_713 : memref<640xf32, #tpu.memory_space<vmem_shared>>) target_semaphore(%run_scoped3A_709 : memref<!tpu.dma_semaphore, #tpu.memory_space<semaphore_mem>>)
      %dma_wait3A_716 = arith.constant 0 : i32
      %dma_wait3A_717 = tpu.memref_slice %arg10[%dma_wait3A_716] : memref<2048xf32, #tpu.memory_space<vmem>> -> memref<640xf32, #tpu.memory_space<vmem>>
      %dma_wait3A_718 = tpu.memref_slice %arg18[%mul3A_568] : memref<10240xf32, #tpu.memory_space<vmem_shared>> -> memref<640xf32, #tpu.memory_space<vmem_shared>>
      %dma_wait3A_719 = tpu.memref_slice %arg18[%mul3A_568] : memref<10240xf32, #tpu.memory_space<vmem_shared>> -> memref<640xf32, #tpu.memory_space<vmem_shared>>
      %dma_wait3A_720 = arith.constant 0 : i32
      %dma_wait3A_721 = tpu.memref_slice %arg10[%dma_wait3A_720] : memref<2048xf32, #tpu.memory_space<vmem>> -> memref<640xf32, #tpu.memory_space<vmem>>
      tpu.wait_dma2 semaphore(%run_scoped3A_709 : memref<!tpu.dma_semaphore, #tpu.memory_space<semaphore_mem>>) src(%dma_wait3A_721 : memref<640xf32, #tpu.memory_space<vmem>>) dst(%dma_wait3A_719 : memref<640xf32, #tpu.memory_space<vmem_shared>>)
      tpu.yield
    }) : () -> ()
    %mul3A_569 = arith.constant 32 : i32
    %mul3A_570 = arith.muli %arg1, %mul3A_569 : i32
    "tpu.region"() ({
      %run_scoped3A_709 = tpu.sem_alloc : memref<!tpu.dma_semaphore, #tpu.memory_space<semaphore_mem>>
      %dma_start3A_710 = arith.constant 0 : i32
      %dma_start3A_711 = tpu.memref_slice %arg10[%dma_start3A_710] : memref<2048xf32, #tpu.memory_space<vmem>> -> memref<32xf32, #tpu.memory_space<vmem>>
      %dma_start3A_712 = tpu.memref_slice %arg19[%mul3A_570] : memref<512xf32, #tpu.memory_space<vmem_shared>> -> memref<32xf32, #tpu.memory_space<vmem_shared>>
      %dma_start3A_713 = tpu.memref_slice %arg19[%mul3A_570] : memref<512xf32, #tpu.memory_space<vmem_shared>> -> memref<32xf32, #tpu.memory_space<vmem_shared>>
      %dma_start3A_714 = arith.constant 0 : i32
      %dma_start3A_715 = tpu.memref_slice %arg10[%dma_start3A_714] : memref<2048xf32, #tpu.memory_space<vmem>> -> memref<32xf32, #tpu.memory_space<vmem>>
      tpu.enqueue_dma source(%dma_start3A_715 : memref<32xf32, #tpu.memory_space<vmem>>) target(%dma_start3A_713 : memref<32xf32, #tpu.memory_space<vmem_shared>>) target_semaphore(%run_scoped3A_709 : memref<!tpu.dma_semaphore, #tpu.memory_space<semaphore_mem>>)
      %dma_wait3A_716 = arith.constant 0 : i32
      %dma_wait3A_717 = tpu.memref_slice %arg10[%dma_wait3A_716] : memref<2048xf32, #tpu.memory_space<vmem>> -> memref<32xf32, #tpu.memory_space<vmem>>
      %dma_wait3A_718 = tpu.memref_slice %arg19[%mul3A_570] : memref<512xf32, #tpu.memory_space<vmem_shared>> -> memref<32xf32, #tpu.memory_space<vmem_shared>>
      %dma_wait3A_719 = tpu.memref_slice %arg19[%mul3A_570] : memref<512xf32, #tpu.memory_space<vmem_shared>> -> memref<32xf32, #tpu.memory_space<vmem_shared>>
      %dma_wait3A_720 = arith.constant 0 : i32
      %dma_wait3A_721 = tpu.memref_slice %arg10[%dma_wait3A_720] : memref<2048xf32, #tpu.memory_space<vmem>> -> memref<32xf32, #tpu.memory_space<vmem>>
      tpu.wait_dma2 semaphore(%run_scoped3A_709 : memref<!tpu.dma_semaphore, #tpu.memory_space<semaphore_mem>>) src(%dma_wait3A_721 : memref<32xf32, #tpu.memory_space<vmem>>) dst(%dma_wait3A_719 : memref<32xf32, #tpu.memory_space<vmem_shared>>)
      tpu.yield
    }) : () -> ()
    %mul3A_571 = arith.constant 32 : i32
    %mul3A_572 = arith.muli %arg1, %mul3A_571 : i32
    "tpu.region"() ({
      %run_scoped3A_709 = tpu.sem_alloc : memref<!tpu.dma_semaphore, #tpu.memory_space<semaphore_mem>>
      %dma_start3A_710 = arith.constant 0 : i32
      %dma_start3A_711 = tpu.memref_slice %arg10[%dma_start3A_710] : memref<2048xf32, #tpu.memory_space<vmem>> -> memref<32xf32, #tpu.memory_space<vmem>>
      %dma_start3A_712 = tpu.memref_slice %arg20[%mul3A_572] : memref<512xf32, #tpu.memory_space<vmem_shared>> -> memref<32xf32, #tpu.memory_space<vmem_shared>>
      %dma_start3A_713 = tpu.memref_slice %arg20[%mul3A_572] : memref<512xf32, #tpu.memory_space<vmem_shared>> -> memref<32xf32, #tpu.memory_space<vmem_shared>>
      %dma_start3A_714 = arith.constant 0 : i32
      %dma_start3A_715 = tpu.memref_slice %arg10[%dma_start3A_714] : memref<2048xf32, #tpu.memory_space<vmem>> -> memref<32xf32, #tpu.memory_space<vmem>>
      tpu.enqueue_dma source(%dma_start3A_715 : memref<32xf32, #tpu.memory_space<vmem>>) target(%dma_start3A_713 : memref<32xf32, #tpu.memory_space<vmem_shared>>) target_semaphore(%run_scoped3A_709 : memref<!tpu.dma_semaphore, #tpu.memory_space<semaphore_mem>>)
      %dma_wait3A_716 = arith.constant 0 : i32
      %dma_wait3A_717 = tpu.memref_slice %arg10[%dma_wait3A_716] : memref<2048xf32, #tpu.memory_space<vmem>> -> memref<32xf32, #tpu.memory_space<vmem>>
      %dma_wait3A_718 = tpu.memref_slice %arg20[%mul3A_572] : memref<512xf32, #tpu.memory_space<vmem_shared>> -> memref<32xf32, #tpu.memory_space<vmem_shared>>
      %dma_wait3A_719 = tpu.memref_slice %arg20[%mul3A_572] : memref<512xf32, #tpu.memory_space<vmem_shared>> -> memref<32xf32, #tpu.memory_space<vmem_shared>>
      %dma_wait3A_720 = arith.constant 0 : i32
      %dma_wait3A_721 = tpu.memref_slice %arg10[%dma_wait3A_720] : memref<2048xf32, #tpu.memory_space<vmem>> -> memref<32xf32, #tpu.memory_space<vmem>>
      tpu.wait_dma2 semaphore(%run_scoped3A_709 : memref<!tpu.dma_semaphore, #tpu.memory_space<semaphore_mem>>) src(%dma_wait3A_721 : memref<32xf32, #tpu.memory_space<vmem>>) dst(%dma_wait3A_719 : memref<32xf32, #tpu.memory_space<vmem_shared>>)
      tpu.yield
    }) : () -> ()
    %scan3A = arith.constant 0 : i32
    %scan3A_573 = arith.constant 8 : i32
    %scan3A_574 = arith.addi %scan3A, %scan3A_573 : i32
    %scan3A_575 = arith.constant 1 : i32
    scf.for %scan3A_709 = %scan3A to %scan3A_574 step %scan3A_575  : i32 {
      %mul3A_710 = arith.constant 1 : i32
      %mul3A_711 = arith.muli %scan3A_709, %mul3A_710 : i32
      %add3A_712 = arith.constant 0 : i32
      %add3A_713 = arith.addi %add3A_712, %mul3A_711 : i32
      %mul3A_714 = arith.constant 16384 : i32
      %mul3A_715 = arith.muli %arg1, %mul3A_714 : i32
      %mul3A_716 = arith.constant 2048 : i32
      %mul3A_717 = arith.muli %add3A_713, %mul3A_716 : i32
      %add3A_718 = arith.addi %mul3A_715, %mul3A_717 : i32
      "tpu.region"() ({
        %run_scoped3A_719 = tpu.sem_alloc : memref<!tpu.dma_semaphore, #tpu.memory_space<semaphore_mem>>
        %dma_start3A_720 = tpu.memref_slice %arg21[%add3A_718] : memref<262144xf32, #tpu.memory_space<vmem_shared>> -> memref<2048xf32, #tpu.memory_space<vmem_shared>>
        %dma_start3A_721 = tpu.memref_slice %arg21[%add3A_718] : memref<262144xf32, #tpu.memory_space<vmem_shared>> -> memref<2048xf32, #tpu.memory_space<vmem_shared>>
        tpu.enqueue_dma source(%arg10 : memref<2048xf32, #tpu.memory_space<vmem>>) target(%dma_start3A_721 : memref<2048xf32, #tpu.memory_space<vmem_shared>>) target_semaphore(%run_scoped3A_719 : memref<!tpu.dma_semaphore, #tpu.memory_space<semaphore_mem>>)
        %dma_wait3A_722 = tpu.memref_slice %arg21[%add3A_718] : memref<262144xf32, #tpu.memory_space<vmem_shared>> -> memref<2048xf32, #tpu.memory_space<vmem_shared>>
        %dma_wait3A_723 = tpu.memref_slice %arg21[%add3A_718] : memref<262144xf32, #tpu.memory_space<vmem_shared>> -> memref<2048xf32, #tpu.memory_space<vmem_shared>>
        tpu.wait_dma2 semaphore(%run_scoped3A_719 : memref<!tpu.dma_semaphore, #tpu.memory_space<semaphore_mem>>) src(%arg10 : memref<2048xf32, #tpu.memory_space<vmem>>) dst(%dma_wait3A_723 : memref<2048xf32, #tpu.memory_space<vmem_shared>>)
        tpu.yield
      }) : () -> ()
    }
    %scan3A_576 = arith.constant 8 : i32
    %barrier3A = arith.constant 0 : index
    tpu.barrier barrier_id(%barrier3A)
    %mul3A_577 = arith.constant 80 : i32
    %mul3A_578 = arith.muli %add3A, %mul3A_577 : i32
    "tpu.region"() ({
      %run_scoped3A_709 = tpu.sem_alloc : memref<!tpu.dma_semaphore, #tpu.memory_space<semaphore_mem>>
      %dma_start3A_710 = arith.constant 0 : i32
      %dma_start3A_711 = tpu.memref_slice %arg2[%mul3A_578, %dma_start3A_710] : memref<2560x128xi32, #tpu.memory_space<hbm>> -> memref<80x128xi32, #tpu.memory_space<hbm>>
      %dma_start3A_712 = arith.constant 0 : i32
      %dma_start3A_713 = tpu.memref_slice %arg2[%mul3A_578, %dma_start3A_712] : memref<2560x128xi32, #tpu.memory_space<hbm>> -> memref<80x128xi32, #tpu.memory_space<hbm>>
      tpu.enqueue_dma source(%dma_start3A_713 : memref<80x128xi32, #tpu.memory_space<hbm>>) target(%arg14 : memref<80x128xi32, #tpu.memory_space<vmem>>) target_semaphore(%run_scoped3A_709 : memref<!tpu.dma_semaphore, #tpu.memory_space<semaphore_mem>>)
      %dma_wait3A_714 = arith.constant 0 : i32
      %dma_wait3A_715 = tpu.memref_slice %arg2[%mul3A_578, %dma_wait3A_714] : memref<2560x128xi32, #tpu.memory_space<hbm>> -> memref<80x128xi32, #tpu.memory_space<hbm>>
      %dma_wait3A_716 = arith.constant 0 : i32
      %dma_wait3A_717 = tpu.memref_slice %arg2[%mul3A_578, %dma_wait3A_716] : memref<2560x128xi32, #tpu.memory_space<hbm>> -> memref<80x128xi32, #tpu.memory_space<hbm>>
      tpu.wait_dma2 semaphore(%run_scoped3A_709 : memref<!tpu.dma_semaphore, #tpu.memory_space<semaphore_mem>>) src(%dma_wait3A_717 : memref<80x128xi32, #tpu.memory_space<hbm>>) dst(%arg14 : memref<80x128xi32, #tpu.memory_space<vmem>>)
      tpu.yield
    }) : () -> ()
    %scan3A_579 = arith.constant 0 : i32
    %scan3A_580 = arith.constant 80 : i32
    %scan3A_581 = arith.addi %scan3A_579, %scan3A_580 : i32
    %scan3A_582 = arith.constant 1 : i32
    scf.for %scan3A_709 = %scan3A_579 to %scan3A_581 step %scan3A_582  : i32 {
      %mul3A_710 = arith.constant 1 : i32
      %mul3A_711 = arith.muli %scan3A_709, %mul3A_710 : i32
      %add3A_712 = arith.constant 0 : i32
      %add3A_713 = arith.addi %add3A_712, %mul3A_711 : i32
      %dma_start3A_714 = arith.constant 0 : i32
      %dma_start3A_715 = tpu.memref_slice %arg14[%add3A_713, %dma_start3A_714] : memref<80x128xi32, #tpu.memory_space<vmem>> -> memref<1x128xi32, #tpu.memory_space<vmem>>
      %dma_start3A_716 = tpu.memref_squeeze %dma_start3A_715 : memref<1x128xi32, #tpu.memory_space<vmem>> -> memref<128xi32, #tpu.memory_space<vmem>>
      %dma_start3A_717 = arith.constant 0 : i32
      %dma_start3A_718 = tpu.memref_slice %arg18[%dma_start3A_717] : memref<10240xf32, #tpu.memory_space<vmem_shared>> -> memref<10240xf32, #tpu.memory_space<vmem_shared>>
      tpu.enqueue_indirect_dma source(%arg12 : memref<128xf32, #tpu.memory_space<vmem>>) target(%dma_start3A_718 : memref<10240xf32, #tpu.memory_space<vmem_shared>>) offsets(%dma_start3A_716 : memref<128xi32, #tpu.memory_space<vmem>>) semaphore(%arg22 : memref<!tpu.dma_semaphore, #tpu.memory_space<semaphore_mem>>) {add = true}
    }
    %scan3A_583 = arith.constant 80 : i32
    %mul3A_584 = arith.constant 4 : i32
    %mul3A_585 = arith.muli %add3A, %mul3A_584 : i32
    "tpu.region"() ({
      %run_scoped3A_709 = tpu.sem_alloc : memref<!tpu.dma_semaphore, #tpu.memory_space<semaphore_mem>>
      %dma_start3A_710 = arith.constant 0 : i32
      %dma_start3A_711 = tpu.memref_slice %arg3[%mul3A_585, %dma_start3A_710] : memref<128x80xi32, #tpu.memory_space<hbm>> -> memref<4x80xi32, #tpu.memory_space<hbm>>
      %dma_start3A_712 = arith.constant 0 : i32
      %dma_start3A_713 = tpu.memref_slice %arg3[%mul3A_585, %dma_start3A_712] : memref<128x80xi32, #tpu.memory_space<hbm>> -> memref<4x80xi32, #tpu.memory_space<hbm>>
      tpu.enqueue_dma source(%dma_start3A_713 : memref<4x80xi32, #tpu.memory_space<hbm>>) target(%arg15 : memref<4x80xi32, #tpu.memory_space<vmem>>) target_semaphore(%run_scoped3A_709 : memref<!tpu.dma_semaphore, #tpu.memory_space<semaphore_mem>>)
      %dma_wait3A_714 = arith.constant 0 : i32
      %dma_wait3A_715 = tpu.memref_slice %arg3[%mul3A_585, %dma_wait3A_714] : memref<128x80xi32, #tpu.memory_space<hbm>> -> memref<4x80xi32, #tpu.memory_space<hbm>>
      %dma_wait3A_716 = arith.constant 0 : i32
      %dma_wait3A_717 = tpu.memref_slice %arg3[%mul3A_585, %dma_wait3A_716] : memref<128x80xi32, #tpu.memory_space<hbm>> -> memref<4x80xi32, #tpu.memory_space<hbm>>
      tpu.wait_dma2 semaphore(%run_scoped3A_709 : memref<!tpu.dma_semaphore, #tpu.memory_space<semaphore_mem>>) src(%dma_wait3A_717 : memref<4x80xi32, #tpu.memory_space<hbm>>) dst(%arg15 : memref<4x80xi32, #tpu.memory_space<vmem>>)
      tpu.yield
    }) : () -> ()
    %dma_start3A = arith.constant 0 : i32
    %dma_start3A_586 = arith.constant 0 : i32
    %dma_start3A_587 = tpu.memref_slice %arg15[%dma_start3A, %dma_start3A_586] : memref<4x80xi32, #tpu.memory_space<vmem>> -> memref<1x80xi32, #tpu.memory_space<vmem>>
    %dma_start3A_588 = tpu.memref_squeeze %dma_start3A_587 : memref<1x80xi32, #tpu.memory_space<vmem>> -> memref<80xi32, #tpu.memory_space<vmem>>
    %dma_start3A_589 = arith.constant 0 : i32
    %dma_start3A_590 = tpu.memref_slice %arg19[%dma_start3A_589] : memref<512xf32, #tpu.memory_space<vmem_shared>> -> memref<512xf32, #tpu.memory_space<vmem_shared>>
    tpu.enqueue_indirect_dma source(%arg13 : memref<80xf32, #tpu.memory_space<vmem>>) target(%dma_start3A_590 : memref<512xf32, #tpu.memory_space<vmem_shared>>) offsets(%dma_start3A_588 : memref<80xi32, #tpu.memory_space<vmem>>) semaphore(%arg23 : memref<!tpu.dma_semaphore, #tpu.memory_space<semaphore_mem>>) {add = true}
    %dma_start3A_591 = arith.constant 1 : i32
    %dma_start3A_592 = arith.constant 0 : i32
    %dma_start3A_593 = tpu.memref_slice %arg15[%dma_start3A_591, %dma_start3A_592] : memref<4x80xi32, #tpu.memory_space<vmem>> -> memref<1x80xi32, #tpu.memory_space<vmem>>
    %dma_start3A_594 = tpu.memref_squeeze %dma_start3A_593 : memref<1x80xi32, #tpu.memory_space<vmem>> -> memref<80xi32, #tpu.memory_space<vmem>>
    %dma_start3A_595 = arith.constant 0 : i32
    %dma_start3A_596 = tpu.memref_slice %arg19[%dma_start3A_595] : memref<512xf32, #tpu.memory_space<vmem_shared>> -> memref<512xf32, #tpu.memory_space<vmem_shared>>
    tpu.enqueue_indirect_dma source(%arg13 : memref<80xf32, #tpu.memory_space<vmem>>) target(%dma_start3A_596 : memref<512xf32, #tpu.memory_space<vmem_shared>>) offsets(%dma_start3A_594 : memref<80xi32, #tpu.memory_space<vmem>>) semaphore(%arg23 : memref<!tpu.dma_semaphore, #tpu.memory_space<semaphore_mem>>) {add = true}
    %dma_start3A_597 = arith.constant 2 : i32
    %dma_start3A_598 = arith.constant 0 : i32
    %dma_start3A_599 = tpu.memref_slice %arg15[%dma_start3A_597, %dma_start3A_598] : memref<4x80xi32, #tpu.memory_space<vmem>> -> memref<1x80xi32, #tpu.memory_space<vmem>>
    %dma_start3A_600 = tpu.memref_squeeze %dma_start3A_599 : memref<1x80xi32, #tpu.memory_space<vmem>> -> memref<80xi32, #tpu.memory_space<vmem>>
    %dma_start3A_601 = arith.constant 0 : i32
    %dma_start3A_602 = tpu.memref_slice %arg19[%dma_start3A_601] : memref<512xf32, #tpu.memory_space<vmem_shared>> -> memref<512xf32, #tpu.memory_space<vmem_shared>>
    tpu.enqueue_indirect_dma source(%arg13 : memref<80xf32, #tpu.memory_space<vmem>>) target(%dma_start3A_602 : memref<512xf32, #tpu.memory_space<vmem_shared>>) offsets(%dma_start3A_600 : memref<80xi32, #tpu.memory_space<vmem>>) semaphore(%arg23 : memref<!tpu.dma_semaphore, #tpu.memory_space<semaphore_mem>>) {add = true}
    %dma_start3A_603 = arith.constant 3 : i32
    %dma_start3A_604 = arith.constant 0 : i32
    %dma_start3A_605 = tpu.memref_slice %arg15[%dma_start3A_603, %dma_start3A_604] : memref<4x80xi32, #tpu.memory_space<vmem>> -> memref<1x80xi32, #tpu.memory_space<vmem>>
    %dma_start3A_606 = tpu.memref_squeeze %dma_start3A_605 : memref<1x80xi32, #tpu.memory_space<vmem>> -> memref<80xi32, #tpu.memory_space<vmem>>
    %dma_start3A_607 = arith.constant 0 : i32
    %dma_start3A_608 = tpu.memref_slice %arg19[%dma_start3A_607] : memref<512xf32, #tpu.memory_space<vmem_shared>> -> memref<512xf32, #tpu.memory_space<vmem_shared>>
    tpu.enqueue_indirect_dma source(%arg13 : memref<80xf32, #tpu.memory_space<vmem>>) target(%dma_start3A_608 : memref<512xf32, #tpu.memory_space<vmem_shared>>) offsets(%dma_start3A_606 : memref<80xi32, #tpu.memory_space<vmem>>) semaphore(%arg23 : memref<!tpu.dma_semaphore, #tpu.memory_space<semaphore_mem>>) {add = true}
    %mul3A_609 = arith.constant 4 : i32
    %mul3A_610 = arith.muli %arg1, %mul3A_609 : i32
    "tpu.region"() ({
      %run_scoped3A_709 = tpu.sem_alloc : memref<!tpu.dma_semaphore, #tpu.memory_space<semaphore_mem>>
      %dma_start3A_710 = arith.constant 0 : i32
      %dma_start3A_711 = tpu.memref_slice %arg4[%mul3A_610, %dma_start3A_710] : memref<64x80xi32, #tpu.memory_space<hbm>> -> memref<4x80xi32, #tpu.memory_space<hbm>>
      %dma_start3A_712 = arith.constant 0 : i32
      %dma_start3A_713 = tpu.memref_slice %arg4[%mul3A_610, %dma_start3A_712] : memref<64x80xi32, #tpu.memory_space<hbm>> -> memref<4x80xi32, #tpu.memory_space<hbm>>
      tpu.enqueue_dma source(%dma_start3A_713 : memref<4x80xi32, #tpu.memory_space<hbm>>) target(%arg16 : memref<4x80xi32, #tpu.memory_space<vmem>>) target_semaphore(%run_scoped3A_709 : memref<!tpu.dma_semaphore, #tpu.memory_space<semaphore_mem>>)
      %dma_wait3A_714 = arith.constant 0 : i32
      %dma_wait3A_715 = tpu.memref_slice %arg4[%mul3A_610, %dma_wait3A_714] : memref<64x80xi32, #tpu.memory_space<hbm>> -> memref<4x80xi32, #tpu.memory_space<hbm>>
      %dma_wait3A_716 = arith.constant 0 : i32
      %dma_wait3A_717 = tpu.memref_slice %arg4[%mul3A_610, %dma_wait3A_716] : memref<64x80xi32, #tpu.memory_space<hbm>> -> memref<4x80xi32, #tpu.memory_space<hbm>>
      tpu.wait_dma2 semaphore(%run_scoped3A_709 : memref<!tpu.dma_semaphore, #tpu.memory_space<semaphore_mem>>) src(%dma_wait3A_717 : memref<4x80xi32, #tpu.memory_space<hbm>>) dst(%arg16 : memref<4x80xi32, #tpu.memory_space<vmem>>)
      tpu.yield
    }) : () -> ()
    %dma_start3A_611 = arith.constant 0 : i32
    %dma_start3A_612 = arith.constant 0 : i32
    %dma_start3A_613 = tpu.memref_slice %arg16[%dma_start3A_611, %dma_start3A_612] : memref<4x80xi32, #tpu.memory_space<vmem>> -> memref<1x80xi32, #tpu.memory_space<vmem>>
    %dma_start3A_614 = tpu.memref_squeeze %dma_start3A_613 : memref<1x80xi32, #tpu.memory_space<vmem>> -> memref<80xi32, #tpu.memory_space<vmem>>
    %dma_start3A_615 = arith.constant 0 : i32
    %dma_start3A_616 = tpu.memref_slice %arg20[%dma_start3A_615] : memref<512xf32, #tpu.memory_space<vmem_shared>> -> memref<512xf32, #tpu.memory_space<vmem_shared>>
    tpu.enqueue_indirect_dma source(%arg13 : memref<80xf32, #tpu.memory_space<vmem>>) target(%dma_start3A_616 : memref<512xf32, #tpu.memory_space<vmem_shared>>) offsets(%dma_start3A_614 : memref<80xi32, #tpu.memory_space<vmem>>) semaphore(%arg24 : memref<!tpu.dma_semaphore, #tpu.memory_space<semaphore_mem>>) {add = true}
    %dma_start3A_617 = arith.constant 1 : i32
    %dma_start3A_618 = arith.constant 0 : i32
    %dma_start3A_619 = tpu.memref_slice %arg16[%dma_start3A_617, %dma_start3A_618] : memref<4x80xi32, #tpu.memory_space<vmem>> -> memref<1x80xi32, #tpu.memory_space<vmem>>
    %dma_start3A_620 = tpu.memref_squeeze %dma_start3A_619 : memref<1x80xi32, #tpu.memory_space<vmem>> -> memref<80xi32, #tpu.memory_space<vmem>>
    %dma_start3A_621 = arith.constant 0 : i32
    %dma_start3A_622 = tpu.memref_slice %arg20[%dma_start3A_621] : memref<512xf32, #tpu.memory_space<vmem_shared>> -> memref<512xf32, #tpu.memory_space<vmem_shared>>
    tpu.enqueue_indirect_dma source(%arg13 : memref<80xf32, #tpu.memory_space<vmem>>) target(%dma_start3A_622 : memref<512xf32, #tpu.memory_space<vmem_shared>>) offsets(%dma_start3A_620 : memref<80xi32, #tpu.memory_space<vmem>>) semaphore(%arg24 : memref<!tpu.dma_semaphore, #tpu.memory_space<semaphore_mem>>) {add = true}
    %dma_start3A_623 = arith.constant 2 : i32
    %dma_start3A_624 = arith.constant 0 : i32
    %dma_start3A_625 = tpu.memref_slice %arg16[%dma_start3A_623, %dma_start3A_624] : memref<4x80xi32, #tpu.memory_space<vmem>> -> memref<1x80xi32, #tpu.memory_space<vmem>>
    %dma_start3A_626 = tpu.memref_squeeze %dma_start3A_625 : memref<1x80xi32, #tpu.memory_space<vmem>> -> memref<80xi32, #tpu.memory_space<vmem>>
    %dma_start3A_627 = arith.constant 0 : i32
    %dma_start3A_628 = tpu.memref_slice %arg20[%dma_start3A_627] : memref<512xf32, #tpu.memory_space<vmem_shared>> -> memref<512xf32, #tpu.memory_space<vmem_shared>>
    tpu.enqueue_indirect_dma source(%arg13 : memref<80xf32, #tpu.memory_space<vmem>>) target(%dma_start3A_628 : memref<512xf32, #tpu.memory_space<vmem_shared>>) offsets(%dma_start3A_626 : memref<80xi32, #tpu.memory_space<vmem>>) semaphore(%arg24 : memref<!tpu.dma_semaphore, #tpu.memory_space<semaphore_mem>>) {add = true}
    %dma_start3A_629 = arith.constant 3 : i32
    %dma_start3A_630 = arith.constant 0 : i32
    %dma_start3A_631 = tpu.memref_slice %arg16[%dma_start3A_629, %dma_start3A_630] : memref<4x80xi32, #tpu.memory_space<vmem>> -> memref<1x80xi32, #tpu.memory_space<vmem>>
    %dma_start3A_632 = tpu.memref_squeeze %dma_start3A_631 : memref<1x80xi32, #tpu.memory_space<vmem>> -> memref<80xi32, #tpu.memory_space<vmem>>
    %dma_start3A_633 = arith.constant 0 : i32
    %dma_start3A_634 = tpu.memref_slice %arg20[%dma_start3A_633] : memref<512xf32, #tpu.memory_space<vmem_shared>> -> memref<512xf32, #tpu.memory_space<vmem_shared>>
    tpu.enqueue_indirect_dma source(%arg13 : memref<80xf32, #tpu.memory_space<vmem>>) target(%dma_start3A_634 : memref<512xf32, #tpu.memory_space<vmem_shared>>) offsets(%dma_start3A_632 : memref<80xi32, #tpu.memory_space<vmem>>) semaphore(%arg24 : memref<!tpu.dma_semaphore, #tpu.memory_space<semaphore_mem>>) {add = true}
    %scan3A_635 = arith.constant 0 : i32
    %scan3A_636 = arith.constant 80 : i32
    %scan3A_637 = arith.addi %scan3A_635, %scan3A_636 : i32
    %scan3A_638 = arith.constant 1 : i32
    scf.for %scan3A_709 = %scan3A_635 to %scan3A_637 step %scan3A_638  : i32 {
      %mul3A_710 = arith.constant 1 : i32
      %mul3A_711 = arith.muli %scan3A_709, %mul3A_710 : i32
      %add3A_712 = arith.constant 0 : i32
      %add3A_713 = arith.addi %add3A_712, %mul3A_711 : i32
      %dma_wait3A_714 = arith.constant 0 : i32
      %dma_wait3A_715 = tpu.memref_slice %arg14[%add3A_713, %dma_wait3A_714] : memref<80x128xi32, #tpu.memory_space<vmem>> -> memref<1x128xi32, #tpu.memory_space<vmem>>
      %dma_wait3A_716 = tpu.memref_squeeze %dma_wait3A_715 : memref<1x128xi32, #tpu.memory_space<vmem>> -> memref<128xi32, #tpu.memory_space<vmem>>
      %dma_wait3A_717 = arith.constant 0 : i32
      %dma_wait3A_718 = tpu.memref_slice %arg18[%dma_wait3A_717] : memref<10240xf32, #tpu.memory_space<vmem_shared>> -> memref<10240xf32, #tpu.memory_space<vmem_shared>>
      tpu.wait_indirect_dma semaphore(%arg22 : memref<!tpu.dma_semaphore, #tpu.memory_space<semaphore_mem>>) src(%arg12 : memref<128xf32, #tpu.memory_space<vmem>>) dst(%dma_wait3A_718 : memref<10240xf32, #tpu.memory_space<vmem_shared>>)
    }
    %scan3A_639 = arith.constant 80 : i32
    %dma_wait3A = arith.constant 0 : i32
    %dma_wait3A_640 = arith.constant 0 : i32
    %dma_wait3A_641 = tpu.memref_slice %arg15[%dma_wait3A, %dma_wait3A_640] : memref<4x80xi32, #tpu.memory_space<vmem>> -> memref<1x80xi32, #tpu.memory_space<vmem>>
    %dma_wait3A_642 = tpu.memref_squeeze %dma_wait3A_641 : memref<1x80xi32, #tpu.memory_space<vmem>> -> memref<80xi32, #tpu.memory_space<vmem>>
    %dma_wait3A_643 = arith.constant 0 : i32
    %dma_wait3A_644 = tpu.memref_slice %arg19[%dma_wait3A_643] : memref<512xf32, #tpu.memory_space<vmem_shared>> -> memref<512xf32, #tpu.memory_space<vmem_shared>>
    tpu.wait_indirect_dma semaphore(%arg23 : memref<!tpu.dma_semaphore, #tpu.memory_space<semaphore_mem>>) src(%arg13 : memref<80xf32, #tpu.memory_space<vmem>>) dst(%dma_wait3A_644 : memref<512xf32, #tpu.memory_space<vmem_shared>>)
    %dma_wait3A_645 = arith.constant 0 : i32
    %dma_wait3A_646 = arith.constant 0 : i32
    %dma_wait3A_647 = tpu.memref_slice %arg16[%dma_wait3A_645, %dma_wait3A_646] : memref<4x80xi32, #tpu.memory_space<vmem>> -> memref<1x80xi32, #tpu.memory_space<vmem>>
    %dma_wait3A_648 = tpu.memref_squeeze %dma_wait3A_647 : memref<1x80xi32, #tpu.memory_space<vmem>> -> memref<80xi32, #tpu.memory_space<vmem>>
    %dma_wait3A_649 = arith.constant 0 : i32
    %dma_wait3A_650 = tpu.memref_slice %arg20[%dma_wait3A_649] : memref<512xf32, #tpu.memory_space<vmem_shared>> -> memref<512xf32, #tpu.memory_space<vmem_shared>>
    tpu.wait_indirect_dma semaphore(%arg24 : memref<!tpu.dma_semaphore, #tpu.memory_space<semaphore_mem>>) src(%arg13 : memref<80xf32, #tpu.memory_space<vmem>>) dst(%dma_wait3A_650 : memref<512xf32, #tpu.memory_space<vmem_shared>>)
    %dma_wait3A_651 = arith.constant 1 : i32
    %dma_wait3A_652 = arith.constant 0 : i32
    %dma_wait3A_653 = tpu.memref_slice %arg15[%dma_wait3A_651, %dma_wait3A_652] : memref<4x80xi32, #tpu.memory_space<vmem>> -> memref<1x80xi32, #tpu.memory_space<vmem>>
    %dma_wait3A_654 = tpu.memref_squeeze %dma_wait3A_653 : memref<1x80xi32, #tpu.memory_space<vmem>> -> memref<80xi32, #tpu.memory_space<vmem>>
    %dma_wait3A_655 = arith.constant 0 : i32
    %dma_wait3A_656 = tpu.memref_slice %arg19[%dma_wait3A_655] : memref<512xf32, #tpu.memory_space<vmem_shared>> -> memref<512xf32, #tpu.memory_space<vmem_shared>>
    tpu.wait_indirect_dma semaphore(%arg23 : memref<!tpu.dma_semaphore, #tpu.memory_space<semaphore_mem>>) src(%arg13 : memref<80xf32, #tpu.memory_space<vmem>>) dst(%dma_wait3A_656 : memref<512xf32, #tpu.memory_space<vmem_shared>>)
    %dma_wait3A_657 = arith.constant 1 : i32
    %dma_wait3A_658 = arith.constant 0 : i32
    %dma_wait3A_659 = tpu.memref_slice %arg16[%dma_wait3A_657, %dma_wait3A_658] : memref<4x80xi32, #tpu.memory_space<vmem>> -> memref<1x80xi32, #tpu.memory_space<vmem>>
    %dma_wait3A_660 = tpu.memref_squeeze %dma_wait3A_659 : memref<1x80xi32, #tpu.memory_space<vmem>> -> memref<80xi32, #tpu.memory_space<vmem>>
    %dma_wait3A_661 = arith.constant 0 : i32
    %dma_wait3A_662 = tpu.memref_slice %arg20[%dma_wait3A_661] : memref<512xf32, #tpu.memory_space<vmem_shared>> -> memref<512xf32, #tpu.memory_space<vmem_shared>>
    tpu.wait_indirect_dma semaphore(%arg24 : memref<!tpu.dma_semaphore, #tpu.memory_space<semaphore_mem>>) src(%arg13 : memref<80xf32, #tpu.memory_space<vmem>>) dst(%dma_wait3A_662 : memref<512xf32, #tpu.memory_space<vmem_shared>>)
    %dma_wait3A_663 = arith.constant 2 : i32
    %dma_wait3A_664 = arith.constant 0 : i32
    %dma_wait3A_665 = tpu.memref_slice %arg15[%dma_wait3A_663, %dma_wait3A_664] : memref<4x80xi32, #tpu.memory_space<vmem>> -> memref<1x80xi32, #tpu.memory_space<vmem>>
    %dma_wait3A_666 = tpu.memref_squeeze %dma_wait3A_665 : memref<1x80xi32, #tpu.memory_space<vmem>> -> memref<80xi32, #tpu.memory_space<vmem>>
    %dma_wait3A_667 = arith.constant 0 : i32
    %dma_wait3A_668 = tpu.memref_slice %arg19[%dma_wait3A_667] : memref<512xf32, #tpu.memory_space<vmem_shared>> -> memref<512xf32, #tpu.memory_space<vmem_shared>>
    tpu.wait_indirect_dma semaphore(%arg23 : memref<!tpu.dma_semaphore, #tpu.memory_space<semaphore_mem>>) src(%arg13 : memref<80xf32, #tpu.memory_space<vmem>>) dst(%dma_wait3A_668 : memref<512xf32, #tpu.memory_space<vmem_shared>>)
    %dma_wait3A_669 = arith.constant 2 : i32
    %dma_wait3A_670 = arith.constant 0 : i32
    %dma_wait3A_671 = tpu.memref_slice %arg16[%dma_wait3A_669, %dma_wait3A_670] : memref<4x80xi32, #tpu.memory_space<vmem>> -> memref<1x80xi32, #tpu.memory_space<vmem>>
    %dma_wait3A_672 = tpu.memref_squeeze %dma_wait3A_671 : memref<1x80xi32, #tpu.memory_space<vmem>> -> memref<80xi32, #tpu.memory_space<vmem>>
    %dma_wait3A_673 = arith.constant 0 : i32
    %dma_wait3A_674 = tpu.memref_slice %arg20[%dma_wait3A_673] : memref<512xf32, #tpu.memory_space<vmem_shared>> -> memref<512xf32, #tpu.memory_space<vmem_shared>>
    tpu.wait_indirect_dma semaphore(%arg24 : memref<!tpu.dma_semaphore, #tpu.memory_space<semaphore_mem>>) src(%arg13 : memref<80xf32, #tpu.memory_space<vmem>>) dst(%dma_wait3A_674 : memref<512xf32, #tpu.memory_space<vmem_shared>>)
    %dma_wait3A_675 = arith.constant 3 : i32
    %dma_wait3A_676 = arith.constant 0 : i32
    %dma_wait3A_677 = tpu.memref_slice %arg15[%dma_wait3A_675, %dma_wait3A_676] : memref<4x80xi32, #tpu.memory_space<vmem>> -> memref<1x80xi32, #tpu.memory_space<vmem>>
    %dma_wait3A_678 = tpu.memref_squeeze %dma_wait3A_677 : memref<1x80xi32, #tpu.memory_space<vmem>> -> memref<80xi32, #tpu.memory_space<vmem>>
    %dma_wait3A_679 = arith.constant 0 : i32
    %dma_wait3A_680 = tpu.memref_slice %arg19[%dma_wait3A_679] : memref<512xf32, #tpu.memory_space<vmem_shared>> -> memref<512xf32, #tpu.memory_space<vmem_shared>>
    tpu.wait_indirect_dma semaphore(%arg23 : memref<!tpu.dma_semaphore, #tpu.memory_space<semaphore_mem>>) src(%arg13 : memref<80xf32, #tpu.memory_space<vmem>>) dst(%dma_wait3A_680 : memref<512xf32, #tpu.memory_space<vmem_shared>>)
    %dma_wait3A_681 = arith.constant 3 : i32
    %dma_wait3A_682 = arith.constant 0 : i32
    %dma_wait3A_683 = tpu.memref_slice %arg16[%dma_wait3A_681, %dma_wait3A_682] : memref<4x80xi32, #tpu.memory_space<vmem>> -> memref<1x80xi32, #tpu.memory_space<vmem>>
    %dma_wait3A_684 = tpu.memref_squeeze %dma_wait3A_683 : memref<1x80xi32, #tpu.memory_space<vmem>> -> memref<80xi32, #tpu.memory_space<vmem>>
    %dma_wait3A_685 = arith.constant 0 : i32
    %dma_wait3A_686 = tpu.memref_slice %arg20[%dma_wait3A_685] : memref<512xf32, #tpu.memory_space<vmem_shared>> -> memref<512xf32, #tpu.memory_space<vmem_shared>>
    tpu.wait_indirect_dma semaphore(%arg24 : memref<!tpu.dma_semaphore, #tpu.memory_space<semaphore_mem>>) src(%arg13 : memref<80xf32, #tpu.memory_space<vmem>>) dst(%dma_wait3A_686 : memref<512xf32, #tpu.memory_space<vmem_shared>>)
    %barrier3A_687 = arith.constant 0 : index
    tpu.barrier barrier_id(%barrier3A_687)
    %mul3A_688 = arith.constant 32 : i32
    %mul3A_689 = arith.muli %arg0, %mul3A_688 : i32
    %mul3A_690 = arith.constant 2 : i32
    %mul3A_691 = arith.muli %arg1, %mul3A_690 : i32
    %add3A_692 = arith.addi %mul3A_689, %mul3A_691 : i32
    "tpu.region"() ({
      %run_scoped3A_709 = tpu.sem_alloc : memref<!tpu.dma_semaphore, #tpu.memory_space<semaphore_mem>>
      %dma_start3A_710 = arith.constant 0 : i32
      %dma_start3A_711 = tpu.memref_slice %arg5[%add3A_692, %dma_start3A_710] : memref<64x80xi32, #tpu.memory_space<hbm>> -> memref<2x80xi32, #tpu.memory_space<hbm>>
      %dma_start3A_712 = arith.constant 0 : i32
      %dma_start3A_713 = tpu.memref_slice %arg5[%add3A_692, %dma_start3A_712] : memref<64x80xi32, #tpu.memory_space<hbm>> -> memref<2x80xi32, #tpu.memory_space<hbm>>
      tpu.enqueue_dma source(%dma_start3A_713 : memref<2x80xi32, #tpu.memory_space<hbm>>) target(%arg17 : memref<2x80xi32, #tpu.memory_space<vmem>>) target_semaphore(%run_scoped3A_709 : memref<!tpu.dma_semaphore, #tpu.memory_space<semaphore_mem>>)
      %dma_wait3A_714 = arith.constant 0 : i32
      %dma_wait3A_715 = tpu.memref_slice %arg5[%add3A_692, %dma_wait3A_714] : memref<64x80xi32, #tpu.memory_space<hbm>> -> memref<2x80xi32, #tpu.memory_space<hbm>>
      %dma_wait3A_716 = arith.constant 0 : i32
      %dma_wait3A_717 = tpu.memref_slice %arg5[%add3A_692, %dma_wait3A_716] : memref<64x80xi32, #tpu.memory_space<hbm>> -> memref<2x80xi32, #tpu.memory_space<hbm>>
      tpu.wait_dma2 semaphore(%run_scoped3A_709 : memref<!tpu.dma_semaphore, #tpu.memory_space<semaphore_mem>>) src(%dma_wait3A_717 : memref<2x80xi32, #tpu.memory_space<hbm>>) dst(%arg17 : memref<2x80xi32, #tpu.memory_space<vmem>>)
      tpu.yield
    }) : () -> ()
    %run_scoped3A = arith.constant 0 : i32
    "tpu.region"() ({
      %run_scoped3A_709 = tpu.sem_alloc : memref<!tpu.dma_semaphore, #tpu.memory_space<semaphore_mem>>
      %dma_start3A_710 = arith.constant 0 : i32
      %dma_start3A_711 = tpu.memref_slice %arg17[%run_scoped3A, %dma_start3A_710] : memref<2x80xi32, #tpu.memory_space<vmem>> -> memref<1x80xi32, #tpu.memory_space<vmem>>
      %dma_start3A_712 = tpu.memref_squeeze %dma_start3A_711 : memref<1x80xi32, #tpu.memory_space<vmem>> -> memref<80xi32, #tpu.memory_space<vmem>>
      %dma_start3A_713 = arith.constant 0 : i32
      %dma_start3A_714 = tpu.memref_slice %arg21[%dma_start3A_713] : memref<262144xf32, #tpu.memory_space<vmem_shared>> -> memref<262144xf32, #tpu.memory_space<vmem_shared>>
      tpu.enqueue_indirect_dma source(%arg13 : memref<80xf32, #tpu.memory_space<vmem>>) target(%dma_start3A_714 : memref<262144xf32, #tpu.memory_space<vmem_shared>>) offsets(%dma_start3A_712 : memref<80xi32, #tpu.memory_space<vmem>>) semaphore(%run_scoped3A_709 : memref<!tpu.dma_semaphore, #tpu.memory_space<semaphore_mem>>) {add = true}
      %dma_wait3A_715 = arith.constant 0 : i32
      %dma_wait3A_716 = tpu.memref_slice %arg17[%run_scoped3A, %dma_wait3A_715] : memref<2x80xi32, #tpu.memory_space<vmem>> -> memref<1x80xi32, #tpu.memory_space<vmem>>
      %dma_wait3A_717 = tpu.memref_squeeze %dma_wait3A_716 : memref<1x80xi32, #tpu.memory_space<vmem>> -> memref<80xi32, #tpu.memory_space<vmem>>
      %dma_wait3A_718 = arith.constant 0 : i32
      %dma_wait3A_719 = tpu.memref_slice %arg21[%dma_wait3A_718] : memref<262144xf32, #tpu.memory_space<vmem_shared>> -> memref<262144xf32, #tpu.memory_space<vmem_shared>>
      tpu.wait_indirect_dma semaphore(%run_scoped3A_709 : memref<!tpu.dma_semaphore, #tpu.memory_space<semaphore_mem>>) src(%arg13 : memref<80xf32, #tpu.memory_space<vmem>>) dst(%dma_wait3A_719 : memref<262144xf32, #tpu.memory_space<vmem_shared>>)
      tpu.yield
    }) : () -> ()
    %run_scoped3A_693 = arith.constant 1 : i32
    "tpu.region"() ({
      %run_scoped3A_709 = tpu.sem_alloc : memref<!tpu.dma_semaphore, #tpu.memory_space<semaphore_mem>>
      %dma_start3A_710 = arith.constant 0 : i32
      %dma_start3A_711 = tpu.memref_slice %arg17[%run_scoped3A_693, %dma_start3A_710] : memref<2x80xi32, #tpu.memory_space<vmem>> -> memref<1x80xi32, #tpu.memory_space<vmem>>
      %dma_start3A_712 = tpu.memref_squeeze %dma_start3A_711 : memref<1x80xi32, #tpu.memory_space<vmem>> -> memref<80xi32, #tpu.memory_space<vmem>>
      %dma_start3A_713 = arith.constant 0 : i32
      %dma_start3A_714 = tpu.memref_slice %arg21[%dma_start3A_713] : memref<262144xf32, #tpu.memory_space<vmem_shared>> -> memref<262144xf32, #tpu.memory_space<vmem_shared>>
      tpu.enqueue_indirect_dma source(%arg13 : memref<80xf32, #tpu.memory_space<vmem>>) target(%dma_start3A_714 : memref<262144xf32, #tpu.memory_space<vmem_shared>>) offsets(%dma_start3A_712 : memref<80xi32, #tpu.memory_space<vmem>>) semaphore(%run_scoped3A_709 : memref<!tpu.dma_semaphore, #tpu.memory_space<semaphore_mem>>) {add = true}
      %dma_wait3A_715 = arith.constant 0 : i32
      %dma_wait3A_716 = tpu.memref_slice %arg17[%run_scoped3A_693, %dma_wait3A_715] : memref<2x80xi32, #tpu.memory_space<vmem>> -> memref<1x80xi32, #tpu.memory_space<vmem>>
      %dma_wait3A_717 = tpu.memref_squeeze %dma_wait3A_716 : memref<1x80xi32, #tpu.memory_space<vmem>> -> memref<80xi32, #tpu.memory_space<vmem>>
      %dma_wait3A_718 = arith.constant 0 : i32
      %dma_wait3A_719 = tpu.memref_slice %arg21[%dma_wait3A_718] : memref<262144xf32, #tpu.memory_space<vmem_shared>> -> memref<262144xf32, #tpu.memory_space<vmem_shared>>
      tpu.wait_indirect_dma semaphore(%run_scoped3A_709 : memref<!tpu.dma_semaphore, #tpu.memory_space<semaphore_mem>>) src(%arg13 : memref<80xf32, #tpu.memory_space<vmem>>) dst(%dma_wait3A_719 : memref<262144xf32, #tpu.memory_space<vmem_shared>>)
      tpu.yield
    }) : () -> ()
    %barrier3A_694 = arith.constant 0 : index
    tpu.barrier barrier_id(%barrier3A_694)
    %mul3A_695 = arith.constant 640 : i32
    %mul3A_696 = arith.muli %arg1, %mul3A_695 : i32
    "tpu.region"() ({
      %run_scoped3A_709 = tpu.sem_alloc : memref<!tpu.dma_semaphore, #tpu.memory_space<semaphore_mem>>
      %dma_start3A_710 = arith.constant 0 : i32
      %dma_start3A_711 = tpu.memref_slice %arg10[%dma_start3A_710] : memref<2048xf32, #tpu.memory_space<vmem>> -> memref<640xf32, #tpu.memory_space<vmem>>
      %dma_start3A_712 = tpu.memref_slice %arg18[%mul3A_696] : memref<10240xf32, #tpu.memory_space<vmem_shared>> -> memref<640xf32, #tpu.memory_space<vmem_shared>>
      %dma_start3A_713 = arith.constant 0 : i32
      %dma_start3A_714 = tpu.memref_slice %arg10[%dma_start3A_713] : memref<2048xf32, #tpu.memory_space<vmem>> -> memref<640xf32, #tpu.memory_space<vmem>>
      %dma_start3A_715 = tpu.memref_slice %arg18[%mul3A_696] : memref<10240xf32, #tpu.memory_space<vmem_shared>> -> memref<640xf32, #tpu.memory_space<vmem_shared>>
      tpu.enqueue_dma source(%dma_start3A_715 : memref<640xf32, #tpu.memory_space<vmem_shared>>) target(%dma_start3A_714 : memref<640xf32, #tpu.memory_space<vmem>>) target_semaphore(%run_scoped3A_709 : memref<!tpu.dma_semaphore, #tpu.memory_space<semaphore_mem>>)
      %dma_wait3A_716 = arith.constant 0 : i32
      %dma_wait3A_717 = tpu.memref_slice %arg10[%dma_wait3A_716] : memref<2048xf32, #tpu.memory_space<vmem>> -> memref<640xf32, #tpu.memory_space<vmem>>
      %dma_wait3A_718 = tpu.memref_slice %arg18[%mul3A_696] : memref<10240xf32, #tpu.memory_space<vmem_shared>> -> memref<640xf32, #tpu.memory_space<vmem_shared>>
      %dma_wait3A_719 = arith.constant 0 : i32
      %dma_wait3A_720 = tpu.memref_slice %arg10[%dma_wait3A_719] : memref<2048xf32, #tpu.memory_space<vmem>> -> memref<640xf32, #tpu.memory_space<vmem>>
      %dma_wait3A_721 = tpu.memref_slice %arg18[%mul3A_696] : memref<10240xf32, #tpu.memory_space<vmem_shared>> -> memref<640xf32, #tpu.memory_space<vmem_shared>>
      tpu.wait_dma2 semaphore(%run_scoped3A_709 : memref<!tpu.dma_semaphore, #tpu.memory_space<semaphore_mem>>) src(%dma_wait3A_721 : memref<640xf32, #tpu.memory_space<vmem_shared>>) dst(%dma_wait3A_720 : memref<640xf32, #tpu.memory_space<vmem>>)
      tpu.yield
    }) : () -> ()
    "tpu.region"() ({
      %run_scoped3A_709 = tpu.sem_alloc : memref<!tpu.dma_semaphore, #tpu.memory_space<semaphore_mem>>
      %dma_start3A_710 = arith.constant 0 : i32
      %dma_start3A_711 = tpu.memref_slice %arg10[%dma_start3A_710] : memref<2048xf32, #tpu.memory_space<vmem>> -> memref<640xf32, #tpu.memory_space<vmem>>
      %dma_start3A_712 = arith.constant 0 : i32
      %dma_start3A_713 = tpu.memref_slice %arg6[%arg0, %arg1, %dma_start3A_712] : memref<2x16x640xf32, #tpu.memory_space<hbm>> -> memref<1x1x640xf32, #tpu.memory_space<hbm>>
      %dma_start3A_714 = tpu.memref_squeeze %dma_start3A_713 : memref<1x1x640xf32, #tpu.memory_space<hbm>> -> memref<640xf32, #tpu.memory_space<hbm>>
      %dma_start3A_715 = arith.constant 0 : i32
      %dma_start3A_716 = tpu.memref_slice %arg6[%arg0, %arg1, %dma_start3A_715] : memref<2x16x640xf32, #tpu.memory_space<hbm>> -> memref<1x1x640xf32, #tpu.memory_space<hbm>>
      %dma_start3A_717 = tpu.memref_squeeze %dma_start3A_716 : memref<1x1x640xf32, #tpu.memory_space<hbm>> -> memref<640xf32, #tpu.memory_space<hbm>>
      %dma_start3A_718 = arith.constant 0 : i32
      %dma_start3A_719 = tpu.memref_slice %arg10[%dma_start3A_718] : memref<2048xf32, #tpu.memory_space<vmem>> -> memref<640xf32, #tpu.memory_space<vmem>>
      tpu.enqueue_dma source(%dma_start3A_719 : memref<640xf32, #tpu.memory_space<vmem>>) target(%dma_start3A_717 : memref<640xf32, #tpu.memory_space<hbm>>) target_semaphore(%run_scoped3A_709 : memref<!tpu.dma_semaphore, #tpu.memory_space<semaphore_mem>>)
      %dma_wait3A_720 = arith.constant 0 : i32
      %dma_wait3A_721 = tpu.memref_slice %arg10[%dma_wait3A_720] : memref<2048xf32, #tpu.memory_space<vmem>> -> memref<640xf32, #tpu.memory_space<vmem>>
      %dma_wait3A_722 = arith.constant 0 : i32
      %dma_wait3A_723 = tpu.memref_slice %arg6[%arg0, %arg1, %dma_wait3A_722] : memref<2x16x640xf32, #tpu.memory_space<hbm>> -> memref<1x1x640xf32, #tpu.memory_space<hbm>>
      %dma_wait3A_724 = tpu.memref_squeeze %dma_wait3A_723 : memref<1x1x640xf32, #tpu.memory_space<hbm>> -> memref<640xf32, #tpu.memory_space<hbm>>
      %dma_wait3A_725 = arith.constant 0 : i32
      %dma_wait3A_726 = tpu.memref_slice %arg6[%arg0, %arg1, %dma_wait3A_725] : memref<2x16x640xf32, #tpu.memory_space<hbm>> -> memref<1x1x640xf32, #tpu.memory_space<hbm>>
      %dma_wait3A_727 = tpu.memref_squeeze %dma_wait3A_726 : memref<1x1x640xf32, #tpu.memory_space<hbm>> -> memref<640xf32, #tpu.memory_space<hbm>>
      %dma_wait3A_728 = arith.constant 0 : i32
      %dma_wait3A_729 = tpu.memref_slice %arg10[%dma_wait3A_728] : memref<2048xf32, #tpu.memory_space<vmem>> -> memref<640xf32, #tpu.memory_space<vmem>>
      tpu.wait_dma2 semaphore(%run_scoped3A_709 : memref<!tpu.dma_semaphore, #tpu.memory_space<semaphore_mem>>) src(%dma_wait3A_729 : memref<640xf32, #tpu.memory_space<vmem>>) dst(%dma_wait3A_727 : memref<640xf32, #tpu.memory_space<hbm>>)
      tpu.yield
    }) : () -> ()
    %eq3A = arith.constant 0 : i32
    %eq3A_697 = arith.cmpi eq, %arg1, %eq3A : i32
    %convert_element_type3A = arith.extui %eq3A_697 : i1 to i32
    %cond3A = arith.constant 0 : i32
    %cond3A_698 = arith.cmpi ne, %convert_element_type3A, %cond3A : i32
    scf.if %cond3A_698 {
      "tpu.region"() ({
        %run_scoped3A_709 = tpu.sem_alloc : memref<!tpu.dma_semaphore, #tpu.memory_space<semaphore_mem>>
        tpu.enqueue_dma source(%arg19 : memref<512xf32, #tpu.memory_space<vmem_shared>>) target(%arg11 : memref<512xf32, #tpu.memory_space<vmem>>) target_semaphore(%run_scoped3A_709 : memref<!tpu.dma_semaphore, #tpu.memory_space<semaphore_mem>>)
        tpu.wait_dma2 semaphore(%run_scoped3A_709 : memref<!tpu.dma_semaphore, #tpu.memory_space<semaphore_mem>>) src(%arg19 : memref<512xf32, #tpu.memory_space<vmem_shared>>) dst(%arg11 : memref<512xf32, #tpu.memory_space<vmem>>)
        tpu.yield
      }) : () -> ()
      "tpu.region"() ({
        %run_scoped3A_709 = tpu.sem_alloc : memref<!tpu.dma_semaphore, #tpu.memory_space<semaphore_mem>>
        %dma_start3A_710 = arith.constant 0 : i32
        %dma_start3A_711 = tpu.memref_slice %arg7[%arg0, %dma_start3A_710] : memref<2x512xf32, #tpu.memory_space<hbm>> -> memref<1x512xf32, #tpu.memory_space<hbm>>
        %dma_start3A_712 = tpu.memref_squeeze %dma_start3A_711 : memref<1x512xf32, #tpu.memory_space<hbm>> -> memref<512xf32, #tpu.memory_space<hbm>>
        %dma_start3A_713 = arith.constant 0 : i32
        %dma_start3A_714 = tpu.memref_slice %arg7[%arg0, %dma_start3A_713] : memref<2x512xf32, #tpu.memory_space<hbm>> -> memref<1x512xf32, #tpu.memory_space<hbm>>
        %dma_start3A_715 = tpu.memref_squeeze %dma_start3A_714 : memref<1x512xf32, #tpu.memory_space<hbm>> -> memref<512xf32, #tpu.memory_space<hbm>>
        tpu.enqueue_dma source(%arg11 : memref<512xf32, #tpu.memory_space<vmem>>) target(%dma_start3A_715 : memref<512xf32, #tpu.memory_space<hbm>>) target_semaphore(%run_scoped3A_709 : memref<!tpu.dma_semaphore, #tpu.memory_space<semaphore_mem>>)
        %dma_wait3A_716 = arith.constant 0 : i32
        %dma_wait3A_717 = tpu.memref_slice %arg7[%arg0, %dma_wait3A_716] : memref<2x512xf32, #tpu.memory_space<hbm>> -> memref<1x512xf32, #tpu.memory_space<hbm>>
        %dma_wait3A_718 = tpu.memref_squeeze %dma_wait3A_717 : memref<1x512xf32, #tpu.memory_space<hbm>> -> memref<512xf32, #tpu.memory_space<hbm>>
        %dma_wait3A_719 = arith.constant 0 : i32
        %dma_wait3A_720 = tpu.memref_slice %arg7[%arg0, %dma_wait3A_719] : memref<2x512xf32, #tpu.memory_space<hbm>> -> memref<1x512xf32, #tpu.memory_space<hbm>>
        %dma_wait3A_721 = tpu.memref_squeeze %dma_wait3A_720 : memref<1x512xf32, #tpu.memory_space<hbm>> -> memref<512xf32, #tpu.memory_space<hbm>>
        tpu.wait_dma2 semaphore(%run_scoped3A_709 : memref<!tpu.dma_semaphore, #tpu.memory_space<semaphore_mem>>) src(%arg11 : memref<512xf32, #tpu.memory_space<vmem>>) dst(%dma_wait3A_721 : memref<512xf32, #tpu.memory_space<hbm>>)
        tpu.yield
      }) : () -> ()
    } else {
    }
    %eq3A_699 = arith.constant 1 : i32
    %eq3A_700 = arith.cmpi eq, %arg1, %eq3A_699 : i32
    %convert_element_type3A_701 = arith.extui %eq3A_700 : i1 to i32
    %cond3A_702 = arith.constant 0 : i32
    %cond3A_703 = arith.cmpi ne, %convert_element_type3A_701, %cond3A_702 : i32
    scf.if %cond3A_703 {
      "tpu.region"() ({
        %run_scoped3A_709 = tpu.sem_alloc : memref<!tpu.dma_semaphore, #tpu.memory_space<semaphore_mem>>
        tpu.enqueue_dma source(%arg20 : memref<512xf32, #tpu.memory_space<vmem_shared>>) target(%arg11 : memref<512xf32, #tpu.memory_space<vmem>>) target_semaphore(%run_scoped3A_709 : memref<!tpu.dma_semaphore, #tpu.memory_space<semaphore_mem>>)
        tpu.wait_dma2 semaphore(%run_scoped3A_709 : memref<!tpu.dma_semaphore, #tpu.memory_space<semaphore_mem>>) src(%arg20 : memref<512xf32, #tpu.memory_space<vmem_shared>>) dst(%arg11 : memref<512xf32, #tpu.memory_space<vmem>>)
        tpu.yield
      }) : () -> ()
      "tpu.region"() ({
        %run_scoped3A_709 = tpu.sem_alloc : memref<!tpu.dma_semaphore, #tpu.memory_space<semaphore_mem>>
        %dma_start3A_710 = arith.constant 0 : i32
        %dma_start3A_711 = tpu.memref_slice %arg8[%arg0, %dma_start3A_710] : memref<2x512xf32, #tpu.memory_space<hbm>> -> memref<1x512xf32, #tpu.memory_space<hbm>>
        %dma_start3A_712 = tpu.memref_squeeze %dma_start3A_711 : memref<1x512xf32, #tpu.memory_space<hbm>> -> memref<512xf32, #tpu.memory_space<hbm>>
        %dma_start3A_713 = arith.constant 0 : i32
        %dma_start3A_714 = tpu.memref_slice %arg8[%arg0, %dma_start3A_713] : memref<2x512xf32, #tpu.memory_space<hbm>> -> memref<1x512xf32, #tpu.memory_space<hbm>>
        %dma_start3A_715 = tpu.memref_squeeze %dma_start3A_714 : memref<1x512xf32, #tpu.memory_space<hbm>> -> memref<512xf32, #tpu.memory_space<hbm>>
        tpu.enqueue_dma source(%arg11 : memref<512xf32, #tpu.memory_space<vmem>>) target(%dma_start3A_715 : memref<512xf32, #tpu.memory_space<hbm>>) target_semaphore(%run_scoped3A_709 : memref<!tpu.dma_semaphore, #tpu.memory_space<semaphore_mem>>)
        %dma_wait3A_716 = arith.constant 0 : i32
        %dma_wait3A_717 = tpu.memref_slice %arg8[%arg0, %dma_wait3A_716] : memref<2x512xf32, #tpu.memory_space<hbm>> -> memref<1x512xf32, #tpu.memory_space<hbm>>
        %dma_wait3A_718 = tpu.memref_squeeze %dma_wait3A_717 : memref<1x512xf32, #tpu.memory_space<hbm>> -> memref<512xf32, #tpu.memory_space<hbm>>
        %dma_wait3A_719 = arith.constant 0 : i32
        %dma_wait3A_720 = tpu.memref_slice %arg8[%arg0, %dma_wait3A_719] : memref<2x512xf32, #tpu.memory_space<hbm>> -> memref<1x512xf32, #tpu.memory_space<hbm>>
        %dma_wait3A_721 = tpu.memref_squeeze %dma_wait3A_720 : memref<1x512xf32, #tpu.memory_space<hbm>> -> memref<512xf32, #tpu.memory_space<hbm>>
        tpu.wait_dma2 semaphore(%run_scoped3A_709 : memref<!tpu.dma_semaphore, #tpu.memory_space<semaphore_mem>>) src(%arg11 : memref<512xf32, #tpu.memory_space<vmem>>) dst(%dma_wait3A_721 : memref<512xf32, #tpu.memory_space<hbm>>)
        tpu.yield
      }) : () -> ()
    } else {
    }
    %scan3A_704 = arith.constant 0 : i32
    %scan3A_705 = arith.constant 8 : i32
    %scan3A_706 = arith.addi %scan3A_704, %scan3A_705 : i32
    %scan3A_707 = arith.constant 1 : i32
    scf.for %scan3A_709 = %scan3A_704 to %scan3A_706 step %scan3A_707  : i32 {
      %mul3A_710 = arith.constant 1 : i32
      %mul3A_711 = arith.muli %scan3A_709, %mul3A_710 : i32
      %add3A_712 = arith.constant 0 : i32
      %add3A_713 = arith.addi %add3A_712, %mul3A_711 : i32
      %mul3A_714 = arith.constant 16384 : i32
      %mul3A_715 = arith.muli %arg1, %mul3A_714 : i32
      %mul3A_716 = arith.constant 2048 : i32
      %mul3A_717 = arith.muli %add3A_713, %mul3A_716 : i32
      %add3A_718 = arith.addi %mul3A_715, %mul3A_717 : i32
      "tpu.region"() ({
        %run_scoped3A_722 = tpu.sem_alloc : memref<!tpu.dma_semaphore, #tpu.memory_space<semaphore_mem>>
        %dma_start3A_723 = tpu.memref_slice %arg21[%add3A_718] : memref<262144xf32, #tpu.memory_space<vmem_shared>> -> memref<2048xf32, #tpu.memory_space<vmem_shared>>
        %dma_start3A_724 = tpu.memref_slice %arg21[%add3A_718] : memref<262144xf32, #tpu.memory_space<vmem_shared>> -> memref<2048xf32, #tpu.memory_space<vmem_shared>>
        tpu.enqueue_dma source(%dma_start3A_724 : memref<2048xf32, #tpu.memory_space<vmem_shared>>) target(%arg10 : memref<2048xf32, #tpu.memory_space<vmem>>) target_semaphore(%run_scoped3A_722 : memref<!tpu.dma_semaphore, #tpu.memory_space<semaphore_mem>>)
        %dma_wait3A_725 = tpu.memref_slice %arg21[%add3A_718] : memref<262144xf32, #tpu.memory_space<vmem_shared>> -> memref<2048xf32, #tpu.memory_space<vmem_shared>>
        %dma_wait3A_726 = tpu.memref_slice %arg21[%add3A_718] : memref<262144xf32, #tpu.memory_space<vmem_shared>> -> memref<2048xf32, #tpu.memory_space<vmem_shared>>
        tpu.wait_dma2 semaphore(%run_scoped3A_722 : memref<!tpu.dma_semaphore, #tpu.memory_space<semaphore_mem>>) src(%dma_wait3A_726 : memref<2048xf32, #tpu.memory_space<vmem_shared>>) dst(%arg10 : memref<2048xf32, #tpu.memory_space<vmem>>)
        tpu.yield
      }) : () -> ()
      %mul3A_719 = arith.constant 8 : i32
      %mul3A_720 = arith.muli %arg1, %mul3A_719 : i32
      %add3A_721 = arith.addi %mul3A_720, %add3A_713 : i32
      "tpu.region"() ({
        %run_scoped3A_722 = tpu.sem_alloc : memref<!tpu.dma_semaphore, #tpu.memory_space<semaphore_mem>>
        %dma_start3A_723 = arith.constant 0 : i32
        %dma_start3A_724 = tpu.memref_slice %arg9[%arg0, %add3A_721, %dma_start3A_723] : memref<2x128x2048xf32, #tpu.memory_space<hbm>> -> memref<1x1x2048xf32, #tpu.memory_space<hbm>>
        %dma_start3A_725 = tpu.memref_squeeze %dma_start3A_724 : memref<1x1x2048xf32, #tpu.memory_space<hbm>> -> memref<2048xf32, #tpu.memory_space<hbm>>
        %dma_start3A_726 = arith.constant 0 : i32
        %dma_start3A_727 = tpu.memref_slice %arg9[%arg0, %add3A_721, %dma_start3A_726] : memref<2x128x2048xf32, #tpu.memory_space<hbm>> -> memref<1x1x2048xf32, #tpu.memory_space<hbm>>
        %dma_start3A_728 = tpu.memref_squeeze %dma_start3A_727 : memref<1x1x2048xf32, #tpu.memory_space<hbm>> -> memref<2048xf32, #tpu.memory_space<hbm>>
        tpu.enqueue_dma source(%arg10 : memref<2048xf32, #tpu.memory_space<vmem>>) target(%dma_start3A_728 : memref<2048xf32, #tpu.memory_space<hbm>>) target_semaphore(%run_scoped3A_722 : memref<!tpu.dma_semaphore, #tpu.memory_space<semaphore_mem>>)
        %dma_wait3A_729 = arith.constant 0 : i32
        %dma_wait3A_730 = tpu.memref_slice %arg9[%arg0, %add3A_721, %dma_wait3A_729] : memref<2x128x2048xf32, #tpu.memory_space<hbm>> -> memref<1x1x2048xf32, #tpu.memory_space<hbm>>
        %dma_wait3A_731 = tpu.memref_squeeze %dma_wait3A_730 : memref<1x1x2048xf32, #tpu.memory_space<hbm>> -> memref<2048xf32, #tpu.memory_space<hbm>>
        %dma_wait3A_732 = arith.constant 0 : i32
        %dma_wait3A_733 = tpu.memref_slice %arg9[%arg0, %add3A_721, %dma_wait3A_732] : memref<2x128x2048xf32, #tpu.memory_space<hbm>> -> memref<1x1x2048xf32, #tpu.memory_space<hbm>>
        %dma_wait3A_734 = tpu.memref_squeeze %dma_wait3A_733 : memref<1x1x2048xf32, #tpu.memory_space<hbm>> -> memref<2048xf32, #tpu.memory_space<hbm>>
        tpu.wait_dma2 semaphore(%run_scoped3A_722 : memref<!tpu.dma_semaphore, #tpu.memory_space<semaphore_mem>>) src(%arg10 : memref<2048xf32, #tpu.memory_space<vmem>>) dst(%dma_wait3A_734 : memref<2048xf32, #tpu.memory_space<hbm>>)
        tpu.yield
      }) : () -> ()
    }
    %scan3A_708 = arith.constant 8 : i32
    return
  }
}

#map = affine_map<(d0, d1) -> (0)>
#map1 = affine_map<(d0, d1) -> (0, 0)>
#map2 = affine_map<(d0, d1) -> (0, 0, 0)>
module attributes {stable_mosaic.version = 14 : i64} {
  func.func @body(%arg0: i32, %arg1: i32, %arg2: memref<327680xi32, #tpu.memory_space<hbm>>, %arg3: memref<327680xi32, #tpu.memory_space<hbm>>, %arg4: memref<10240x128xf32, #tpu.memory_space<hbm>>, %arg5: memref<2x10240x128xf32, #tpu.memory_space<hbm>>, %arg6: memref<80xi32, #tpu.memory_space<vmem>>, %arg7: memref<80xi32, #tpu.memory_space<vmem>>, %arg8: memref<80xi32, #tpu.memory_space<vmem>>, %arg9: memref<80xi32, #tpu.memory_space<vmem>>, %arg10: memref<80xi32, #tpu.memory_space<vmem>>, %arg11: memref<80xi32, #tpu.memory_space<vmem>>, %arg12: memref<80xi32, #tpu.memory_space<vmem>>, %arg13: memref<80xi32, #tpu.memory_space<vmem>>, %arg14: memref<80x128xf32, #tpu.memory_space<vmem>>, %arg15: memref<80x128xf32, #tpu.memory_space<vmem>>, %arg16: memref<80x128xf32, #tpu.memory_space<vmem>>, %arg17: memref<80x128xf32, #tpu.memory_space<vmem>>, %arg18: memref<10240x128xf32, #tpu.memory_space<vmem_shared>>, %arg19: memref<!tpu.dma_semaphore, #tpu.memory_space<semaphore_mem>>, %arg20: memref<!tpu.dma_semaphore, #tpu.memory_space<semaphore_mem>>, %arg21: memref<!tpu.dma_semaphore, #tpu.memory_space<semaphore_mem>>, %arg22: memref<!tpu.dma_semaphore, #tpu.memory_space<semaphore_mem>>, %arg23: memref<!tpu.dma_semaphore, #tpu.memory_space<semaphore_mem>>, %arg24: memref<!tpu.dma_semaphore, #tpu.memory_space<semaphore_mem>>, %arg25: memref<!tpu.dma_semaphore, #tpu.memory_space<semaphore_mem>>, %arg26: memref<!tpu.dma_semaphore, #tpu.memory_space<semaphore_mem>>, %arg27: memref<!tpu.dma_semaphore, #tpu.memory_space<semaphore_mem>>, %arg28: memref<!tpu.dma_semaphore, #tpu.memory_space<semaphore_mem>>, %arg29: memref<!tpu.dma_semaphore, #tpu.memory_space<semaphore_mem>>, %arg30: memref<!tpu.dma_semaphore, #tpu.memory_space<semaphore_mem>>) attributes {dimension_semantics = [#tpu.dimension_semantics<core_parallel>, #tpu.dimension_semantics<subcore_parallel>], iteration_bounds = array<i64: 2, 16>, scalar_prefetch = 0 : i64, scratch_operands = 25 : i64, tpu.core_type = #tpu.core_type<sc_vector_subcore>, window_params = [{transform_indices = #map}, {transform_indices = #map}, {transform_indices = #map1}, {transform_indices = #map2}]} {
    %mul3A = arith.constant 16 : i32
    %mul3A_0 = arith.muli %arg0, %mul3A : i32
    %add3A = arith.addi %mul3A_0, %arg1 : i32
    %broadcast_in_dim3A = arith.constant 0.000000e+00 : f32
    %broadcast_in_dim3A_1 = vector.broadcast %broadcast_in_dim3A : f32 to vector<16xf32>
    %scan3A = arith.constant 0 : i32
    %scan3A_2 = arith.constant 80 : i32
    %scan3A_3 = arith.addi %scan3A, %scan3A_2 : i32
    %scan3A_4 = arith.constant 1 : i32
    scf.for %scan3A_243 = %scan3A to %scan3A_3 step %scan3A_4  : i32 {
      %mul3A_244 = arith.constant 1 : i32
      %mul3A_245 = arith.muli %scan3A_243, %mul3A_244 : i32
      %add3A_246 = arith.constant 0 : i32
      %add3A_247 = arith.addi %add3A_246, %mul3A_245 : i32
      %swap3A = arith.index_cast %add3A_247 : i32 to index
      %swap3A_248 = arith.constant 0 : index
      %swap3A_249 = tpu.vector_load %arg14[%swap3A, %swap3A_248] {strides = array<i32>} : memref<80x128xf32, #tpu.memory_space<vmem>>, vector<1x16xf32>,
      %swap3A_250 = vector.shape_cast %swap3A_249 : vector<1x16xf32> to vector<16xf32>
      %swap3A_251 = vector.shape_cast %broadcast_in_dim3A_1 : vector<16xf32> to vector<1x16xf32>
      tpu.vector_store %arg14[%swap3A, %swap3A_248], %swap3A_251 {strides = array<i32>} : memref<80x128xf32, #tpu.memory_space<vmem>>, vector<1x16xf32>,
      %swap3A_252 = arith.index_cast %add3A_247 : i32 to index
      %swap3A_253 = arith.constant 16 : index
      %swap3A_254 = tpu.vector_load %arg14[%swap3A_252, %swap3A_253] {strides = array<i32>} : memref<80x128xf32, #tpu.memory_space<vmem>>, vector<1x16xf32>,
      %swap3A_255 = vector.shape_cast %swap3A_254 : vector<1x16xf32> to vector<16xf32>
      %swap3A_256 = vector.shape_cast %broadcast_in_dim3A_1 : vector<16xf32> to vector<1x16xf32>
      tpu.vector_store %arg14[%swap3A_252, %swap3A_253], %swap3A_256 {strides = array<i32>} : memref<80x128xf32, #tpu.memory_space<vmem>>, vector<1x16xf32>,
      %swap3A_257 = arith.index_cast %add3A_247 : i32 to index
      %swap3A_258 = arith.constant 32 : index
      %swap3A_259 = tpu.vector_load %arg14[%swap3A_257, %swap3A_258] {strides = array<i32>} : memref<80x128xf32, #tpu.memory_space<vmem>>, vector<1x16xf32>,
      %swap3A_260 = vector.shape_cast %swap3A_259 : vector<1x16xf32> to vector<16xf32>
      %swap3A_261 = vector.shape_cast %broadcast_in_dim3A_1 : vector<16xf32> to vector<1x16xf32>
      tpu.vector_store %arg14[%swap3A_257, %swap3A_258], %swap3A_261 {strides = array<i32>} : memref<80x128xf32, #tpu.memory_space<vmem>>, vector<1x16xf32>,
      %swap3A_262 = arith.index_cast %add3A_247 : i32 to index
      %swap3A_263 = arith.constant 48 : index
      %swap3A_264 = tpu.vector_load %arg14[%swap3A_262, %swap3A_263] {strides = array<i32>} : memref<80x128xf32, #tpu.memory_space<vmem>>, vector<1x16xf32>,
      %swap3A_265 = vector.shape_cast %swap3A_264 : vector<1x16xf32> to vector<16xf32>
      %swap3A_266 = vector.shape_cast %broadcast_in_dim3A_1 : vector<16xf32> to vector<1x16xf32>
      tpu.vector_store %arg14[%swap3A_262, %swap3A_263], %swap3A_266 {strides = array<i32>} : memref<80x128xf32, #tpu.memory_space<vmem>>, vector<1x16xf32>,
      %swap3A_267 = arith.index_cast %add3A_247 : i32 to index
      %swap3A_268 = arith.constant 64 : index
      %swap3A_269 = tpu.vector_load %arg14[%swap3A_267, %swap3A_268] {strides = array<i32>} : memref<80x128xf32, #tpu.memory_space<vmem>>, vector<1x16xf32>,
      %swap3A_270 = vector.shape_cast %swap3A_269 : vector<1x16xf32> to vector<16xf32>
      %swap3A_271 = vector.shape_cast %broadcast_in_dim3A_1 : vector<16xf32> to vector<1x16xf32>
      tpu.vector_store %arg14[%swap3A_267, %swap3A_268], %swap3A_271 {strides = array<i32>} : memref<80x128xf32, #tpu.memory_space<vmem>>, vector<1x16xf32>,
      %swap3A_272 = arith.index_cast %add3A_247 : i32 to index
      %swap3A_273 = arith.constant 80 : index
      %swap3A_274 = tpu.vector_load %arg14[%swap3A_272, %swap3A_273] {strides = array<i32>} : memref<80x128xf32, #tpu.memory_space<vmem>>, vector<1x16xf32>,
      %swap3A_275 = vector.shape_cast %swap3A_274 : vector<1x16xf32> to vector<16xf32>
      %swap3A_276 = vector.shape_cast %broadcast_in_dim3A_1 : vector<16xf32> to vector<1x16xf32>
      tpu.vector_store %arg14[%swap3A_272, %swap3A_273], %swap3A_276 {strides = array<i32>} : memref<80x128xf32, #tpu.memory_space<vmem>>, vector<1x16xf32>,
      %swap3A_277 = arith.index_cast %add3A_247 : i32 to index
      %swap3A_278 = arith.constant 96 : index
      %swap3A_279 = tpu.vector_load %arg14[%swap3A_277, %swap3A_278] {strides = array<i32>} : memref<80x128xf32, #tpu.memory_space<vmem>>, vector<1x16xf32>,
      %swap3A_280 = vector.shape_cast %swap3A_279 : vector<1x16xf32> to vector<16xf32>
      %swap3A_281 = vector.shape_cast %broadcast_in_dim3A_1 : vector<16xf32> to vector<1x16xf32>
      tpu.vector_store %arg14[%swap3A_277, %swap3A_278], %swap3A_281 {strides = array<i32>} : memref<80x128xf32, #tpu.memory_space<vmem>>, vector<1x16xf32>,
      %swap3A_282 = arith.index_cast %add3A_247 : i32 to index
      %swap3A_283 = arith.constant 112 : index
      %swap3A_284 = tpu.vector_load %arg14[%swap3A_282, %swap3A_283] {strides = array<i32>} : memref<80x128xf32, #tpu.memory_space<vmem>>, vector<1x16xf32>,
      %swap3A_285 = vector.shape_cast %swap3A_284 : vector<1x16xf32> to vector<16xf32>
      %swap3A_286 = vector.shape_cast %broadcast_in_dim3A_1 : vector<16xf32> to vector<1x16xf32>
      tpu.vector_store %arg14[%swap3A_282, %swap3A_283], %swap3A_286 {strides = array<i32>} : memref<80x128xf32, #tpu.memory_space<vmem>>, vector<1x16xf32>,
    }
    %scan3A_5 = arith.constant 80 : i32
    %scan3A_6 = arith.constant 0 : i32
    %scan3A_7 = arith.constant 8 : i32
    %scan3A_8 = arith.addi %scan3A_6, %scan3A_7 : i32
    %scan3A_9 = arith.constant 1 : i32
    scf.for %scan3A_243 = %scan3A_6 to %scan3A_8 step %scan3A_9  : i32 {
      %mul3A_244 = arith.constant 1 : i32
      %mul3A_245 = arith.muli %scan3A_243, %mul3A_244 : i32
      %add3A_246 = arith.constant 0 : i32
      %add3A_247 = arith.addi %add3A_246, %mul3A_245 : i32
      %mul3A_248 = arith.constant 640 : i32
      %mul3A_249 = arith.muli %arg1, %mul3A_248 : i32
      %mul3A_250 = arith.constant 80 : i32
      %mul3A_251 = arith.muli %add3A_247, %mul3A_250 : i32
      %add3A_252 = arith.addi %mul3A_249, %mul3A_251 : i32
      "tpu.region"() ({
        %run_scoped3A = tpu.sem_alloc : memref<!tpu.dma_semaphore, #tpu.memory_space<semaphore_mem>>
        %dma_start3A_253 = arith.constant 0 : i32
        %dma_start3A_254 = tpu.memref_slice %arg18[%add3A_252, %dma_start3A_253] : memref<10240x128xf32, #tpu.memory_space<vmem_shared>> -> memref<80x128xf32, #tpu.memory_space<vmem_shared>>
        %dma_start3A_255 = arith.constant 0 : i32
        %dma_start3A_256 = tpu.memref_slice %arg18[%add3A_252, %dma_start3A_255] : memref<10240x128xf32, #tpu.memory_space<vmem_shared>> -> memref<80x128xf32, #tpu.memory_space<vmem_shared>>
        tpu.enqueue_dma source(%arg14 : memref<80x128xf32, #tpu.memory_space<vmem>>) target(%dma_start3A_256 : memref<80x128xf32, #tpu.memory_space<vmem_shared>>) target_semaphore(%run_scoped3A : memref<!tpu.dma_semaphore, #tpu.memory_space<semaphore_mem>>)
        %dma_wait3A_257 = arith.constant 0 : i32
        %dma_wait3A_258 = tpu.memref_slice %arg18[%add3A_252, %dma_wait3A_257] : memref<10240x128xf32, #tpu.memory_space<vmem_shared>> -> memref<80x128xf32, #tpu.memory_space<vmem_shared>>
        %dma_wait3A_259 = arith.constant 0 : i32
        %dma_wait3A_260 = tpu.memref_slice %arg18[%add3A_252, %dma_wait3A_259] : memref<10240x128xf32, #tpu.memory_space<vmem_shared>> -> memref<80x128xf32, #tpu.memory_space<vmem_shared>>
        tpu.wait_dma2 semaphore(%run_scoped3A : memref<!tpu.dma_semaphore, #tpu.memory_space<semaphore_mem>>) src(%arg14 : memref<80x128xf32, #tpu.memory_space<vmem>>) dst(%dma_wait3A_260 : memref<80x128xf32, #tpu.memory_space<vmem_shared>>)
        tpu.yield
      }) : () -> ()
    }
    %scan3A_10 = arith.constant 8 : i32
    %barrier3A = arith.constant 0 : index
    tpu.barrier barrier_id(%barrier3A)
    %mul3A_11 = arith.constant 10240 : i32
    %mul3A_12 = arith.muli %add3A, %mul3A_11 : i32
    %add3A_13 = arith.constant 0 : i32
    %add3A_14 = arith.addi %mul3A_12, %add3A_13 : i32
    %dma_start3A = tpu.memref_slice %arg2[%add3A_14] : memref<327680xi32, #tpu.memory_space<hbm>> -> memref<80xi32, #tpu.memory_space<hbm>>
    %dma_start3A_15 = tpu.memref_slice %arg2[%add3A_14] : memref<327680xi32, #tpu.memory_space<hbm>> -> memref<80xi32, #tpu.memory_space<hbm>>
    tpu.enqueue_dma source(%dma_start3A_15 : memref<80xi32, #tpu.memory_space<hbm>>) target(%arg6 : memref<80xi32, #tpu.memory_space<vmem>>) target_semaphore(%arg19 : memref<!tpu.dma_semaphore, #tpu.memory_space<semaphore_mem>>)
    %dma_start3A_16 = tpu.memref_slice %arg3[%add3A_14] : memref<327680xi32, #tpu.memory_space<hbm>> -> memref<80xi32, #tpu.memory_space<hbm>>
    %dma_start3A_17 = tpu.memref_slice %arg3[%add3A_14] : memref<327680xi32, #tpu.memory_space<hbm>> -> memref<80xi32, #tpu.memory_space<hbm>>
    tpu.enqueue_dma source(%dma_start3A_17 : memref<80xi32, #tpu.memory_space<hbm>>) target(%arg10 : memref<80xi32, #tpu.memory_space<vmem>>) target_semaphore(%arg19 : memref<!tpu.dma_semaphore, #tpu.memory_space<semaphore_mem>>)
    %mul3A_18 = arith.constant 10240 : i32
    %mul3A_19 = arith.muli %add3A, %mul3A_18 : i32
    %add3A_20 = arith.constant 80 : i32
    %add3A_21 = arith.addi %mul3A_19, %add3A_20 : i32
    %dma_start3A_22 = tpu.memref_slice %arg2[%add3A_21] : memref<327680xi32, #tpu.memory_space<hbm>> -> memref<80xi32, #tpu.memory_space<hbm>>
    %dma_start3A_23 = tpu.memref_slice %arg2[%add3A_21] : memref<327680xi32, #tpu.memory_space<hbm>> -> memref<80xi32, #tpu.memory_space<hbm>>
    tpu.enqueue_dma source(%dma_start3A_23 : memref<80xi32, #tpu.memory_space<hbm>>) target(%arg7 : memref<80xi32, #tpu.memory_space<vmem>>) target_semaphore(%arg20 : memref<!tpu.dma_semaphore, #tpu.memory_space<semaphore_mem>>)
    %dma_start3A_24 = tpu.memref_slice %arg3[%add3A_21] : memref<327680xi32, #tpu.memory_space<hbm>> -> memref<80xi32, #tpu.memory_space<hbm>>
    %dma_start3A_25 = tpu.memref_slice %arg3[%add3A_21] : memref<327680xi32, #tpu.memory_space<hbm>> -> memref<80xi32, #tpu.memory_space<hbm>>
    tpu.enqueue_dma source(%dma_start3A_25 : memref<80xi32, #tpu.memory_space<hbm>>) target(%arg11 : memref<80xi32, #tpu.memory_space<vmem>>) target_semaphore(%arg20 : memref<!tpu.dma_semaphore, #tpu.memory_space<semaphore_mem>>)
    %dma_wait3A = arith.constant 0 : i32
    %dma_wait3A_26 = tpu.memref_slice %arg2[%dma_wait3A] : memref<327680xi32, #tpu.memory_space<hbm>> -> memref<80xi32, #tpu.memory_space<hbm>>
    %dma_wait3A_27 = arith.constant 0 : i32
    %dma_wait3A_28 = tpu.memref_slice %arg2[%dma_wait3A_27] : memref<327680xi32, #tpu.memory_space<hbm>> -> memref<80xi32, #tpu.memory_space<hbm>>
    tpu.wait_dma2 semaphore(%arg19 : memref<!tpu.dma_semaphore, #tpu.memory_space<semaphore_mem>>) src(%dma_wait3A_28 : memref<80xi32, #tpu.memory_space<hbm>>) dst(%arg6 : memref<80xi32, #tpu.memory_space<vmem>>)
    %dma_wait3A_29 = arith.constant 0 : i32
    %dma_wait3A_30 = tpu.memref_slice %arg3[%dma_wait3A_29] : memref<327680xi32, #tpu.memory_space<hbm>> -> memref<80xi32, #tpu.memory_space<hbm>>
    %dma_wait3A_31 = arith.constant 0 : i32
    %dma_wait3A_32 = tpu.memref_slice %arg3[%dma_wait3A_31] : memref<327680xi32, #tpu.memory_space<hbm>> -> memref<80xi32, #tpu.memory_space<hbm>>
    tpu.wait_dma2 semaphore(%arg19 : memref<!tpu.dma_semaphore, #tpu.memory_space<semaphore_mem>>) src(%dma_wait3A_32 : memref<80xi32, #tpu.memory_space<hbm>>) dst(%arg10 : memref<80xi32, #tpu.memory_space<vmem>>)
    %dma_start3A_33 = arith.constant 0 : i32
    %dma_start3A_34 = arith.constant 0 : i32
    %dma_start3A_35 = tpu.memref_slice %arg4[%dma_start3A_33, %dma_start3A_34] : memref<10240x128xf32, #tpu.memory_space<hbm>> -> memref<10240x128xf32, #tpu.memory_space<hbm>>
    tpu.enqueue_indirect_dma source(%dma_start3A_35 : memref<10240x128xf32, #tpu.memory_space<hbm>>) target(%arg14 : memref<80x128xf32, #tpu.memory_space<vmem>>) offsets(%arg6 : memref<80xi32, #tpu.memory_space<vmem>>) semaphore(%arg23 : memref<!tpu.dma_semaphore, #tpu.memory_space<semaphore_mem>>)
    %mul3A_36 = arith.constant 10240 : i32
    %mul3A_37 = arith.muli %add3A, %mul3A_36 : i32
    %add3A_38 = arith.constant 160 : i32
    %add3A_39 = arith.addi %mul3A_37, %add3A_38 : i32
    %dma_start3A_40 = tpu.memref_slice %arg2[%add3A_39] : memref<327680xi32, #tpu.memory_space<hbm>> -> memref<80xi32, #tpu.memory_space<hbm>>
    %dma_start3A_41 = tpu.memref_slice %arg2[%add3A_39] : memref<327680xi32, #tpu.memory_space<hbm>> -> memref<80xi32, #tpu.memory_space<hbm>>
    tpu.enqueue_dma source(%dma_start3A_41 : memref<80xi32, #tpu.memory_space<hbm>>) target(%arg8 : memref<80xi32, #tpu.memory_space<vmem>>) target_semaphore(%arg21 : memref<!tpu.dma_semaphore, #tpu.memory_space<semaphore_mem>>)
    %dma_start3A_42 = tpu.memref_slice %arg3[%add3A_39] : memref<327680xi32, #tpu.memory_space<hbm>> -> memref<80xi32, #tpu.memory_space<hbm>>
    %dma_start3A_43 = tpu.memref_slice %arg3[%add3A_39] : memref<327680xi32, #tpu.memory_space<hbm>> -> memref<80xi32, #tpu.memory_space<hbm>>
    tpu.enqueue_dma source(%dma_start3A_43 : memref<80xi32, #tpu.memory_space<hbm>>) target(%arg12 : memref<80xi32, #tpu.memory_space<vmem>>) target_semaphore(%arg21 : memref<!tpu.dma_semaphore, #tpu.memory_space<semaphore_mem>>)
    %dma_wait3A_44 = arith.constant 0 : i32
    %dma_wait3A_45 = tpu.memref_slice %arg2[%dma_wait3A_44] : memref<327680xi32, #tpu.memory_space<hbm>> -> memref<80xi32, #tpu.memory_space<hbm>>
    %dma_wait3A_46 = arith.constant 0 : i32
    %dma_wait3A_47 = tpu.memref_slice %arg2[%dma_wait3A_46] : memref<327680xi32, #tpu.memory_space<hbm>> -> memref<80xi32, #tpu.memory_space<hbm>>
    tpu.wait_dma2 semaphore(%arg20 : memref<!tpu.dma_semaphore, #tpu.memory_space<semaphore_mem>>) src(%dma_wait3A_47 : memref<80xi32, #tpu.memory_space<hbm>>) dst(%arg7 : memref<80xi32, #tpu.memory_space<vmem>>)
    %dma_wait3A_48 = arith.constant 0 : i32
    %dma_wait3A_49 = tpu.memref_slice %arg3[%dma_wait3A_48] : memref<327680xi32, #tpu.memory_space<hbm>> -> memref<80xi32, #tpu.memory_space<hbm>>
    %dma_wait3A_50 = arith.constant 0 : i32
    %dma_wait3A_51 = tpu.memref_slice %arg3[%dma_wait3A_50] : memref<327680xi32, #tpu.memory_space<hbm>> -> memref<80xi32, #tpu.memory_space<hbm>>
    tpu.wait_dma2 semaphore(%arg20 : memref<!tpu.dma_semaphore, #tpu.memory_space<semaphore_mem>>) src(%dma_wait3A_51 : memref<80xi32, #tpu.memory_space<hbm>>) dst(%arg11 : memref<80xi32, #tpu.memory_space<vmem>>)
    %dma_start3A_52 = arith.constant 0 : i32
    %dma_start3A_53 = arith.constant 0 : i32
    %dma_start3A_54 = tpu.memref_slice %arg4[%dma_start3A_52, %dma_start3A_53] : memref<10240x128xf32, #tpu.memory_space<hbm>> -> memref<10240x128xf32, #tpu.memory_space<hbm>>
    tpu.enqueue_indirect_dma source(%dma_start3A_54 : memref<10240x128xf32, #tpu.memory_space<hbm>>) target(%arg15 : memref<80x128xf32, #tpu.memory_space<vmem>>) offsets(%arg7 : memref<80xi32, #tpu.memory_space<vmem>>) semaphore(%arg24 : memref<!tpu.dma_semaphore, #tpu.memory_space<semaphore_mem>>)
    %dma_wait3A_55 = arith.constant 0 : i32
    %dma_wait3A_56 = arith.constant 0 : i32
    %dma_wait3A_57 = tpu.memref_slice %arg4[%dma_wait3A_55, %dma_wait3A_56] : memref<10240x128xf32, #tpu.memory_space<hbm>> -> memref<10240x128xf32, #tpu.memory_space<hbm>>
    tpu.wait_indirect_dma semaphore(%arg23 : memref<!tpu.dma_semaphore, #tpu.memory_space<semaphore_mem>>) src(%dma_wait3A_57 : memref<10240x128xf32, #tpu.memory_space<hbm>>) dst(%arg14 : memref<80x128xf32, #tpu.memory_space<vmem>>)
    %dma_start3A_58 = arith.constant 0 : i32
    %dma_start3A_59 = arith.constant 0 : i32
    %dma_start3A_60 = tpu.memref_slice %arg18[%dma_start3A_58, %dma_start3A_59] : memref<10240x128xf32, #tpu.memory_space<vmem_shared>> -> memref<10240x128xf32, #tpu.memory_space<vmem_shared>>
    tpu.enqueue_indirect_dma source(%arg14 : memref<80x128xf32, #tpu.memory_space<vmem>>) target(%dma_start3A_60 : memref<10240x128xf32, #tpu.memory_space<vmem_shared>>) offsets(%arg10 : memref<80xi32, #tpu.memory_space<vmem>>) semaphore(%arg27 : memref<!tpu.dma_semaphore, #tpu.memory_space<semaphore_mem>>) {add = true}
    %mul3A_61 = arith.constant 10240 : i32
    %mul3A_62 = arith.muli %add3A, %mul3A_61 : i32
    %add3A_63 = arith.constant 240 : i32
    %add3A_64 = arith.addi %mul3A_62, %add3A_63 : i32
    %dma_start3A_65 = tpu.memref_slice %arg2[%add3A_64] : memref<327680xi32, #tpu.memory_space<hbm>> -> memref<80xi32, #tpu.memory_space<hbm>>
    %dma_start3A_66 = tpu.memref_slice %arg2[%add3A_64] : memref<327680xi32, #tpu.memory_space<hbm>> -> memref<80xi32, #tpu.memory_space<hbm>>
    tpu.enqueue_dma source(%dma_start3A_66 : memref<80xi32, #tpu.memory_space<hbm>>) target(%arg9 : memref<80xi32, #tpu.memory_space<vmem>>) target_semaphore(%arg22 : memref<!tpu.dma_semaphore, #tpu.memory_space<semaphore_mem>>)
    %dma_start3A_67 = tpu.memref_slice %arg3[%add3A_64] : memref<327680xi32, #tpu.memory_space<hbm>> -> memref<80xi32, #tpu.memory_space<hbm>>
    %dma_start3A_68 = tpu.memref_slice %arg3[%add3A_64] : memref<327680xi32, #tpu.memory_space<hbm>> -> memref<80xi32, #tpu.memory_space<hbm>>
    tpu.enqueue_dma source(%dma_start3A_68 : memref<80xi32, #tpu.memory_space<hbm>>) target(%arg13 : memref<80xi32, #tpu.memory_space<vmem>>) target_semaphore(%arg22 : memref<!tpu.dma_semaphore, #tpu.memory_space<semaphore_mem>>)
    %dma_wait3A_69 = arith.constant 0 : i32
    %dma_wait3A_70 = tpu.memref_slice %arg2[%dma_wait3A_69] : memref<327680xi32, #tpu.memory_space<hbm>> -> memref<80xi32, #tpu.memory_space<hbm>>
    %dma_wait3A_71 = arith.constant 0 : i32
    %dma_wait3A_72 = tpu.memref_slice %arg2[%dma_wait3A_71] : memref<327680xi32, #tpu.memory_space<hbm>> -> memref<80xi32, #tpu.memory_space<hbm>>
    tpu.wait_dma2 semaphore(%arg21 : memref<!tpu.dma_semaphore, #tpu.memory_space<semaphore_mem>>) src(%dma_wait3A_72 : memref<80xi32, #tpu.memory_space<hbm>>) dst(%arg8 : memref<80xi32, #tpu.memory_space<vmem>>)
    %dma_wait3A_73 = arith.constant 0 : i32
    %dma_wait3A_74 = tpu.memref_slice %arg3[%dma_wait3A_73] : memref<327680xi32, #tpu.memory_space<hbm>> -> memref<80xi32, #tpu.memory_space<hbm>>
    %dma_wait3A_75 = arith.constant 0 : i32
    %dma_wait3A_76 = tpu.memref_slice %arg3[%dma_wait3A_75] : memref<327680xi32, #tpu.memory_space<hbm>> -> memref<80xi32, #tpu.memory_space<hbm>>
    tpu.wait_dma2 semaphore(%arg21 : memref<!tpu.dma_semaphore, #tpu.memory_space<semaphore_mem>>) src(%dma_wait3A_76 : memref<80xi32, #tpu.memory_space<hbm>>) dst(%arg12 : memref<80xi32, #tpu.memory_space<vmem>>)
    %dma_start3A_77 = arith.constant 0 : i32
    %dma_start3A_78 = arith.constant 0 : i32
    %dma_start3A_79 = tpu.memref_slice %arg4[%dma_start3A_77, %dma_start3A_78] : memref<10240x128xf32, #tpu.memory_space<hbm>> -> memref<10240x128xf32, #tpu.memory_space<hbm>>
    tpu.enqueue_indirect_dma source(%dma_start3A_79 : memref<10240x128xf32, #tpu.memory_space<hbm>>) target(%arg16 : memref<80x128xf32, #tpu.memory_space<vmem>>) offsets(%arg8 : memref<80xi32, #tpu.memory_space<vmem>>) semaphore(%arg25 : memref<!tpu.dma_semaphore, #tpu.memory_space<semaphore_mem>>)
    %dma_wait3A_80 = arith.constant 0 : i32
    %dma_wait3A_81 = arith.constant 0 : i32
    %dma_wait3A_82 = tpu.memref_slice %arg4[%dma_wait3A_80, %dma_wait3A_81] : memref<10240x128xf32, #tpu.memory_space<hbm>> -> memref<10240x128xf32, #tpu.memory_space<hbm>>
    tpu.wait_indirect_dma semaphore(%arg24 : memref<!tpu.dma_semaphore, #tpu.memory_space<semaphore_mem>>) src(%dma_wait3A_82 : memref<10240x128xf32, #tpu.memory_space<hbm>>) dst(%arg15 : memref<80x128xf32, #tpu.memory_space<vmem>>)
    %dma_start3A_83 = arith.constant 0 : i32
    %dma_start3A_84 = arith.constant 0 : i32
    %dma_start3A_85 = tpu.memref_slice %arg18[%dma_start3A_83, %dma_start3A_84] : memref<10240x128xf32, #tpu.memory_space<vmem_shared>> -> memref<10240x128xf32, #tpu.memory_space<vmem_shared>>
    tpu.enqueue_indirect_dma source(%arg15 : memref<80x128xf32, #tpu.memory_space<vmem>>) target(%dma_start3A_85 : memref<10240x128xf32, #tpu.memory_space<vmem_shared>>) offsets(%arg11 : memref<80xi32, #tpu.memory_space<vmem>>) semaphore(%arg28 : memref<!tpu.dma_semaphore, #tpu.memory_space<semaphore_mem>>) {add = true}
    %dma_wait3A_86 = arith.constant 0 : i32
    %dma_wait3A_87 = arith.constant 0 : i32
    %dma_wait3A_88 = tpu.memref_slice %arg18[%dma_wait3A_86, %dma_wait3A_87] : memref<10240x128xf32, #tpu.memory_space<vmem_shared>> -> memref<10240x128xf32, #tpu.memory_space<vmem_shared>>
    tpu.wait_indirect_dma semaphore(%arg27 : memref<!tpu.dma_semaphore, #tpu.memory_space<semaphore_mem>>) src(%arg14 : memref<80x128xf32, #tpu.memory_space<vmem>>) dst(%dma_wait3A_88 : memref<10240x128xf32, #tpu.memory_space<vmem_shared>>)
    %mul3A_89 = arith.constant 10240 : i32
    %mul3A_90 = arith.muli %add3A, %mul3A_89 : i32
    %add3A_91 = arith.constant 320 : i32
    %add3A_92 = arith.addi %mul3A_90, %add3A_91 : i32
    %dma_start3A_93 = tpu.memref_slice %arg2[%add3A_92] : memref<327680xi32, #tpu.memory_space<hbm>> -> memref<80xi32, #tpu.memory_space<hbm>>
    %dma_start3A_94 = tpu.memref_slice %arg2[%add3A_92] : memref<327680xi32, #tpu.memory_space<hbm>> -> memref<80xi32, #tpu.memory_space<hbm>>
    tpu.enqueue_dma source(%dma_start3A_94 : memref<80xi32, #tpu.memory_space<hbm>>) target(%arg6 : memref<80xi32, #tpu.memory_space<vmem>>) target_semaphore(%arg19 : memref<!tpu.dma_semaphore, #tpu.memory_space<semaphore_mem>>)
    %dma_start3A_95 = tpu.memref_slice %arg3[%add3A_92] : memref<327680xi32, #tpu.memory_space<hbm>> -> memref<80xi32, #tpu.memory_space<hbm>>
    %dma_start3A_96 = tpu.memref_slice %arg3[%add3A_92] : memref<327680xi32, #tpu.memory_space<hbm>> -> memref<80xi32, #tpu.memory_space<hbm>>
    tpu.enqueue_dma source(%dma_start3A_96 : memref<80xi32, #tpu.memory_space<hbm>>) target(%arg10 : memref<80xi32, #tpu.memory_space<vmem>>) target_semaphore(%arg19 : memref<!tpu.dma_semaphore, #tpu.memory_space<semaphore_mem>>)
    %dma_wait3A_97 = arith.constant 0 : i32
    %dma_wait3A_98 = tpu.memref_slice %arg2[%dma_wait3A_97] : memref<327680xi32, #tpu.memory_space<hbm>> -> memref<80xi32, #tpu.memory_space<hbm>>
    %dma_wait3A_99 = arith.constant 0 : i32
    %dma_wait3A_100 = tpu.memref_slice %arg2[%dma_wait3A_99] : memref<327680xi32, #tpu.memory_space<hbm>> -> memref<80xi32, #tpu.memory_space<hbm>>
    tpu.wait_dma2 semaphore(%arg22 : memref<!tpu.dma_semaphore, #tpu.memory_space<semaphore_mem>>) src(%dma_wait3A_100 : memref<80xi32, #tpu.memory_space<hbm>>) dst(%arg9 : memref<80xi32, #tpu.memory_space<vmem>>)
    %dma_wait3A_101 = arith.constant 0 : i32
    %dma_wait3A_102 = tpu.memref_slice %arg3[%dma_wait3A_101] : memref<327680xi32, #tpu.memory_space<hbm>> -> memref<80xi32, #tpu.memory_space<hbm>>
    %dma_wait3A_103 = arith.constant 0 : i32
    %dma_wait3A_104 = tpu.memref_slice %arg3[%dma_wait3A_103] : memref<327680xi32, #tpu.memory_space<hbm>> -> memref<80xi32, #tpu.memory_space<hbm>>
    tpu.wait_dma2 semaphore(%arg22 : memref<!tpu.dma_semaphore, #tpu.memory_space<semaphore_mem>>) src(%dma_wait3A_104 : memref<80xi32, #tpu.memory_space<hbm>>) dst(%arg13 : memref<80xi32, #tpu.memory_space<vmem>>)
    %dma_start3A_105 = arith.constant 0 : i32
    %dma_start3A_106 = arith.constant 0 : i32
    %dma_start3A_107 = tpu.memref_slice %arg4[%dma_start3A_105, %dma_start3A_106] : memref<10240x128xf32, #tpu.memory_space<hbm>> -> memref<10240x128xf32, #tpu.memory_space<hbm>>
    tpu.enqueue_indirect_dma source(%dma_start3A_107 : memref<10240x128xf32, #tpu.memory_space<hbm>>) target(%arg17 : memref<80x128xf32, #tpu.memory_space<vmem>>) offsets(%arg9 : memref<80xi32, #tpu.memory_space<vmem>>) semaphore(%arg26 : memref<!tpu.dma_semaphore, #tpu.memory_space<semaphore_mem>>)
    %dma_wait3A_108 = arith.constant 0 : i32
    %dma_wait3A_109 = arith.constant 0 : i32
    %dma_wait3A_110 = tpu.memref_slice %arg4[%dma_wait3A_108, %dma_wait3A_109] : memref<10240x128xf32, #tpu.memory_space<hbm>> -> memref<10240x128xf32, #tpu.memory_space<hbm>>
    tpu.wait_indirect_dma semaphore(%arg25 : memref<!tpu.dma_semaphore, #tpu.memory_space<semaphore_mem>>) src(%dma_wait3A_110 : memref<10240x128xf32, #tpu.memory_space<hbm>>) dst(%arg16 : memref<80x128xf32, #tpu.memory_space<vmem>>)
    %dma_start3A_111 = arith.constant 0 : i32
    %dma_start3A_112 = arith.constant 0 : i32
    %dma_start3A_113 = tpu.memref_slice %arg18[%dma_start3A_111, %dma_start3A_112] : memref<10240x128xf32, #tpu.memory_space<vmem_shared>> -> memref<10240x128xf32, #tpu.memory_space<vmem_shared>>
    tpu.enqueue_indirect_dma source(%arg16 : memref<80x128xf32, #tpu.memory_space<vmem>>) target(%dma_start3A_113 : memref<10240x128xf32, #tpu.memory_space<vmem_shared>>) offsets(%arg12 : memref<80xi32, #tpu.memory_space<vmem>>) semaphore(%arg29 : memref<!tpu.dma_semaphore, #tpu.memory_space<semaphore_mem>>) {add = true}
    %dma_wait3A_114 = arith.constant 0 : i32
    %dma_wait3A_115 = arith.constant 0 : i32
    %dma_wait3A_116 = tpu.memref_slice %arg18[%dma_wait3A_114, %dma_wait3A_115] : memref<10240x128xf32, #tpu.memory_space<vmem_shared>> -> memref<10240x128xf32, #tpu.memory_space<vmem_shared>>
    tpu.wait_indirect_dma semaphore(%arg28 : memref<!tpu.dma_semaphore, #tpu.memory_space<semaphore_mem>>) src(%arg15 : memref<80x128xf32, #tpu.memory_space<vmem>>) dst(%dma_wait3A_116 : memref<10240x128xf32, #tpu.memory_space<vmem_shared>>)
    %mul3A_117 = arith.constant 10240 : i32
    %mul3A_118 = arith.muli %add3A, %mul3A_117 : i32
    %add3A_119 = arith.constant 400 : i32
    %add3A_120 = arith.addi %mul3A_118, %add3A_119 : i32
    %dma_start3A_121 = tpu.memref_slice %arg2[%add3A_120] : memref<327680xi32, #tpu.memory_space<hbm>> -> memref<80xi32, #tpu.memory_space<hbm>>
    %dma_start3A_122 = tpu.memref_slice %arg2[%add3A_120] : memref<327680xi32, #tpu.memory_space<hbm>> -> memref<80xi32, #tpu.memory_space<hbm>>
    tpu.enqueue_dma source(%dma_start3A_122 : memref<80xi32, #tpu.memory_space<hbm>>) target(%arg7 : memref<80xi32, #tpu.memory_space<vmem>>) target_semaphore(%arg20 : memref<!tpu.dma_semaphore, #tpu.memory_space<semaphore_mem>>)
    %dma_start3A_123 = tpu.memref_slice %arg3[%add3A_120] : memref<327680xi32, #tpu.memory_space<hbm>> -> memref<80xi32, #tpu.memory_space<hbm>>
    %dma_start3A_124 = tpu.memref_slice %arg3[%add3A_120] : memref<327680xi32, #tpu.memory_space<hbm>> -> memref<80xi32, #tpu.memory_space<hbm>>
    tpu.enqueue_dma source(%dma_start3A_124 : memref<80xi32, #tpu.memory_space<hbm>>) target(%arg11 : memref<80xi32, #tpu.memory_space<vmem>>) target_semaphore(%arg20 : memref<!tpu.dma_semaphore, #tpu.memory_space<semaphore_mem>>)
    %dma_wait3A_125 = arith.constant 0 : i32
    %dma_wait3A_126 = tpu.memref_slice %arg2[%dma_wait3A_125] : memref<327680xi32, #tpu.memory_space<hbm>> -> memref<80xi32, #tpu.memory_space<hbm>>
    %dma_wait3A_127 = arith.constant 0 : i32
    %dma_wait3A_128 = tpu.memref_slice %arg2[%dma_wait3A_127] : memref<327680xi32, #tpu.memory_space<hbm>> -> memref<80xi32, #tpu.memory_space<hbm>>
    tpu.wait_dma2 semaphore(%arg19 : memref<!tpu.dma_semaphore, #tpu.memory_space<semaphore_mem>>) src(%dma_wait3A_128 : memref<80xi32, #tpu.memory_space<hbm>>) dst(%arg6 : memref<80xi32, #tpu.memory_space<vmem>>)
    %dma_wait3A_129 = arith.constant 0 : i32
    %dma_wait3A_130 = tpu.memref_slice %arg3[%dma_wait3A_129] : memref<327680xi32, #tpu.memory_space<hbm>> -> memref<80xi32, #tpu.memory_space<hbm>>
    %dma_wait3A_131 = arith.constant 0 : i32
    %dma_wait3A_132 = tpu.memref_slice %arg3[%dma_wait3A_131] : memref<327680xi32, #tpu.memory_space<hbm>> -> memref<80xi32, #tpu.memory_space<hbm>>
    tpu.wait_dma2 semaphore(%arg19 : memref<!tpu.dma_semaphore, #tpu.memory_space<semaphore_mem>>) src(%dma_wait3A_132 : memref<80xi32, #tpu.memory_space<hbm>>) dst(%arg10 : memref<80xi32, #tpu.memory_space<vmem>>)
    %dma_start3A_133 = arith.constant 0 : i32
    %dma_start3A_134 = arith.constant 0 : i32
    %dma_start3A_135 = tpu.memref_slice %arg4[%dma_start3A_133, %dma_start3A_134] : memref<10240x128xf32, #tpu.memory_space<hbm>> -> memref<10240x128xf32, #tpu.memory_space<hbm>>
    tpu.enqueue_indirect_dma source(%dma_start3A_135 : memref<10240x128xf32, #tpu.memory_space<hbm>>) target(%arg14 : memref<80x128xf32, #tpu.memory_space<vmem>>) offsets(%arg6 : memref<80xi32, #tpu.memory_space<vmem>>) semaphore(%arg23 : memref<!tpu.dma_semaphore, #tpu.memory_space<semaphore_mem>>)
    %dma_wait3A_136 = arith.constant 0 : i32
    %dma_wait3A_137 = arith.constant 0 : i32
    %dma_wait3A_138 = tpu.memref_slice %arg4[%dma_wait3A_136, %dma_wait3A_137] : memref<10240x128xf32, #tpu.memory_space<hbm>> -> memref<10240x128xf32, #tpu.memory_space<hbm>>
    tpu.wait_indirect_dma semaphore(%arg26 : memref<!tpu.dma_semaphore, #tpu.memory_space<semaphore_mem>>) src(%dma_wait3A_138 : memref<10240x128xf32, #tpu.memory_space<hbm>>) dst(%arg17 : memref<80x128xf32, #tpu.memory_space<vmem>>)
    %dma_start3A_139 = arith.constant 0 : i32
    %dma_start3A_140 = arith.constant 0 : i32
    %dma_start3A_141 = tpu.memref_slice %arg18[%dma_start3A_139, %dma_start3A_140] : memref<10240x128xf32, #tpu.memory_space<vmem_shared>> -> memref<10240x128xf32, #tpu.memory_space<vmem_shared>>
    tpu.enqueue_indirect_dma source(%arg17 : memref<80x128xf32, #tpu.memory_space<vmem>>) target(%dma_start3A_141 : memref<10240x128xf32, #tpu.memory_space<vmem_shared>>) offsets(%arg13 : memref<80xi32, #tpu.memory_space<vmem>>) semaphore(%arg30 : memref<!tpu.dma_semaphore, #tpu.memory_space<semaphore_mem>>) {add = true}
    %scan3A_142 = arith.constant 0 : i32
    %scan3A_143 = arith.constant 30 : i32
    %scan3A_144 = arith.addi %scan3A_142, %scan3A_143 : i32
    %scan3A_145 = arith.constant 1 : i32
    scf.for %scan3A_243 = %scan3A_142 to %scan3A_144 step %scan3A_145  : i32 {
      %mul3A_244 = arith.constant 1 : i32
      %mul3A_245 = arith.muli %scan3A_243, %mul3A_244 : i32
      %add3A_246 = arith.constant 1 : i32
      %add3A_247 = arith.addi %add3A_246, %mul3A_245 : i32
      %mul3A_248 = arith.constant 4 : i32
      %mul3A_249 = arith.muli %add3A_247, %mul3A_248 : i32
      %add3A_250 = arith.constant 0 : i32
      %add3A_251 = arith.addi %mul3A_249, %add3A_250 : i32
      %dma_wait3A_252 = arith.constant 0 : i32
      %dma_wait3A_253 = arith.constant 0 : i32
      %dma_wait3A_254 = tpu.memref_slice %arg18[%dma_wait3A_252, %dma_wait3A_253] : memref<10240x128xf32, #tpu.memory_space<vmem_shared>> -> memref<10240x128xf32, #tpu.memory_space<vmem_shared>>
      tpu.wait_indirect_dma semaphore(%arg29 : memref<!tpu.dma_semaphore, #tpu.memory_space<semaphore_mem>>) src(%arg16 : memref<80x128xf32, #tpu.memory_space<vmem>>) dst(%dma_wait3A_254 : memref<10240x128xf32, #tpu.memory_space<vmem_shared>>)
      %add3A_255 = arith.constant 2 : i32
      %add3A_256 = arith.addi %add3A_251, %add3A_255 : i32
      %mul3A_257 = arith.constant 10240 : i32
      %mul3A_258 = arith.muli %add3A, %mul3A_257 : i32
      %mul3A_259 = arith.constant 80 : i32
      %mul3A_260 = arith.muli %add3A_256, %mul3A_259 : i32
      %add3A_261 = arith.addi %mul3A_258, %mul3A_260 : i32
      %dma_start3A_262 = tpu.memref_slice %arg2[%add3A_261] : memref<327680xi32, #tpu.memory_space<hbm>> -> memref<80xi32, #tpu.memory_space<hbm>>
      %dma_start3A_263 = tpu.memref_slice %arg2[%add3A_261] : memref<327680xi32, #tpu.memory_space<hbm>> -> memref<80xi32, #tpu.memory_space<hbm>>
      tpu.enqueue_dma source(%dma_start3A_263 : memref<80xi32, #tpu.memory_space<hbm>>) target(%arg8 : memref<80xi32, #tpu.memory_space<vmem>>) target_semaphore(%arg21 : memref<!tpu.dma_semaphore, #tpu.memory_space<semaphore_mem>>)
      %dma_start3A_264 = tpu.memref_slice %arg3[%add3A_261] : memref<327680xi32, #tpu.memory_space<hbm>> -> memref<80xi32, #tpu.memory_space<hbm>>
      %dma_start3A_265 = tpu.memref_slice %arg3[%add3A_261] : memref<327680xi32, #tpu.memory_space<hbm>> -> memref<80xi32, #tpu.memory_space<hbm>>
      tpu.enqueue_dma source(%dma_start3A_265 : memref<80xi32, #tpu.memory_space<hbm>>) target(%arg12 : memref<80xi32, #tpu.memory_space<vmem>>) target_semaphore(%arg21 : memref<!tpu.dma_semaphore, #tpu.memory_space<semaphore_mem>>)
      %dma_wait3A_266 = arith.constant 0 : i32
      %dma_wait3A_267 = tpu.memref_slice %arg2[%dma_wait3A_266] : memref<327680xi32, #tpu.memory_space<hbm>> -> memref<80xi32, #tpu.memory_space<hbm>>
      %dma_wait3A_268 = arith.constant 0 : i32
      %dma_wait3A_269 = tpu.memref_slice %arg2[%dma_wait3A_268] : memref<327680xi32, #tpu.memory_space<hbm>> -> memref<80xi32, #tpu.memory_space<hbm>>
      tpu.wait_dma2 semaphore(%arg20 : memref<!tpu.dma_semaphore, #tpu.memory_space<semaphore_mem>>) src(%dma_wait3A_269 : memref<80xi32, #tpu.memory_space<hbm>>) dst(%arg7 : memref<80xi32, #tpu.memory_space<vmem>>)
      %dma_wait3A_270 = arith.constant 0 : i32
      %dma_wait3A_271 = tpu.memref_slice %arg3[%dma_wait3A_270] : memref<327680xi32, #tpu.memory_space<hbm>> -> memref<80xi32, #tpu.memory_space<hbm>>
      %dma_wait3A_272 = arith.constant 0 : i32
      %dma_wait3A_273 = tpu.memref_slice %arg3[%dma_wait3A_272] : memref<327680xi32, #tpu.memory_space<hbm>> -> memref<80xi32, #tpu.memory_space<hbm>>
      tpu.wait_dma2 semaphore(%arg20 : memref<!tpu.dma_semaphore, #tpu.memory_space<semaphore_mem>>) src(%dma_wait3A_273 : memref<80xi32, #tpu.memory_space<hbm>>) dst(%arg11 : memref<80xi32, #tpu.memory_space<vmem>>)
      %add3A_274 = arith.constant 1 : i32
      %add3A_275 = arith.addi %add3A_251, %add3A_274 : i32
      %dma_start3A_276 = arith.constant 0 : i32
      %dma_start3A_277 = arith.constant 0 : i32
      %dma_start3A_278 = tpu.memref_slice %arg4[%dma_start3A_276, %dma_start3A_277] : memref<10240x128xf32, #tpu.memory_space<hbm>> -> memref<10240x128xf32, #tpu.memory_space<hbm>>
      tpu.enqueue_indirect_dma source(%dma_start3A_278 : memref<10240x128xf32, #tpu.memory_space<hbm>>) target(%arg15 : memref<80x128xf32, #tpu.memory_space<vmem>>) offsets(%arg7 : memref<80xi32, #tpu.memory_space<vmem>>) semaphore(%arg24 : memref<!tpu.dma_semaphore, #tpu.memory_space<semaphore_mem>>)
      %dma_wait3A_279 = arith.constant 0 : i32
      %dma_wait3A_280 = arith.constant 0 : i32
      %dma_wait3A_281 = tpu.memref_slice %arg4[%dma_wait3A_279, %dma_wait3A_280] : memref<10240x128xf32, #tpu.memory_space<hbm>> -> memref<10240x128xf32, #tpu.memory_space<hbm>>
      tpu.wait_indirect_dma semaphore(%arg23 : memref<!tpu.dma_semaphore, #tpu.memory_space<semaphore_mem>>) src(%dma_wait3A_281 : memref<10240x128xf32, #tpu.memory_space<hbm>>) dst(%arg14 : memref<80x128xf32, #tpu.memory_space<vmem>>)
      %dma_start3A_282 = arith.constant 0 : i32
      %dma_start3A_283 = arith.constant 0 : i32
      %dma_start3A_284 = tpu.memref_slice %arg18[%dma_start3A_282, %dma_start3A_283] : memref<10240x128xf32, #tpu.memory_space<vmem_shared>> -> memref<10240x128xf32, #tpu.memory_space<vmem_shared>>
      tpu.enqueue_indirect_dma source(%arg14 : memref<80x128xf32, #tpu.memory_space<vmem>>) target(%dma_start3A_284 : memref<10240x128xf32, #tpu.memory_space<vmem_shared>>) offsets(%arg10 : memref<80xi32, #tpu.memory_space<vmem>>) semaphore(%arg27 : memref<!tpu.dma_semaphore, #tpu.memory_space<semaphore_mem>>) {add = true}
      %mul3A_285 = arith.constant 4 : i32
      %mul3A_286 = arith.muli %add3A_247, %mul3A_285 : i32
      %add3A_287 = arith.constant 1 : i32
      %add3A_288 = arith.addi %mul3A_286, %add3A_287 : i32
      %dma_wait3A_289 = arith.constant 0 : i32
      %dma_wait3A_290 = arith.constant 0 : i32
      %dma_wait3A_291 = tpu.memref_slice %arg18[%dma_wait3A_289, %dma_wait3A_290] : memref<10240x128xf32, #tpu.memory_space<vmem_shared>> -> memref<10240x128xf32, #tpu.memory_space<vmem_shared>>
      tpu.wait_indirect_dma semaphore(%arg30 : memref<!tpu.dma_semaphore, #tpu.memory_space<semaphore_mem>>) src(%arg17 : memref<80x128xf32, #tpu.memory_space<vmem>>) dst(%dma_wait3A_291 : memref<10240x128xf32, #tpu.memory_space<vmem_shared>>)
      %add3A_292 = arith.constant 2 : i32
      %add3A_293 = arith.addi %add3A_288, %add3A_292 : i32
      %mul3A_294 = arith.constant 10240 : i32
      %mul3A_295 = arith.muli %add3A, %mul3A_294 : i32
      %mul3A_296 = arith.constant 80 : i32
      %mul3A_297 = arith.muli %add3A_293, %mul3A_296 : i32
      %add3A_298 = arith.addi %mul3A_295, %mul3A_297 : i32
      %dma_start3A_299 = tpu.memref_slice %arg2[%add3A_298] : memref<327680xi32, #tpu.memory_space<hbm>> -> memref<80xi32, #tpu.memory_space<hbm>>
      %dma_start3A_300 = tpu.memref_slice %arg2[%add3A_298] : memref<327680xi32, #tpu.memory_space<hbm>> -> memref<80xi32, #tpu.memory_space<hbm>>
      tpu.enqueue_dma source(%dma_start3A_300 : memref<80xi32, #tpu.memory_space<hbm>>) target(%arg9 : memref<80xi32, #tpu.memory_space<vmem>>) target_semaphore(%arg22 : memref<!tpu.dma_semaphore, #tpu.memory_space<semaphore_mem>>)
      %dma_start3A_301 = tpu.memref_slice %arg3[%add3A_298] : memref<327680xi32, #tpu.memory_space<hbm>> -> memref<80xi32, #tpu.memory_space<hbm>>
      %dma_start3A_302 = tpu.memref_slice %arg3[%add3A_298] : memref<327680xi32, #tpu.memory_space<hbm>> -> memref<80xi32, #tpu.memory_space<hbm>>
      tpu.enqueue_dma source(%dma_start3A_302 : memref<80xi32, #tpu.memory_space<hbm>>) target(%arg13 : memref<80xi32, #tpu.memory_space<vmem>>) target_semaphore(%arg22 : memref<!tpu.dma_semaphore, #tpu.memory_space<semaphore_mem>>)
      %dma_wait3A_303 = arith.constant 0 : i32
      %dma_wait3A_304 = tpu.memref_slice %arg2[%dma_wait3A_303] : memref<327680xi32, #tpu.memory_space<hbm>> -> memref<80xi32, #tpu.memory_space<hbm>>
      %dma_wait3A_305 = arith.constant 0 : i32
      %dma_wait3A_306 = tpu.memref_slice %arg2[%dma_wait3A_305] : memref<327680xi32, #tpu.memory_space<hbm>> -> memref<80xi32, #tpu.memory_space<hbm>>
      tpu.wait_dma2 semaphore(%arg21 : memref<!tpu.dma_semaphore, #tpu.memory_space<semaphore_mem>>) src(%dma_wait3A_306 : memref<80xi32, #tpu.memory_space<hbm>>) dst(%arg8 : memref<80xi32, #tpu.memory_space<vmem>>)
      %dma_wait3A_307 = arith.constant 0 : i32
      %dma_wait3A_308 = tpu.memref_slice %arg3[%dma_wait3A_307] : memref<327680xi32, #tpu.memory_space<hbm>> -> memref<80xi32, #tpu.memory_space<hbm>>
      %dma_wait3A_309 = arith.constant 0 : i32
      %dma_wait3A_310 = tpu.memref_slice %arg3[%dma_wait3A_309] : memref<327680xi32, #tpu.memory_space<hbm>> -> memref<80xi32, #tpu.memory_space<hbm>>
      tpu.wait_dma2 semaphore(%arg21 : memref<!tpu.dma_semaphore, #tpu.memory_space<semaphore_mem>>) src(%dma_wait3A_310 : memref<80xi32, #tpu.memory_space<hbm>>) dst(%arg12 : memref<80xi32, #tpu.memory_space<vmem>>)
      %add3A_311 = arith.constant 1 : i32
      %add3A_312 = arith.addi %add3A_288, %add3A_311 : i32
      %dma_start3A_313 = arith.constant 0 : i32
      %dma_start3A_314 = arith.constant 0 : i32
      %dma_start3A_315 = tpu.memref_slice %arg4[%dma_start3A_313, %dma_start3A_314] : memref<10240x128xf32, #tpu.memory_space<hbm>> -> memref<10240x128xf32, #tpu.memory_space<hbm>>
      tpu.enqueue_indirect_dma source(%dma_start3A_315 : memref<10240x128xf32, #tpu.memory_space<hbm>>) target(%arg16 : memref<80x128xf32, #tpu.memory_space<vmem>>) offsets(%arg8 : memref<80xi32, #tpu.memory_space<vmem>>) semaphore(%arg25 : memref<!tpu.dma_semaphore, #tpu.memory_space<semaphore_mem>>)
      %dma_wait3A_316 = arith.constant 0 : i32
      %dma_wait3A_317 = arith.constant 0 : i32
      %dma_wait3A_318 = tpu.memref_slice %arg4[%dma_wait3A_316, %dma_wait3A_317] : memref<10240x128xf32, #tpu.memory_space<hbm>> -> memref<10240x128xf32, #tpu.memory_space<hbm>>
      tpu.wait_indirect_dma semaphore(%arg24 : memref<!tpu.dma_semaphore, #tpu.memory_space<semaphore_mem>>) src(%dma_wait3A_318 : memref<10240x128xf32, #tpu.memory_space<hbm>>) dst(%arg15 : memref<80x128xf32, #tpu.memory_space<vmem>>)
      %dma_start3A_319 = arith.constant 0 : i32
      %dma_start3A_320 = arith.constant 0 : i32
      %dma_start3A_321 = tpu.memref_slice %arg18[%dma_start3A_319, %dma_start3A_320] : memref<10240x128xf32, #tpu.memory_space<vmem_shared>> -> memref<10240x128xf32, #tpu.memory_space<vmem_shared>>
      tpu.enqueue_indirect_dma source(%arg15 : memref<80x128xf32, #tpu.memory_space<vmem>>) target(%dma_start3A_321 : memref<10240x128xf32, #tpu.memory_space<vmem_shared>>) offsets(%arg11 : memref<80xi32, #tpu.memory_space<vmem>>) semaphore(%arg28 : memref<!tpu.dma_semaphore, #tpu.memory_space<semaphore_mem>>) {add = true}
      %mul3A_322 = arith.constant 4 : i32
      %mul3A_323 = arith.muli %add3A_247, %mul3A_322 : i32
      %add3A_324 = arith.constant 2 : i32
      %add3A_325 = arith.addi %mul3A_323, %add3A_324 : i32
      %dma_wait3A_326 = arith.constant 0 : i32
      %dma_wait3A_327 = arith.constant 0 : i32
      %dma_wait3A_328 = tpu.memref_slice %arg18[%dma_wait3A_326, %dma_wait3A_327] : memref<10240x128xf32, #tpu.memory_space<vmem_shared>> -> memref<10240x128xf32, #tpu.memory_space<vmem_shared>>
      tpu.wait_indirect_dma semaphore(%arg27 : memref<!tpu.dma_semaphore, #tpu.memory_space<semaphore_mem>>) src(%arg14 : memref<80x128xf32, #tpu.memory_space<vmem>>) dst(%dma_wait3A_328 : memref<10240x128xf32, #tpu.memory_space<vmem_shared>>)
      %add3A_329 = arith.constant 2 : i32
      %add3A_330 = arith.addi %add3A_325, %add3A_329 : i32
      %mul3A_331 = arith.constant 10240 : i32
      %mul3A_332 = arith.muli %add3A, %mul3A_331 : i32
      %mul3A_333 = arith.constant 80 : i32
      %mul3A_334 = arith.muli %add3A_330, %mul3A_333 : i32
      %add3A_335 = arith.addi %mul3A_332, %mul3A_334 : i32
      %dma_start3A_336 = tpu.memref_slice %arg2[%add3A_335] : memref<327680xi32, #tpu.memory_space<hbm>> -> memref<80xi32, #tpu.memory_space<hbm>>
      %dma_start3A_337 = tpu.memref_slice %arg2[%add3A_335] : memref<327680xi32, #tpu.memory_space<hbm>> -> memref<80xi32, #tpu.memory_space<hbm>>
      tpu.enqueue_dma source(%dma_start3A_337 : memref<80xi32, #tpu.memory_space<hbm>>) target(%arg6 : memref<80xi32, #tpu.memory_space<vmem>>) target_semaphore(%arg19 : memref<!tpu.dma_semaphore, #tpu.memory_space<semaphore_mem>>)
      %dma_start3A_338 = tpu.memref_slice %arg3[%add3A_335] : memref<327680xi32, #tpu.memory_space<hbm>> -> memref<80xi32, #tpu.memory_space<hbm>>
      %dma_start3A_339 = tpu.memref_slice %arg3[%add3A_335] : memref<327680xi32, #tpu.memory_space<hbm>> -> memref<80xi32, #tpu.memory_space<hbm>>
      tpu.enqueue_dma source(%dma_start3A_339 : memref<80xi32, #tpu.memory_space<hbm>>) target(%arg10 : memref<80xi32, #tpu.memory_space<vmem>>) target_semaphore(%arg19 : memref<!tpu.dma_semaphore, #tpu.memory_space<semaphore_mem>>)
      %dma_wait3A_340 = arith.constant 0 : i32
      %dma_wait3A_341 = tpu.memref_slice %arg2[%dma_wait3A_340] : memref<327680xi32, #tpu.memory_space<hbm>> -> memref<80xi32, #tpu.memory_space<hbm>>
      %dma_wait3A_342 = arith.constant 0 : i32
      %dma_wait3A_343 = tpu.memref_slice %arg2[%dma_wait3A_342] : memref<327680xi32, #tpu.memory_space<hbm>> -> memref<80xi32, #tpu.memory_space<hbm>>
      tpu.wait_dma2 semaphore(%arg22 : memref<!tpu.dma_semaphore, #tpu.memory_space<semaphore_mem>>) src(%dma_wait3A_343 : memref<80xi32, #tpu.memory_space<hbm>>) dst(%arg9 : memref<80xi32, #tpu.memory_space<vmem>>)
      %dma_wait3A_344 = arith.constant 0 : i32
      %dma_wait3A_345 = tpu.memref_slice %arg3[%dma_wait3A_344] : memref<327680xi32, #tpu.memory_space<hbm>> -> memref<80xi32, #tpu.memory_space<hbm>>
      %dma_wait3A_346 = arith.constant 0 : i32
      %dma_wait3A_347 = tpu.memref_slice %arg3[%dma_wait3A_346] : memref<327680xi32, #tpu.memory_space<hbm>> -> memref<80xi32, #tpu.memory_space<hbm>>
      tpu.wait_dma2 semaphore(%arg22 : memref<!tpu.dma_semaphore, #tpu.memory_space<semaphore_mem>>) src(%dma_wait3A_347 : memref<80xi32, #tpu.memory_space<hbm>>) dst(%arg13 : memref<80xi32, #tpu.memory_space<vmem>>)
      %add3A_348 = arith.constant 1 : i32
      %add3A_349 = arith.addi %add3A_325, %add3A_348 : i32
      %dma_start3A_350 = arith.constant 0 : i32
      %dma_start3A_351 = arith.constant 0 : i32
      %dma_start3A_352 = tpu.memref_slice %arg4[%dma_start3A_350, %dma_start3A_351] : memref<10240x128xf32, #tpu.memory_space<hbm>> -> memref<10240x128xf32, #tpu.memory_space<hbm>>
      tpu.enqueue_indirect_dma source(%dma_start3A_352 : memref<10240x128xf32, #tpu.memory_space<hbm>>) target(%arg17 : memref<80x128xf32, #tpu.memory_space<vmem>>) offsets(%arg9 : memref<80xi32, #tpu.memory_space<vmem>>) semaphore(%arg26 : memref<!tpu.dma_semaphore, #tpu.memory_space<semaphore_mem>>)
      %dma_wait3A_353 = arith.constant 0 : i32
      %dma_wait3A_354 = arith.constant 0 : i32
      %dma_wait3A_355 = tpu.memref_slice %arg4[%dma_wait3A_353, %dma_wait3A_354] : memref<10240x128xf32, #tpu.memory_space<hbm>> -> memref<10240x128xf32, #tpu.memory_space<hbm>>
      tpu.wait_indirect_dma semaphore(%arg25 : memref<!tpu.dma_semaphore, #tpu.memory_space<semaphore_mem>>) src(%dma_wait3A_355 : memref<10240x128xf32, #tpu.memory_space<hbm>>) dst(%arg16 : memref<80x128xf32, #tpu.memory_space<vmem>>)
      %dma_start3A_356 = arith.constant 0 : i32
      %dma_start3A_357 = arith.constant 0 : i32
      %dma_start3A_358 = tpu.memref_slice %arg18[%dma_start3A_356, %dma_start3A_357] : memref<10240x128xf32, #tpu.memory_space<vmem_shared>> -> memref<10240x128xf32, #tpu.memory_space<vmem_shared>>
      tpu.enqueue_indirect_dma source(%arg16 : memref<80x128xf32, #tpu.memory_space<vmem>>) target(%dma_start3A_358 : memref<10240x128xf32, #tpu.memory_space<vmem_shared>>) offsets(%arg12 : memref<80xi32, #tpu.memory_space<vmem>>) semaphore(%arg29 : memref<!tpu.dma_semaphore, #tpu.memory_space<semaphore_mem>>) {add = true}
      %mul3A_359 = arith.constant 4 : i32
      %mul3A_360 = arith.muli %add3A_247, %mul3A_359 : i32
      %add3A_361 = arith.constant 3 : i32
      %add3A_362 = arith.addi %mul3A_360, %add3A_361 : i32
      %dma_wait3A_363 = arith.constant 0 : i32
      %dma_wait3A_364 = arith.constant 0 : i32
      %dma_wait3A_365 = tpu.memref_slice %arg18[%dma_wait3A_363, %dma_wait3A_364] : memref<10240x128xf32, #tpu.memory_space<vmem_shared>> -> memref<10240x128xf32, #tpu.memory_space<vmem_shared>>
      tpu.wait_indirect_dma semaphore(%arg28 : memref<!tpu.dma_semaphore, #tpu.memory_space<semaphore_mem>>) src(%arg15 : memref<80x128xf32, #tpu.memory_space<vmem>>) dst(%dma_wait3A_365 : memref<10240x128xf32, #tpu.memory_space<vmem_shared>>)
      %add3A_366 = arith.constant 2 : i32
      %add3A_367 = arith.addi %add3A_362, %add3A_366 : i32
      %mul3A_368 = arith.constant 10240 : i32
      %mul3A_369 = arith.muli %add3A, %mul3A_368 : i32
      %mul3A_370 = arith.constant 80 : i32
      %mul3A_371 = arith.muli %add3A_367, %mul3A_370 : i32
      %add3A_372 = arith.addi %mul3A_369, %mul3A_371 : i32
      %dma_start3A_373 = tpu.memref_slice %arg2[%add3A_372] : memref<327680xi32, #tpu.memory_space<hbm>> -> memref<80xi32, #tpu.memory_space<hbm>>
      %dma_start3A_374 = tpu.memref_slice %arg2[%add3A_372] : memref<327680xi32, #tpu.memory_space<hbm>> -> memref<80xi32, #tpu.memory_space<hbm>>
      tpu.enqueue_dma source(%dma_start3A_374 : memref<80xi32, #tpu.memory_space<hbm>>) target(%arg7 : memref<80xi32, #tpu.memory_space<vmem>>) target_semaphore(%arg20 : memref<!tpu.dma_semaphore, #tpu.memory_space<semaphore_mem>>)
      %dma_start3A_375 = tpu.memref_slice %arg3[%add3A_372] : memref<327680xi32, #tpu.memory_space<hbm>> -> memref<80xi32, #tpu.memory_space<hbm>>
      %dma_start3A_376 = tpu.memref_slice %arg3[%add3A_372] : memref<327680xi32, #tpu.memory_space<hbm>> -> memref<80xi32, #tpu.memory_space<hbm>>
      tpu.enqueue_dma source(%dma_start3A_376 : memref<80xi32, #tpu.memory_space<hbm>>) target(%arg11 : memref<80xi32, #tpu.memory_space<vmem>>) target_semaphore(%arg20 : memref<!tpu.dma_semaphore, #tpu.memory_space<semaphore_mem>>)
      %dma_wait3A_377 = arith.constant 0 : i32
      %dma_wait3A_378 = tpu.memref_slice %arg2[%dma_wait3A_377] : memref<327680xi32, #tpu.memory_space<hbm>> -> memref<80xi32, #tpu.memory_space<hbm>>
      %dma_wait3A_379 = arith.constant 0 : i32
      %dma_wait3A_380 = tpu.memref_slice %arg2[%dma_wait3A_379] : memref<327680xi32, #tpu.memory_space<hbm>> -> memref<80xi32, #tpu.memory_space<hbm>>
      tpu.wait_dma2 semaphore(%arg19 : memref<!tpu.dma_semaphore, #tpu.memory_space<semaphore_mem>>) src(%dma_wait3A_380 : memref<80xi32, #tpu.memory_space<hbm>>) dst(%arg6 : memref<80xi32, #tpu.memory_space<vmem>>)
      %dma_wait3A_381 = arith.constant 0 : i32
      %dma_wait3A_382 = tpu.memref_slice %arg3[%dma_wait3A_381] : memref<327680xi32, #tpu.memory_space<hbm>> -> memref<80xi32, #tpu.memory_space<hbm>>
      %dma_wait3A_383 = arith.constant 0 : i32
      %dma_wait3A_384 = tpu.memref_slice %arg3[%dma_wait3A_383] : memref<327680xi32, #tpu.memory_space<hbm>> -> memref<80xi32, #tpu.memory_space<hbm>>
      tpu.wait_dma2 semaphore(%arg19 : memref<!tpu.dma_semaphore, #tpu.memory_space<semaphore_mem>>) src(%dma_wait3A_384 : memref<80xi32, #tpu.memory_space<hbm>>) dst(%arg10 : memref<80xi32, #tpu.memory_space<vmem>>)
      %add3A_385 = arith.constant 1 : i32
      %add3A_386 = arith.addi %add3A_362, %add3A_385 : i32
      %dma_start3A_387 = arith.constant 0 : i32
      %dma_start3A_388 = arith.constant 0 : i32
      %dma_start3A_389 = tpu.memref_slice %arg4[%dma_start3A_387, %dma_start3A_388] : memref<10240x128xf32, #tpu.memory_space<hbm>> -> memref<10240x128xf32, #tpu.memory_space<hbm>>
      tpu.enqueue_indirect_dma source(%dma_start3A_389 : memref<10240x128xf32, #tpu.memory_space<hbm>>) target(%arg14 : memref<80x128xf32, #tpu.memory_space<vmem>>) offsets(%arg6 : memref<80xi32, #tpu.memory_space<vmem>>) semaphore(%arg23 : memref<!tpu.dma_semaphore, #tpu.memory_space<semaphore_mem>>)
      %dma_wait3A_390 = arith.constant 0 : i32
      %dma_wait3A_391 = arith.constant 0 : i32
      %dma_wait3A_392 = tpu.memref_slice %arg4[%dma_wait3A_390, %dma_wait3A_391] : memref<10240x128xf32, #tpu.memory_space<hbm>> -> memref<10240x128xf32, #tpu.memory_space<hbm>>
      tpu.wait_indirect_dma semaphore(%arg26 : memref<!tpu.dma_semaphore, #tpu.memory_space<semaphore_mem>>) src(%dma_wait3A_392 : memref<10240x128xf32, #tpu.memory_space<hbm>>) dst(%arg17 : memref<80x128xf32, #tpu.memory_space<vmem>>)
      %dma_start3A_393 = arith.constant 0 : i32
      %dma_start3A_394 = arith.constant 0 : i32
      %dma_start3A_395 = tpu.memref_slice %arg18[%dma_start3A_393, %dma_start3A_394] : memref<10240x128xf32, #tpu.memory_space<vmem_shared>> -> memref<10240x128xf32, #tpu.memory_space<vmem_shared>>
      tpu.enqueue_indirect_dma source(%arg17 : memref<80x128xf32, #tpu.memory_space<vmem>>) target(%dma_start3A_395 : memref<10240x128xf32, #tpu.memory_space<vmem_shared>>) offsets(%arg13 : memref<80xi32, #tpu.memory_space<vmem>>) semaphore(%arg30 : memref<!tpu.dma_semaphore, #tpu.memory_space<semaphore_mem>>) {add = true}
    }
    %scan3A_146 = arith.constant 30 : i32
    %dma_wait3A_147 = arith.constant 0 : i32
    %dma_wait3A_148 = arith.constant 0 : i32
    %dma_wait3A_149 = tpu.memref_slice %arg18[%dma_wait3A_147, %dma_wait3A_148] : memref<10240x128xf32, #tpu.memory_space<vmem_shared>> -> memref<10240x128xf32, #tpu.memory_space<vmem_shared>>
    tpu.wait_indirect_dma semaphore(%arg29 : memref<!tpu.dma_semaphore, #tpu.memory_space<semaphore_mem>>) src(%arg16 : memref<80x128xf32, #tpu.memory_space<vmem>>) dst(%dma_wait3A_149 : memref<10240x128xf32, #tpu.memory_space<vmem_shared>>)
    %mul3A_150 = arith.constant 10240 : i32
    %mul3A_151 = arith.muli %add3A, %mul3A_150 : i32
    %add3A_152 = arith.constant 10080 : i32
    %add3A_153 = arith.addi %mul3A_151, %add3A_152 : i32
    %dma_start3A_154 = tpu.memref_slice %arg2[%add3A_153] : memref<327680xi32, #tpu.memory_space<hbm>> -> memref<80xi32, #tpu.memory_space<hbm>>
    %dma_start3A_155 = tpu.memref_slice %arg2[%add3A_153] : memref<327680xi32, #tpu.memory_space<hbm>> -> memref<80xi32, #tpu.memory_space<hbm>>
    tpu.enqueue_dma source(%dma_start3A_155 : memref<80xi32, #tpu.memory_space<hbm>>) target(%arg8 : memref<80xi32, #tpu.memory_space<vmem>>) target_semaphore(%arg21 : memref<!tpu.dma_semaphore, #tpu.memory_space<semaphore_mem>>)
    %dma_start3A_156 = tpu.memref_slice %arg3[%add3A_153] : memref<327680xi32, #tpu.memory_space<hbm>> -> memref<80xi32, #tpu.memory_space<hbm>>
    %dma_start3A_157 = tpu.memref_slice %arg3[%add3A_153] : memref<327680xi32, #tpu.memory_space<hbm>> -> memref<80xi32, #tpu.memory_space<hbm>>
    tpu.enqueue_dma source(%dma_start3A_157 : memref<80xi32, #tpu.memory_space<hbm>>) target(%arg12 : memref<80xi32, #tpu.memory_space<vmem>>) target_semaphore(%arg21 : memref<!tpu.dma_semaphore, #tpu.memory_space<semaphore_mem>>)
    %dma_wait3A_158 = arith.constant 0 : i32
    %dma_wait3A_159 = tpu.memref_slice %arg2[%dma_wait3A_158] : memref<327680xi32, #tpu.memory_space<hbm>> -> memref<80xi32, #tpu.memory_space<hbm>>
    %dma_wait3A_160 = arith.constant 0 : i32
    %dma_wait3A_161 = tpu.memref_slice %arg2[%dma_wait3A_160] : memref<327680xi32, #tpu.memory_space<hbm>> -> memref<80xi32, #tpu.memory_space<hbm>>
    tpu.wait_dma2 semaphore(%arg20 : memref<!tpu.dma_semaphore, #tpu.memory_space<semaphore_mem>>) src(%dma_wait3A_161 : memref<80xi32, #tpu.memory_space<hbm>>) dst(%arg7 : memref<80xi32, #tpu.memory_space<vmem>>)
    %dma_wait3A_162 = arith.constant 0 : i32
    %dma_wait3A_163 = tpu.memref_slice %arg3[%dma_wait3A_162] : memref<327680xi32, #tpu.memory_space<hbm>> -> memref<80xi32, #tpu.memory_space<hbm>>
    %dma_wait3A_164 = arith.constant 0 : i32
    %dma_wait3A_165 = tpu.memref_slice %arg3[%dma_wait3A_164] : memref<327680xi32, #tpu.memory_space<hbm>> -> memref<80xi32, #tpu.memory_space<hbm>>
    tpu.wait_dma2 semaphore(%arg20 : memref<!tpu.dma_semaphore, #tpu.memory_space<semaphore_mem>>) src(%dma_wait3A_165 : memref<80xi32, #tpu.memory_space<hbm>>) dst(%arg11 : memref<80xi32, #tpu.memory_space<vmem>>)
    %dma_start3A_166 = arith.constant 0 : i32
    %dma_start3A_167 = arith.constant 0 : i32
    %dma_start3A_168 = tpu.memref_slice %arg4[%dma_start3A_166, %dma_start3A_167] : memref<10240x128xf32, #tpu.memory_space<hbm>> -> memref<10240x128xf32, #tpu.memory_space<hbm>>
    tpu.enqueue_indirect_dma source(%dma_start3A_168 : memref<10240x128xf32, #tpu.memory_space<hbm>>) target(%arg15 : memref<80x128xf32, #tpu.memory_space<vmem>>) offsets(%arg7 : memref<80xi32, #tpu.memory_space<vmem>>) semaphore(%arg24 : memref<!tpu.dma_semaphore, #tpu.memory_space<semaphore_mem>>)
    %dma_wait3A_169 = arith.constant 0 : i32
    %dma_wait3A_170 = arith.constant 0 : i32
    %dma_wait3A_171 = tpu.memref_slice %arg4[%dma_wait3A_169, %dma_wait3A_170] : memref<10240x128xf32, #tpu.memory_space<hbm>> -> memref<10240x128xf32, #tpu.memory_space<hbm>>
    tpu.wait_indirect_dma semaphore(%arg23 : memref<!tpu.dma_semaphore, #tpu.memory_space<semaphore_mem>>) src(%dma_wait3A_171 : memref<10240x128xf32, #tpu.memory_space<hbm>>) dst(%arg14 : memref<80x128xf32, #tpu.memory_space<vmem>>)
    %dma_start3A_172 = arith.constant 0 : i32
    %dma_start3A_173 = arith.constant 0 : i32
    %dma_start3A_174 = tpu.memref_slice %arg18[%dma_start3A_172, %dma_start3A_173] : memref<10240x128xf32, #tpu.memory_space<vmem_shared>> -> memref<10240x128xf32, #tpu.memory_space<vmem_shared>>
    tpu.enqueue_indirect_dma source(%arg14 : memref<80x128xf32, #tpu.memory_space<vmem>>) target(%dma_start3A_174 : memref<10240x128xf32, #tpu.memory_space<vmem_shared>>) offsets(%arg10 : memref<80xi32, #tpu.memory_space<vmem>>) semaphore(%arg27 : memref<!tpu.dma_semaphore, #tpu.memory_space<semaphore_mem>>) {add = true}
    %dma_wait3A_175 = arith.constant 0 : i32
    %dma_wait3A_176 = arith.constant 0 : i32
    %dma_wait3A_177 = tpu.memref_slice %arg18[%dma_wait3A_175, %dma_wait3A_176] : memref<10240x128xf32, #tpu.memory_space<vmem_shared>> -> memref<10240x128xf32, #tpu.memory_space<vmem_shared>>
    tpu.wait_indirect_dma semaphore(%arg30 : memref<!tpu.dma_semaphore, #tpu.memory_space<semaphore_mem>>) src(%arg17 : memref<80x128xf32, #tpu.memory_space<vmem>>) dst(%dma_wait3A_177 : memref<10240x128xf32, #tpu.memory_space<vmem_shared>>)
    %mul3A_178 = arith.constant 10240 : i32
    %mul3A_179 = arith.muli %add3A, %mul3A_178 : i32
    %add3A_180 = arith.constant 10160 : i32
    %add3A_181 = arith.addi %mul3A_179, %add3A_180 : i32
    %dma_start3A_182 = tpu.memref_slice %arg2[%add3A_181] : memref<327680xi32, #tpu.memory_space<hbm>> -> memref<80xi32, #tpu.memory_space<hbm>>
    %dma_start3A_183 = tpu.memref_slice %arg2[%add3A_181] : memref<327680xi32, #tpu.memory_space<hbm>> -> memref<80xi32, #tpu.memory_space<hbm>>
    tpu.enqueue_dma source(%dma_start3A_183 : memref<80xi32, #tpu.memory_space<hbm>>) target(%arg9 : memref<80xi32, #tpu.memory_space<vmem>>) target_semaphore(%arg22 : memref<!tpu.dma_semaphore, #tpu.memory_space<semaphore_mem>>)
    %dma_start3A_184 = tpu.memref_slice %arg3[%add3A_181] : memref<327680xi32, #tpu.memory_space<hbm>> -> memref<80xi32, #tpu.memory_space<hbm>>
    %dma_start3A_185 = tpu.memref_slice %arg3[%add3A_181] : memref<327680xi32, #tpu.memory_space<hbm>> -> memref<80xi32, #tpu.memory_space<hbm>>
    tpu.enqueue_dma source(%dma_start3A_185 : memref<80xi32, #tpu.memory_space<hbm>>) target(%arg13 : memref<80xi32, #tpu.memory_space<vmem>>) target_semaphore(%arg22 : memref<!tpu.dma_semaphore, #tpu.memory_space<semaphore_mem>>)
    %dma_wait3A_186 = arith.constant 0 : i32
    %dma_wait3A_187 = tpu.memref_slice %arg2[%dma_wait3A_186] : memref<327680xi32, #tpu.memory_space<hbm>> -> memref<80xi32, #tpu.memory_space<hbm>>
    %dma_wait3A_188 = arith.constant 0 : i32
    %dma_wait3A_189 = tpu.memref_slice %arg2[%dma_wait3A_188] : memref<327680xi32, #tpu.memory_space<hbm>> -> memref<80xi32, #tpu.memory_space<hbm>>
    tpu.wait_dma2 semaphore(%arg21 : memref<!tpu.dma_semaphore, #tpu.memory_space<semaphore_mem>>) src(%dma_wait3A_189 : memref<80xi32, #tpu.memory_space<hbm>>) dst(%arg8 : memref<80xi32, #tpu.memory_space<vmem>>)
    %dma_wait3A_190 = arith.constant 0 : i32
    %dma_wait3A_191 = tpu.memref_slice %arg3[%dma_wait3A_190] : memref<327680xi32, #tpu.memory_space<hbm>> -> memref<80xi32, #tpu.memory_space<hbm>>
    %dma_wait3A_192 = arith.constant 0 : i32
    %dma_wait3A_193 = tpu.memref_slice %arg3[%dma_wait3A_192] : memref<327680xi32, #tpu.memory_space<hbm>> -> memref<80xi32, #tpu.memory_space<hbm>>
    tpu.wait_dma2 semaphore(%arg21 : memref<!tpu.dma_semaphore, #tpu.memory_space<semaphore_mem>>) src(%dma_wait3A_193 : memref<80xi32, #tpu.memory_space<hbm>>) dst(%arg12 : memref<80xi32, #tpu.memory_space<vmem>>)
    %dma_start3A_194 = arith.constant 0 : i32
    %dma_start3A_195 = arith.constant 0 : i32
    %dma_start3A_196 = tpu.memref_slice %arg4[%dma_start3A_194, %dma_start3A_195] : memref<10240x128xf32, #tpu.memory_space<hbm>> -> memref<10240x128xf32, #tpu.memory_space<hbm>>
    tpu.enqueue_indirect_dma source(%dma_start3A_196 : memref<10240x128xf32, #tpu.memory_space<hbm>>) target(%arg16 : memref<80x128xf32, #tpu.memory_space<vmem>>) offsets(%arg8 : memref<80xi32, #tpu.memory_space<vmem>>) semaphore(%arg25 : memref<!tpu.dma_semaphore, #tpu.memory_space<semaphore_mem>>)
    %dma_wait3A_197 = arith.constant 0 : i32
    %dma_wait3A_198 = arith.constant 0 : i32
    %dma_wait3A_199 = tpu.memref_slice %arg4[%dma_wait3A_197, %dma_wait3A_198] : memref<10240x128xf32, #tpu.memory_space<hbm>> -> memref<10240x128xf32, #tpu.memory_space<hbm>>
    tpu.wait_indirect_dma semaphore(%arg24 : memref<!tpu.dma_semaphore, #tpu.memory_space<semaphore_mem>>) src(%dma_wait3A_199 : memref<10240x128xf32, #tpu.memory_space<hbm>>) dst(%arg15 : memref<80x128xf32, #tpu.memory_space<vmem>>)
    %dma_start3A_200 = arith.constant 0 : i32
    %dma_start3A_201 = arith.constant 0 : i32
    %dma_start3A_202 = tpu.memref_slice %arg18[%dma_start3A_200, %dma_start3A_201] : memref<10240x128xf32, #tpu.memory_space<vmem_shared>> -> memref<10240x128xf32, #tpu.memory_space<vmem_shared>>
    tpu.enqueue_indirect_dma source(%arg15 : memref<80x128xf32, #tpu.memory_space<vmem>>) target(%dma_start3A_202 : memref<10240x128xf32, #tpu.memory_space<vmem_shared>>) offsets(%arg11 : memref<80xi32, #tpu.memory_space<vmem>>) semaphore(%arg28 : memref<!tpu.dma_semaphore, #tpu.memory_space<semaphore_mem>>) {add = true}
    %dma_wait3A_203 = arith.constant 0 : i32
    %dma_wait3A_204 = tpu.memref_slice %arg2[%dma_wait3A_203] : memref<327680xi32, #tpu.memory_space<hbm>> -> memref<80xi32, #tpu.memory_space<hbm>>
    %dma_wait3A_205 = arith.constant 0 : i32
    %dma_wait3A_206 = tpu.memref_slice %arg2[%dma_wait3A_205] : memref<327680xi32, #tpu.memory_space<hbm>> -> memref<80xi32, #tpu.memory_space<hbm>>
    tpu.wait_dma2 semaphore(%arg22 : memref<!tpu.dma_semaphore, #tpu.memory_space<semaphore_mem>>) src(%dma_wait3A_206 : memref<80xi32, #tpu.memory_space<hbm>>) dst(%arg9 : memref<80xi32, #tpu.memory_space<vmem>>)
    %dma_wait3A_207 = arith.constant 0 : i32
    %dma_wait3A_208 = tpu.memref_slice %arg3[%dma_wait3A_207] : memref<327680xi32, #tpu.memory_space<hbm>> -> memref<80xi32, #tpu.memory_space<hbm>>
    %dma_wait3A_209 = arith.constant 0 : i32
    %dma_wait3A_210 = tpu.memref_slice %arg3[%dma_wait3A_209] : memref<327680xi32, #tpu.memory_space<hbm>> -> memref<80xi32, #tpu.memory_space<hbm>>
    tpu.wait_dma2 semaphore(%arg22 : memref<!tpu.dma_semaphore, #tpu.memory_space<semaphore_mem>>) src(%dma_wait3A_210 : memref<80xi32, #tpu.memory_space<hbm>>) dst(%arg13 : memref<80xi32, #tpu.memory_space<vmem>>)
    %dma_start3A_211 = arith.constant 0 : i32
    %dma_start3A_212 = arith.constant 0 : i32
    %dma_start3A_213 = tpu.memref_slice %arg4[%dma_start3A_211, %dma_start3A_212] : memref<10240x128xf32, #tpu.memory_space<hbm>> -> memref<10240x128xf32, #tpu.memory_space<hbm>>
    tpu.enqueue_indirect_dma source(%dma_start3A_213 : memref<10240x128xf32, #tpu.memory_space<hbm>>) target(%arg17 : memref<80x128xf32, #tpu.memory_space<vmem>>) offsets(%arg9 : memref<80xi32, #tpu.memory_space<vmem>>) semaphore(%arg26 : memref<!tpu.dma_semaphore, #tpu.memory_space<semaphore_mem>>)
    %dma_wait3A_214 = arith.constant 0 : i32
    %dma_wait3A_215 = arith.constant 0 : i32
    %dma_wait3A_216 = tpu.memref_slice %arg4[%dma_wait3A_214, %dma_wait3A_215] : memref<10240x128xf32, #tpu.memory_space<hbm>> -> memref<10240x128xf32, #tpu.memory_space<hbm>>
    tpu.wait_indirect_dma semaphore(%arg25 : memref<!tpu.dma_semaphore, #tpu.memory_space<semaphore_mem>>) src(%dma_wait3A_216 : memref<10240x128xf32, #tpu.memory_space<hbm>>) dst(%arg16 : memref<80x128xf32, #tpu.memory_space<vmem>>)
    %dma_start3A_217 = arith.constant 0 : i32
    %dma_start3A_218 = arith.constant 0 : i32
    %dma_start3A_219 = tpu.memref_slice %arg18[%dma_start3A_217, %dma_start3A_218] : memref<10240x128xf32, #tpu.memory_space<vmem_shared>> -> memref<10240x128xf32, #tpu.memory_space<vmem_shared>>
    tpu.enqueue_indirect_dma source(%arg16 : memref<80x128xf32, #tpu.memory_space<vmem>>) target(%dma_start3A_219 : memref<10240x128xf32, #tpu.memory_space<vmem_shared>>) offsets(%arg12 : memref<80xi32, #tpu.memory_space<vmem>>) semaphore(%arg29 : memref<!tpu.dma_semaphore, #tpu.memory_space<semaphore_mem>>) {add = true}
    %dma_wait3A_220 = arith.constant 0 : i32
    %dma_wait3A_221 = arith.constant 0 : i32
    %dma_wait3A_222 = tpu.memref_slice %arg4[%dma_wait3A_220, %dma_wait3A_221] : memref<10240x128xf32, #tpu.memory_space<hbm>> -> memref<10240x128xf32, #tpu.memory_space<hbm>>
    tpu.wait_indirect_dma semaphore(%arg26 : memref<!tpu.dma_semaphore, #tpu.memory_space<semaphore_mem>>) src(%dma_wait3A_222 : memref<10240x128xf32, #tpu.memory_space<hbm>>) dst(%arg17 : memref<80x128xf32, #tpu.memory_space<vmem>>)
    %dma_start3A_223 = arith.constant 0 : i32
    %dma_start3A_224 = arith.constant 0 : i32
    %dma_start3A_225 = tpu.memref_slice %arg18[%dma_start3A_223, %dma_start3A_224] : memref<10240x128xf32, #tpu.memory_space<vmem_shared>> -> memref<10240x128xf32, #tpu.memory_space<vmem_shared>>
    tpu.enqueue_indirect_dma source(%arg17 : memref<80x128xf32, #tpu.memory_space<vmem>>) target(%dma_start3A_225 : memref<10240x128xf32, #tpu.memory_space<vmem_shared>>) offsets(%arg13 : memref<80xi32, #tpu.memory_space<vmem>>) semaphore(%arg30 : memref<!tpu.dma_semaphore, #tpu.memory_space<semaphore_mem>>) {add = true}
    %dma_wait3A_226 = arith.constant 0 : i32
    %dma_wait3A_227 = arith.constant 0 : i32
    %dma_wait3A_228 = tpu.memref_slice %arg18[%dma_wait3A_226, %dma_wait3A_227] : memref<10240x128xf32, #tpu.memory_space<vmem_shared>> -> memref<10240x128xf32, #tpu.memory_space<vmem_shared>>
    tpu.wait_indirect_dma semaphore(%arg27 : memref<!tpu.dma_semaphore, #tpu.memory_space<semaphore_mem>>) src(%arg14 : memref<80x128xf32, #tpu.memory_space<vmem>>) dst(%dma_wait3A_228 : memref<10240x128xf32, #tpu.memory_space<vmem_shared>>)
    %dma_wait3A_229 = arith.constant 0 : i32
    %dma_wait3A_230 = arith.constant 0 : i32
    %dma_wait3A_231 = tpu.memref_slice %arg18[%dma_wait3A_229, %dma_wait3A_230] : memref<10240x128xf32, #tpu.memory_space<vmem_shared>> -> memref<10240x128xf32, #tpu.memory_space<vmem_shared>>
    tpu.wait_indirect_dma semaphore(%arg28 : memref<!tpu.dma_semaphore, #tpu.memory_space<semaphore_mem>>) src(%arg15 : memref<80x128xf32, #tpu.memory_space<vmem>>) dst(%dma_wait3A_231 : memref<10240x128xf32, #tpu.memory_space<vmem_shared>>)
    %dma_wait3A_232 = arith.constant 0 : i32
    %dma_wait3A_233 = arith.constant 0 : i32
    %dma_wait3A_234 = tpu.memref_slice %arg18[%dma_wait3A_232, %dma_wait3A_233] : memref<10240x128xf32, #tpu.memory_space<vmem_shared>> -> memref<10240x128xf32, #tpu.memory_space<vmem_shared>>
    tpu.wait_indirect_dma semaphore(%arg29 : memref<!tpu.dma_semaphore, #tpu.memory_space<semaphore_mem>>) src(%arg16 : memref<80x128xf32, #tpu.memory_space<vmem>>) dst(%dma_wait3A_234 : memref<10240x128xf32, #tpu.memory_space<vmem_shared>>)
    %dma_wait3A_235 = arith.constant 0 : i32
    %dma_wait3A_236 = arith.constant 0 : i32
    %dma_wait3A_237 = tpu.memref_slice %arg18[%dma_wait3A_235, %dma_wait3A_236] : memref<10240x128xf32, #tpu.memory_space<vmem_shared>> -> memref<10240x128xf32, #tpu.memory_space<vmem_shared>>
    tpu.wait_indirect_dma semaphore(%arg30 : memref<!tpu.dma_semaphore, #tpu.memory_space<semaphore_mem>>) src(%arg17 : memref<80x128xf32, #tpu.memory_space<vmem>>) dst(%dma_wait3A_237 : memref<10240x128xf32, #tpu.memory_space<vmem_shared>>)
    %barrier3A_238 = arith.constant 0 : index
    tpu.barrier barrier_id(%barrier3A_238)
    %mul3A_239 = arith.constant 640 : i32
    %mul3A_240 = arith.muli %arg1, %mul3A_239 : i32
    %mul3A_241 = arith.constant 640 : i32
    %mul3A_242 = arith.muli %arg1, %mul3A_241 : i32
    "tpu.region"() ({
      %run_scoped3A = tpu.sem_alloc : memref<!tpu.dma_semaphore, #tpu.memory_space<semaphore_mem>>
      %dma_start3A_243 = arith.constant 0 : i32
      %dma_start3A_244 = tpu.memref_slice %arg5[%arg0, %mul3A_242, %dma_start3A_243] : memref<2x10240x128xf32, #tpu.memory_space<hbm>> -> memref<1x640x128xf32, #tpu.memory_space<hbm>>
      %dma_start3A_245 = tpu.memref_squeeze %dma_start3A_244 : memref<1x640x128xf32, #tpu.memory_space<hbm>> -> memref<640x128xf32, #tpu.memory_space<hbm>>
      %dma_start3A_246 = arith.constant 0 : i32
      %dma_start3A_247 = tpu.memref_slice %arg18[%mul3A_240, %dma_start3A_246] : memref<10240x128xf32, #tpu.memory_space<vmem_shared>> -> memref<640x128xf32, #tpu.memory_space<vmem_shared>>
      tpu.enqueue_dma source(%dma_start3A_247 : memref<640x128xf32, #tpu.memory_space<vmem_shared>>) target(%dma_start3A_245 : memref<640x128xf32, #tpu.memory_space<hbm>>) target_semaphore(%run_scoped3A : memref<!tpu.dma_semaphore, #tpu.memory_space<semaphore_mem>>)
      %dma_wait3A_248 = arith.constant 0 : i32
      %dma_wait3A_249 = tpu.memref_slice %arg5[%arg0, %mul3A_242, %dma_wait3A_248] : memref<2x10240x128xf32, #tpu.memory_space<hbm>> -> memref<1x640x128xf32, #tpu.memory_space<hbm>>
      %dma_wait3A_250 = tpu.memref_squeeze %dma_wait3A_249 : memref<1x640x128xf32, #tpu.memory_space<hbm>> -> memref<640x128xf32, #tpu.memory_space<hbm>>
      %dma_wait3A_251 = arith.constant 0 : i32
      %dma_wait3A_252 = tpu.memref_slice %arg18[%mul3A_240, %dma_wait3A_251] : memref<10240x128xf32, #tpu.memory_space<vmem_shared>> -> memref<640x128xf32, #tpu.memory_space<vmem_shared>>
      tpu.wait_dma2 semaphore(%run_scoped3A : memref<!tpu.dma_semaphore, #tpu.memory_space<semaphore_mem>>) src(%dma_wait3A_252 : memref<640x128xf32, #tpu.memory_space<vmem_shared>>) dst(%dma_wait3A_250 : memref<640x128xf32, #tpu.memory_space<hbm>>)
      tpu.yield
    }) : () -> ()
    return
  }
}

#map = affine_map<(d0, d1) -> (0)>
#map1 = affine_map<(d0, d1) -> (0, 0)>
#map2 = affine_map<(d0, d1) -> (0, 0, 0)>
module attributes {stable_mosaic.version = 14 : i64} {
  func.func @body(%arg0: i32, %arg1: i32, %arg2: memref<327680xi32, #tpu.memory_space<hbm>>, %arg3: memref<327680xi32, #tpu.memory_space<hbm>>, %arg4: memref<10240x128xf32, #tpu.memory_space<hbm>>, %arg5: memref<2x10240x128xf32, #tpu.memory_space<hbm>>, %arg6: memref<80xi32, #tpu.memory_space<vmem>>, %arg7: memref<80xi32, #tpu.memory_space<vmem>>, %arg8: memref<80xi32, #tpu.memory_space<vmem>>, %arg9: memref<80xi32, #tpu.memory_space<vmem>>, %arg10: memref<80xi32, #tpu.memory_space<vmem>>, %arg11: memref<80xi32, #tpu.memory_space<vmem>>, %arg12: memref<80xi32, #tpu.memory_space<vmem>>, %arg13: memref<80xi32, #tpu.memory_space<vmem>>, %arg14: memref<80x128xf32, #tpu.memory_space<vmem>>, %arg15: memref<80x128xf32, #tpu.memory_space<vmem>>, %arg16: memref<80x128xf32, #tpu.memory_space<vmem>>, %arg17: memref<80x128xf32, #tpu.memory_space<vmem>>, %arg18: memref<10240x128xf32, #tpu.memory_space<vmem_shared>>, %arg19: memref<!tpu.dma_semaphore, #tpu.memory_space<semaphore_mem>>, %arg20: memref<!tpu.dma_semaphore, #tpu.memory_space<semaphore_mem>>, %arg21: memref<!tpu.dma_semaphore, #tpu.memory_space<semaphore_mem>>, %arg22: memref<!tpu.dma_semaphore, #tpu.memory_space<semaphore_mem>>, %arg23: memref<!tpu.dma_semaphore, #tpu.memory_space<semaphore_mem>>, %arg24: memref<!tpu.dma_semaphore, #tpu.memory_space<semaphore_mem>>, %arg25: memref<!tpu.dma_semaphore, #tpu.memory_space<semaphore_mem>>, %arg26: memref<!tpu.dma_semaphore, #tpu.memory_space<semaphore_mem>>, %arg27: memref<!tpu.dma_semaphore, #tpu.memory_space<semaphore_mem>>, %arg28: memref<!tpu.dma_semaphore, #tpu.memory_space<semaphore_mem>>, %arg29: memref<!tpu.dma_semaphore, #tpu.memory_space<semaphore_mem>>, %arg30: memref<!tpu.dma_semaphore, #tpu.memory_space<semaphore_mem>>) attributes {dimension_semantics = [#tpu.dimension_semantics<core_parallel>, #tpu.dimension_semantics<subcore_parallel>], iteration_bounds = array<i64: 2, 16>, scalar_prefetch = 0 : i64, scratch_operands = 25 : i64, tpu.core_type = #tpu.core_type<sc_vector_subcore>, window_params = [{transform_indices = #map}, {transform_indices = #map}, {transform_indices = #map1}, {transform_indices = #map2}]} {
    %mul3A = arith.constant 16 : i32
    %mul3A_0 = arith.muli %arg0, %mul3A : i32
    %add3A = arith.addi %mul3A_0, %arg1 : i32
    %broadcast_in_dim3A = arith.constant 0.000000e+00 : f32
    %broadcast_in_dim3A_1 = vector.broadcast %broadcast_in_dim3A : f32 to vector<16xf32>
    %scan3A = arith.constant 0 : i32
    %scan3A_2 = arith.constant 80 : i32
    %scan3A_3 = arith.addi %scan3A, %scan3A_2 : i32
    %scan3A_4 = arith.constant 1 : i32
    scf.for %scan3A_243 = %scan3A to %scan3A_3 step %scan3A_4  : i32 {
      %mul3A_244 = arith.constant 1 : i32
      %mul3A_245 = arith.muli %scan3A_243, %mul3A_244 : i32
      %add3A_246 = arith.constant 0 : i32
      %add3A_247 = arith.addi %add3A_246, %mul3A_245 : i32
      %swap3A = arith.index_cast %add3A_247 : i32 to index
      %swap3A_248 = arith.constant 0 : index
      %swap3A_249 = tpu.vector_load %arg14[%swap3A, %swap3A_248] {strides = array<i32>} : memref<80x128xf32, #tpu.memory_space<vmem>>, vector<1x16xf32>,
      %swap3A_250 = vector.shape_cast %swap3A_249 : vector<1x16xf32> to vector<16xf32>
      %swap3A_251 = vector.shape_cast %broadcast_in_dim3A_1 : vector<16xf32> to vector<1x16xf32>
      tpu.vector_store %arg14[%swap3A, %swap3A_248], %swap3A_251 {strides = array<i32>} : memref<80x128xf32, #tpu.memory_space<vmem>>, vector<1x16xf32>,
      %swap3A_252 = arith.index_cast %add3A_247 : i32 to index
      %swap3A_253 = arith.constant 16 : index
      %swap3A_254 = tpu.vector_load %arg14[%swap3A_252, %swap3A_253] {strides = array<i32>} : memref<80x128xf32, #tpu.memory_space<vmem>>, vector<1x16xf32>,
      %swap3A_255 = vector.shape_cast %swap3A_254 : vector<1x16xf32> to vector<16xf32>
      %swap3A_256 = vector.shape_cast %broadcast_in_dim3A_1 : vector<16xf32> to vector<1x16xf32>
      tpu.vector_store %arg14[%swap3A_252, %swap3A_253], %swap3A_256 {strides = array<i32>} : memref<80x128xf32, #tpu.memory_space<vmem>>, vector<1x16xf32>,
      %swap3A_257 = arith.index_cast %add3A_247 : i32 to index
      %swap3A_258 = arith.constant 32 : index
      %swap3A_259 = tpu.vector_load %arg14[%swap3A_257, %swap3A_258] {strides = array<i32>} : memref<80x128xf32, #tpu.memory_space<vmem>>, vector<1x16xf32>,
      %swap3A_260 = vector.shape_cast %swap3A_259 : vector<1x16xf32> to vector<16xf32>
      %swap3A_261 = vector.shape_cast %broadcast_in_dim3A_1 : vector<16xf32> to vector<1x16xf32>
      tpu.vector_store %arg14[%swap3A_257, %swap3A_258], %swap3A_261 {strides = array<i32>} : memref<80x128xf32, #tpu.memory_space<vmem>>, vector<1x16xf32>,
      %swap3A_262 = arith.index_cast %add3A_247 : i32 to index
      %swap3A_263 = arith.constant 48 : index
      %swap3A_264 = tpu.vector_load %arg14[%swap3A_262, %swap3A_263] {strides = array<i32>} : memref<80x128xf32, #tpu.memory_space<vmem>>, vector<1x16xf32>,
      %swap3A_265 = vector.shape_cast %swap3A_264 : vector<1x16xf32> to vector<16xf32>
      %swap3A_266 = vector.shape_cast %broadcast_in_dim3A_1 : vector<16xf32> to vector<1x16xf32>
      tpu.vector_store %arg14[%swap3A_262, %swap3A_263], %swap3A_266 {strides = array<i32>} : memref<80x128xf32, #tpu.memory_space<vmem>>, vector<1x16xf32>,
      %swap3A_267 = arith.index_cast %add3A_247 : i32 to index
      %swap3A_268 = arith.constant 64 : index
      %swap3A_269 = tpu.vector_load %arg14[%swap3A_267, %swap3A_268] {strides = array<i32>} : memref<80x128xf32, #tpu.memory_space<vmem>>, vector<1x16xf32>,
      %swap3A_270 = vector.shape_cast %swap3A_269 : vector<1x16xf32> to vector<16xf32>
      %swap3A_271 = vector.shape_cast %broadcast_in_dim3A_1 : vector<16xf32> to vector<1x16xf32>
      tpu.vector_store %arg14[%swap3A_267, %swap3A_268], %swap3A_271 {strides = array<i32>} : memref<80x128xf32, #tpu.memory_space<vmem>>, vector<1x16xf32>,
      %swap3A_272 = arith.index_cast %add3A_247 : i32 to index
      %swap3A_273 = arith.constant 80 : index
      %swap3A_274 = tpu.vector_load %arg14[%swap3A_272, %swap3A_273] {strides = array<i32>} : memref<80x128xf32, #tpu.memory_space<vmem>>, vector<1x16xf32>,
      %swap3A_275 = vector.shape_cast %swap3A_274 : vector<1x16xf32> to vector<16xf32>
      %swap3A_276 = vector.shape_cast %broadcast_in_dim3A_1 : vector<16xf32> to vector<1x16xf32>
      tpu.vector_store %arg14[%swap3A_272, %swap3A_273], %swap3A_276 {strides = array<i32>} : memref<80x128xf32, #tpu.memory_space<vmem>>, vector<1x16xf32>,
      %swap3A_277 = arith.index_cast %add3A_247 : i32 to index
      %swap3A_278 = arith.constant 96 : index
      %swap3A_279 = tpu.vector_load %arg14[%swap3A_277, %swap3A_278] {strides = array<i32>} : memref<80x128xf32, #tpu.memory_space<vmem>>, vector<1x16xf32>,
      %swap3A_280 = vector.shape_cast %swap3A_279 : vector<1x16xf32> to vector<16xf32>
      %swap3A_281 = vector.shape_cast %broadcast_in_dim3A_1 : vector<16xf32> to vector<1x16xf32>
      tpu.vector_store %arg14[%swap3A_277, %swap3A_278], %swap3A_281 {strides = array<i32>} : memref<80x128xf32, #tpu.memory_space<vmem>>, vector<1x16xf32>,
      %swap3A_282 = arith.index_cast %add3A_247 : i32 to index
      %swap3A_283 = arith.constant 112 : index
      %swap3A_284 = tpu.vector_load %arg14[%swap3A_282, %swap3A_283] {strides = array<i32>} : memref<80x128xf32, #tpu.memory_space<vmem>>, vector<1x16xf32>,
      %swap3A_285 = vector.shape_cast %swap3A_284 : vector<1x16xf32> to vector<16xf32>
      %swap3A_286 = vector.shape_cast %broadcast_in_dim3A_1 : vector<16xf32> to vector<1x16xf32>
      tpu.vector_store %arg14[%swap3A_282, %swap3A_283], %swap3A_286 {strides = array<i32>} : memref<80x128xf32, #tpu.memory_space<vmem>>, vector<1x16xf32>,
    }
    %scan3A_5 = arith.constant 80 : i32
    %scan3A_6 = arith.constant 0 : i32
    %scan3A_7 = arith.constant 8 : i32
    %scan3A_8 = arith.addi %scan3A_6, %scan3A_7 : i32
    %scan3A_9 = arith.constant 1 : i32
    scf.for %scan3A_243 = %scan3A_6 to %scan3A_8 step %scan3A_9  : i32 {
      %mul3A_244 = arith.constant 1 : i32
      %mul3A_245 = arith.muli %scan3A_243, %mul3A_244 : i32
      %add3A_246 = arith.constant 0 : i32
      %add3A_247 = arith.addi %add3A_246, %mul3A_245 : i32
      %mul3A_248 = arith.constant 640 : i32
      %mul3A_249 = arith.muli %arg1, %mul3A_248 : i32
      %mul3A_250 = arith.constant 80 : i32
      %mul3A_251 = arith.muli %add3A_247, %mul3A_250 : i32
      %add3A_252 = arith.addi %mul3A_249, %mul3A_251 : i32
      "tpu.region"() ({
        %run_scoped3A = tpu.sem_alloc : memref<!tpu.dma_semaphore, #tpu.memory_space<semaphore_mem>>
        %dma_start3A_253 = arith.constant 0 : i32
        %dma_start3A_254 = tpu.memref_slice %arg18[%add3A_252, %dma_start3A_253] : memref<10240x128xf32, #tpu.memory_space<vmem_shared>> -> memref<80x128xf32, #tpu.memory_space<vmem_shared>>
        %dma_start3A_255 = arith.constant 0 : i32
        %dma_start3A_256 = tpu.memref_slice %arg18[%add3A_252, %dma_start3A_255] : memref<10240x128xf32, #tpu.memory_space<vmem_shared>> -> memref<80x128xf32, #tpu.memory_space<vmem_shared>>
        tpu.enqueue_dma source(%arg14 : memref<80x128xf32, #tpu.memory_space<vmem>>) target(%dma_start3A_256 : memref<80x128xf32, #tpu.memory_space<vmem_shared>>) target_semaphore(%run_scoped3A : memref<!tpu.dma_semaphore, #tpu.memory_space<semaphore_mem>>)
        %dma_wait3A_257 = arith.constant 0 : i32
        %dma_wait3A_258 = tpu.memref_slice %arg18[%add3A_252, %dma_wait3A_257] : memref<10240x128xf32, #tpu.memory_space<vmem_shared>> -> memref<80x128xf32, #tpu.memory_space<vmem_shared>>
        %dma_wait3A_259 = arith.constant 0 : i32
        %dma_wait3A_260 = tpu.memref_slice %arg18[%add3A_252, %dma_wait3A_259] : memref<10240x128xf32, #tpu.memory_space<vmem_shared>> -> memref<80x128xf32, #tpu.memory_space<vmem_shared>>
        tpu.wait_dma2 semaphore(%run_scoped3A : memref<!tpu.dma_semaphore, #tpu.memory_space<semaphore_mem>>) src(%arg14 : memref<80x128xf32, #tpu.memory_space<vmem>>) dst(%dma_wait3A_260 : memref<80x128xf32, #tpu.memory_space<vmem_shared>>)
        tpu.yield
      }) : () -> ()
    }
    %scan3A_10 = arith.constant 8 : i32
    %barrier3A = arith.constant 0 : index
    tpu.barrier barrier_id(%barrier3A)
    %mul3A_11 = arith.constant 10240 : i32
    %mul3A_12 = arith.muli %add3A, %mul3A_11 : i32
    %add3A_13 = arith.constant 0 : i32
    %add3A_14 = arith.addi %mul3A_12, %add3A_13 : i32
    %dma_start3A = tpu.memref_slice %arg2[%add3A_14] : memref<327680xi32, #tpu.memory_space<hbm>> -> memref<80xi32, #tpu.memory_space<hbm>>
    %dma_start3A_15 = tpu.memref_slice %arg2[%add3A_14] : memref<327680xi32, #tpu.memory_space<hbm>> -> memref<80xi32, #tpu.memory_space<hbm>>
    tpu.enqueue_dma source(%dma_start3A_15 : memref<80xi32, #tpu.memory_space<hbm>>) target(%arg6 : memref<80xi32, #tpu.memory_space<vmem>>) target_semaphore(%arg19 : memref<!tpu.dma_semaphore, #tpu.memory_space<semaphore_mem>>)
    %dma_start3A_16 = tpu.memref_slice %arg3[%add3A_14] : memref<327680xi32, #tpu.memory_space<hbm>> -> memref<80xi32, #tpu.memory_space<hbm>>
    %dma_start3A_17 = tpu.memref_slice %arg3[%add3A_14] : memref<327680xi32, #tpu.memory_space<hbm>> -> memref<80xi32, #tpu.memory_space<hbm>>
    tpu.enqueue_dma source(%dma_start3A_17 : memref<80xi32, #tpu.memory_space<hbm>>) target(%arg10 : memref<80xi32, #tpu.memory_space<vmem>>) target_semaphore(%arg19 : memref<!tpu.dma_semaphore, #tpu.memory_space<semaphore_mem>>)
    %mul3A_18 = arith.constant 10240 : i32
    %mul3A_19 = arith.muli %add3A, %mul3A_18 : i32
    %add3A_20 = arith.constant 80 : i32
    %add3A_21 = arith.addi %mul3A_19, %add3A_20 : i32
    %dma_start3A_22 = tpu.memref_slice %arg2[%add3A_21] : memref<327680xi32, #tpu.memory_space<hbm>> -> memref<80xi32, #tpu.memory_space<hbm>>
    %dma_start3A_23 = tpu.memref_slice %arg2[%add3A_21] : memref<327680xi32, #tpu.memory_space<hbm>> -> memref<80xi32, #tpu.memory_space<hbm>>
    tpu.enqueue_dma source(%dma_start3A_23 : memref<80xi32, #tpu.memory_space<hbm>>) target(%arg7 : memref<80xi32, #tpu.memory_space<vmem>>) target_semaphore(%arg20 : memref<!tpu.dma_semaphore, #tpu.memory_space<semaphore_mem>>)
    %dma_start3A_24 = tpu.memref_slice %arg3[%add3A_21] : memref<327680xi32, #tpu.memory_space<hbm>> -> memref<80xi32, #tpu.memory_space<hbm>>
    %dma_start3A_25 = tpu.memref_slice %arg3[%add3A_21] : memref<327680xi32, #tpu.memory_space<hbm>> -> memref<80xi32, #tpu.memory_space<hbm>>
    tpu.enqueue_dma source(%dma_start3A_25 : memref<80xi32, #tpu.memory_space<hbm>>) target(%arg11 : memref<80xi32, #tpu.memory_space<vmem>>) target_semaphore(%arg20 : memref<!tpu.dma_semaphore, #tpu.memory_space<semaphore_mem>>)
    %dma_wait3A = arith.constant 0 : i32
    %dma_wait3A_26 = tpu.memref_slice %arg2[%dma_wait3A] : memref<327680xi32, #tpu.memory_space<hbm>> -> memref<80xi32, #tpu.memory_space<hbm>>
    %dma_wait3A_27 = arith.constant 0 : i32
    %dma_wait3A_28 = tpu.memref_slice %arg2[%dma_wait3A_27] : memref<327680xi32, #tpu.memory_space<hbm>> -> memref<80xi32, #tpu.memory_space<hbm>>
    tpu.wait_dma2 semaphore(%arg19 : memref<!tpu.dma_semaphore, #tpu.memory_space<semaphore_mem>>) src(%dma_wait3A_28 : memref<80xi32, #tpu.memory_space<hbm>>) dst(%arg6 : memref<80xi32, #tpu.memory_space<vmem>>)
    %dma_wait3A_29 = arith.constant 0 : i32
    %dma_wait3A_30 = tpu.memref_slice %arg3[%dma_wait3A_29] : memref<327680xi32, #tpu.memory_space<hbm>> -> memref<80xi32, #tpu.memory_space<hbm>>
    %dma_wait3A_31 = arith.constant 0 : i32
    %dma_wait3A_32 = tpu.memref_slice %arg3[%dma_wait3A_31] : memref<327680xi32, #tpu.memory_space<hbm>> -> memref<80xi32, #tpu.memory_space<hbm>>
    tpu.wait_dma2 semaphore(%arg19 : memref<!tpu.dma_semaphore, #tpu.memory_space<semaphore_mem>>) src(%dma_wait3A_32 : memref<80xi32, #tpu.memory_space<hbm>>) dst(%arg10 : memref<80xi32, #tpu.memory_space<vmem>>)
    %dma_start3A_33 = arith.constant 0 : i32
    %dma_start3A_34 = arith.constant 0 : i32
    %dma_start3A_35 = tpu.memref_slice %arg4[%dma_start3A_33, %dma_start3A_34] : memref<10240x128xf32, #tpu.memory_space<hbm>> -> memref<10240x128xf32, #tpu.memory_space<hbm>>
    tpu.enqueue_indirect_dma source(%dma_start3A_35 : memref<10240x128xf32, #tpu.memory_space<hbm>>) target(%arg14 : memref<80x128xf32, #tpu.memory_space<vmem>>) offsets(%arg6 : memref<80xi32, #tpu.memory_space<vmem>>) semaphore(%arg23 : memref<!tpu.dma_semaphore, #tpu.memory_space<semaphore_mem>>)
    %mul3A_36 = arith.constant 10240 : i32
    %mul3A_37 = arith.muli %add3A, %mul3A_36 : i32
    %add3A_38 = arith.constant 160 : i32
    %add3A_39 = arith.addi %mul3A_37, %add3A_38 : i32
    %dma_start3A_40 = tpu.memref_slice %arg2[%add3A_39] : memref<327680xi32, #tpu.memory_space<hbm>> -> memref<80xi32, #tpu.memory_space<hbm>>
    %dma_start3A_41 = tpu.memref_slice %arg2[%add3A_39] : memref<327680xi32, #tpu.memory_space<hbm>> -> memref<80xi32, #tpu.memory_space<hbm>>
    tpu.enqueue_dma source(%dma_start3A_41 : memref<80xi32, #tpu.memory_space<hbm>>) target(%arg8 : memref<80xi32, #tpu.memory_space<vmem>>) target_semaphore(%arg21 : memref<!tpu.dma_semaphore, #tpu.memory_space<semaphore_mem>>)
    %dma_start3A_42 = tpu.memref_slice %arg3[%add3A_39] : memref<327680xi32, #tpu.memory_space<hbm>> -> memref<80xi32, #tpu.memory_space<hbm>>
    %dma_start3A_43 = tpu.memref_slice %arg3[%add3A_39] : memref<327680xi32, #tpu.memory_space<hbm>> -> memref<80xi32, #tpu.memory_space<hbm>>
    tpu.enqueue_dma source(%dma_start3A_43 : memref<80xi32, #tpu.memory_space<hbm>>) target(%arg12 : memref<80xi32, #tpu.memory_space<vmem>>) target_semaphore(%arg21 : memref<!tpu.dma_semaphore, #tpu.memory_space<semaphore_mem>>)
    %dma_wait3A_44 = arith.constant 0 : i32
    %dma_wait3A_45 = tpu.memref_slice %arg2[%dma_wait3A_44] : memref<327680xi32, #tpu.memory_space<hbm>> -> memref<80xi32, #tpu.memory_space<hbm>>
    %dma_wait3A_46 = arith.constant 0 : i32
    %dma_wait3A_47 = tpu.memref_slice %arg2[%dma_wait3A_46] : memref<327680xi32, #tpu.memory_space<hbm>> -> memref<80xi32, #tpu.memory_space<hbm>>
    tpu.wait_dma2 semaphore(%arg20 : memref<!tpu.dma_semaphore, #tpu.memory_space<semaphore_mem>>) src(%dma_wait3A_47 : memref<80xi32, #tpu.memory_space<hbm>>) dst(%arg7 : memref<80xi32, #tpu.memory_space<vmem>>)
    %dma_wait3A_48 = arith.constant 0 : i32
    %dma_wait3A_49 = tpu.memref_slice %arg3[%dma_wait3A_48] : memref<327680xi32, #tpu.memory_space<hbm>> -> memref<80xi32, #tpu.memory_space<hbm>>
    %dma_wait3A_50 = arith.constant 0 : i32
    %dma_wait3A_51 = tpu.memref_slice %arg3[%dma_wait3A_50] : memref<327680xi32, #tpu.memory_space<hbm>> -> memref<80xi32, #tpu.memory_space<hbm>>
    tpu.wait_dma2 semaphore(%arg20 : memref<!tpu.dma_semaphore, #tpu.memory_space<semaphore_mem>>) src(%dma_wait3A_51 : memref<80xi32, #tpu.memory_space<hbm>>) dst(%arg11 : memref<80xi32, #tpu.memory_space<vmem>>)
    %dma_start3A_52 = arith.constant 0 : i32
    %dma_start3A_53 = arith.constant 0 : i32
    %dma_start3A_54 = tpu.memref_slice %arg4[%dma_start3A_52, %dma_start3A_53] : memref<10240x128xf32, #tpu.memory_space<hbm>> -> memref<10240x128xf32, #tpu.memory_space<hbm>>
    tpu.enqueue_indirect_dma source(%dma_start3A_54 : memref<10240x128xf32, #tpu.memory_space<hbm>>) target(%arg15 : memref<80x128xf32, #tpu.memory_space<vmem>>) offsets(%arg7 : memref<80xi32, #tpu.memory_space<vmem>>) semaphore(%arg24 : memref<!tpu.dma_semaphore, #tpu.memory_space<semaphore_mem>>)
    %dma_wait3A_55 = arith.constant 0 : i32
    %dma_wait3A_56 = arith.constant 0 : i32
    %dma_wait3A_57 = tpu.memref_slice %arg4[%dma_wait3A_55, %dma_wait3A_56] : memref<10240x128xf32, #tpu.memory_space<hbm>> -> memref<10240x128xf32, #tpu.memory_space<hbm>>
    tpu.wait_indirect_dma semaphore(%arg23 : memref<!tpu.dma_semaphore, #tpu.memory_space<semaphore_mem>>) src(%dma_wait3A_57 : memref<10240x128xf32, #tpu.memory_space<hbm>>) dst(%arg14 : memref<80x128xf32, #tpu.memory_space<vmem>>)
    %dma_start3A_58 = arith.constant 0 : i32
    %dma_start3A_59 = arith.constant 0 : i32
    %dma_start3A_60 = tpu.memref_slice %arg18[%dma_start3A_58, %dma_start3A_59] : memref<10240x128xf32, #tpu.memory_space<vmem_shared>> -> memref<10240x128xf32, #tpu.memory_space<vmem_shared>>
    tpu.enqueue_indirect_dma source(%arg14 : memref<80x128xf32, #tpu.memory_space<vmem>>) target(%dma_start3A_60 : memref<10240x128xf32, #tpu.memory_space<vmem_shared>>) offsets(%arg10 : memref<80xi32, #tpu.memory_space<vmem>>) semaphore(%arg27 : memref<!tpu.dma_semaphore, #tpu.memory_space<semaphore_mem>>) {add = true}
    %mul3A_61 = arith.constant 10240 : i32
    %mul3A_62 = arith.muli %add3A, %mul3A_61 : i32
    %add3A_63 = arith.constant 240 : i32
    %add3A_64 = arith.addi %mul3A_62, %add3A_63 : i32
    %dma_start3A_65 = tpu.memref_slice %arg2[%add3A_64] : memref<327680xi32, #tpu.memory_space<hbm>> -> memref<80xi32, #tpu.memory_space<hbm>>
    %dma_start3A_66 = tpu.memref_slice %arg2[%add3A_64] : memref<327680xi32, #tpu.memory_space<hbm>> -> memref<80xi32, #tpu.memory_space<hbm>>
    tpu.enqueue_dma source(%dma_start3A_66 : memref<80xi32, #tpu.memory_space<hbm>>) target(%arg9 : memref<80xi32, #tpu.memory_space<vmem>>) target_semaphore(%arg22 : memref<!tpu.dma_semaphore, #tpu.memory_space<semaphore_mem>>)
    %dma_start3A_67 = tpu.memref_slice %arg3[%add3A_64] : memref<327680xi32, #tpu.memory_space<hbm>> -> memref<80xi32, #tpu.memory_space<hbm>>
    %dma_start3A_68 = tpu.memref_slice %arg3[%add3A_64] : memref<327680xi32, #tpu.memory_space<hbm>> -> memref<80xi32, #tpu.memory_space<hbm>>
    tpu.enqueue_dma source(%dma_start3A_68 : memref<80xi32, #tpu.memory_space<hbm>>) target(%arg13 : memref<80xi32, #tpu.memory_space<vmem>>) target_semaphore(%arg22 : memref<!tpu.dma_semaphore, #tpu.memory_space<semaphore_mem>>)
    %dma_wait3A_69 = arith.constant 0 : i32
    %dma_wait3A_70 = tpu.memref_slice %arg2[%dma_wait3A_69] : memref<327680xi32, #tpu.memory_space<hbm>> -> memref<80xi32, #tpu.memory_space<hbm>>
    %dma_wait3A_71 = arith.constant 0 : i32
    %dma_wait3A_72 = tpu.memref_slice %arg2[%dma_wait3A_71] : memref<327680xi32, #tpu.memory_space<hbm>> -> memref<80xi32, #tpu.memory_space<hbm>>
    tpu.wait_dma2 semaphore(%arg21 : memref<!tpu.dma_semaphore, #tpu.memory_space<semaphore_mem>>) src(%dma_wait3A_72 : memref<80xi32, #tpu.memory_space<hbm>>) dst(%arg8 : memref<80xi32, #tpu.memory_space<vmem>>)
    %dma_wait3A_73 = arith.constant 0 : i32
    %dma_wait3A_74 = tpu.memref_slice %arg3[%dma_wait3A_73] : memref<327680xi32, #tpu.memory_space<hbm>> -> memref<80xi32, #tpu.memory_space<hbm>>
    %dma_wait3A_75 = arith.constant 0 : i32
    %dma_wait3A_76 = tpu.memref_slice %arg3[%dma_wait3A_75] : memref<327680xi32, #tpu.memory_space<hbm>> -> memref<80xi32, #tpu.memory_space<hbm>>
    tpu.wait_dma2 semaphore(%arg21 : memref<!tpu.dma_semaphore, #tpu.memory_space<semaphore_mem>>) src(%dma_wait3A_76 : memref<80xi32, #tpu.memory_space<hbm>>) dst(%arg12 : memref<80xi32, #tpu.memory_space<vmem>>)
    %dma_start3A_77 = arith.constant 0 : i32
    %dma_start3A_78 = arith.constant 0 : i32
    %dma_start3A_79 = tpu.memref_slice %arg4[%dma_start3A_77, %dma_start3A_78] : memref<10240x128xf32, #tpu.memory_space<hbm>> -> memref<10240x128xf32, #tpu.memory_space<hbm>>
    tpu.enqueue_indirect_dma source(%dma_start3A_79 : memref<10240x128xf32, #tpu.memory_space<hbm>>) target(%arg16 : memref<80x128xf32, #tpu.memory_space<vmem>>) offsets(%arg8 : memref<80xi32, #tpu.memory_space<vmem>>) semaphore(%arg25 : memref<!tpu.dma_semaphore, #tpu.memory_space<semaphore_mem>>)
    %dma_wait3A_80 = arith.constant 0 : i32
    %dma_wait3A_81 = arith.constant 0 : i32
    %dma_wait3A_82 = tpu.memref_slice %arg4[%dma_wait3A_80, %dma_wait3A_81] : memref<10240x128xf32, #tpu.memory_space<hbm>> -> memref<10240x128xf32, #tpu.memory_space<hbm>>
    tpu.wait_indirect_dma semaphore(%arg24 : memref<!tpu.dma_semaphore, #tpu.memory_space<semaphore_mem>>) src(%dma_wait3A_82 : memref<10240x128xf32, #tpu.memory_space<hbm>>) dst(%arg15 : memref<80x128xf32, #tpu.memory_space<vmem>>)
    %dma_start3A_83 = arith.constant 0 : i32
    %dma_start3A_84 = arith.constant 0 : i32
    %dma_start3A_85 = tpu.memref_slice %arg18[%dma_start3A_83, %dma_start3A_84] : memref<10240x128xf32, #tpu.memory_space<vmem_shared>> -> memref<10240x128xf32, #tpu.memory_space<vmem_shared>>
    tpu.enqueue_indirect_dma source(%arg15 : memref<80x128xf32, #tpu.memory_space<vmem>>) target(%dma_start3A_85 : memref<10240x128xf32, #tpu.memory_space<vmem_shared>>) offsets(%arg11 : memref<80xi32, #tpu.memory_space<vmem>>) semaphore(%arg28 : memref<!tpu.dma_semaphore, #tpu.memory_space<semaphore_mem>>) {add = true}
    %dma_wait3A_86 = arith.constant 0 : i32
    %dma_wait3A_87 = arith.constant 0 : i32
    %dma_wait3A_88 = tpu.memref_slice %arg18[%dma_wait3A_86, %dma_wait3A_87] : memref<10240x128xf32, #tpu.memory_space<vmem_shared>> -> memref<10240x128xf32, #tpu.memory_space<vmem_shared>>
    tpu.wait_indirect_dma semaphore(%arg27 : memref<!tpu.dma_semaphore, #tpu.memory_space<semaphore_mem>>) src(%arg14 : memref<80x128xf32, #tpu.memory_space<vmem>>) dst(%dma_wait3A_88 : memref<10240x128xf32, #tpu.memory_space<vmem_shared>>)
    %mul3A_89 = arith.constant 10240 : i32
    %mul3A_90 = arith.muli %add3A, %mul3A_89 : i32
    %add3A_91 = arith.constant 320 : i32
    %add3A_92 = arith.addi %mul3A_90, %add3A_91 : i32
    %dma_start3A_93 = tpu.memref_slice %arg2[%add3A_92] : memref<327680xi32, #tpu.memory_space<hbm>> -> memref<80xi32, #tpu.memory_space<hbm>>
    %dma_start3A_94 = tpu.memref_slice %arg2[%add3A_92] : memref<327680xi32, #tpu.memory_space<hbm>> -> memref<80xi32, #tpu.memory_space<hbm>>
    tpu.enqueue_dma source(%dma_start3A_94 : memref<80xi32, #tpu.memory_space<hbm>>) target(%arg6 : memref<80xi32, #tpu.memory_space<vmem>>) target_semaphore(%arg19 : memref<!tpu.dma_semaphore, #tpu.memory_space<semaphore_mem>>)
    %dma_start3A_95 = tpu.memref_slice %arg3[%add3A_92] : memref<327680xi32, #tpu.memory_space<hbm>> -> memref<80xi32, #tpu.memory_space<hbm>>
    %dma_start3A_96 = tpu.memref_slice %arg3[%add3A_92] : memref<327680xi32, #tpu.memory_space<hbm>> -> memref<80xi32, #tpu.memory_space<hbm>>
    tpu.enqueue_dma source(%dma_start3A_96 : memref<80xi32, #tpu.memory_space<hbm>>) target(%arg10 : memref<80xi32, #tpu.memory_space<vmem>>) target_semaphore(%arg19 : memref<!tpu.dma_semaphore, #tpu.memory_space<semaphore_mem>>)
    %dma_wait3A_97 = arith.constant 0 : i32
    %dma_wait3A_98 = tpu.memref_slice %arg2[%dma_wait3A_97] : memref<327680xi32, #tpu.memory_space<hbm>> -> memref<80xi32, #tpu.memory_space<hbm>>
    %dma_wait3A_99 = arith.constant 0 : i32
    %dma_wait3A_100 = tpu.memref_slice %arg2[%dma_wait3A_99] : memref<327680xi32, #tpu.memory_space<hbm>> -> memref<80xi32, #tpu.memory_space<hbm>>
    tpu.wait_dma2 semaphore(%arg22 : memref<!tpu.dma_semaphore, #tpu.memory_space<semaphore_mem>>) src(%dma_wait3A_100 : memref<80xi32, #tpu.memory_space<hbm>>) dst(%arg9 : memref<80xi32, #tpu.memory_space<vmem>>)
    %dma_wait3A_101 = arith.constant 0 : i32
    %dma_wait3A_102 = tpu.memref_slice %arg3[%dma_wait3A_101] : memref<327680xi32, #tpu.memory_space<hbm>> -> memref<80xi32, #tpu.memory_space<hbm>>
    %dma_wait3A_103 = arith.constant 0 : i32
    %dma_wait3A_104 = tpu.memref_slice %arg3[%dma_wait3A_103] : memref<327680xi32, #tpu.memory_space<hbm>> -> memref<80xi32, #tpu.memory_space<hbm>>
    tpu.wait_dma2 semaphore(%arg22 : memref<!tpu.dma_semaphore, #tpu.memory_space<semaphore_mem>>) src(%dma_wait3A_104 : memref<80xi32, #tpu.memory_space<hbm>>) dst(%arg13 : memref<80xi32, #tpu.memory_space<vmem>>)
    %dma_start3A_105 = arith.constant 0 : i32
    %dma_start3A_106 = arith.constant 0 : i32
    %dma_start3A_107 = tpu.memref_slice %arg4[%dma_start3A_105, %dma_start3A_106] : memref<10240x128xf32, #tpu.memory_space<hbm>> -> memref<10240x128xf32, #tpu.memory_space<hbm>>
    tpu.enqueue_indirect_dma source(%dma_start3A_107 : memref<10240x128xf32, #tpu.memory_space<hbm>>) target(%arg17 : memref<80x128xf32, #tpu.memory_space<vmem>>) offsets(%arg9 : memref<80xi32, #tpu.memory_space<vmem>>) semaphore(%arg26 : memref<!tpu.dma_semaphore, #tpu.memory_space<semaphore_mem>>)
    %dma_wait3A_108 = arith.constant 0 : i32
    %dma_wait3A_109 = arith.constant 0 : i32
    %dma_wait3A_110 = tpu.memref_slice %arg4[%dma_wait3A_108, %dma_wait3A_109] : memref<10240x128xf32, #tpu.memory_space<hbm>> -> memref<10240x128xf32, #tpu.memory_space<hbm>>
    tpu.wait_indirect_dma semaphore(%arg25 : memref<!tpu.dma_semaphore, #tpu.memory_space<semaphore_mem>>) src(%dma_wait3A_110 : memref<10240x128xf32, #tpu.memory_space<hbm>>) dst(%arg16 : memref<80x128xf32, #tpu.memory_space<vmem>>)
    %dma_start3A_111 = arith.constant 0 : i32
    %dma_start3A_112 = arith.constant 0 : i32
    %dma_start3A_113 = tpu.memref_slice %arg18[%dma_start3A_111, %dma_start3A_112] : memref<10240x128xf32, #tpu.memory_space<vmem_shared>> -> memref<10240x128xf32, #tpu.memory_space<vmem_shared>>
    tpu.enqueue_indirect_dma source(%arg16 : memref<80x128xf32, #tpu.memory_space<vmem>>) target(%dma_start3A_113 : memref<10240x128xf32, #tpu.memory_space<vmem_shared>>) offsets(%arg12 : memref<80xi32, #tpu.memory_space<vmem>>) semaphore(%arg29 : memref<!tpu.dma_semaphore, #tpu.memory_space<semaphore_mem>>) {add = true}
    %dma_wait3A_114 = arith.constant 0 : i32
    %dma_wait3A_115 = arith.constant 0 : i32
    %dma_wait3A_116 = tpu.memref_slice %arg18[%dma_wait3A_114, %dma_wait3A_115] : memref<10240x128xf32, #tpu.memory_space<vmem_shared>> -> memref<10240x128xf32, #tpu.memory_space<vmem_shared>>
    tpu.wait_indirect_dma semaphore(%arg28 : memref<!tpu.dma_semaphore, #tpu.memory_space<semaphore_mem>>) src(%arg15 : memref<80x128xf32, #tpu.memory_space<vmem>>) dst(%dma_wait3A_116 : memref<10240x128xf32, #tpu.memory_space<vmem_shared>>)
    %mul3A_117 = arith.constant 10240 : i32
    %mul3A_118 = arith.muli %add3A, %mul3A_117 : i32
    %add3A_119 = arith.constant 400 : i32
    %add3A_120 = arith.addi %mul3A_118, %add3A_119 : i32
    %dma_start3A_121 = tpu.memref_slice %arg2[%add3A_120] : memref<327680xi32, #tpu.memory_space<hbm>> -> memref<80xi32, #tpu.memory_space<hbm>>
    %dma_start3A_122 = tpu.memref_slice %arg2[%add3A_120] : memref<327680xi32, #tpu.memory_space<hbm>> -> memref<80xi32, #tpu.memory_space<hbm>>
    tpu.enqueue_dma source(%dma_start3A_122 : memref<80xi32, #tpu.memory_space<hbm>>) target(%arg7 : memref<80xi32, #tpu.memory_space<vmem>>) target_semaphore(%arg20 : memref<!tpu.dma_semaphore, #tpu.memory_space<semaphore_mem>>)
    %dma_start3A_123 = tpu.memref_slice %arg3[%add3A_120] : memref<327680xi32, #tpu.memory_space<hbm>> -> memref<80xi32, #tpu.memory_space<hbm>>
    %dma_start3A_124 = tpu.memref_slice %arg3[%add3A_120] : memref<327680xi32, #tpu.memory_space<hbm>> -> memref<80xi32, #tpu.memory_space<hbm>>
    tpu.enqueue_dma source(%dma_start3A_124 : memref<80xi32, #tpu.memory_space<hbm>>) target(%arg11 : memref<80xi32, #tpu.memory_space<vmem>>) target_semaphore(%arg20 : memref<!tpu.dma_semaphore, #tpu.memory_space<semaphore_mem>>)
    %dma_wait3A_125 = arith.constant 0 : i32
    %dma_wait3A_126 = tpu.memref_slice %arg2[%dma_wait3A_125] : memref<327680xi32, #tpu.memory_space<hbm>> -> memref<80xi32, #tpu.memory_space<hbm>>
    %dma_wait3A_127 = arith.constant 0 : i32
    %dma_wait3A_128 = tpu.memref_slice %arg2[%dma_wait3A_127] : memref<327680xi32, #tpu.memory_space<hbm>> -> memref<80xi32, #tpu.memory_space<hbm>>
    tpu.wait_dma2 semaphore(%arg19 : memref<!tpu.dma_semaphore, #tpu.memory_space<semaphore_mem>>) src(%dma_wait3A_128 : memref<80xi32, #tpu.memory_space<hbm>>) dst(%arg6 : memref<80xi32, #tpu.memory_space<vmem>>)
    %dma_wait3A_129 = arith.constant 0 : i32
    %dma_wait3A_130 = tpu.memref_slice %arg3[%dma_wait3A_129] : memref<327680xi32, #tpu.memory_space<hbm>> -> memref<80xi32, #tpu.memory_space<hbm>>
    %dma_wait3A_131 = arith.constant 0 : i32
    %dma_wait3A_132 = tpu.memref_slice %arg3[%dma_wait3A_131] : memref<327680xi32, #tpu.memory_space<hbm>> -> memref<80xi32, #tpu.memory_space<hbm>>
    tpu.wait_dma2 semaphore(%arg19 : memref<!tpu.dma_semaphore, #tpu.memory_space<semaphore_mem>>) src(%dma_wait3A_132 : memref<80xi32, #tpu.memory_space<hbm>>) dst(%arg10 : memref<80xi32, #tpu.memory_space<vmem>>)
    %dma_start3A_133 = arith.constant 0 : i32
    %dma_start3A_134 = arith.constant 0 : i32
    %dma_start3A_135 = tpu.memref_slice %arg4[%dma_start3A_133, %dma_start3A_134] : memref<10240x128xf32, #tpu.memory_space<hbm>> -> memref<10240x128xf32, #tpu.memory_space<hbm>>
    tpu.enqueue_indirect_dma source(%dma_start3A_135 : memref<10240x128xf32, #tpu.memory_space<hbm>>) target(%arg14 : memref<80x128xf32, #tpu.memory_space<vmem>>) offsets(%arg6 : memref<80xi32, #tpu.memory_space<vmem>>) semaphore(%arg23 : memref<!tpu.dma_semaphore, #tpu.memory_space<semaphore_mem>>)
    %dma_wait3A_136 = arith.constant 0 : i32
    %dma_wait3A_137 = arith.constant 0 : i32
    %dma_wait3A_138 = tpu.memref_slice %arg4[%dma_wait3A_136, %dma_wait3A_137] : memref<10240x128xf32, #tpu.memory_space<hbm>> -> memref<10240x128xf32, #tpu.memory_space<hbm>>
    tpu.wait_indirect_dma semaphore(%arg26 : memref<!tpu.dma_semaphore, #tpu.memory_space<semaphore_mem>>) src(%dma_wait3A_138 : memref<10240x128xf32, #tpu.memory_space<hbm>>) dst(%arg17 : memref<80x128xf32, #tpu.memory_space<vmem>>)
    %dma_start3A_139 = arith.constant 0 : i32
    %dma_start3A_140 = arith.constant 0 : i32
    %dma_start3A_141 = tpu.memref_slice %arg18[%dma_start3A_139, %dma_start3A_140] : memref<10240x128xf32, #tpu.memory_space<vmem_shared>> -> memref<10240x128xf32, #tpu.memory_space<vmem_shared>>
    tpu.enqueue_indirect_dma source(%arg17 : memref<80x128xf32, #tpu.memory_space<vmem>>) target(%dma_start3A_141 : memref<10240x128xf32, #tpu.memory_space<vmem_shared>>) offsets(%arg13 : memref<80xi32, #tpu.memory_space<vmem>>) semaphore(%arg30 : memref<!tpu.dma_semaphore, #tpu.memory_space<semaphore_mem>>) {add = true}
    %scan3A_142 = arith.constant 0 : i32
    %scan3A_143 = arith.constant 30 : i32
    %scan3A_144 = arith.addi %scan3A_142, %scan3A_143 : i32
    %scan3A_145 = arith.constant 1 : i32
    scf.for %scan3A_243 = %scan3A_142 to %scan3A_144 step %scan3A_145  : i32 {
      %mul3A_244 = arith.constant 1 : i32
      %mul3A_245 = arith.muli %scan3A_243, %mul3A_244 : i32
      %add3A_246 = arith.constant 1 : i32
      %add3A_247 = arith.addi %add3A_246, %mul3A_245 : i32
      %mul3A_248 = arith.constant 4 : i32
      %mul3A_249 = arith.muli %add3A_247, %mul3A_248 : i32
      %add3A_250 = arith.constant 0 : i32
      %add3A_251 = arith.addi %mul3A_249, %add3A_250 : i32
      %dma_wait3A_252 = arith.constant 0 : i32
      %dma_wait3A_253 = arith.constant 0 : i32
      %dma_wait3A_254 = tpu.memref_slice %arg18[%dma_wait3A_252, %dma_wait3A_253] : memref<10240x128xf32, #tpu.memory_space<vmem_shared>> -> memref<10240x128xf32, #tpu.memory_space<vmem_shared>>
      tpu.wait_indirect_dma semaphore(%arg29 : memref<!tpu.dma_semaphore, #tpu.memory_space<semaphore_mem>>) src(%arg16 : memref<80x128xf32, #tpu.memory_space<vmem>>) dst(%dma_wait3A_254 : memref<10240x128xf32, #tpu.memory_space<vmem_shared>>)
      %add3A_255 = arith.constant 2 : i32
      %add3A_256 = arith.addi %add3A_251, %add3A_255 : i32
      %mul3A_257 = arith.constant 10240 : i32
      %mul3A_258 = arith.muli %add3A, %mul3A_257 : i32
      %mul3A_259 = arith.constant 80 : i32
      %mul3A_260 = arith.muli %add3A_256, %mul3A_259 : i32
      %add3A_261 = arith.addi %mul3A_258, %mul3A_260 : i32
      %dma_start3A_262 = tpu.memref_slice %arg2[%add3A_261] : memref<327680xi32, #tpu.memory_space<hbm>> -> memref<80xi32, #tpu.memory_space<hbm>>
      %dma_start3A_263 = tpu.memref_slice %arg2[%add3A_261] : memref<327680xi32, #tpu.memory_space<hbm>> -> memref<80xi32, #tpu.memory_space<hbm>>
      tpu.enqueue_dma source(%dma_start3A_263 : memref<80xi32, #tpu.memory_space<hbm>>) target(%arg8 : memref<80xi32, #tpu.memory_space<vmem>>) target_semaphore(%arg21 : memref<!tpu.dma_semaphore, #tpu.memory_space<semaphore_mem>>)
      %dma_start3A_264 = tpu.memref_slice %arg3[%add3A_261] : memref<327680xi32, #tpu.memory_space<hbm>> -> memref<80xi32, #tpu.memory_space<hbm>>
      %dma_start3A_265 = tpu.memref_slice %arg3[%add3A_261] : memref<327680xi32, #tpu.memory_space<hbm>> -> memref<80xi32, #tpu.memory_space<hbm>>
      tpu.enqueue_dma source(%dma_start3A_265 : memref<80xi32, #tpu.memory_space<hbm>>) target(%arg12 : memref<80xi32, #tpu.memory_space<vmem>>) target_semaphore(%arg21 : memref<!tpu.dma_semaphore, #tpu.memory_space<semaphore_mem>>)
      %dma_wait3A_266 = arith.constant 0 : i32
      %dma_wait3A_267 = tpu.memref_slice %arg2[%dma_wait3A_266] : memref<327680xi32, #tpu.memory_space<hbm>> -> memref<80xi32, #tpu.memory_space<hbm>>
      %dma_wait3A_268 = arith.constant 0 : i32
      %dma_wait3A_269 = tpu.memref_slice %arg2[%dma_wait3A_268] : memref<327680xi32, #tpu.memory_space<hbm>> -> memref<80xi32, #tpu.memory_space<hbm>>
      tpu.wait_dma2 semaphore(%arg20 : memref<!tpu.dma_semaphore, #tpu.memory_space<semaphore_mem>>) src(%dma_wait3A_269 : memref<80xi32, #tpu.memory_space<hbm>>) dst(%arg7 : memref<80xi32, #tpu.memory_space<vmem>>)
      %dma_wait3A_270 = arith.constant 0 : i32
      %dma_wait3A_271 = tpu.memref_slice %arg3[%dma_wait3A_270] : memref<327680xi32, #tpu.memory_space<hbm>> -> memref<80xi32, #tpu.memory_space<hbm>>
      %dma_wait3A_272 = arith.constant 0 : i32
      %dma_wait3A_273 = tpu.memref_slice %arg3[%dma_wait3A_272] : memref<327680xi32, #tpu.memory_space<hbm>> -> memref<80xi32, #tpu.memory_space<hbm>>
      tpu.wait_dma2 semaphore(%arg20 : memref<!tpu.dma_semaphore, #tpu.memory_space<semaphore_mem>>) src(%dma_wait3A_273 : memref<80xi32, #tpu.memory_space<hbm>>) dst(%arg11 : memref<80xi32, #tpu.memory_space<vmem>>)
      %add3A_274 = arith.constant 1 : i32
      %add3A_275 = arith.addi %add3A_251, %add3A_274 : i32
      %dma_start3A_276 = arith.constant 0 : i32
      %dma_start3A_277 = arith.constant 0 : i32
      %dma_start3A_278 = tpu.memref_slice %arg4[%dma_start3A_276, %dma_start3A_277] : memref<10240x128xf32, #tpu.memory_space<hbm>> -> memref<10240x128xf32, #tpu.memory_space<hbm>>
      tpu.enqueue_indirect_dma source(%dma_start3A_278 : memref<10240x128xf32, #tpu.memory_space<hbm>>) target(%arg15 : memref<80x128xf32, #tpu.memory_space<vmem>>) offsets(%arg7 : memref<80xi32, #tpu.memory_space<vmem>>) semaphore(%arg24 : memref<!tpu.dma_semaphore, #tpu.memory_space<semaphore_mem>>)
      %dma_wait3A_279 = arith.constant 0 : i32
      %dma_wait3A_280 = arith.constant 0 : i32
      %dma_wait3A_281 = tpu.memref_slice %arg4[%dma_wait3A_279, %dma_wait3A_280] : memref<10240x128xf32, #tpu.memory_space<hbm>> -> memref<10240x128xf32, #tpu.memory_space<hbm>>
      tpu.wait_indirect_dma semaphore(%arg23 : memref<!tpu.dma_semaphore, #tpu.memory_space<semaphore_mem>>) src(%dma_wait3A_281 : memref<10240x128xf32, #tpu.memory_space<hbm>>) dst(%arg14 : memref<80x128xf32, #tpu.memory_space<vmem>>)
      %dma_start3A_282 = arith.constant 0 : i32
      %dma_start3A_283 = arith.constant 0 : i32
      %dma_start3A_284 = tpu.memref_slice %arg18[%dma_start3A_282, %dma_start3A_283] : memref<10240x128xf32, #tpu.memory_space<vmem_shared>> -> memref<10240x128xf32, #tpu.memory_space<vmem_shared>>
      tpu.enqueue_indirect_dma source(%arg14 : memref<80x128xf32, #tpu.memory_space<vmem>>) target(%dma_start3A_284 : memref<10240x128xf32, #tpu.memory_space<vmem_shared>>) offsets(%arg10 : memref<80xi32, #tpu.memory_space<vmem>>) semaphore(%arg27 : memref<!tpu.dma_semaphore, #tpu.memory_space<semaphore_mem>>) {add = true}
      %mul3A_285 = arith.constant 4 : i32
      %mul3A_286 = arith.muli %add3A_247, %mul3A_285 : i32
      %add3A_287 = arith.constant 1 : i32
      %add3A_288 = arith.addi %mul3A_286, %add3A_287 : i32
      %dma_wait3A_289 = arith.constant 0 : i32
      %dma_wait3A_290 = arith.constant 0 : i32
      %dma_wait3A_291 = tpu.memref_slice %arg18[%dma_wait3A_289, %dma_wait3A_290] : memref<10240x128xf32, #tpu.memory_space<vmem_shared>> -> memref<10240x128xf32, #tpu.memory_space<vmem_shared>>
      tpu.wait_indirect_dma semaphore(%arg30 : memref<!tpu.dma_semaphore, #tpu.memory_space<semaphore_mem>>) src(%arg17 : memref<80x128xf32, #tpu.memory_space<vmem>>) dst(%dma_wait3A_291 : memref<10240x128xf32, #tpu.memory_space<vmem_shared>>)
      %add3A_292 = arith.constant 2 : i32
      %add3A_293 = arith.addi %add3A_288, %add3A_292 : i32
      %mul3A_294 = arith.constant 10240 : i32
      %mul3A_295 = arith.muli %add3A, %mul3A_294 : i32
      %mul3A_296 = arith.constant 80 : i32
      %mul3A_297 = arith.muli %add3A_293, %mul3A_296 : i32
      %add3A_298 = arith.addi %mul3A_295, %mul3A_297 : i32
      %dma_start3A_299 = tpu.memref_slice %arg2[%add3A_298] : memref<327680xi32, #tpu.memory_space<hbm>> -> memref<80xi32, #tpu.memory_space<hbm>>
      %dma_start3A_300 = tpu.memref_slice %arg2[%add3A_298] : memref<327680xi32, #tpu.memory_space<hbm>> -> memref<80xi32, #tpu.memory_space<hbm>>
      tpu.enqueue_dma source(%dma_start3A_300 : memref<80xi32, #tpu.memory_space<hbm>>) target(%arg9 : memref<80xi32, #tpu.memory_space<vmem>>) target_semaphore(%arg22 : memref<!tpu.dma_semaphore, #tpu.memory_space<semaphore_mem>>)
      %dma_start3A_301 = tpu.memref_slice %arg3[%add3A_298] : memref<327680xi32, #tpu.memory_space<hbm>> -> memref<80xi32, #tpu.memory_space<hbm>>
      %dma_start3A_302 = tpu.memref_slice %arg3[%add3A_298] : memref<327680xi32, #tpu.memory_space<hbm>> -> memref<80xi32, #tpu.memory_space<hbm>>
      tpu.enqueue_dma source(%dma_start3A_302 : memref<80xi32, #tpu.memory_space<hbm>>) target(%arg13 : memref<80xi32, #tpu.memory_space<vmem>>) target_semaphore(%arg22 : memref<!tpu.dma_semaphore, #tpu.memory_space<semaphore_mem>>)
      %dma_wait3A_303 = arith.constant 0 : i32
      %dma_wait3A_304 = tpu.memref_slice %arg2[%dma_wait3A_303] : memref<327680xi32, #tpu.memory_space<hbm>> -> memref<80xi32, #tpu.memory_space<hbm>>
      %dma_wait3A_305 = arith.constant 0 : i32
      %dma_wait3A_306 = tpu.memref_slice %arg2[%dma_wait3A_305] : memref<327680xi32, #tpu.memory_space<hbm>> -> memref<80xi32, #tpu.memory_space<hbm>>
      tpu.wait_dma2 semaphore(%arg21 : memref<!tpu.dma_semaphore, #tpu.memory_space<semaphore_mem>>) src(%dma_wait3A_306 : memref<80xi32, #tpu.memory_space<hbm>>) dst(%arg8 : memref<80xi32, #tpu.memory_space<vmem>>)
      %dma_wait3A_307 = arith.constant 0 : i32
      %dma_wait3A_308 = tpu.memref_slice %arg3[%dma_wait3A_307] : memref<327680xi32, #tpu.memory_space<hbm>> -> memref<80xi32, #tpu.memory_space<hbm>>
      %dma_wait3A_309 = arith.constant 0 : i32
      %dma_wait3A_310 = tpu.memref_slice %arg3[%dma_wait3A_309] : memref<327680xi32, #tpu.memory_space<hbm>> -> memref<80xi32, #tpu.memory_space<hbm>>
      tpu.wait_dma2 semaphore(%arg21 : memref<!tpu.dma_semaphore, #tpu.memory_space<semaphore_mem>>) src(%dma_wait3A_310 : memref<80xi32, #tpu.memory_space<hbm>>) dst(%arg12 : memref<80xi32, #tpu.memory_space<vmem>>)
      %add3A_311 = arith.constant 1 : i32
      %add3A_312 = arith.addi %add3A_288, %add3A_311 : i32
      %dma_start3A_313 = arith.constant 0 : i32
      %dma_start3A_314 = arith.constant 0 : i32
      %dma_start3A_315 = tpu.memref_slice %arg4[%dma_start3A_313, %dma_start3A_314] : memref<10240x128xf32, #tpu.memory_space<hbm>> -> memref<10240x128xf32, #tpu.memory_space<hbm>>
      tpu.enqueue_indirect_dma source(%dma_start3A_315 : memref<10240x128xf32, #tpu.memory_space<hbm>>) target(%arg16 : memref<80x128xf32, #tpu.memory_space<vmem>>) offsets(%arg8 : memref<80xi32, #tpu.memory_space<vmem>>) semaphore(%arg25 : memref<!tpu.dma_semaphore, #tpu.memory_space<semaphore_mem>>)
      %dma_wait3A_316 = arith.constant 0 : i32
      %dma_wait3A_317 = arith.constant 0 : i32
      %dma_wait3A_318 = tpu.memref_slice %arg4[%dma_wait3A_316, %dma_wait3A_317] : memref<10240x128xf32, #tpu.memory_space<hbm>> -> memref<10240x128xf32, #tpu.memory_space<hbm>>
      tpu.wait_indirect_dma semaphore(%arg24 : memref<!tpu.dma_semaphore, #tpu.memory_space<semaphore_mem>>) src(%dma_wait3A_318 : memref<10240x128xf32, #tpu.memory_space<hbm>>) dst(%arg15 : memref<80x128xf32, #tpu.memory_space<vmem>>)
      %dma_start3A_319 = arith.constant 0 : i32
      %dma_start3A_320 = arith.constant 0 : i32
      %dma_start3A_321 = tpu.memref_slice %arg18[%dma_start3A_319, %dma_start3A_320] : memref<10240x128xf32, #tpu.memory_space<vmem_shared>> -> memref<10240x128xf32, #tpu.memory_space<vmem_shared>>
      tpu.enqueue_indirect_dma source(%arg15 : memref<80x128xf32, #tpu.memory_space<vmem>>) target(%dma_start3A_321 : memref<10240x128xf32, #tpu.memory_space<vmem_shared>>) offsets(%arg11 : memref<80xi32, #tpu.memory_space<vmem>>) semaphore(%arg28 : memref<!tpu.dma_semaphore, #tpu.memory_space<semaphore_mem>>) {add = true}
      %mul3A_322 = arith.constant 4 : i32
      %mul3A_323 = arith.muli %add3A_247, %mul3A_322 : i32
      %add3A_324 = arith.constant 2 : i32
      %add3A_325 = arith.addi %mul3A_323, %add3A_324 : i32
      %dma_wait3A_326 = arith.constant 0 : i32
      %dma_wait3A_327 = arith.constant 0 : i32
      %dma_wait3A_328 = tpu.memref_slice %arg18[%dma_wait3A_326, %dma_wait3A_327] : memref<10240x128xf32, #tpu.memory_space<vmem_shared>> -> memref<10240x128xf32, #tpu.memory_space<vmem_shared>>
      tpu.wait_indirect_dma semaphore(%arg27 : memref<!tpu.dma_semaphore, #tpu.memory_space<semaphore_mem>>) src(%arg14 : memref<80x128xf32, #tpu.memory_space<vmem>>) dst(%dma_wait3A_328 : memref<10240x128xf32, #tpu.memory_space<vmem_shared>>)
      %add3A_329 = arith.constant 2 : i32
      %add3A_330 = arith.addi %add3A_325, %add3A_329 : i32
      %mul3A_331 = arith.constant 10240 : i32
      %mul3A_332 = arith.muli %add3A, %mul3A_331 : i32
      %mul3A_333 = arith.constant 80 : i32
      %mul3A_334 = arith.muli %add3A_330, %mul3A_333 : i32
      %add3A_335 = arith.addi %mul3A_332, %mul3A_334 : i32
      %dma_start3A_336 = tpu.memref_slice %arg2[%add3A_335] : memref<327680xi32, #tpu.memory_space<hbm>> -> memref<80xi32, #tpu.memory_space<hbm>>
      %dma_start3A_337 = tpu.memref_slice %arg2[%add3A_335] : memref<327680xi32, #tpu.memory_space<hbm>> -> memref<80xi32, #tpu.memory_space<hbm>>
      tpu.enqueue_dma source(%dma_start3A_337 : memref<80xi32, #tpu.memory_space<hbm>>) target(%arg6 : memref<80xi32, #tpu.memory_space<vmem>>) target_semaphore(%arg19 : memref<!tpu.dma_semaphore, #tpu.memory_space<semaphore_mem>>)
      %dma_start3A_338 = tpu.memref_slice %arg3[%add3A_335] : memref<327680xi32, #tpu.memory_space<hbm>> -> memref<80xi32, #tpu.memory_space<hbm>>
      %dma_start3A_339 = tpu.memref_slice %arg3[%add3A_335] : memref<327680xi32, #tpu.memory_space<hbm>> -> memref<80xi32, #tpu.memory_space<hbm>>
      tpu.enqueue_dma source(%dma_start3A_339 : memref<80xi32, #tpu.memory_space<hbm>>) target(%arg10 : memref<80xi32, #tpu.memory_space<vmem>>) target_semaphore(%arg19 : memref<!tpu.dma_semaphore, #tpu.memory_space<semaphore_mem>>)
      %dma_wait3A_340 = arith.constant 0 : i32
      %dma_wait3A_341 = tpu.memref_slice %arg2[%dma_wait3A_340] : memref<327680xi32, #tpu.memory_space<hbm>> -> memref<80xi32, #tpu.memory_space<hbm>>
      %dma_wait3A_342 = arith.constant 0 : i32
      %dma_wait3A_343 = tpu.memref_slice %arg2[%dma_wait3A_342] : memref<327680xi32, #tpu.memory_space<hbm>> -> memref<80xi32, #tpu.memory_space<hbm>>
      tpu.wait_dma2 semaphore(%arg22 : memref<!tpu.dma_semaphore, #tpu.memory_space<semaphore_mem>>) src(%dma_wait3A_343 : memref<80xi32, #tpu.memory_space<hbm>>) dst(%arg9 : memref<80xi32, #tpu.memory_space<vmem>>)
      %dma_wait3A_344 = arith.constant 0 : i32
      %dma_wait3A_345 = tpu.memref_slice %arg3[%dma_wait3A_344] : memref<327680xi32, #tpu.memory_space<hbm>> -> memref<80xi32, #tpu.memory_space<hbm>>
      %dma_wait3A_346 = arith.constant 0 : i32
      %dma_wait3A_347 = tpu.memref_slice %arg3[%dma_wait3A_346] : memref<327680xi32, #tpu.memory_space<hbm>> -> memref<80xi32, #tpu.memory_space<hbm>>
      tpu.wait_dma2 semaphore(%arg22 : memref<!tpu.dma_semaphore, #tpu.memory_space<semaphore_mem>>) src(%dma_wait3A_347 : memref<80xi32, #tpu.memory_space<hbm>>) dst(%arg13 : memref<80xi32, #tpu.memory_space<vmem>>)
      %add3A_348 = arith.constant 1 : i32
      %add3A_349 = arith.addi %add3A_325, %add3A_348 : i32
      %dma_start3A_350 = arith.constant 0 : i32
      %dma_start3A_351 = arith.constant 0 : i32
      %dma_start3A_352 = tpu.memref_slice %arg4[%dma_start3A_350, %dma_start3A_351] : memref<10240x128xf32, #tpu.memory_space<hbm>> -> memref<10240x128xf32, #tpu.memory_space<hbm>>
      tpu.enqueue_indirect_dma source(%dma_start3A_352 : memref<10240x128xf32, #tpu.memory_space<hbm>>) target(%arg17 : memref<80x128xf32, #tpu.memory_space<vmem>>) offsets(%arg9 : memref<80xi32, #tpu.memory_space<vmem>>) semaphore(%arg26 : memref<!tpu.dma_semaphore, #tpu.memory_space<semaphore_mem>>)
      %dma_wait3A_353 = arith.constant 0 : i32
      %dma_wait3A_354 = arith.constant 0 : i32
      %dma_wait3A_355 = tpu.memref_slice %arg4[%dma_wait3A_353, %dma_wait3A_354] : memref<10240x128xf32, #tpu.memory_space<hbm>> -> memref<10240x128xf32, #tpu.memory_space<hbm>>
      tpu.wait_indirect_dma semaphore(%arg25 : memref<!tpu.dma_semaphore, #tpu.memory_space<semaphore_mem>>) src(%dma_wait3A_355 : memref<10240x128xf32, #tpu.memory_space<hbm>>) dst(%arg16 : memref<80x128xf32, #tpu.memory_space<vmem>>)
      %dma_start3A_356 = arith.constant 0 : i32
      %dma_start3A_357 = arith.constant 0 : i32
      %dma_start3A_358 = tpu.memref_slice %arg18[%dma_start3A_356, %dma_start3A_357] : memref<10240x128xf32, #tpu.memory_space<vmem_shared>> -> memref<10240x128xf32, #tpu.memory_space<vmem_shared>>
      tpu.enqueue_indirect_dma source(%arg16 : memref<80x128xf32, #tpu.memory_space<vmem>>) target(%dma_start3A_358 : memref<10240x128xf32, #tpu.memory_space<vmem_shared>>) offsets(%arg12 : memref<80xi32, #tpu.memory_space<vmem>>) semaphore(%arg29 : memref<!tpu.dma_semaphore, #tpu.memory_space<semaphore_mem>>) {add = true}
      %mul3A_359 = arith.constant 4 : i32
      %mul3A_360 = arith.muli %add3A_247, %mul3A_359 : i32
      %add3A_361 = arith.constant 3 : i32
      %add3A_362 = arith.addi %mul3A_360, %add3A_361 : i32
      %dma_wait3A_363 = arith.constant 0 : i32
      %dma_wait3A_364 = arith.constant 0 : i32
      %dma_wait3A_365 = tpu.memref_slice %arg18[%dma_wait3A_363, %dma_wait3A_364] : memref<10240x128xf32, #tpu.memory_space<vmem_shared>> -> memref<10240x128xf32, #tpu.memory_space<vmem_shared>>
      tpu.wait_indirect_dma semaphore(%arg28 : memref<!tpu.dma_semaphore, #tpu.memory_space<semaphore_mem>>) src(%arg15 : memref<80x128xf32, #tpu.memory_space<vmem>>) dst(%dma_wait3A_365 : memref<10240x128xf32, #tpu.memory_space<vmem_shared>>)
      %add3A_366 = arith.constant 2 : i32
      %add3A_367 = arith.addi %add3A_362, %add3A_366 : i32
      %mul3A_368 = arith.constant 10240 : i32
      %mul3A_369 = arith.muli %add3A, %mul3A_368 : i32
      %mul3A_370 = arith.constant 80 : i32
      %mul3A_371 = arith.muli %add3A_367, %mul3A_370 : i32
      %add3A_372 = arith.addi %mul3A_369, %mul3A_371 : i32
      %dma_start3A_373 = tpu.memref_slice %arg2[%add3A_372] : memref<327680xi32, #tpu.memory_space<hbm>> -> memref<80xi32, #tpu.memory_space<hbm>>
      %dma_start3A_374 = tpu.memref_slice %arg2[%add3A_372] : memref<327680xi32, #tpu.memory_space<hbm>> -> memref<80xi32, #tpu.memory_space<hbm>>
      tpu.enqueue_dma source(%dma_start3A_374 : memref<80xi32, #tpu.memory_space<hbm>>) target(%arg7 : memref<80xi32, #tpu.memory_space<vmem>>) target_semaphore(%arg20 : memref<!tpu.dma_semaphore, #tpu.memory_space<semaphore_mem>>)
      %dma_start3A_375 = tpu.memref_slice %arg3[%add3A_372] : memref<327680xi32, #tpu.memory_space<hbm>> -> memref<80xi32, #tpu.memory_space<hbm>>
      %dma_start3A_376 = tpu.memref_slice %arg3[%add3A_372] : memref<327680xi32, #tpu.memory_space<hbm>> -> memref<80xi32, #tpu.memory_space<hbm>>
      tpu.enqueue_dma source(%dma_start3A_376 : memref<80xi32, #tpu.memory_space<hbm>>) target(%arg11 : memref<80xi32, #tpu.memory_space<vmem>>) target_semaphore(%arg20 : memref<!tpu.dma_semaphore, #tpu.memory_space<semaphore_mem>>)
      %dma_wait3A_377 = arith.constant 0 : i32
      %dma_wait3A_378 = tpu.memref_slice %arg2[%dma_wait3A_377] : memref<327680xi32, #tpu.memory_space<hbm>> -> memref<80xi32, #tpu.memory_space<hbm>>
      %dma_wait3A_379 = arith.constant 0 : i32
      %dma_wait3A_380 = tpu.memref_slice %arg2[%dma_wait3A_379] : memref<327680xi32, #tpu.memory_space<hbm>> -> memref<80xi32, #tpu.memory_space<hbm>>
      tpu.wait_dma2 semaphore(%arg19 : memref<!tpu.dma_semaphore, #tpu.memory_space<semaphore_mem>>) src(%dma_wait3A_380 : memref<80xi32, #tpu.memory_space<hbm>>) dst(%arg6 : memref<80xi32, #tpu.memory_space<vmem>>)
      %dma_wait3A_381 = arith.constant 0 : i32
      %dma_wait3A_382 = tpu.memref_slice %arg3[%dma_wait3A_381] : memref<327680xi32, #tpu.memory_space<hbm>> -> memref<80xi32, #tpu.memory_space<hbm>>
      %dma_wait3A_383 = arith.constant 0 : i32
      %dma_wait3A_384 = tpu.memref_slice %arg3[%dma_wait3A_383] : memref<327680xi32, #tpu.memory_space<hbm>> -> memref<80xi32, #tpu.memory_space<hbm>>
      tpu.wait_dma2 semaphore(%arg19 : memref<!tpu.dma_semaphore, #tpu.memory_space<semaphore_mem>>) src(%dma_wait3A_384 : memref<80xi32, #tpu.memory_space<hbm>>) dst(%arg10 : memref<80xi32, #tpu.memory_space<vmem>>)
      %add3A_385 = arith.constant 1 : i32
      %add3A_386 = arith.addi %add3A_362, %add3A_385 : i32
      %dma_start3A_387 = arith.constant 0 : i32
      %dma_start3A_388 = arith.constant 0 : i32
      %dma_start3A_389 = tpu.memref_slice %arg4[%dma_start3A_387, %dma_start3A_388] : memref<10240x128xf32, #tpu.memory_space<hbm>> -> memref<10240x128xf32, #tpu.memory_space<hbm>>
      tpu.enqueue_indirect_dma source(%dma_start3A_389 : memref<10240x128xf32, #tpu.memory_space<hbm>>) target(%arg14 : memref<80x128xf32, #tpu.memory_space<vmem>>) offsets(%arg6 : memref<80xi32, #tpu.memory_space<vmem>>) semaphore(%arg23 : memref<!tpu.dma_semaphore, #tpu.memory_space<semaphore_mem>>)
      %dma_wait3A_390 = arith.constant 0 : i32
      %dma_wait3A_391 = arith.constant 0 : i32
      %dma_wait3A_392 = tpu.memref_slice %arg4[%dma_wait3A_390, %dma_wait3A_391] : memref<10240x128xf32, #tpu.memory_space<hbm>> -> memref<10240x128xf32, #tpu.memory_space<hbm>>
      tpu.wait_indirect_dma semaphore(%arg26 : memref<!tpu.dma_semaphore, #tpu.memory_space<semaphore_mem>>) src(%dma_wait3A_392 : memref<10240x128xf32, #tpu.memory_space<hbm>>) dst(%arg17 : memref<80x128xf32, #tpu.memory_space<vmem>>)
      %dma_start3A_393 = arith.constant 0 : i32
      %dma_start3A_394 = arith.constant 0 : i32
      %dma_start3A_395 = tpu.memref_slice %arg18[%dma_start3A_393, %dma_start3A_394] : memref<10240x128xf32, #tpu.memory_space<vmem_shared>> -> memref<10240x128xf32, #tpu.memory_space<vmem_shared>>
      tpu.enqueue_indirect_dma source(%arg17 : memref<80x128xf32, #tpu.memory_space<vmem>>) target(%dma_start3A_395 : memref<10240x128xf32, #tpu.memory_space<vmem_shared>>) offsets(%arg13 : memref<80xi32, #tpu.memory_space<vmem>>) semaphore(%arg30 : memref<!tpu.dma_semaphore, #tpu.memory_space<semaphore_mem>>) {add = true}
    }
    %scan3A_146 = arith.constant 30 : i32
    %dma_wait3A_147 = arith.constant 0 : i32
    %dma_wait3A_148 = arith.constant 0 : i32
    %dma_wait3A_149 = tpu.memref_slice %arg18[%dma_wait3A_147, %dma_wait3A_148] : memref<10240x128xf32, #tpu.memory_space<vmem_shared>> -> memref<10240x128xf32, #tpu.memory_space<vmem_shared>>
    tpu.wait_indirect_dma semaphore(%arg29 : memref<!tpu.dma_semaphore, #tpu.memory_space<semaphore_mem>>) src(%arg16 : memref<80x128xf32, #tpu.memory_space<vmem>>) dst(%dma_wait3A_149 : memref<10240x128xf32, #tpu.memory_space<vmem_shared>>)
    %mul3A_150 = arith.constant 10240 : i32
    %mul3A_151 = arith.muli %add3A, %mul3A_150 : i32
    %add3A_152 = arith.constant 10080 : i32
    %add3A_153 = arith.addi %mul3A_151, %add3A_152 : i32
    %dma_start3A_154 = tpu.memref_slice %arg2[%add3A_153] : memref<327680xi32, #tpu.memory_space<hbm>> -> memref<80xi32, #tpu.memory_space<hbm>>
    %dma_start3A_155 = tpu.memref_slice %arg2[%add3A_153] : memref<327680xi32, #tpu.memory_space<hbm>> -> memref<80xi32, #tpu.memory_space<hbm>>
    tpu.enqueue_dma source(%dma_start3A_155 : memref<80xi32, #tpu.memory_space<hbm>>) target(%arg8 : memref<80xi32, #tpu.memory_space<vmem>>) target_semaphore(%arg21 : memref<!tpu.dma_semaphore, #tpu.memory_space<semaphore_mem>>)
    %dma_start3A_156 = tpu.memref_slice %arg3[%add3A_153] : memref<327680xi32, #tpu.memory_space<hbm>> -> memref<80xi32, #tpu.memory_space<hbm>>
    %dma_start3A_157 = tpu.memref_slice %arg3[%add3A_153] : memref<327680xi32, #tpu.memory_space<hbm>> -> memref<80xi32, #tpu.memory_space<hbm>>
    tpu.enqueue_dma source(%dma_start3A_157 : memref<80xi32, #tpu.memory_space<hbm>>) target(%arg12 : memref<80xi32, #tpu.memory_space<vmem>>) target_semaphore(%arg21 : memref<!tpu.dma_semaphore, #tpu.memory_space<semaphore_mem>>)
    %dma_wait3A_158 = arith.constant 0 : i32
    %dma_wait3A_159 = tpu.memref_slice %arg2[%dma_wait3A_158] : memref<327680xi32, #tpu.memory_space<hbm>> -> memref<80xi32, #tpu.memory_space<hbm>>
    %dma_wait3A_160 = arith.constant 0 : i32
    %dma_wait3A_161 = tpu.memref_slice %arg2[%dma_wait3A_160] : memref<327680xi32, #tpu.memory_space<hbm>> -> memref<80xi32, #tpu.memory_space<hbm>>
    tpu.wait_dma2 semaphore(%arg20 : memref<!tpu.dma_semaphore, #tpu.memory_space<semaphore_mem>>) src(%dma_wait3A_161 : memref<80xi32, #tpu.memory_space<hbm>>) dst(%arg7 : memref<80xi32, #tpu.memory_space<vmem>>)
    %dma_wait3A_162 = arith.constant 0 : i32
    %dma_wait3A_163 = tpu.memref_slice %arg3[%dma_wait3A_162] : memref<327680xi32, #tpu.memory_space<hbm>> -> memref<80xi32, #tpu.memory_space<hbm>>
    %dma_wait3A_164 = arith.constant 0 : i32
    %dma_wait3A_165 = tpu.memref_slice %arg3[%dma_wait3A_164] : memref<327680xi32, #tpu.memory_space<hbm>> -> memref<80xi32, #tpu.memory_space<hbm>>
    tpu.wait_dma2 semaphore(%arg20 : memref<!tpu.dma_semaphore, #tpu.memory_space<semaphore_mem>>) src(%dma_wait3A_165 : memref<80xi32, #tpu.memory_space<hbm>>) dst(%arg11 : memref<80xi32, #tpu.memory_space<vmem>>)
    %dma_start3A_166 = arith.constant 0 : i32
    %dma_start3A_167 = arith.constant 0 : i32
    %dma_start3A_168 = tpu.memref_slice %arg4[%dma_start3A_166, %dma_start3A_167] : memref<10240x128xf32, #tpu.memory_space<hbm>> -> memref<10240x128xf32, #tpu.memory_space<hbm>>
    tpu.enqueue_indirect_dma source(%dma_start3A_168 : memref<10240x128xf32, #tpu.memory_space<hbm>>) target(%arg15 : memref<80x128xf32, #tpu.memory_space<vmem>>) offsets(%arg7 : memref<80xi32, #tpu.memory_space<vmem>>) semaphore(%arg24 : memref<!tpu.dma_semaphore, #tpu.memory_space<semaphore_mem>>)
    %dma_wait3A_169 = arith.constant 0 : i32
    %dma_wait3A_170 = arith.constant 0 : i32
    %dma_wait3A_171 = tpu.memref_slice %arg4[%dma_wait3A_169, %dma_wait3A_170] : memref<10240x128xf32, #tpu.memory_space<hbm>> -> memref<10240x128xf32, #tpu.memory_space<hbm>>
    tpu.wait_indirect_dma semaphore(%arg23 : memref<!tpu.dma_semaphore, #tpu.memory_space<semaphore_mem>>) src(%dma_wait3A_171 : memref<10240x128xf32, #tpu.memory_space<hbm>>) dst(%arg14 : memref<80x128xf32, #tpu.memory_space<vmem>>)
    %dma_start3A_172 = arith.constant 0 : i32
    %dma_start3A_173 = arith.constant 0 : i32
    %dma_start3A_174 = tpu.memref_slice %arg18[%dma_start3A_172, %dma_start3A_173] : memref<10240x128xf32, #tpu.memory_space<vmem_shared>> -> memref<10240x128xf32, #tpu.memory_space<vmem_shared>>
    tpu.enqueue_indirect_dma source(%arg14 : memref<80x128xf32, #tpu.memory_space<vmem>>) target(%dma_start3A_174 : memref<10240x128xf32, #tpu.memory_space<vmem_shared>>) offsets(%arg10 : memref<80xi32, #tpu.memory_space<vmem>>) semaphore(%arg27 : memref<!tpu.dma_semaphore, #tpu.memory_space<semaphore_mem>>) {add = true}
    %dma_wait3A_175 = arith.constant 0 : i32
    %dma_wait3A_176 = arith.constant 0 : i32
    %dma_wait3A_177 = tpu.memref_slice %arg18[%dma_wait3A_175, %dma_wait3A_176] : memref<10240x128xf32, #tpu.memory_space<vmem_shared>> -> memref<10240x128xf32, #tpu.memory_space<vmem_shared>>
    tpu.wait_indirect_dma semaphore(%arg30 : memref<!tpu.dma_semaphore, #tpu.memory_space<semaphore_mem>>) src(%arg17 : memref<80x128xf32, #tpu.memory_space<vmem>>) dst(%dma_wait3A_177 : memref<10240x128xf32, #tpu.memory_space<vmem_shared>>)
    %mul3A_178 = arith.constant 10240 : i32
    %mul3A_179 = arith.muli %add3A, %mul3A_178 : i32
    %add3A_180 = arith.constant 10160 : i32
    %add3A_181 = arith.addi %mul3A_179, %add3A_180 : i32
    %dma_start3A_182 = tpu.memref_slice %arg2[%add3A_181] : memref<327680xi32, #tpu.memory_space<hbm>> -> memref<80xi32, #tpu.memory_space<hbm>>
    %dma_start3A_183 = tpu.memref_slice %arg2[%add3A_181] : memref<327680xi32, #tpu.memory_space<hbm>> -> memref<80xi32, #tpu.memory_space<hbm>>
    tpu.enqueue_dma source(%dma_start3A_183 : memref<80xi32, #tpu.memory_space<hbm>>) target(%arg9 : memref<80xi32, #tpu.memory_space<vmem>>) target_semaphore(%arg22 : memref<!tpu.dma_semaphore, #tpu.memory_space<semaphore_mem>>)
    %dma_start3A_184 = tpu.memref_slice %arg3[%add3A_181] : memref<327680xi32, #tpu.memory_space<hbm>> -> memref<80xi32, #tpu.memory_space<hbm>>
    %dma_start3A_185 = tpu.memref_slice %arg3[%add3A_181] : memref<327680xi32, #tpu.memory_space<hbm>> -> memref<80xi32, #tpu.memory_space<hbm>>
    tpu.enqueue_dma source(%dma_start3A_185 : memref<80xi32, #tpu.memory_space<hbm>>) target(%arg13 : memref<80xi32, #tpu.memory_space<vmem>>) target_semaphore(%arg22 : memref<!tpu.dma_semaphore, #tpu.memory_space<semaphore_mem>>)
    %dma_wait3A_186 = arith.constant 0 : i32
    %dma_wait3A_187 = tpu.memref_slice %arg2[%dma_wait3A_186] : memref<327680xi32, #tpu.memory_space<hbm>> -> memref<80xi32, #tpu.memory_space<hbm>>
    %dma_wait3A_188 = arith.constant 0 : i32
    %dma_wait3A_189 = tpu.memref_slice %arg2[%dma_wait3A_188] : memref<327680xi32, #tpu.memory_space<hbm>> -> memref<80xi32, #tpu.memory_space<hbm>>
    tpu.wait_dma2 semaphore(%arg21 : memref<!tpu.dma_semaphore, #tpu.memory_space<semaphore_mem>>) src(%dma_wait3A_189 : memref<80xi32, #tpu.memory_space<hbm>>) dst(%arg8 : memref<80xi32, #tpu.memory_space<vmem>>)
    %dma_wait3A_190 = arith.constant 0 : i32
    %dma_wait3A_191 = tpu.memref_slice %arg3[%dma_wait3A_190] : memref<327680xi32, #tpu.memory_space<hbm>> -> memref<80xi32, #tpu.memory_space<hbm>>
    %dma_wait3A_192 = arith.constant 0 : i32
    %dma_wait3A_193 = tpu.memref_slice %arg3[%dma_wait3A_192] : memref<327680xi32, #tpu.memory_space<hbm>> -> memref<80xi32, #tpu.memory_space<hbm>>
    tpu.wait_dma2 semaphore(%arg21 : memref<!tpu.dma_semaphore, #tpu.memory_space<semaphore_mem>>) src(%dma_wait3A_193 : memref<80xi32, #tpu.memory_space<hbm>>) dst(%arg12 : memref<80xi32, #tpu.memory_space<vmem>>)
    %dma_start3A_194 = arith.constant 0 : i32
    %dma_start3A_195 = arith.constant 0 : i32
    %dma_start3A_196 = tpu.memref_slice %arg4[%dma_start3A_194, %dma_start3A_195] : memref<10240x128xf32, #tpu.memory_space<hbm>> -> memref<10240x128xf32, #tpu.memory_space<hbm>>
    tpu.enqueue_indirect_dma source(%dma_start3A_196 : memref<10240x128xf32, #tpu.memory_space<hbm>>) target(%arg16 : memref<80x128xf32, #tpu.memory_space<vmem>>) offsets(%arg8 : memref<80xi32, #tpu.memory_space<vmem>>) semaphore(%arg25 : memref<!tpu.dma_semaphore, #tpu.memory_space<semaphore_mem>>)
    %dma_wait3A_197 = arith.constant 0 : i32
    %dma_wait3A_198 = arith.constant 0 : i32
    %dma_wait3A_199 = tpu.memref_slice %arg4[%dma_wait3A_197, %dma_wait3A_198] : memref<10240x128xf32, #tpu.memory_space<hbm>> -> memref<10240x128xf32, #tpu.memory_space<hbm>>
    tpu.wait_indirect_dma semaphore(%arg24 : memref<!tpu.dma_semaphore, #tpu.memory_space<semaphore_mem>>) src(%dma_wait3A_199 : memref<10240x128xf32, #tpu.memory_space<hbm>>) dst(%arg15 : memref<80x128xf32, #tpu.memory_space<vmem>>)
    %dma_start3A_200 = arith.constant 0 : i32
    %dma_start3A_201 = arith.constant 0 : i32
    %dma_start3A_202 = tpu.memref_slice %arg18[%dma_start3A_200, %dma_start3A_201] : memref<10240x128xf32, #tpu.memory_space<vmem_shared>> -> memref<10240x128xf32, #tpu.memory_space<vmem_shared>>
    tpu.enqueue_indirect_dma source(%arg15 : memref<80x128xf32, #tpu.memory_space<vmem>>) target(%dma_start3A_202 : memref<10240x128xf32, #tpu.memory_space<vmem_shared>>) offsets(%arg11 : memref<80xi32, #tpu.memory_space<vmem>>) semaphore(%arg28 : memref<!tpu.dma_semaphore, #tpu.memory_space<semaphore_mem>>) {add = true}
    %dma_wait3A_203 = arith.constant 0 : i32
    %dma_wait3A_204 = tpu.memref_slice %arg2[%dma_wait3A_203] : memref<327680xi32, #tpu.memory_space<hbm>> -> memref<80xi32, #tpu.memory_space<hbm>>
    %dma_wait3A_205 = arith.constant 0 : i32
    %dma_wait3A_206 = tpu.memref_slice %arg2[%dma_wait3A_205] : memref<327680xi32, #tpu.memory_space<hbm>> -> memref<80xi32, #tpu.memory_space<hbm>>
    tpu.wait_dma2 semaphore(%arg22 : memref<!tpu.dma_semaphore, #tpu.memory_space<semaphore_mem>>) src(%dma_wait3A_206 : memref<80xi32, #tpu.memory_space<hbm>>) dst(%arg9 : memref<80xi32, #tpu.memory_space<vmem>>)
    %dma_wait3A_207 = arith.constant 0 : i32
    %dma_wait3A_208 = tpu.memref_slice %arg3[%dma_wait3A_207] : memref<327680xi32, #tpu.memory_space<hbm>> -> memref<80xi32, #tpu.memory_space<hbm>>
    %dma_wait3A_209 = arith.constant 0 : i32
    %dma_wait3A_210 = tpu.memref_slice %arg3[%dma_wait3A_209] : memref<327680xi32, #tpu.memory_space<hbm>> -> memref<80xi32, #tpu.memory_space<hbm>>
    tpu.wait_dma2 semaphore(%arg22 : memref<!tpu.dma_semaphore, #tpu.memory_space<semaphore_mem>>) src(%dma_wait3A_210 : memref<80xi32, #tpu.memory_space<hbm>>) dst(%arg13 : memref<80xi32, #tpu.memory_space<vmem>>)
    %dma_start3A_211 = arith.constant 0 : i32
    %dma_start3A_212 = arith.constant 0 : i32
    %dma_start3A_213 = tpu.memref_slice %arg4[%dma_start3A_211, %dma_start3A_212] : memref<10240x128xf32, #tpu.memory_space<hbm>> -> memref<10240x128xf32, #tpu.memory_space<hbm>>
    tpu.enqueue_indirect_dma source(%dma_start3A_213 : memref<10240x128xf32, #tpu.memory_space<hbm>>) target(%arg17 : memref<80x128xf32, #tpu.memory_space<vmem>>) offsets(%arg9 : memref<80xi32, #tpu.memory_space<vmem>>) semaphore(%arg26 : memref<!tpu.dma_semaphore, #tpu.memory_space<semaphore_mem>>)
    %dma_wait3A_214 = arith.constant 0 : i32
    %dma_wait3A_215 = arith.constant 0 : i32
    %dma_wait3A_216 = tpu.memref_slice %arg4[%dma_wait3A_214, %dma_wait3A_215] : memref<10240x128xf32, #tpu.memory_space<hbm>> -> memref<10240x128xf32, #tpu.memory_space<hbm>>
    tpu.wait_indirect_dma semaphore(%arg25 : memref<!tpu.dma_semaphore, #tpu.memory_space<semaphore_mem>>) src(%dma_wait3A_216 : memref<10240x128xf32, #tpu.memory_space<hbm>>) dst(%arg16 : memref<80x128xf32, #tpu.memory_space<vmem>>)
    %dma_start3A_217 = arith.constant 0 : i32
    %dma_start3A_218 = arith.constant 0 : i32
    %dma_start3A_219 = tpu.memref_slice %arg18[%dma_start3A_217, %dma_start3A_218] : memref<10240x128xf32, #tpu.memory_space<vmem_shared>> -> memref<10240x128xf32, #tpu.memory_space<vmem_shared>>
    tpu.enqueue_indirect_dma source(%arg16 : memref<80x128xf32, #tpu.memory_space<vmem>>) target(%dma_start3A_219 : memref<10240x128xf32, #tpu.memory_space<vmem_shared>>) offsets(%arg12 : memref<80xi32, #tpu.memory_space<vmem>>) semaphore(%arg29 : memref<!tpu.dma_semaphore, #tpu.memory_space<semaphore_mem>>) {add = true}
    %dma_wait3A_220 = arith.constant 0 : i32
    %dma_wait3A_221 = arith.constant 0 : i32
    %dma_wait3A_222 = tpu.memref_slice %arg4[%dma_wait3A_220, %dma_wait3A_221] : memref<10240x128xf32, #tpu.memory_space<hbm>> -> memref<10240x128xf32, #tpu.memory_space<hbm>>
    tpu.wait_indirect_dma semaphore(%arg26 : memref<!tpu.dma_semaphore, #tpu.memory_space<semaphore_mem>>) src(%dma_wait3A_222 : memref<10240x128xf32, #tpu.memory_space<hbm>>) dst(%arg17 : memref<80x128xf32, #tpu.memory_space<vmem>>)
    %dma_start3A_223 = arith.constant 0 : i32
    %dma_start3A_224 = arith.constant 0 : i32
    %dma_start3A_225 = tpu.memref_slice %arg18[%dma_start3A_223, %dma_start3A_224] : memref<10240x128xf32, #tpu.memory_space<vmem_shared>> -> memref<10240x128xf32, #tpu.memory_space<vmem_shared>>
    tpu.enqueue_indirect_dma source(%arg17 : memref<80x128xf32, #tpu.memory_space<vmem>>) target(%dma_start3A_225 : memref<10240x128xf32, #tpu.memory_space<vmem_shared>>) offsets(%arg13 : memref<80xi32, #tpu.memory_space<vmem>>) semaphore(%arg30 : memref<!tpu.dma_semaphore, #tpu.memory_space<semaphore_mem>>) {add = true}
    %dma_wait3A_226 = arith.constant 0 : i32
    %dma_wait3A_227 = arith.constant 0 : i32
    %dma_wait3A_228 = tpu.memref_slice %arg18[%dma_wait3A_226, %dma_wait3A_227] : memref<10240x128xf32, #tpu.memory_space<vmem_shared>> -> memref<10240x128xf32, #tpu.memory_space<vmem_shared>>
    tpu.wait_indirect_dma semaphore(%arg27 : memref<!tpu.dma_semaphore, #tpu.memory_space<semaphore_mem>>) src(%arg14 : memref<80x128xf32, #tpu.memory_space<vmem>>) dst(%dma_wait3A_228 : memref<10240x128xf32, #tpu.memory_space<vmem_shared>>)
    %dma_wait3A_229 = arith.constant 0 : i32
    %dma_wait3A_230 = arith.constant 0 : i32
    %dma_wait3A_231 = tpu.memref_slice %arg18[%dma_wait3A_229, %dma_wait3A_230] : memref<10240x128xf32, #tpu.memory_space<vmem_shared>> -> memref<10240x128xf32, #tpu.memory_space<vmem_shared>>
    tpu.wait_indirect_dma semaphore(%arg28 : memref<!tpu.dma_semaphore, #tpu.memory_space<semaphore_mem>>) src(%arg15 : memref<80x128xf32, #tpu.memory_space<vmem>>) dst(%dma_wait3A_231 : memref<10240x128xf32, #tpu.memory_space<vmem_shared>>)
    %dma_wait3A_232 = arith.constant 0 : i32
    %dma_wait3A_233 = arith.constant 0 : i32
    %dma_wait3A_234 = tpu.memref_slice %arg18[%dma_wait3A_232, %dma_wait3A_233] : memref<10240x128xf32, #tpu.memory_space<vmem_shared>> -> memref<10240x128xf32, #tpu.memory_space<vmem_shared>>
    tpu.wait_indirect_dma semaphore(%arg29 : memref<!tpu.dma_semaphore, #tpu.memory_space<semaphore_mem>>) src(%arg16 : memref<80x128xf32, #tpu.memory_space<vmem>>) dst(%dma_wait3A_234 : memref<10240x128xf32, #tpu.memory_space<vmem_shared>>)
    %dma_wait3A_235 = arith.constant 0 : i32
    %dma_wait3A_236 = arith.constant 0 : i32
    %dma_wait3A_237 = tpu.memref_slice %arg18[%dma_wait3A_235, %dma_wait3A_236] : memref<10240x128xf32, #tpu.memory_space<vmem_shared>> -> memref<10240x128xf32, #tpu.memory_space<vmem_shared>>
    tpu.wait_indirect_dma semaphore(%arg30 : memref<!tpu.dma_semaphore, #tpu.memory_space<semaphore_mem>>) src(%arg17 : memref<80x128xf32, #tpu.memory_space<vmem>>) dst(%dma_wait3A_237 : memref<10240x128xf32, #tpu.memory_space<vmem_shared>>)
    %barrier3A_238 = arith.constant 0 : index
    tpu.barrier barrier_id(%barrier3A_238)
    %mul3A_239 = arith.constant 640 : i32
    %mul3A_240 = arith.muli %arg1, %mul3A_239 : i32
    %mul3A_241 = arith.constant 640 : i32
    %mul3A_242 = arith.muli %arg1, %mul3A_241 : i32
    "tpu.region"() ({
      %run_scoped3A = tpu.sem_alloc : memref<!tpu.dma_semaphore, #tpu.memory_space<semaphore_mem>>
      %dma_start3A_243 = arith.constant 0 : i32
      %dma_start3A_244 = tpu.memref_slice %arg5[%arg0, %mul3A_242, %dma_start3A_243] : memref<2x10240x128xf32, #tpu.memory_space<hbm>> -> memref<1x640x128xf32, #tpu.memory_space<hbm>>
      %dma_start3A_245 = tpu.memref_squeeze %dma_start3A_244 : memref<1x640x128xf32, #tpu.memory_space<hbm>> -> memref<640x128xf32, #tpu.memory_space<hbm>>
      %dma_start3A_246 = arith.constant 0 : i32
      %dma_start3A_247 = tpu.memref_slice %arg18[%mul3A_240, %dma_start3A_246] : memref<10240x128xf32, #tpu.memory_space<vmem_shared>> -> memref<640x128xf32, #tpu.memory_space<vmem_shared>>
      tpu.enqueue_dma source(%dma_start3A_247 : memref<640x128xf32, #tpu.memory_space<vmem_shared>>) target(%dma_start3A_245 : memref<640x128xf32, #tpu.memory_space<hbm>>) target_semaphore(%run_scoped3A : memref<!tpu.dma_semaphore, #tpu.memory_space<semaphore_mem>>)
      %dma_wait3A_248 = arith.constant 0 : i32
      %dma_wait3A_249 = tpu.memref_slice %arg5[%arg0, %mul3A_242, %dma_wait3A_248] : memref<2x10240x128xf32, #tpu.memory_space<hbm>> -> memref<1x640x128xf32, #tpu.memory_space<hbm>>
      %dma_wait3A_250 = tpu.memref_squeeze %dma_wait3A_249 : memref<1x640x128xf32, #tpu.memory_space<hbm>> -> memref<640x128xf32, #tpu.memory_space<hbm>>
      %dma_wait3A_251 = arith.constant 0 : i32
      %dma_wait3A_252 = tpu.memref_slice %arg18[%mul3A_240, %dma_wait3A_251] : memref<10240x128xf32, #tpu.memory_space<vmem_shared>> -> memref<640x128xf32, #tpu.memory_space<vmem_shared>>
      tpu.wait_dma2 semaphore(%run_scoped3A : memref<!tpu.dma_semaphore, #tpu.memory_space<semaphore_mem>>) src(%dma_wait3A_252 : memref<640x128xf32, #tpu.memory_space<vmem_shared>>) dst(%dma_wait3A_250 : memref<640x128xf32, #tpu.memory_space<hbm>>)
      tpu.yield
    }) : () -> ()
    return
  }
}

#map = affine_map<(d0, d1) -> (0)>
#map1 = affine_map<(d0, d1) -> (0, 0)>
#map2 = affine_map<(d0, d1) -> (0, 0, 0)>
module attributes {stable_mosaic.version = 14 : i64} {
  func.func @body(%arg0: i32, %arg1: i32, %arg2: memref<10240xi32, #tpu.memory_space<hbm>>, %arg3: memref<10240xi32, #tpu.memory_space<hbm>>, %arg4: memref<10240x128xf32, #tpu.memory_space<hbm>>, %arg5: memref<2x512x128xf32, #tpu.memory_space<hbm>>, %arg6: memref<80xi32, #tpu.memory_space<vmem>>, %arg7: memref<80xi32, #tpu.memory_space<vmem>>, %arg8: memref<80xi32, #tpu.memory_space<vmem>>, %arg9: memref<80xi32, #tpu.memory_space<vmem>>, %arg10: memref<80xi32, #tpu.memory_space<vmem>>, %arg11: memref<80xi32, #tpu.memory_space<vmem>>, %arg12: memref<80xi32, #tpu.memory_space<vmem>>, %arg13: memref<80xi32, #tpu.memory_space<vmem>>, %arg14: memref<80x128xf32, #tpu.memory_space<vmem>>, %arg15: memref<80x128xf32, #tpu.memory_space<vmem>>, %arg16: memref<80x128xf32, #tpu.memory_space<vmem>>, %arg17: memref<80x128xf32, #tpu.memory_space<vmem>>, %arg18: memref<512x128xf32, #tpu.memory_space<vmem_shared>>, %arg19: memref<!tpu.dma_semaphore, #tpu.memory_space<semaphore_mem>>, %arg20: memref<!tpu.dma_semaphore, #tpu.memory_space<semaphore_mem>>, %arg21: memref<!tpu.dma_semaphore, #tpu.memory_space<semaphore_mem>>, %arg22: memref<!tpu.dma_semaphore, #tpu.memory_space<semaphore_mem>>, %arg23: memref<!tpu.dma_semaphore, #tpu.memory_space<semaphore_mem>>, %arg24: memref<!tpu.dma_semaphore, #tpu.memory_space<semaphore_mem>>, %arg25: memref<!tpu.dma_semaphore, #tpu.memory_space<semaphore_mem>>, %arg26: memref<!tpu.dma_semaphore, #tpu.memory_space<semaphore_mem>>, %arg27: memref<!tpu.dma_semaphore, #tpu.memory_space<semaphore_mem>>, %arg28: memref<!tpu.dma_semaphore, #tpu.memory_space<semaphore_mem>>, %arg29: memref<!tpu.dma_semaphore, #tpu.memory_space<semaphore_mem>>, %arg30: memref<!tpu.dma_semaphore, #tpu.memory_space<semaphore_mem>>) attributes {dimension_semantics = [#tpu.dimension_semantics<core_parallel>, #tpu.dimension_semantics<subcore_parallel>], iteration_bounds = array<i64: 2, 16>, scalar_prefetch = 0 : i64, scratch_operands = 25 : i64, tpu.core_type = #tpu.core_type<sc_vector_subcore>, window_params = [{transform_indices = #map}, {transform_indices = #map}, {transform_indices = #map1}, {transform_indices = #map2}]} {
    %mul3A = arith.constant 16 : i32
    %mul3A_0 = arith.muli %arg0, %mul3A : i32
    %add3A = arith.addi %mul3A_0, %arg1 : i32
    %broadcast_in_dim3A = arith.constant 0.000000e+00 : f32
    %broadcast_in_dim3A_1 = vector.broadcast %broadcast_in_dim3A : f32 to vector<16xf32>
    %scan3A = arith.constant 0 : i32
    %scan3A_2 = arith.constant 32 : i32
    %scan3A_3 = arith.addi %scan3A, %scan3A_2 : i32
    %scan3A_4 = arith.constant 1 : i32
    scf.for %scan3A_123 = %scan3A to %scan3A_3 step %scan3A_4  : i32 {
      %mul3A_124 = arith.constant 1 : i32
      %mul3A_125 = arith.muli %scan3A_123, %mul3A_124 : i32
      %add3A_126 = arith.constant 0 : i32
      %add3A_127 = arith.addi %add3A_126, %mul3A_125 : i32
      %swap3A = arith.index_cast %add3A_127 : i32 to index
      %swap3A_128 = arith.constant 0 : index
      %swap3A_129 = tpu.vector_load %arg14[%swap3A, %swap3A_128] {strides = array<i32>} : memref<80x128xf32, #tpu.memory_space<vmem>>, vector<1x16xf32>,
      %swap3A_130 = vector.shape_cast %swap3A_129 : vector<1x16xf32> to vector<16xf32>
      %swap3A_131 = vector.shape_cast %broadcast_in_dim3A_1 : vector<16xf32> to vector<1x16xf32>
      tpu.vector_store %arg14[%swap3A, %swap3A_128], %swap3A_131 {strides = array<i32>} : memref<80x128xf32, #tpu.memory_space<vmem>>, vector<1x16xf32>,
      %swap3A_132 = arith.index_cast %add3A_127 : i32 to index
      %swap3A_133 = arith.constant 16 : index
      %swap3A_134 = tpu.vector_load %arg14[%swap3A_132, %swap3A_133] {strides = array<i32>} : memref<80x128xf32, #tpu.memory_space<vmem>>, vector<1x16xf32>,
      %swap3A_135 = vector.shape_cast %swap3A_134 : vector<1x16xf32> to vector<16xf32>
      %swap3A_136 = vector.shape_cast %broadcast_in_dim3A_1 : vector<16xf32> to vector<1x16xf32>
      tpu.vector_store %arg14[%swap3A_132, %swap3A_133], %swap3A_136 {strides = array<i32>} : memref<80x128xf32, #tpu.memory_space<vmem>>, vector<1x16xf32>,
      %swap3A_137 = arith.index_cast %add3A_127 : i32 to index
      %swap3A_138 = arith.constant 32 : index
      %swap3A_139 = tpu.vector_load %arg14[%swap3A_137, %swap3A_138] {strides = array<i32>} : memref<80x128xf32, #tpu.memory_space<vmem>>, vector<1x16xf32>,
      %swap3A_140 = vector.shape_cast %swap3A_139 : vector<1x16xf32> to vector<16xf32>
      %swap3A_141 = vector.shape_cast %broadcast_in_dim3A_1 : vector<16xf32> to vector<1x16xf32>
      tpu.vector_store %arg14[%swap3A_137, %swap3A_138], %swap3A_141 {strides = array<i32>} : memref<80x128xf32, #tpu.memory_space<vmem>>, vector<1x16xf32>,
      %swap3A_142 = arith.index_cast %add3A_127 : i32 to index
      %swap3A_143 = arith.constant 48 : index
      %swap3A_144 = tpu.vector_load %arg14[%swap3A_142, %swap3A_143] {strides = array<i32>} : memref<80x128xf32, #tpu.memory_space<vmem>>, vector<1x16xf32>,
      %swap3A_145 = vector.shape_cast %swap3A_144 : vector<1x16xf32> to vector<16xf32>
      %swap3A_146 = vector.shape_cast %broadcast_in_dim3A_1 : vector<16xf32> to vector<1x16xf32>
      tpu.vector_store %arg14[%swap3A_142, %swap3A_143], %swap3A_146 {strides = array<i32>} : memref<80x128xf32, #tpu.memory_space<vmem>>, vector<1x16xf32>,
      %swap3A_147 = arith.index_cast %add3A_127 : i32 to index
      %swap3A_148 = arith.constant 64 : index
      %swap3A_149 = tpu.vector_load %arg14[%swap3A_147, %swap3A_148] {strides = array<i32>} : memref<80x128xf32, #tpu.memory_space<vmem>>, vector<1x16xf32>,
      %swap3A_150 = vector.shape_cast %swap3A_149 : vector<1x16xf32> to vector<16xf32>
      %swap3A_151 = vector.shape_cast %broadcast_in_dim3A_1 : vector<16xf32> to vector<1x16xf32>
      tpu.vector_store %arg14[%swap3A_147, %swap3A_148], %swap3A_151 {strides = array<i32>} : memref<80x128xf32, #tpu.memory_space<vmem>>, vector<1x16xf32>,
      %swap3A_152 = arith.index_cast %add3A_127 : i32 to index
      %swap3A_153 = arith.constant 80 : index
      %swap3A_154 = tpu.vector_load %arg14[%swap3A_152, %swap3A_153] {strides = array<i32>} : memref<80x128xf32, #tpu.memory_space<vmem>>, vector<1x16xf32>,
      %swap3A_155 = vector.shape_cast %swap3A_154 : vector<1x16xf32> to vector<16xf32>
      %swap3A_156 = vector.shape_cast %broadcast_in_dim3A_1 : vector<16xf32> to vector<1x16xf32>
      tpu.vector_store %arg14[%swap3A_152, %swap3A_153], %swap3A_156 {strides = array<i32>} : memref<80x128xf32, #tpu.memory_space<vmem>>, vector<1x16xf32>,
      %swap3A_157 = arith.index_cast %add3A_127 : i32 to index
      %swap3A_158 = arith.constant 96 : index
      %swap3A_159 = tpu.vector_load %arg14[%swap3A_157, %swap3A_158] {strides = array<i32>} : memref<80x128xf32, #tpu.memory_space<vmem>>, vector<1x16xf32>,
      %swap3A_160 = vector.shape_cast %swap3A_159 : vector<1x16xf32> to vector<16xf32>
      %swap3A_161 = vector.shape_cast %broadcast_in_dim3A_1 : vector<16xf32> to vector<1x16xf32>
      tpu.vector_store %arg14[%swap3A_157, %swap3A_158], %swap3A_161 {strides = array<i32>} : memref<80x128xf32, #tpu.memory_space<vmem>>, vector<1x16xf32>,
      %swap3A_162 = arith.index_cast %add3A_127 : i32 to index
      %swap3A_163 = arith.constant 112 : index
      %swap3A_164 = tpu.vector_load %arg14[%swap3A_162, %swap3A_163] {strides = array<i32>} : memref<80x128xf32, #tpu.memory_space<vmem>>, vector<1x16xf32>,
      %swap3A_165 = vector.shape_cast %swap3A_164 : vector<1x16xf32> to vector<16xf32>
      %swap3A_166 = vector.shape_cast %broadcast_in_dim3A_1 : vector<16xf32> to vector<1x16xf32>
      tpu.vector_store %arg14[%swap3A_162, %swap3A_163], %swap3A_166 {strides = array<i32>} : memref<80x128xf32, #tpu.memory_space<vmem>>, vector<1x16xf32>,
    }
    %scan3A_5 = arith.constant 32 : i32
    %mul3A_6 = arith.constant 32 : i32
    %mul3A_7 = arith.muli %arg1, %mul3A_6 : i32
    "tpu.region"() ({
      %run_scoped3A = tpu.sem_alloc : memref<!tpu.dma_semaphore, #tpu.memory_space<semaphore_mem>>
      %dma_start3A_123 = arith.constant 0 : i32
      %dma_start3A_124 = arith.constant 0 : i32
      %dma_start3A_125 = tpu.memref_slice %arg14[%dma_start3A_123, %dma_start3A_124] : memref<80x128xf32, #tpu.memory_space<vmem>> -> memref<32x128xf32, #tpu.memory_space<vmem>>
      %dma_start3A_126 = arith.constant 0 : i32
      %dma_start3A_127 = tpu.memref_slice %arg18[%mul3A_7, %dma_start3A_126] : memref<512x128xf32, #tpu.memory_space<vmem_shared>> -> memref<32x128xf32, #tpu.memory_space<vmem_shared>>
      %dma_start3A_128 = arith.constant 0 : i32
      %dma_start3A_129 = tpu.memref_slice %arg18[%mul3A_7, %dma_start3A_128] : memref<512x128xf32, #tpu.memory_space<vmem_shared>> -> memref<32x128xf32, #tpu.memory_space<vmem_shared>>
      %dma_start3A_130 = arith.constant 0 : i32
      %dma_start3A_131 = arith.constant 0 : i32
      %dma_start3A_132 = tpu.memref_slice %arg14[%dma_start3A_130, %dma_start3A_131] : memref<80x128xf32, #tpu.memory_space<vmem>> -> memref<32x128xf32, #tpu.memory_space<vmem>>
      tpu.enqueue_dma source(%dma_start3A_132 : memref<32x128xf32, #tpu.memory_space<vmem>>) target(%dma_start3A_129 : memref<32x128xf32, #tpu.memory_space<vmem_shared>>) target_semaphore(%run_scoped3A : memref<!tpu.dma_semaphore, #tpu.memory_space<semaphore_mem>>)
      %dma_wait3A_133 = arith.constant 0 : i32
      %dma_wait3A_134 = arith.constant 0 : i32
      %dma_wait3A_135 = tpu.memref_slice %arg14[%dma_wait3A_133, %dma_wait3A_134] : memref<80x128xf32, #tpu.memory_space<vmem>> -> memref<32x128xf32, #tpu.memory_space<vmem>>
      %dma_wait3A_136 = arith.constant 0 : i32
      %dma_wait3A_137 = tpu.memref_slice %arg18[%mul3A_7, %dma_wait3A_136] : memref<512x128xf32, #tpu.memory_space<vmem_shared>> -> memref<32x128xf32, #tpu.memory_space<vmem_shared>>
      %dma_wait3A_138 = arith.constant 0 : i32
      %dma_wait3A_139 = tpu.memref_slice %arg18[%mul3A_7, %dma_wait3A_138] : memref<512x128xf32, #tpu.memory_space<vmem_shared>> -> memref<32x128xf32, #tpu.memory_space<vmem_shared>>
      %dma_wait3A_140 = arith.constant 0 : i32
      %dma_wait3A_141 = arith.constant 0 : i32
      %dma_wait3A_142 = tpu.memref_slice %arg14[%dma_wait3A_140, %dma_wait3A_141] : memref<80x128xf32, #tpu.memory_space<vmem>> -> memref<32x128xf32, #tpu.memory_space<vmem>>
      tpu.wait_dma2 semaphore(%run_scoped3A : memref<!tpu.dma_semaphore, #tpu.memory_space<semaphore_mem>>) src(%dma_wait3A_142 : memref<32x128xf32, #tpu.memory_space<vmem>>) dst(%dma_wait3A_139 : memref<32x128xf32, #tpu.memory_space<vmem_shared>>)
      tpu.yield
    }) : () -> ()
    %barrier3A = arith.constant 0 : index
    tpu.barrier barrier_id(%barrier3A)
    %mul3A_8 = arith.constant 320 : i32
    %mul3A_9 = arith.muli %add3A, %mul3A_8 : i32
    %add3A_10 = arith.constant 0 : i32
    %add3A_11 = arith.addi %mul3A_9, %add3A_10 : i32
    %dma_start3A = tpu.memref_slice %arg2[%add3A_11] : memref<10240xi32, #tpu.memory_space<hbm>> -> memref<80xi32, #tpu.memory_space<hbm>>
    %dma_start3A_12 = tpu.memref_slice %arg2[%add3A_11] : memref<10240xi32, #tpu.memory_space<hbm>> -> memref<80xi32, #tpu.memory_space<hbm>>
    tpu.enqueue_dma source(%dma_start3A_12 : memref<80xi32, #tpu.memory_space<hbm>>) target(%arg6 : memref<80xi32, #tpu.memory_space<vmem>>) target_semaphore(%arg19 : memref<!tpu.dma_semaphore, #tpu.memory_space<semaphore_mem>>)
    %dma_start3A_13 = tpu.memref_slice %arg3[%add3A_11] : memref<10240xi32, #tpu.memory_space<hbm>> -> memref<80xi32, #tpu.memory_space<hbm>>
    %dma_start3A_14 = tpu.memref_slice %arg3[%add3A_11] : memref<10240xi32, #tpu.memory_space<hbm>> -> memref<80xi32, #tpu.memory_space<hbm>>
    tpu.enqueue_dma source(%dma_start3A_14 : memref<80xi32, #tpu.memory_space<hbm>>) target(%arg10 : memref<80xi32, #tpu.memory_space<vmem>>) target_semaphore(%arg19 : memref<!tpu.dma_semaphore, #tpu.memory_space<semaphore_mem>>)
    %mul3A_15 = arith.constant 320 : i32
    %mul3A_16 = arith.muli %add3A, %mul3A_15 : i32
    %add3A_17 = arith.constant 80 : i32
    %add3A_18 = arith.addi %mul3A_16, %add3A_17 : i32
    %dma_start3A_19 = tpu.memref_slice %arg2[%add3A_18] : memref<10240xi32, #tpu.memory_space<hbm>> -> memref<80xi32, #tpu.memory_space<hbm>>
    %dma_start3A_20 = tpu.memref_slice %arg2[%add3A_18] : memref<10240xi32, #tpu.memory_space<hbm>> -> memref<80xi32, #tpu.memory_space<hbm>>
    tpu.enqueue_dma source(%dma_start3A_20 : memref<80xi32, #tpu.memory_space<hbm>>) target(%arg7 : memref<80xi32, #tpu.memory_space<vmem>>) target_semaphore(%arg20 : memref<!tpu.dma_semaphore, #tpu.memory_space<semaphore_mem>>)
    %dma_start3A_21 = tpu.memref_slice %arg3[%add3A_18] : memref<10240xi32, #tpu.memory_space<hbm>> -> memref<80xi32, #tpu.memory_space<hbm>>
    %dma_start3A_22 = tpu.memref_slice %arg3[%add3A_18] : memref<10240xi32, #tpu.memory_space<hbm>> -> memref<80xi32, #tpu.memory_space<hbm>>
    tpu.enqueue_dma source(%dma_start3A_22 : memref<80xi32, #tpu.memory_space<hbm>>) target(%arg11 : memref<80xi32, #tpu.memory_space<vmem>>) target_semaphore(%arg20 : memref<!tpu.dma_semaphore, #tpu.memory_space<semaphore_mem>>)
    %dma_wait3A = arith.constant 0 : i32
    %dma_wait3A_23 = tpu.memref_slice %arg2[%dma_wait3A] : memref<10240xi32, #tpu.memory_space<hbm>> -> memref<80xi32, #tpu.memory_space<hbm>>
    %dma_wait3A_24 = arith.constant 0 : i32
    %dma_wait3A_25 = tpu.memref_slice %arg2[%dma_wait3A_24] : memref<10240xi32, #tpu.memory_space<hbm>> -> memref<80xi32, #tpu.memory_space<hbm>>
    tpu.wait_dma2 semaphore(%arg19 : memref<!tpu.dma_semaphore, #tpu.memory_space<semaphore_mem>>) src(%dma_wait3A_25 : memref<80xi32, #tpu.memory_space<hbm>>) dst(%arg6 : memref<80xi32, #tpu.memory_space<vmem>>)
    %dma_wait3A_26 = arith.constant 0 : i32
    %dma_wait3A_27 = tpu.memref_slice %arg3[%dma_wait3A_26] : memref<10240xi32, #tpu.memory_space<hbm>> -> memref<80xi32, #tpu.memory_space<hbm>>
    %dma_wait3A_28 = arith.constant 0 : i32
    %dma_wait3A_29 = tpu.memref_slice %arg3[%dma_wait3A_28] : memref<10240xi32, #tpu.memory_space<hbm>> -> memref<80xi32, #tpu.memory_space<hbm>>
    tpu.wait_dma2 semaphore(%arg19 : memref<!tpu.dma_semaphore, #tpu.memory_space<semaphore_mem>>) src(%dma_wait3A_29 : memref<80xi32, #tpu.memory_space<hbm>>) dst(%arg10 : memref<80xi32, #tpu.memory_space<vmem>>)
    %dma_start3A_30 = arith.constant 0 : i32
    %dma_start3A_31 = arith.constant 0 : i32
    %dma_start3A_32 = tpu.memref_slice %arg4[%dma_start3A_30, %dma_start3A_31] : memref<10240x128xf32, #tpu.memory_space<hbm>> -> memref<10240x128xf32, #tpu.memory_space<hbm>>
    tpu.enqueue_indirect_dma source(%dma_start3A_32 : memref<10240x128xf32, #tpu.memory_space<hbm>>) target(%arg14 : memref<80x128xf32, #tpu.memory_space<vmem>>) offsets(%arg6 : memref<80xi32, #tpu.memory_space<vmem>>) semaphore(%arg23 : memref<!tpu.dma_semaphore, #tpu.memory_space<semaphore_mem>>)
    %mul3A_33 = arith.constant 320 : i32
    %mul3A_34 = arith.muli %add3A, %mul3A_33 : i32
    %add3A_35 = arith.constant 160 : i32
    %add3A_36 = arith.addi %mul3A_34, %add3A_35 : i32
    %dma_start3A_37 = tpu.memref_slice %arg2[%add3A_36] : memref<10240xi32, #tpu.memory_space<hbm>> -> memref<80xi32, #tpu.memory_space<hbm>>
    %dma_start3A_38 = tpu.memref_slice %arg2[%add3A_36] : memref<10240xi32, #tpu.memory_space<hbm>> -> memref<80xi32, #tpu.memory_space<hbm>>
    tpu.enqueue_dma source(%dma_start3A_38 : memref<80xi32, #tpu.memory_space<hbm>>) target(%arg8 : memref<80xi32, #tpu.memory_space<vmem>>) target_semaphore(%arg21 : memref<!tpu.dma_semaphore, #tpu.memory_space<semaphore_mem>>)
    %dma_start3A_39 = tpu.memref_slice %arg3[%add3A_36] : memref<10240xi32, #tpu.memory_space<hbm>> -> memref<80xi32, #tpu.memory_space<hbm>>
    %dma_start3A_40 = tpu.memref_slice %arg3[%add3A_36] : memref<10240xi32, #tpu.memory_space<hbm>> -> memref<80xi32, #tpu.memory_space<hbm>>
    tpu.enqueue_dma source(%dma_start3A_40 : memref<80xi32, #tpu.memory_space<hbm>>) target(%arg12 : memref<80xi32, #tpu.memory_space<vmem>>) target_semaphore(%arg21 : memref<!tpu.dma_semaphore, #tpu.memory_space<semaphore_mem>>)
    %dma_wait3A_41 = arith.constant 0 : i32
    %dma_wait3A_42 = tpu.memref_slice %arg2[%dma_wait3A_41] : memref<10240xi32, #tpu.memory_space<hbm>> -> memref<80xi32, #tpu.memory_space<hbm>>
    %dma_wait3A_43 = arith.constant 0 : i32
    %dma_wait3A_44 = tpu.memref_slice %arg2[%dma_wait3A_43] : memref<10240xi32, #tpu.memory_space<hbm>> -> memref<80xi32, #tpu.memory_space<hbm>>
    tpu.wait_dma2 semaphore(%arg20 : memref<!tpu.dma_semaphore, #tpu.memory_space<semaphore_mem>>) src(%dma_wait3A_44 : memref<80xi32, #tpu.memory_space<hbm>>) dst(%arg7 : memref<80xi32, #tpu.memory_space<vmem>>)
    %dma_wait3A_45 = arith.constant 0 : i32
    %dma_wait3A_46 = tpu.memref_slice %arg3[%dma_wait3A_45] : memref<10240xi32, #tpu.memory_space<hbm>> -> memref<80xi32, #tpu.memory_space<hbm>>
    %dma_wait3A_47 = arith.constant 0 : i32
    %dma_wait3A_48 = tpu.memref_slice %arg3[%dma_wait3A_47] : memref<10240xi32, #tpu.memory_space<hbm>> -> memref<80xi32, #tpu.memory_space<hbm>>
    tpu.wait_dma2 semaphore(%arg20 : memref<!tpu.dma_semaphore, #tpu.memory_space<semaphore_mem>>) src(%dma_wait3A_48 : memref<80xi32, #tpu.memory_space<hbm>>) dst(%arg11 : memref<80xi32, #tpu.memory_space<vmem>>)
    %dma_start3A_49 = arith.constant 0 : i32
    %dma_start3A_50 = arith.constant 0 : i32
    %dma_start3A_51 = tpu.memref_slice %arg4[%dma_start3A_49, %dma_start3A_50] : memref<10240x128xf32, #tpu.memory_space<hbm>> -> memref<10240x128xf32, #tpu.memory_space<hbm>>
    tpu.enqueue_indirect_dma source(%dma_start3A_51 : memref<10240x128xf32, #tpu.memory_space<hbm>>) target(%arg15 : memref<80x128xf32, #tpu.memory_space<vmem>>) offsets(%arg7 : memref<80xi32, #tpu.memory_space<vmem>>) semaphore(%arg24 : memref<!tpu.dma_semaphore, #tpu.memory_space<semaphore_mem>>)
    %dma_wait3A_52 = arith.constant 0 : i32
    %dma_wait3A_53 = arith.constant 0 : i32
    %dma_wait3A_54 = tpu.memref_slice %arg4[%dma_wait3A_52, %dma_wait3A_53] : memref<10240x128xf32, #tpu.memory_space<hbm>> -> memref<10240x128xf32, #tpu.memory_space<hbm>>
    tpu.wait_indirect_dma semaphore(%arg23 : memref<!tpu.dma_semaphore, #tpu.memory_space<semaphore_mem>>) src(%dma_wait3A_54 : memref<10240x128xf32, #tpu.memory_space<hbm>>) dst(%arg14 : memref<80x128xf32, #tpu.memory_space<vmem>>)
    %dma_start3A_55 = arith.constant 0 : i32
    %dma_start3A_56 = arith.constant 0 : i32
    %dma_start3A_57 = tpu.memref_slice %arg18[%dma_start3A_55, %dma_start3A_56] : memref<512x128xf32, #tpu.memory_space<vmem_shared>> -> memref<512x128xf32, #tpu.memory_space<vmem_shared>>
    tpu.enqueue_indirect_dma source(%arg14 : memref<80x128xf32, #tpu.memory_space<vmem>>) target(%dma_start3A_57 : memref<512x128xf32, #tpu.memory_space<vmem_shared>>) offsets(%arg10 : memref<80xi32, #tpu.memory_space<vmem>>) semaphore(%arg27 : memref<!tpu.dma_semaphore, #tpu.memory_space<semaphore_mem>>) {add = true}
    %mul3A_58 = arith.constant 320 : i32
    %mul3A_59 = arith.muli %add3A, %mul3A_58 : i32
    %add3A_60 = arith.constant 240 : i32
    %add3A_61 = arith.addi %mul3A_59, %add3A_60 : i32
    %dma_start3A_62 = tpu.memref_slice %arg2[%add3A_61] : memref<10240xi32, #tpu.memory_space<hbm>> -> memref<80xi32, #tpu.memory_space<hbm>>
    %dma_start3A_63 = tpu.memref_slice %arg2[%add3A_61] : memref<10240xi32, #tpu.memory_space<hbm>> -> memref<80xi32, #tpu.memory_space<hbm>>
    tpu.enqueue_dma source(%dma_start3A_63 : memref<80xi32, #tpu.memory_space<hbm>>) target(%arg9 : memref<80xi32, #tpu.memory_space<vmem>>) target_semaphore(%arg22 : memref<!tpu.dma_semaphore, #tpu.memory_space<semaphore_mem>>)
    %dma_start3A_64 = tpu.memref_slice %arg3[%add3A_61] : memref<10240xi32, #tpu.memory_space<hbm>> -> memref<80xi32, #tpu.memory_space<hbm>>
    %dma_start3A_65 = tpu.memref_slice %arg3[%add3A_61] : memref<10240xi32, #tpu.memory_space<hbm>> -> memref<80xi32, #tpu.memory_space<hbm>>
    tpu.enqueue_dma source(%dma_start3A_65 : memref<80xi32, #tpu.memory_space<hbm>>) target(%arg13 : memref<80xi32, #tpu.memory_space<vmem>>) target_semaphore(%arg22 : memref<!tpu.dma_semaphore, #tpu.memory_space<semaphore_mem>>)
    %dma_wait3A_66 = arith.constant 0 : i32
    %dma_wait3A_67 = tpu.memref_slice %arg2[%dma_wait3A_66] : memref<10240xi32, #tpu.memory_space<hbm>> -> memref<80xi32, #tpu.memory_space<hbm>>
    %dma_wait3A_68 = arith.constant 0 : i32
    %dma_wait3A_69 = tpu.memref_slice %arg2[%dma_wait3A_68] : memref<10240xi32, #tpu.memory_space<hbm>> -> memref<80xi32, #tpu.memory_space<hbm>>
    tpu.wait_dma2 semaphore(%arg21 : memref<!tpu.dma_semaphore, #tpu.memory_space<semaphore_mem>>) src(%dma_wait3A_69 : memref<80xi32, #tpu.memory_space<hbm>>) dst(%arg8 : memref<80xi32, #tpu.memory_space<vmem>>)
    %dma_wait3A_70 = arith.constant 0 : i32
    %dma_wait3A_71 = tpu.memref_slice %arg3[%dma_wait3A_70] : memref<10240xi32, #tpu.memory_space<hbm>> -> memref<80xi32, #tpu.memory_space<hbm>>
    %dma_wait3A_72 = arith.constant 0 : i32
    %dma_wait3A_73 = tpu.memref_slice %arg3[%dma_wait3A_72] : memref<10240xi32, #tpu.memory_space<hbm>> -> memref<80xi32, #tpu.memory_space<hbm>>
    tpu.wait_dma2 semaphore(%arg21 : memref<!tpu.dma_semaphore, #tpu.memory_space<semaphore_mem>>) src(%dma_wait3A_73 : memref<80xi32, #tpu.memory_space<hbm>>) dst(%arg12 : memref<80xi32, #tpu.memory_space<vmem>>)
    %dma_start3A_74 = arith.constant 0 : i32
    %dma_start3A_75 = arith.constant 0 : i32
    %dma_start3A_76 = tpu.memref_slice %arg4[%dma_start3A_74, %dma_start3A_75] : memref<10240x128xf32, #tpu.memory_space<hbm>> -> memref<10240x128xf32, #tpu.memory_space<hbm>>
    tpu.enqueue_indirect_dma source(%dma_start3A_76 : memref<10240x128xf32, #tpu.memory_space<hbm>>) target(%arg16 : memref<80x128xf32, #tpu.memory_space<vmem>>) offsets(%arg8 : memref<80xi32, #tpu.memory_space<vmem>>) semaphore(%arg25 : memref<!tpu.dma_semaphore, #tpu.memory_space<semaphore_mem>>)
    %dma_wait3A_77 = arith.constant 0 : i32
    %dma_wait3A_78 = arith.constant 0 : i32
    %dma_wait3A_79 = tpu.memref_slice %arg4[%dma_wait3A_77, %dma_wait3A_78] : memref<10240x128xf32, #tpu.memory_space<hbm>> -> memref<10240x128xf32, #tpu.memory_space<hbm>>
    tpu.wait_indirect_dma semaphore(%arg24 : memref<!tpu.dma_semaphore, #tpu.memory_space<semaphore_mem>>) src(%dma_wait3A_79 : memref<10240x128xf32, #tpu.memory_space<hbm>>) dst(%arg15 : memref<80x128xf32, #tpu.memory_space<vmem>>)
    %dma_start3A_80 = arith.constant 0 : i32
    %dma_start3A_81 = arith.constant 0 : i32
    %dma_start3A_82 = tpu.memref_slice %arg18[%dma_start3A_80, %dma_start3A_81] : memref<512x128xf32, #tpu.memory_space<vmem_shared>> -> memref<512x128xf32, #tpu.memory_space<vmem_shared>>
    tpu.enqueue_indirect_dma source(%arg15 : memref<80x128xf32, #tpu.memory_space<vmem>>) target(%dma_start3A_82 : memref<512x128xf32, #tpu.memory_space<vmem_shared>>) offsets(%arg11 : memref<80xi32, #tpu.memory_space<vmem>>) semaphore(%arg28 : memref<!tpu.dma_semaphore, #tpu.memory_space<semaphore_mem>>) {add = true}
    %dma_wait3A_83 = arith.constant 0 : i32
    %dma_wait3A_84 = tpu.memref_slice %arg2[%dma_wait3A_83] : memref<10240xi32, #tpu.memory_space<hbm>> -> memref<80xi32, #tpu.memory_space<hbm>>
    %dma_wait3A_85 = arith.constant 0 : i32
    %dma_wait3A_86 = tpu.memref_slice %arg2[%dma_wait3A_85] : memref<10240xi32, #tpu.memory_space<hbm>> -> memref<80xi32, #tpu.memory_space<hbm>>
    tpu.wait_dma2 semaphore(%arg22 : memref<!tpu.dma_semaphore, #tpu.memory_space<semaphore_mem>>) src(%dma_wait3A_86 : memref<80xi32, #tpu.memory_space<hbm>>) dst(%arg9 : memref<80xi32, #tpu.memory_space<vmem>>)
    %dma_wait3A_87 = arith.constant 0 : i32
    %dma_wait3A_88 = tpu.memref_slice %arg3[%dma_wait3A_87] : memref<10240xi32, #tpu.memory_space<hbm>> -> memref<80xi32, #tpu.memory_space<hbm>>
    %dma_wait3A_89 = arith.constant 0 : i32
    %dma_wait3A_90 = tpu.memref_slice %arg3[%dma_wait3A_89] : memref<10240xi32, #tpu.memory_space<hbm>> -> memref<80xi32, #tpu.memory_space<hbm>>
    tpu.wait_dma2 semaphore(%arg22 : memref<!tpu.dma_semaphore, #tpu.memory_space<semaphore_mem>>) src(%dma_wait3A_90 : memref<80xi32, #tpu.memory_space<hbm>>) dst(%arg13 : memref<80xi32, #tpu.memory_space<vmem>>)
    %dma_start3A_91 = arith.constant 0 : i32
    %dma_start3A_92 = arith.constant 0 : i32
    %dma_start3A_93 = tpu.memref_slice %arg4[%dma_start3A_91, %dma_start3A_92] : memref<10240x128xf32, #tpu.memory_space<hbm>> -> memref<10240x128xf32, #tpu.memory_space<hbm>>
    tpu.enqueue_indirect_dma source(%dma_start3A_93 : memref<10240x128xf32, #tpu.memory_space<hbm>>) target(%arg17 : memref<80x128xf32, #tpu.memory_space<vmem>>) offsets(%arg9 : memref<80xi32, #tpu.memory_space<vmem>>) semaphore(%arg26 : memref<!tpu.dma_semaphore, #tpu.memory_space<semaphore_mem>>)
    %dma_wait3A_94 = arith.constant 0 : i32
    %dma_wait3A_95 = arith.constant 0 : i32
    %dma_wait3A_96 = tpu.memref_slice %arg4[%dma_wait3A_94, %dma_wait3A_95] : memref<10240x128xf32, #tpu.memory_space<hbm>> -> memref<10240x128xf32, #tpu.memory_space<hbm>>
    tpu.wait_indirect_dma semaphore(%arg25 : memref<!tpu.dma_semaphore, #tpu.memory_space<semaphore_mem>>) src(%dma_wait3A_96 : memref<10240x128xf32, #tpu.memory_space<hbm>>) dst(%arg16 : memref<80x128xf32, #tpu.memory_space<vmem>>)
    %dma_start3A_97 = arith.constant 0 : i32
    %dma_start3A_98 = arith.constant 0 : i32
    %dma_start3A_99 = tpu.memref_slice %arg18[%dma_start3A_97, %dma_start3A_98] : memref<512x128xf32, #tpu.memory_space<vmem_shared>> -> memref<512x128xf32, #tpu.memory_space<vmem_shared>>
    tpu.enqueue_indirect_dma source(%arg16 : memref<80x128xf32, #tpu.memory_space<vmem>>) target(%dma_start3A_99 : memref<512x128xf32, #tpu.memory_space<vmem_shared>>) offsets(%arg12 : memref<80xi32, #tpu.memory_space<vmem>>) semaphore(%arg29 : memref<!tpu.dma_semaphore, #tpu.memory_space<semaphore_mem>>) {add = true}
    %dma_wait3A_100 = arith.constant 0 : i32
    %dma_wait3A_101 = arith.constant 0 : i32
    %dma_wait3A_102 = tpu.memref_slice %arg4[%dma_wait3A_100, %dma_wait3A_101] : memref<10240x128xf32, #tpu.memory_space<hbm>> -> memref<10240x128xf32, #tpu.memory_space<hbm>>
    tpu.wait_indirect_dma semaphore(%arg26 : memref<!tpu.dma_semaphore, #tpu.memory_space<semaphore_mem>>) src(%dma_wait3A_102 : memref<10240x128xf32, #tpu.memory_space<hbm>>) dst(%arg17 : memref<80x128xf32, #tpu.memory_space<vmem>>)
    %dma_start3A_103 = arith.constant 0 : i32
    %dma_start3A_104 = arith.constant 0 : i32
    %dma_start3A_105 = tpu.memref_slice %arg18[%dma_start3A_103, %dma_start3A_104] : memref<512x128xf32, #tpu.memory_space<vmem_shared>> -> memref<512x128xf32, #tpu.memory_space<vmem_shared>>
    tpu.enqueue_indirect_dma source(%arg17 : memref<80x128xf32, #tpu.memory_space<vmem>>) target(%dma_start3A_105 : memref<512x128xf32, #tpu.memory_space<vmem_shared>>) offsets(%arg13 : memref<80xi32, #tpu.memory_space<vmem>>) semaphore(%arg30 : memref<!tpu.dma_semaphore, #tpu.memory_space<semaphore_mem>>) {add = true}
    %dma_wait3A_106 = arith.constant 0 : i32
    %dma_wait3A_107 = arith.constant 0 : i32
    %dma_wait3A_108 = tpu.memref_slice %arg18[%dma_wait3A_106, %dma_wait3A_107] : memref<512x128xf32, #tpu.memory_space<vmem_shared>> -> memref<512x128xf32, #tpu.memory_space<vmem_shared>>
    tpu.wait_indirect_dma semaphore(%arg27 : memref<!tpu.dma_semaphore, #tpu.memory_space<semaphore_mem>>) src(%arg14 : memref<80x128xf32, #tpu.memory_space<vmem>>) dst(%dma_wait3A_108 : memref<512x128xf32, #tpu.memory_space<vmem_shared>>)
    %dma_wait3A_109 = arith.constant 0 : i32
    %dma_wait3A_110 = arith.constant 0 : i32
    %dma_wait3A_111 = tpu.memref_slice %arg18[%dma_wait3A_109, %dma_wait3A_110] : memref<512x128xf32, #tpu.memory_space<vmem_shared>> -> memref<512x128xf32, #tpu.memory_space<vmem_shared>>
    tpu.wait_indirect_dma semaphore(%arg28 : memref<!tpu.dma_semaphore, #tpu.memory_space<semaphore_mem>>) src(%arg15 : memref<80x128xf32, #tpu.memory_space<vmem>>) dst(%dma_wait3A_111 : memref<512x128xf32, #tpu.memory_space<vmem_shared>>)
    %dma_wait3A_112 = arith.constant 0 : i32
    %dma_wait3A_113 = arith.constant 0 : i32
    %dma_wait3A_114 = tpu.memref_slice %arg18[%dma_wait3A_112, %dma_wait3A_113] : memref<512x128xf32, #tpu.memory_space<vmem_shared>> -> memref<512x128xf32, #tpu.memory_space<vmem_shared>>
    tpu.wait_indirect_dma semaphore(%arg29 : memref<!tpu.dma_semaphore, #tpu.memory_space<semaphore_mem>>) src(%arg16 : memref<80x128xf32, #tpu.memory_space<vmem>>) dst(%dma_wait3A_114 : memref<512x128xf32, #tpu.memory_space<vmem_shared>>)
    %dma_wait3A_115 = arith.constant 0 : i32
    %dma_wait3A_116 = arith.constant 0 : i32
    %dma_wait3A_117 = tpu.memref_slice %arg18[%dma_wait3A_115, %dma_wait3A_116] : memref<512x128xf32, #tpu.memory_space<vmem_shared>> -> memref<512x128xf32, #tpu.memory_space<vmem_shared>>
    tpu.wait_indirect_dma semaphore(%arg30 : memref<!tpu.dma_semaphore, #tpu.memory_space<semaphore_mem>>) src(%arg17 : memref<80x128xf32, #tpu.memory_space<vmem>>) dst(%dma_wait3A_117 : memref<512x128xf32, #tpu.memory_space<vmem_shared>>)
    %barrier3A_118 = arith.constant 0 : index
    tpu.barrier barrier_id(%barrier3A_118)
    %mul3A_119 = arith.constant 32 : i32
    %mul3A_120 = arith.muli %arg1, %mul3A_119 : i32
    %mul3A_121 = arith.constant 32 : i32
    %mul3A_122 = arith.muli %arg1, %mul3A_121 : i32
    "tpu.region"() ({
      %run_scoped3A = tpu.sem_alloc : memref<!tpu.dma_semaphore, #tpu.memory_space<semaphore_mem>>
      %dma_start3A_123 = arith.constant 0 : i32
      %dma_start3A_124 = tpu.memref_slice %arg5[%arg0, %mul3A_122, %dma_start3A_123] : memref<2x512x128xf32, #tpu.memory_space<hbm>> -> memref<1x32x128xf32, #tpu.memory_space<hbm>>
      %dma_start3A_125 = tpu.memref_squeeze %dma_start3A_124 : memref<1x32x128xf32, #tpu.memory_space<hbm>> -> memref<32x128xf32, #tpu.memory_space<hbm>>
      %dma_start3A_126 = arith.constant 0 : i32
      %dma_start3A_127 = tpu.memref_slice %arg18[%mul3A_120, %dma_start3A_126] : memref<512x128xf32, #tpu.memory_space<vmem_shared>> -> memref<32x128xf32, #tpu.memory_space<vmem_shared>>
      tpu.enqueue_dma source(%dma_start3A_127 : memref<32x128xf32, #tpu.memory_space<vmem_shared>>) target(%dma_start3A_125 : memref<32x128xf32, #tpu.memory_space<hbm>>) target_semaphore(%run_scoped3A : memref<!tpu.dma_semaphore, #tpu.memory_space<semaphore_mem>>)
      %dma_wait3A_128 = arith.constant 0 : i32
      %dma_wait3A_129 = tpu.memref_slice %arg5[%arg0, %mul3A_122, %dma_wait3A_128] : memref<2x512x128xf32, #tpu.memory_space<hbm>> -> memref<1x32x128xf32, #tpu.memory_space<hbm>>
      %dma_wait3A_130 = tpu.memref_squeeze %dma_wait3A_129 : memref<1x32x128xf32, #tpu.memory_space<hbm>> -> memref<32x128xf32, #tpu.memory_space<hbm>>
      %dma_wait3A_131 = arith.constant 0 : i32
      %dma_wait3A_132 = tpu.memref_slice %arg18[%mul3A_120, %dma_wait3A_131] : memref<512x128xf32, #tpu.memory_space<vmem_shared>> -> memref<32x128xf32, #tpu.memory_space<vmem_shared>>
      tpu.wait_dma2 semaphore(%run_scoped3A : memref<!tpu.dma_semaphore, #tpu.memory_space<semaphore_mem>>) src(%dma_wait3A_132 : memref<32x128xf32, #tpu.memory_space<vmem_shared>>) dst(%dma_wait3A_130 : memref<32x128xf32, #tpu.memory_space<hbm>>)
      tpu.yield
    }) : () -> ()
    return
  }
}

module attributes {stable_mosaic.version = 14 : i64} {
  func.func @_tc_in_body(%arg0: i32, %arg1: memref<2048x128xf32, #tpu.memory_space<vmem>>, %arg2: memref<128x128xf32, #tpu.memory_space<vmem>>, %arg3: memref<2x2048xf32, #tpu.memory_space<vmem>>, %arg4: memref<2048x128xf32, #tpu.memory_space<vmem>>) attributes {dimension_semantics = [#tpu.dimension_semantics<arbitrary>], iteration_bounds = array<i64: 5>, scalar_prefetch = 0 : i64, scratch_operands = 0 : i64, tpu.core_type = #tpu.core_type<tc>, window_params = [{transform_indices = @transform_0, window_bounds = array<i64: 2048, 128>}, {pipeline_mode = #tpu.pipeline_mode<synchronous>, transform_indices = @transform_1, window_bounds = array<i64: 128, 128>}, {transform_indices = @transform_2, window_bounds = array<i64: 2, 2048>}, {transform_indices = @transform_3, window_bounds = array<i64: 2048, 128>}]} {
    %get3A = arith.constant 0 : index
    %get3A_0 = arith.constant 0 : index
    %get3A_1 = vector.load %arg3[%get3A, %get3A_0] : memref<2x2048xf32, #tpu.memory_space<vmem>>, vector<1x2048xf32>
    %get3A_2 = vector.shape_cast %get3A_1 : vector<1x2048xf32> to vector<2048xf32>
    %get3A_3 = arith.constant 1 : index
    %get3A_4 = arith.constant 0 : index
    %get3A_5 = vector.load %arg3[%get3A_3, %get3A_4] : memref<2x2048xf32, #tpu.memory_space<vmem>>, vector<1x2048xf32>
    %get3A_6 = vector.shape_cast %get3A_5 : vector<1x2048xf32> to vector<2048xf32>
    %add3A = arith.addf %get3A_2, %get3A_6 : vector<2048xf32>
    %gt3A = arith.constant 0.000000e+00 : f32
    %gt3A_7 = vector.broadcast %gt3A : f32 to vector<2048xf32>
    %gt3A_8 = arith.cmpf ogt, %add3A, %gt3A_7 : vector<2048xf32>
    %rsqrt3A = math.rsqrt %add3A : vector<2048xf32>
    %jit3A = arith.constant 0.000000e+00 : f32
    %broadcast_in_dim3A = vector.broadcast %jit3A : f32 to vector<2048xf32>
    %select_n3A = arith.select %gt3A_8, %rsqrt3A, %broadcast_in_dim3A : vector<2048xi1>, vector<2048xf32>
    %get3A_9 = arith.constant 0 : index
    %get3A_10 = arith.constant 0 : index
    %get3A_11 = vector.load %arg1[%get3A_9, %get3A_10] : memref<2048x128xf32, #tpu.memory_space<vmem>>, vector<2048x128xf32>
    %get3A_12 = arith.constant 0 : index
    %get3A_13 = arith.constant 0 : index
    %get3A_14 = vector.load %arg2[%get3A_12, %get3A_13] : memref<128x128xf32, #tpu.memory_space<vmem>>, vector<128x128xf32>
    %dot_general3A = arith.constant dense<0.000000e+00> : vector<2048x128xf32>
    %dot_general3A_15 = tpu.matmul %get3A_11, %get3A_14, %dot_general3A {dimension_numbers = #tpu.dot_dimension_numbers<[1], [0], [0], [1], [0, 0, 1, 1], [], []>, transpose_lhs_hint = false} : vector<2048x128xf32>, vector<128x128xf32>, vector<2048x128xf32> -> vector<2048x128xf32>
    %broadcast_in_dim3A_16 = vector.shape_cast %select_n3A : vector<2048xf32> to vector<2048x1xf32>
    %mul3A = vector.broadcast %broadcast_in_dim3A_16 : vector<2048x1xf32> to vector<2048x128xf32>
    %mul3A_17 = arith.mulf %dot_general3A_15, %mul3A : vector<2048x128xf32>
    %swap3A = arith.constant 0 : index
    %swap3A_18 = arith.constant 0 : index
    %swap3A_19 = vector.load %arg4[%swap3A, %swap3A_18] : memref<2048x128xf32, #tpu.memory_space<vmem>>, vector<2048x128xf32>
    tpu.vector_store %arg4[%swap3A, %swap3A_18], %mul3A_17 {strides = array<i32>} : memref<2048x128xf32, #tpu.memory_space<vmem>>, vector<2048x128xf32>,
    return
  }
  func.func @transform_0(%arg0: i32) -> (i32, i32) {
    %c0_i32 = arith.constant 0 : i32
    %c0_i32_0 = arith.constant 0 : i32
    return %arg0, %c0_i32 : i32, i32
  }
  func.func @transform_1(%arg0: i32) -> (i32, i32) {
    %c0_i32 = arith.constant 0 : i32
    %c0_i32_0 = arith.constant 0 : i32
    %c0_i32_1 = arith.constant 0 : i32
    return %c0_i32, %c0_i32_0 : i32, i32
  }
  func.func @transform_2(%arg0: i32) -> (i32, i32) {
    %c0_i32 = arith.constant 0 : i32
    %c0_i32_0 = arith.constant 0 : i32
    return %c0_i32, %arg0 : i32, i32
  }
  func.func @transform_3(%arg0: i32) -> (i32, i32) {
    %c0_i32 = arith.constant 0 : i32
    %c0_i32_0 = arith.constant 0 : i32
    return %arg0, %c0_i32 : i32, i32
  }
}

module attributes {stable_mosaic.version = 14 : i64} {
  func.func @_tc_mid_body(%arg0: i32, %arg1: memref<2x2048x128xf32, #tpu.memory_space<vmem>>, %arg2: memref<2x2048xf32, #tpu.memory_space<vmem>>, %arg3: memref<128x128xf32, #tpu.memory_space<vmem>>, %arg4: memref<1x128xf32, #tpu.memory_space<vmem>>, %arg5: memref<1x128xf32, #tpu.memory_space<vmem>>, %arg6: memref<1x128xf32, #tpu.memory_space<vmem>>, %arg7: memref<2048x128xf32, #tpu.memory_space<vmem>>) attributes {dimension_semantics = [#tpu.dimension_semantics<arbitrary>], iteration_bounds = array<i64: 5>, scalar_prefetch = 0 : i64, scratch_operands = 0 : i64, tpu.core_type = #tpu.core_type<tc>, window_params = [{transform_indices = @transform_0, window_bounds = array<i64: 2, 2048, 128>}, {transform_indices = @transform_1, window_bounds = array<i64: 2, 2048>}, {pipeline_mode = #tpu.pipeline_mode<synchronous>, transform_indices = @transform_2, window_bounds = array<i64: 128, 128>}, {pipeline_mode = #tpu.pipeline_mode<synchronous>, transform_indices = @transform_3, window_bounds = array<i64: 1, 128>}, {pipeline_mode = #tpu.pipeline_mode<synchronous>, transform_indices = @transform_4, window_bounds = array<i64: 1, 128>}, {pipeline_mode = #tpu.pipeline_mode<synchronous>, transform_indices = @transform_5, window_bounds = array<i64: 1, 128>}, {transform_indices = @transform_6, window_bounds = array<i64: 2048, 128>}]} {
    %get3A = arith.constant 0 : index
    %get3A_0 = arith.constant 0 : index
    %get3A_1 = vector.load %arg2[%get3A, %get3A_0] : memref<2x2048xf32, #tpu.memory_space<vmem>>, vector<1x2048xf32>
    %get3A_2 = vector.shape_cast %get3A_1 : vector<1x2048xf32> to vector<2048xf32>
    %get3A_3 = arith.constant 1 : index
    %get3A_4 = arith.constant 0 : index
    %get3A_5 = vector.load %arg2[%get3A_3, %get3A_4] : memref<2x2048xf32, #tpu.memory_space<vmem>>, vector<1x2048xf32>
    %get3A_6 = vector.shape_cast %get3A_5 : vector<1x2048xf32> to vector<2048xf32>
    %add3A = arith.addf %get3A_2, %get3A_6 : vector<2048xf32>
    %gt3A = arith.constant 0.000000e+00 : f32
    %gt3A_7 = vector.broadcast %gt3A : f32 to vector<2048xf32>
    %gt3A_8 = arith.cmpf ogt, %add3A, %gt3A_7 : vector<2048xf32>
    %rsqrt3A = math.rsqrt %add3A : vector<2048xf32>
    %jit3A = arith.constant 0.000000e+00 : f32
    %broadcast_in_dim3A = vector.broadcast %jit3A : f32 to vector<2048xf32>
    %select_n3A = arith.select %gt3A_8, %rsqrt3A, %broadcast_in_dim3A : vector<2048xi1>, vector<2048xf32>
    %get3A_9 = arith.constant 0 : index
    %get3A_10 = arith.constant 0 : index
    %get3A_11 = arith.constant 0 : index
    %get3A_12 = vector.load %arg1[%get3A_9, %get3A_10, %get3A_11] : memref<2x2048x128xf32, #tpu.memory_space<vmem>>, vector<1x2048x128xf32>
    %get3A_13 = vector.shape_cast %get3A_12 : vector<1x2048x128xf32> to vector<2048x128xf32>
    %get3A_14 = arith.constant 1 : index
    %get3A_15 = arith.constant 0 : index
    %get3A_16 = arith.constant 0 : index
    %get3A_17 = vector.load %arg1[%get3A_14, %get3A_15, %get3A_16] : memref<2x2048x128xf32, #tpu.memory_space<vmem>>, vector<1x2048x128xf32>
    %get3A_18 = vector.shape_cast %get3A_17 : vector<1x2048x128xf32> to vector<2048x128xf32>
    %add3A_19 = arith.addf %get3A_13, %get3A_18 : vector<2048x128xf32>
    %broadcast_in_dim3A_20 = vector.shape_cast %select_n3A : vector<2048xf32> to vector<2048x1xf32>
    %mul3A = vector.broadcast %broadcast_in_dim3A_20 : vector<2048x1xf32> to vector<2048x128xf32>
    %mul3A_21 = arith.mulf %add3A_19, %mul3A : vector<2048x128xf32>
    %get3A_22 = arith.constant 0 : index
    %get3A_23 = arith.constant 0 : index
    %get3A_24 = vector.load %arg4[%get3A_22, %get3A_23] : memref<1x128xf32, #tpu.memory_space<vmem>>, vector<1x128xf32>
    %add3A_25 = vector.broadcast %get3A_24 : vector<1x128xf32> to vector<2048x128xf32>
    %add3A_26 = arith.addf %mul3A_21, %add3A_25 : vector<2048x128xf32>
    %get3A_27 = arith.constant 0 : index
    %get3A_28 = arith.constant 0 : index
    %get3A_29 = vector.load %arg5[%get3A_27, %get3A_28] : memref<1x128xf32, #tpu.memory_space<vmem>>, vector<1x128xf32>
    %mul3A_30 = arith.constant 0.999994993 : f32
    %mul3A_31 = vector.broadcast %mul3A_30 : f32 to vector<1x128xf32>
    %mul3A_32 = arith.mulf %get3A_29, %mul3A_31 : vector<1x128xf32>
    %mul3A_33 = vector.broadcast %mul3A_32 : vector<1x128xf32> to vector<2048x128xf32>
    %mul3A_34 = arith.mulf %add3A_26, %mul3A_33 : vector<2048x128xf32>
    %get3A_35 = arith.constant 0 : index
    %get3A_36 = arith.constant 0 : index
    %get3A_37 = vector.load %arg6[%get3A_35, %get3A_36] : memref<1x128xf32, #tpu.memory_space<vmem>>, vector<1x128xf32>
    %add3A_38 = vector.broadcast %get3A_37 : vector<1x128xf32> to vector<2048x128xf32>
    %add3A_39 = arith.addf %mul3A_34, %add3A_38 : vector<2048x128xf32>
    %max3A = arith.constant 0.000000e+00 : f32
    %max3A_40 = vector.broadcast %max3A : f32 to vector<2048x128xf32>
    %max3A_41 = arith.maximumf %add3A_39, %max3A_40 : vector<2048x128xf32>
    %get3A_42 = arith.constant 0 : index
    %get3A_43 = arith.constant 0 : index
    %get3A_44 = vector.load %arg3[%get3A_42, %get3A_43] : memref<128x128xf32, #tpu.memory_space<vmem>>, vector<128x128xf32>
    %dot_general3A = arith.constant dense<0.000000e+00> : vector<2048x128xf32>
    %dot_general3A_45 = tpu.matmul %max3A_41, %get3A_44, %dot_general3A {dimension_numbers = #tpu.dot_dimension_numbers<[1], [0], [0], [1], [0, 0, 1, 1], [], []>, transpose_lhs_hint = false} : vector<2048x128xf32>, vector<128x128xf32>, vector<2048x128xf32> -> vector<2048x128xf32>
    %broadcast_in_dim3A_46 = vector.shape_cast %select_n3A : vector<2048xf32> to vector<2048x1xf32>
    %mul3A_47 = vector.broadcast %broadcast_in_dim3A_46 : vector<2048x1xf32> to vector<2048x128xf32>
    %mul3A_48 = arith.mulf %dot_general3A_45, %mul3A_47 : vector<2048x128xf32>
    %swap3A = arith.constant 0 : index
    %swap3A_49 = arith.constant 0 : index
    %swap3A_50 = vector.load %arg7[%swap3A, %swap3A_49] : memref<2048x128xf32, #tpu.memory_space<vmem>>, vector<2048x128xf32>
    tpu.vector_store %arg7[%swap3A, %swap3A_49], %mul3A_48 {strides = array<i32>} : memref<2048x128xf32, #tpu.memory_space<vmem>>, vector<2048x128xf32>,
    return
  }
  func.func @transform_0(%arg0: i32) -> (i32, i32, i32) {
    %c0_i32 = arith.constant 0 : i32
    %c0_i32_0 = arith.constant 0 : i32
    %c0_i32_1 = arith.constant 0 : i32
    return %c0_i32, %arg0, %c0_i32_0 : i32, i32, i32
  }
  func.func @transform_1(%arg0: i32) -> (i32, i32) {
    %c0_i32 = arith.constant 0 : i32
    %c0_i32_0 = arith.constant 0 : i32
    return %c0_i32, %arg0 : i32, i32
  }
  func.func @transform_2(%arg0: i32) -> (i32, i32) {
    %c0_i32 = arith.constant 0 : i32
    %c0_i32_0 = arith.constant 0 : i32
    %c0_i32_1 = arith.constant 0 : i32
    return %c0_i32, %c0_i32_0 : i32, i32
  }
  func.func @transform_3(%arg0: i32) -> (i32, i32) {
    %c0_i32 = arith.constant 0 : i32
    %c0_i32_0 = arith.constant 0 : i32
    %c0_i32_1 = arith.constant 0 : i32
    return %c0_i32, %c0_i32_0 : i32, i32
  }
  func.func @transform_4(%arg0: i32) -> (i32, i32) {
    %c0_i32 = arith.constant 0 : i32
    %c0_i32_0 = arith.constant 0 : i32
    %c0_i32_1 = arith.constant 0 : i32
    return %c0_i32, %c0_i32_0 : i32, i32
  }
  func.func @transform_5(%arg0: i32) -> (i32, i32) {
    %c0_i32 = arith.constant 0 : i32
    %c0_i32_0 = arith.constant 0 : i32
    %c0_i32_1 = arith.constant 0 : i32
    return %c0_i32, %c0_i32_0 : i32, i32
  }
  func.func @transform_6(%arg0: i32) -> (i32, i32) {
    %c0_i32 = arith.constant 0 : i32
    %c0_i32_0 = arith.constant 0 : i32
    return %arg0, %c0_i32 : i32, i32
  }
}

module attributes {stable_mosaic.version = 14 : i64} {
  func.func @_tc_post_body(%arg0: i32, %arg1: memref<2x2048x128xf32, #tpu.memory_space<vmem>>, %arg2: memref<2x2048xf32, #tpu.memory_space<vmem>>, %arg3: memref<1x128xf32, #tpu.memory_space<vmem>>, %arg4: memref<1x128xf32, #tpu.memory_space<vmem>>, %arg5: memref<1x128xf32, #tpu.memory_space<vmem>>, %arg6: memref<2048x128xf32, #tpu.memory_space<vmem>>) attributes {dimension_semantics = [#tpu.dimension_semantics<arbitrary>], iteration_bounds = array<i64: 5>, scalar_prefetch = 0 : i64, scratch_operands = 0 : i64, tpu.core_type = #tpu.core_type<tc>, window_params = [{transform_indices = @transform_0, window_bounds = array<i64: 2, 2048, 128>}, {transform_indices = @transform_1, window_bounds = array<i64: 2, 2048>}, {pipeline_mode = #tpu.pipeline_mode<synchronous>, transform_indices = @transform_2, window_bounds = array<i64: 1, 128>}, {pipeline_mode = #tpu.pipeline_mode<synchronous>, transform_indices = @transform_3, window_bounds = array<i64: 1, 128>}, {pipeline_mode = #tpu.pipeline_mode<synchronous>, transform_indices = @transform_4, window_bounds = array<i64: 1, 128>}, {transform_indices = @transform_5, window_bounds = array<i64: 2048, 128>}]} {
    %get3A = arith.constant 0 : index
    %get3A_0 = arith.constant 0 : index
    %get3A_1 = vector.load %arg2[%get3A, %get3A_0] : memref<2x2048xf32, #tpu.memory_space<vmem>>, vector<1x2048xf32>
    %get3A_2 = vector.shape_cast %get3A_1 : vector<1x2048xf32> to vector<2048xf32>
    %get3A_3 = arith.constant 1 : index
    %get3A_4 = arith.constant 0 : index
    %get3A_5 = vector.load %arg2[%get3A_3, %get3A_4] : memref<2x2048xf32, #tpu.memory_space<vmem>>, vector<1x2048xf32>
    %get3A_6 = vector.shape_cast %get3A_5 : vector<1x2048xf32> to vector<2048xf32>
    %add3A = arith.addf %get3A_2, %get3A_6 : vector<2048xf32>
    %gt3A = arith.constant 0.000000e+00 : f32
    %gt3A_7 = vector.broadcast %gt3A : f32 to vector<2048xf32>
    %gt3A_8 = arith.cmpf ogt, %add3A, %gt3A_7 : vector<2048xf32>
    %rsqrt3A = math.rsqrt %add3A : vector<2048xf32>
    %jit3A = arith.constant 0.000000e+00 : f32
    %broadcast_in_dim3A = vector.broadcast %jit3A : f32 to vector<2048xf32>
    %select_n3A = arith.select %gt3A_8, %rsqrt3A, %broadcast_in_dim3A : vector<2048xi1>, vector<2048xf32>
    %get3A_9 = arith.constant 0 : index
    %get3A_10 = arith.constant 0 : index
    %get3A_11 = arith.constant 0 : index
    %get3A_12 = vector.load %arg1[%get3A_9, %get3A_10, %get3A_11] : memref<2x2048x128xf32, #tpu.memory_space<vmem>>, vector<1x2048x128xf32>
    %get3A_13 = vector.shape_cast %get3A_12 : vector<1x2048x128xf32> to vector<2048x128xf32>
    %get3A_14 = arith.constant 1 : index
    %get3A_15 = arith.constant 0 : index
    %get3A_16 = arith.constant 0 : index
    %get3A_17 = vector.load %arg1[%get3A_14, %get3A_15, %get3A_16] : memref<2x2048x128xf32, #tpu.memory_space<vmem>>, vector<1x2048x128xf32>
    %get3A_18 = vector.shape_cast %get3A_17 : vector<1x2048x128xf32> to vector<2048x128xf32>
    %add3A_19 = arith.addf %get3A_13, %get3A_18 : vector<2048x128xf32>
    %broadcast_in_dim3A_20 = vector.shape_cast %select_n3A : vector<2048xf32> to vector<2048x1xf32>
    %mul3A = vector.broadcast %broadcast_in_dim3A_20 : vector<2048x1xf32> to vector<2048x128xf32>
    %mul3A_21 = arith.mulf %add3A_19, %mul3A : vector<2048x128xf32>
    %get3A_22 = arith.constant 0 : index
    %get3A_23 = arith.constant 0 : index
    %get3A_24 = vector.load %arg3[%get3A_22, %get3A_23] : memref<1x128xf32, #tpu.memory_space<vmem>>, vector<1x128xf32>
    %add3A_25 = vector.broadcast %get3A_24 : vector<1x128xf32> to vector<2048x128xf32>
    %add3A_26 = arith.addf %mul3A_21, %add3A_25 : vector<2048x128xf32>
    %get3A_27 = arith.constant 0 : index
    %get3A_28 = arith.constant 0 : index
    %get3A_29 = vector.load %arg4[%get3A_27, %get3A_28] : memref<1x128xf32, #tpu.memory_space<vmem>>, vector<1x128xf32>
    %mul3A_30 = arith.constant 0.999994993 : f32
    %mul3A_31 = vector.broadcast %mul3A_30 : f32 to vector<1x128xf32>
    %mul3A_32 = arith.mulf %get3A_29, %mul3A_31 : vector<1x128xf32>
    %mul3A_33 = vector.broadcast %mul3A_32 : vector<1x128xf32> to vector<2048x128xf32>
    %mul3A_34 = arith.mulf %add3A_26, %mul3A_33 : vector<2048x128xf32>
    %get3A_35 = arith.constant 0 : index
    %get3A_36 = arith.constant 0 : index
    %get3A_37 = vector.load %arg5[%get3A_35, %get3A_36] : memref<1x128xf32, #tpu.memory_space<vmem>>, vector<1x128xf32>
    %add3A_38 = vector.broadcast %get3A_37 : vector<1x128xf32> to vector<2048x128xf32>
    %add3A_39 = arith.addf %mul3A_34, %add3A_38 : vector<2048x128xf32>
    %swap3A = arith.constant 0 : index
    %swap3A_40 = arith.constant 0 : index
    %swap3A_41 = vector.load %arg6[%swap3A, %swap3A_40] : memref<2048x128xf32, #tpu.memory_space<vmem>>, vector<2048x128xf32>
    tpu.vector_store %arg6[%swap3A, %swap3A_40], %add3A_39 {strides = array<i32>} : memref<2048x128xf32, #tpu.memory_space<vmem>>, vector<2048x128xf32>,
    return
  }
  func.func @transform_0(%arg0: i32) -> (i32, i32, i32) {
    %c0_i32 = arith.constant 0 : i32
    %c0_i32_0 = arith.constant 0 : i32
    %c0_i32_1 = arith.constant 0 : i32
    return %c0_i32, %arg0, %c0_i32_0 : i32, i32, i32
  }
  func.func @transform_1(%arg0: i32) -> (i32, i32) {
    %c0_i32 = arith.constant 0 : i32
    %c0_i32_0 = arith.constant 0 : i32
    return %c0_i32, %arg0 : i32, i32
  }
  func.func @transform_2(%arg0: i32) -> (i32, i32) {
    %c0_i32 = arith.constant 0 : i32
    %c0_i32_0 = arith.constant 0 : i32
    %c0_i32_1 = arith.constant 0 : i32
    return %c0_i32, %c0_i32_0 : i32, i32
  }
  func.func @transform_3(%arg0: i32) -> (i32, i32) {
    %c0_i32 = arith.constant 0 : i32
    %c0_i32_0 = arith.constant 0 : i32
    %c0_i32_1 = arith.constant 0 : i32
    return %c0_i32, %c0_i32_0 : i32, i32
  }
  func.func @transform_4(%arg0: i32) -> (i32, i32) {
    %c0_i32 = arith.constant 0 : i32
    %c0_i32_0 = arith.constant 0 : i32
    %c0_i32_1 = arith.constant 0 : i32
    return %c0_i32, %c0_i32_0 : i32, i32
  }
  func.func @transform_5(%arg0: i32) -> (i32, i32) {
    %c0_i32 = arith.constant 0 : i32
    %c0_i32_0 = arith.constant 0 : i32
    return %arg0, %c0_i32 : i32, i32
  }
}

module attributes {stable_mosaic.version = 14 : i64} {
  func.func @_tc_tail_body(%arg0: memref<2x512x128xf32, #tpu.memory_space<vmem>>, %arg1: memref<2x512xf32, #tpu.memory_space<vmem>>, %arg2: memref<2x512x512xf32, #tpu.memory_space<vmem>>, %arg3: memref<2x512xf32, #tpu.memory_space<vmem>>, %arg4: memref<128x128xf32, #tpu.memory_space<vmem>>, %arg5: memref<1x128xf32, #tpu.memory_space<vmem>>, %arg6: memref<1x512xf32, #tpu.memory_space<vmem>>, %arg7: memref<128x128xf32, #tpu.memory_space<vmem>>, %arg8: memref<1x128xf32, #tpu.memory_space<vmem>>, %arg9: memref<128x128xf32, #tpu.memory_space<vmem>>, %arg10: memref<1x128xf32, #tpu.memory_space<vmem>>, %arg11: memref<1x128xf32, #tpu.memory_space<vmem>>, %arg12: memref<1x128xf32, #tpu.memory_space<vmem>>, %arg13: memref<1x128xf32, #tpu.memory_space<vmem>>, %arg14: memref<1x128xf32, #tpu.memory_space<vmem>>, %arg15: memref<1x128xf32, #tpu.memory_space<vmem>>, %arg16: memref<128x128xf32, #tpu.memory_space<vmem>>, %arg17: memref<1x128xf32, #tpu.memory_space<vmem>>, %arg18: memref<512x128xf32, #tpu.memory_space<vmem>>, %arg19: memref<1x128xf32, #tpu.memory_space<vmem>>) attributes {dimension_semantics = [], scalar_prefetch = 0 : i64, scratch_operands = 0 : i64, tpu.core_type = #tpu.core_type<tc>} {
    %get3A = arith.constant 0 : index
    %get3A_0 = arith.constant 0 : index
    %get3A_1 = vector.load %arg3[%get3A, %get3A_0] : memref<2x512xf32, #tpu.memory_space<vmem>>, vector<1x512xf32>
    %get3A_2 = vector.shape_cast %get3A_1 : vector<1x512xf32> to vector<512xf32>
    %gt3A = arith.constant 0.000000e+00 : f32
    %gt3A_3 = vector.broadcast %gt3A : f32 to vector<512xf32>
    %gt3A_4 = arith.cmpf ogt, %get3A_2, %gt3A_3 : vector<512xf32>
    %rsqrt3A = math.rsqrt %get3A_2 : vector<512xf32>
    %jit3A = arith.constant 0.000000e+00 : f32
    %broadcast_in_dim3A = vector.broadcast %jit3A : f32 to vector<512xf32>
    %select_n3A = arith.select %gt3A_4, %rsqrt3A, %broadcast_in_dim3A : vector<512xi1>, vector<512xf32>
    %get3A_5 = arith.constant 0 : index
    %get3A_6 = arith.constant 0 : index
    %get3A_7 = arith.constant 0 : index
    %get3A_8 = vector.load %arg2[%get3A_5, %get3A_6, %get3A_7] : memref<2x512x512xf32, #tpu.memory_space<vmem>>, vector<1x512x512xf32>
    %get3A_9 = vector.shape_cast %get3A_8 : vector<1x512x512xf32> to vector<512x512xf32>
    %get3A_10 = arith.constant 1 : index
    %get3A_11 = arith.constant 0 : index
    %get3A_12 = arith.constant 0 : index
    %get3A_13 = vector.load %arg2[%get3A_10, %get3A_11, %get3A_12] : memref<2x512x512xf32, #tpu.memory_space<vmem>>, vector<1x512x512xf32>
    %get3A_14 = vector.shape_cast %get3A_13 : vector<1x512x512xf32> to vector<512x512xf32>
    %add3A = arith.addf %get3A_9, %get3A_14 : vector<512x512xf32>
    %broadcast_in_dim3A_15 = vector.shape_cast %select_n3A : vector<512xf32> to vector<512x1xf32>
    %mul3A = vector.broadcast %broadcast_in_dim3A_15 : vector<512x1xf32> to vector<512x512xf32>
    %mul3A_16 = arith.mulf %add3A, %mul3A : vector<512x512xf32>
    %broadcast_in_dim3A_17 = vector.shape_cast %select_n3A : vector<512xf32> to vector<1x512xf32>
    %mul3A_18 = vector.broadcast %broadcast_in_dim3A_17 : vector<1x512xf32> to vector<512x512xf32>
    %mul3A_19 = arith.mulf %mul3A_16, %mul3A_18 : vector<512x512xf32>
    %get3A_20 = arith.constant 0 : index
    %get3A_21 = arith.constant 0 : index
    %get3A_22 = vector.load %arg1[%get3A_20, %get3A_21] : memref<2x512xf32, #tpu.memory_space<vmem>>, vector<1x512xf32>
    %get3A_23 = vector.shape_cast %get3A_22 : vector<1x512xf32> to vector<512xf32>
    %get3A_24 = arith.constant 1 : index
    %get3A_25 = arith.constant 0 : index
    %get3A_26 = vector.load %arg1[%get3A_24, %get3A_25] : memref<2x512xf32, #tpu.memory_space<vmem>>, vector<1x512xf32>
    %get3A_27 = vector.shape_cast %get3A_26 : vector<1x512xf32> to vector<512xf32>
    %add3A_28 = arith.addf %get3A_23, %get3A_27 : vector<512xf32>
    %get3A_29 = arith.constant 0 : index
    %get3A_30 = arith.constant 0 : index
    %get3A_31 = arith.constant 0 : index
    %get3A_32 = vector.load %arg0[%get3A_29, %get3A_30, %get3A_31] : memref<2x512x128xf32, #tpu.memory_space<vmem>>, vector<1x512x128xf32>
    %get3A_33 = vector.shape_cast %get3A_32 : vector<1x512x128xf32> to vector<512x128xf32>
    %get3A_34 = arith.constant 1 : index
    %get3A_35 = arith.constant 0 : index
    %get3A_36 = arith.constant 0 : index
    %get3A_37 = vector.load %arg0[%get3A_34, %get3A_35, %get3A_36] : memref<2x512x128xf32, #tpu.memory_space<vmem>>, vector<1x512x128xf32>
    %get3A_38 = vector.shape_cast %get3A_37 : vector<1x512x128xf32> to vector<512x128xf32>
    %add3A_39 = arith.addf %get3A_33, %get3A_38 : vector<512x128xf32>
    %max3A = arith.constant 1.000000e+00 : f32
    %max3A_40 = vector.broadcast %max3A : f32 to vector<512xf32>
    %max3A_41 = arith.maximumf %add3A_28, %max3A_40 : vector<512xf32>
    %broadcast_in_dim3A_42 = vector.shape_cast %max3A_41 : vector<512xf32> to vector<512x1xf32>
    %div3A = vector.broadcast %broadcast_in_dim3A_42 : vector<512x1xf32> to vector<512x128xf32>
    %div3A_43 = arith.divf %add3A_39, %div3A : vector<512x128xf32>
    %get3A_44 = arith.constant 0 : index
    %get3A_45 = arith.constant 0 : index
    %get3A_46 = vector.load %arg4[%get3A_44, %get3A_45] : memref<128x128xf32, #tpu.memory_space<vmem>>, vector<128x128xf32>
    %dot_general3A = arith.constant dense<0.000000e+00> : vector<512x128xf32>
    %dot_general3A_47 = tpu.matmul %div3A_43, %get3A_46, %dot_general3A {dimension_numbers = #tpu.dot_dimension_numbers<[1], [0], [0], [1], [0, 0, 1, 1], [], []>, transpose_lhs_hint = false} : vector<512x128xf32>, vector<128x128xf32>, vector<512x128xf32> -> vector<512x128xf32>
    %get3A_48 = arith.constant 0 : index
    %get3A_49 = arith.constant 0 : index
    %get3A_50 = vector.load %arg5[%get3A_48, %get3A_49] : memref<1x128xf32, #tpu.memory_space<vmem>>, vector<1x128xf32>
    %add3A_51 = vector.broadcast %get3A_50 : vector<1x128xf32> to vector<512x128xf32>
    %add3A_52 = arith.addf %dot_general3A_47, %add3A_51 : vector<512x128xf32>
    %swap3A = arith.constant 0 : index
    %swap3A_53 = arith.constant 0 : index
    %swap3A_54 = vector.load %arg18[%swap3A, %swap3A_53] : memref<512x128xf32, #tpu.memory_space<vmem>>, vector<512x128xf32>
    tpu.vector_store %arg18[%swap3A, %swap3A_53], %add3A_52 {strides = array<i32>} : memref<512x128xf32, #tpu.memory_space<vmem>>, vector<512x128xf32>,
    %get3A_55 = arith.constant 0 : index
    %get3A_56 = arith.constant 0 : index
    %get3A_57 = vector.load %arg7[%get3A_55, %get3A_56] : memref<128x128xf32, #tpu.memory_space<vmem>>, vector<128x128xf32>
    %dot_general3A_58 = arith.constant dense<0.000000e+00> : vector<512x128xf32>
    %dot_general3A_59 = tpu.matmul %add3A_52, %get3A_57, %dot_general3A_58 {dimension_numbers = #tpu.dot_dimension_numbers<[1], [0], [0], [1], [0, 0, 1, 1], [], []>, transpose_lhs_hint = false} : vector<512x128xf32>, vector<128x128xf32>, vector<512x128xf32> -> vector<512x128xf32>
    %get3A_60 = arith.constant 0 : index
    %get3A_61 = arith.constant 0 : index
    %get3A_62 = vector.load %arg6[%get3A_60, %get3A_61] : memref<1x512xf32, #tpu.memory_space<vmem>>, vector<1x512xf32>
    %get3A_63 = vector.shape_cast %get3A_62 : vector<1x512xf32> to vector<512xf32>
    %broadcast_in_dim3A_64 = vector.shape_cast %get3A_63 : vector<512xf32> to vector<512x1xf32>
    %get3A_65 = arith.constant 0 : index
    %get3A_66 = arith.constant 0 : index
    %get3A_67 = vector.load %arg8[%get3A_65, %get3A_66] : memref<1x128xf32, #tpu.memory_space<vmem>>, vector<1x128xf32>
    %mul3A_68 = vector.broadcast %broadcast_in_dim3A_64 : vector<512x1xf32> to vector<512x128xf32>
    %mul3A_69 = vector.broadcast %get3A_67 : vector<1x128xf32> to vector<512x128xf32>
    %mul3A_70 = arith.mulf %mul3A_68, %mul3A_69 : vector<512x128xf32>
    %add3A_71 = arith.addf %dot_general3A_59, %mul3A_70 : vector<512x128xf32>
    %dot_general3A_72 = arith.constant dense<0.000000e+00> : vector<512x128xf32>
    %dot_general3A_73 = tpu.matmul %mul3A_19, %add3A_71, %dot_general3A_72 {dimension_numbers = #tpu.dot_dimension_numbers<[1], [0], [0], [1], [0, 0, 1, 1], [], []>, transpose_lhs_hint = false} : vector<512x512xf32>, vector<512x128xf32>, vector<512x128xf32> -> vector<512x128xf32>
    %get3A_74 = arith.constant 0 : index
    %get3A_75 = arith.constant 0 : index
    %get3A_76 = vector.load %arg10[%get3A_74, %get3A_75] : memref<1x128xf32, #tpu.memory_space<vmem>>, vector<1x128xf32>
    %add3A_77 = vector.broadcast %get3A_76 : vector<1x128xf32> to vector<512x128xf32>
    %add3A_78 = arith.addf %dot_general3A_73, %add3A_77 : vector<512x128xf32>
    %get3A_79 = arith.constant 0 : index
    %get3A_80 = arith.constant 0 : index
    %get3A_81 = vector.load %arg11[%get3A_79, %get3A_80] : memref<1x128xf32, #tpu.memory_space<vmem>>, vector<1x128xf32>
    %mul3A_82 = arith.constant 0.999994993 : f32
    %mul3A_83 = vector.broadcast %mul3A_82 : f32 to vector<1x128xf32>
    %mul3A_84 = arith.mulf %get3A_81, %mul3A_83 : vector<1x128xf32>
    %mul3A_85 = vector.broadcast %mul3A_84 : vector<1x128xf32> to vector<512x128xf32>
    %mul3A_86 = arith.mulf %add3A_78, %mul3A_85 : vector<512x128xf32>
    %get3A_87 = arith.constant 0 : index
    %get3A_88 = arith.constant 0 : index
    %get3A_89 = vector.load %arg12[%get3A_87, %get3A_88] : memref<1x128xf32, #tpu.memory_space<vmem>>, vector<1x128xf32>
    %add3A_90 = vector.broadcast %get3A_89 : vector<1x128xf32> to vector<512x128xf32>
    %add3A_91 = arith.addf %mul3A_86, %add3A_90 : vector<512x128xf32>
    %max3A_92 = arith.constant 0.000000e+00 : f32
    %max3A_93 = vector.broadcast %max3A_92 : f32 to vector<512x128xf32>
    %max3A_94 = arith.maximumf %add3A_91, %max3A_93 : vector<512x128xf32>
    %get3A_95 = arith.constant 0 : index
    %get3A_96 = arith.constant 0 : index
    %get3A_97 = vector.load %arg9[%get3A_95, %get3A_96] : memref<128x128xf32, #tpu.memory_space<vmem>>, vector<128x128xf32>
    %dot_general3A_98 = arith.constant dense<0.000000e+00> : vector<512x128xf32>
    %dot_general3A_99 = tpu.matmul %max3A_94, %get3A_97, %dot_general3A_98 {dimension_numbers = #tpu.dot_dimension_numbers<[1], [0], [0], [1], [0, 0, 1, 1], [], []>, transpose_lhs_hint = false} : vector<512x128xf32>, vector<128x128xf32>, vector<512x128xf32> -> vector<512x128xf32>
    %dot_general3A_100 = arith.constant dense<0.000000e+00> : vector<512x128xf32>
    %dot_general3A_101 = tpu.matmul %mul3A_19, %dot_general3A_99, %dot_general3A_100 {dimension_numbers = #tpu.dot_dimension_numbers<[1], [0], [0], [1], [0, 0, 1, 1], [], []>, transpose_lhs_hint = false} : vector<512x512xf32>, vector<512x128xf32>, vector<512x128xf32> -> vector<512x128xf32>
    %get3A_102 = arith.constant 0 : index
    %get3A_103 = arith.constant 0 : index
    %get3A_104 = vector.load %arg13[%get3A_102, %get3A_103] : memref<1x128xf32, #tpu.memory_space<vmem>>, vector<1x128xf32>
    %add3A_105 = vector.broadcast %get3A_104 : vector<1x128xf32> to vector<512x128xf32>
    %add3A_106 = arith.addf %dot_general3A_101, %add3A_105 : vector<512x128xf32>
    %get3A_107 = arith.constant 0 : index
    %get3A_108 = arith.constant 0 : index
    %get3A_109 = vector.load %arg14[%get3A_107, %get3A_108] : memref<1x128xf32, #tpu.memory_space<vmem>>, vector<1x128xf32>
    %mul3A_110 = arith.constant 0.999994993 : f32
    %mul3A_111 = vector.broadcast %mul3A_110 : f32 to vector<1x128xf32>
    %mul3A_112 = arith.mulf %get3A_109, %mul3A_111 : vector<1x128xf32>
    %mul3A_113 = vector.broadcast %mul3A_112 : vector<1x128xf32> to vector<512x128xf32>
    %mul3A_114 = arith.mulf %add3A_106, %mul3A_113 : vector<512x128xf32>
    %get3A_115 = arith.constant 0 : index
    %get3A_116 = arith.constant 0 : index
    %get3A_117 = vector.load %arg15[%get3A_115, %get3A_116] : memref<1x128xf32, #tpu.memory_space<vmem>>, vector<1x128xf32>
    %add3A_118 = vector.broadcast %get3A_117 : vector<1x128xf32> to vector<512x128xf32>
    %add3A_119 = arith.addf %mul3A_114, %add3A_118 : vector<512x128xf32>
    %iota3A = tpu.iota {dimensions = array<i32: 0>} : vector<512x128xi32>
    %lt3A = arith.constant 500 : i32
    %lt3A_120 = vector.broadcast %lt3A : i32 to vector<512x128xi32>
    %lt3A_121 = arith.cmpi slt, %iota3A, %lt3A_120 : vector<512x128xi32>
    %jit3A_122 = arith.constant 0.000000e+00 : f32
    %broadcast_in_dim3A_123 = vector.broadcast %jit3A_122 : f32 to vector<512x128xf32>
    %select_n3A_124 = arith.select %lt3A_121, %add3A_119, %broadcast_in_dim3A_123 : vector<512x128xi1>, vector<512x128xf32>
    %reduce_sum3A = arith.constant dense<0.000000e+00> : vector<128xf32>
    %reduce_sum3A_125 = vector.multi_reduction <add>, %select_n3A_124, %reduce_sum3A [0] : vector<512x128xf32> to vector<128xf32>
    %broadcast_in_dim3A_126 = vector.shape_cast %reduce_sum3A_125 : vector<128xf32> to vector<1x128xf32>
    %mul3A_127 = arith.constant 2.000000e-03 : f32
    %mul3A_128 = vector.broadcast %mul3A_127 : f32 to vector<1x128xf32>
    %mul3A_129 = arith.mulf %broadcast_in_dim3A_126, %mul3A_128 : vector<1x128xf32>
    %get3A_130 = arith.constant 0 : index
    %get3A_131 = arith.constant 0 : index
    %get3A_132 = vector.load %arg16[%get3A_130, %get3A_131] : memref<128x128xf32, #tpu.memory_space<vmem>>, vector<128x128xf32>
    %dot_general3A_133 = arith.constant dense<0.000000e+00> : vector<1x128xf32>
    %dot_general3A_134 = tpu.matmul %mul3A_129, %get3A_132, %dot_general3A_133 {dimension_numbers = #tpu.dot_dimension_numbers<[1], [0], [0], [1], [0, 0, 1, 1], [], []>, transpose_lhs_hint = false} : vector<1x128xf32>, vector<128x128xf32>, vector<1x128xf32> -> vector<1x128xf32>
    %get3A_135 = arith.constant 0 : index
    %get3A_136 = arith.constant 0 : index
    %get3A_137 = vector.load %arg17[%get3A_135, %get3A_136] : memref<1x128xf32, #tpu.memory_space<vmem>>, vector<1x128xf32>
    %add3A_138 = arith.addf %dot_general3A_134, %get3A_137 : vector<1x128xf32>
    %swap3A_139 = arith.constant 0 : index
    %swap3A_140 = arith.constant 0 : index
    %swap3A_141 = vector.load %arg19[%swap3A_139, %swap3A_140] : memref<1x128xf32, #tpu.memory_space<vmem>>, vector<1x128xf32>
    tpu.vector_store %arg19[%swap3A_139, %swap3A_140], %add3A_138 {strides = array<i32>} : memref<1x128xf32, #tpu.memory_space<vmem>>, vector<1x128xf32>,
    return
  }
}

</mosaic_0001>

<sc_bundles>
// kernel: kernel.10.cloned.1.call-start
scs
__scs_entry_jumppad:
0x0: {  	(pc) =	sbr.rel $0x88, $3  }
0x1: {  	(tag) =	ssettag $0x0;
	lr =	simm.s32 $0x1  }
0x2: {  	[smem:$0x3F88] =	sst lr;
	_ =	strace $0xD0000000  }
0x3: {  	_ = 	snop  }
0x4: {  	_ = 	snop  }
0x5: {  	_ = 	snop  }
0x6: {  	_ = 	snop  }
0x7: {  	_ = 	snop  }
__scs_overlays_trampoline_lowered:
0x8: {  	[smem:$0x3F97] =	sst s0  }
0x9: {  	[smem:$0x3F98] =	sst s1  }
0xa: {  	[smem:$0x3F99] =	sst s2  }
0xb: {  	[smem:$0x3F9A] =	sst s3  }
0xc: {  	[smem:$0x3F9B] =	sst s4  }
0xd: {  	[smem:$0x3F9C] =	sst s5  }
0xe: {  	[smem:$0x3F9D] =	sst s6  }
0xf: {  	[smem:$0x3F9E] =	sst s7  }
0x10: {  	[smem:$0x3F9F] =	sst s8  }
0x11: {  	[smem:$0x3FA0] =	sst s9;
	s0 =	simm.s32 @!p0 $0x0  }
0x12: {  	s1 =	sld [smem:$0x3F86];
	s0 =	simm.s32 @p0 $0x1  }
0x13: {  	[smem:$0x3FA1] =	sst s0;
	s0 =	simm.s32 @!p1 $0x0  }
0x14: {  	s2 =	sld [smem:$0x3F85];
	s0 =	simm.s32 @p1 $0x1  }
0x15: {  	[smem:$0x3FA2] =	sst s0;
	s0 =	simm.s32 @!p2 $0x0  }
0x16: {  	s3 =	sld [smem:$0x3FDB];
	s0 =	simm.s32 @p2 $0x1  }
0x17: {  	s4 =	simm.s32 $0x1BF5;
	[smem:$0x3FA4] =	sst s0  }
0x18: {  	s0 =	sld [smem:$0x3F87];
	_ =	swait.ge [sflag:s4], $0x0  }
0x19: {  	s7 =	sld [smem:$0x3F88]  }
0x1a: {  	s8 =	sadd.s32 $0xFFFFE003, lr  }
0x1b: {  	s9 =	sadd.s32 $0xFFFFFEF7, lr;
	s5 =	simm.s32 $0xFFFFFFFF;
	p2 =	slt.u32 s8, $0xFFFFF086  }
0x1c: {  	p1 =	slt.u32 s9, $0xF7A;
	s5 =	simm.s32 @!p2 $0x0  }
0x1d: {  	s5 =	simm.s32 @p1 $0x1;
	p0 =	seq.s32 s7, s2  }
0x1e: {  	s7 =	smul.u32 @!p0 $0xF7A, s2;
	p2 =	seq.s32 @!p0 s5, $0x0  }
0x1f: {  	s9 =	smul.u32 $0xF7A, s1;
	s8 =	simm.s32 @!p0 $0x1BF5;
	p2 =	por !p2, p0  }
0x20: {  	[sflag:s8] =	ssyncset.s32 @!p0 $0xFFFFF086;
	s6 =	sadd.s32 @!p0 s3, s7;
	s7 =	simm.s32 @!p0 $0x108  }
0x21: {  	s3 =	sadd.s32 s3, s9;
	s6 =	sadd.s32 @!p0 $0x88, s6;
	s7 =	simm.s32 @p2 $0x1082  }
0x22: {  	[simem:s7], [sflag:s8] =	dma.local @!p0 [hbm:s6], $0xF7A  }
0x23: {  	s9 =	sor.u32 $0xD0000000, s2;
	s6 =	simm.s32 $0x108;
	_ =	swait.ge @!p0 [sflag:s8], $0x0  }
0x24: {  	s3 =	sadd.s32 $0x88, s3;
	s6 =	simm.s32 @!p1 $0x1082;
	[sflag:s4] =	ssyncset.s32 $0xFFFFF086  }
0x25: {  	[simem:s6], [sflag:s4] =	dma.local [hbm:s3], $0xF7A  }
0x26: {  	[smem:$0x3F88] =	sst s1;
	(tag) =	ssettag s2;
	_ =	strace s9  }
0x27: {  	s1 =	sld [smem:$0x3F98]  }
0x28: {  	s2 =	sld [smem:$0x3F99]  }
0x29: {  	s4 =	sld [smem:$0x3F9B]  }
0x2a: {  	p0 =	seq.s32 s5, $0x0;
	s5 =	sld [smem:$0x3F9C]  }
0x2b: {  	s6 =	sld [smem:$0x3F9D]  }
0x2c: {  	s7 =	sld [smem:$0x3F9E]  }
0x2d: {  	s3 =	simm.s32 $0x108;
	s8 =	sld [smem:$0x3F9F]  }
0x2e: {  	s3 =	simm.s32 @!p0 $0x1082;
	s9 =	sld [smem:$0x3FA0]  }
0x2f: {  	lr =	sadd.s32 s0, s3;
	s0 =	sld [smem:$0x3F97]  }
0x30: {  	s3 =	sld [smem:$0x3F9A]  }
0x31: {  	[smem:$0x3FA3] =	sst s10  }
0x32: {  	s10 =	sld [smem:$0x3FA1];
	_ =	sdelay $0x3  }
0x33: {  	p0 =	seq.s32 s10, $0x1;
	s10 =	sld [smem:$0x3FA3];
	_ =	sdelay $0x3  }
0x34: {  	[smem:$0x3FA3] =	sst s10  }
0x35: {  	s10 =	sld [smem:$0x3FA2];
	_ =	sdelay $0x3  }
0x36: {  	p1 =	seq.s32 s10, $0x1;
	s10 =	sld [smem:$0x3FA3];
	_ =	sdelay $0x3  }
0x37: {  	[smem:$0x3FA3] =	sst s10  }
0x38: {  	s10 =	sld [smem:$0x3FA4]  }
0x39: {  	_ = 	snop;
	(pc) =	sbr.ind lr, $3  }
0x3a: {  	_ = 	snop  }
0x3b: {  	_ = 	snop  }
0x3c: {  	p2 =	seq.s32 s10, $0x1;
	s10 =	sld [smem:$0x3FA3]  }
0x3d: {  	_ =	shalt  }
0x3e: {  	_ =	shalt  }
0x3f: {  	_ =	shalt  }
0x40: {  	_ =	shalt  }
0x41: {  	_ =	shalt  }
0x42: {  	_ =	shalt  }
0x43: {  	_ =	shalt  }
0x44: {  	_ =	shalt  }
0x45: {  	_ =	shalt  }
0x46: {  	_ =	shalt  }
0x47: {  	_ =	shalt  }
0x48: {  	_ =	shalt  }
0x49: {  	_ =	shalt  }
0x4a: {  	_ =	shalt  }
0x4b: {  	_ =	shalt  }
0x4c: {  	_ =	shalt  }
0x4d: {  	_ =	shalt  }
0x4e: {  	_ =	shalt  }
0x4f: {  	_ =	shalt  }
0x50: {  	_ =	shalt  }
0x51: {  	_ =	shalt  }
0x52: {  	_ =	shalt  }
0x53: {  	_ =	shalt  }
0x54: {  	_ =	shalt  }
0x55: {  	_ =	shalt  }
0x56: {  	_ =	shalt  }
0x57: {  	_ =	shalt  }
0x58: {  	_ =	shalt  }
0x59: {  	_ =	shalt  }
0x5a: {  	_ =	shalt  }
0x5b: {  	_ =	shalt  }
0x5c: {  	_ =	shalt  }
0x5d: {  	_ =	shalt  }
0x5e: {  	_ =	shalt  }
0x5f: {  	_ =	shalt  }
0x60: {  	_ =	shalt  }
0x61: {  	_ =	shalt  }
0x62: {  	_ =	shalt  }
0x63: {  	_ =	shalt  }
0x64: {  	_ =	shalt  }
0x65: {  	_ =	shalt  }
0x66: {  	_ =	shalt  }
0x67: {  	_ =	shalt  }
0x68: {  	_ =	shalt  }
0x69: {  	_ =	shalt  }
0x6a: {  	_ =	shalt  }
0x6b: {  	_ =	shalt  }
0x6c: {  	_ =	shalt  }
0x6d: {  	_ =	shalt  }
0x6e: {  	_ =	shalt  }
0x6f: {  	_ =	shalt  }
0x70: {  	_ =	shalt  }
0x71: {  	_ =	shalt  }
0x72: {  	_ =	shalt  }
0x73: {  	_ =	shalt  }
0x74: {  	_ =	shalt  }
0x75: {  	_ =	shalt  }
0x76: {  	_ =	shalt  }
0x77: {  	_ =	shalt  }
0x78: {  	_ =	shalt  }
0x79: {  	_ =	shalt  }
0x7a: {  	_ =	shalt  }
0x7b: {  	_ =	shalt  }
0x7c: {  	_ =	shalt  }
0x7d: {  	_ =	shalt  }
0x7e: {  	_ =	shalt  }
0x7f: {  	_ =	shalt  }
0x80: {  	_ =	shalt  }
0x81: {  	_ =	shalt  }
0x82: {  	_ =	shalt  }
0x83: {  	_ =	shalt  }
0x84: {  	_ =	shalt  }
0x85: {  	_ =	shalt  }
0x86: {  	_ =	shalt  }
0x87: {  	_ =	shalt  }
.Lfunc_end0:
.L_simem_size_0:
called_computation_lowered:
.L_overlay_start_0:
0x88: {  	s2 =	sld [smem:$0x3FD9]  }
0x89: {  	s3 =	sld [smem:$0x3FFE];
	_ =	sdelay $0x1  }
0x8a: {  	s1 =	srdreg.scid  }
0x8b: {  	s0 =	sand.u32 $0x1, s1  }
0x8c: {  	s14 =	sshll.u32 s0, $0xA;
	s2 =	sadd.s32 s3, s2  }
0x8d: {  	s2 =	sadd.s32 s2, s14  }
0x8e: {  	[smem:$0x3FAF] =	sst s2  }
0x8f: {  	_ = 	snop  }
0x90: {  	s2 =	sld [smem:$0x3FD0];
	_ =	sdelay $0x2  }
0x91: {  	s15 =	simm.s32 $0xA;
	s4 =	simm.s32 $0x10  }
0x92: {  	[smem:s4], [sflag:s15] =	dma.local [hbm:s2], $0x1  }
0x93: {  	_ =	swait.eq [sflag:s15], $0x1  }
0x94: {  	[sflag:s15] =	ssyncset.done $0x0  }
0x95: {  	[sflag:s15] =	ssyncadd.s32 $0xFFFFFFFF  }
0x96: {  	s16 =	sld [smem:$0x11];
	(tm) =	ssettm $0x1  }
0x97: {  	s17 =	sld [smem:$0x3FFB];
	_ =	sdelay $0x3  }
0x98: {  	_ =	strace s17  }
0x99: {  	s3 =	sld [smem:$0x3FFC];
	_ =	sdelay $0x3  }
0x9a: {  	_ =	strace s3  }
0x9b: {  	s3 =	sld [smem:$0x3FFD];
	_ =	sdelay $0x3  }
0x9c: {  	_ =	strace s3  }
0x9d: {  	_ =	strace $0x8FFFFFFF  }
0x9e: {  	s18 =	sld [smem:$0x3FDB];
	_ =	sdelay $0x1  }
0x9f: {  	s19 =	simm.s32 $_scs_section_size  }
0xa0: {  	s5 =	simm.s32 $_size__tile_overlayer_lowered;
	s6 =	simm.s32 $_tile_overlayer_lowered  }
0xa1: {  	s22 =	simm.s32 $0x1BFF;
	s21 =	sshll.u32 s6, $0x1;
	s3 =	sadd.s32 s19, s18  }
0xa2: {  	s7 =	simm.s32 $0x0;
	s20 =	sshll.u32 s5, $0x1;
	s5 =	sadd.s32 s21, s3  }
0xa3: {  	[timem:s7], [sflag:s22] =	dma.local [hbm:s5], s20  }
0xa4: {  	_ =	swait.ge [sflag:s22], s20  }
0xa5: {  	s4 =	ssub.s32 $0x0, s20;
	[sflag:s22] =	ssyncset.done $0x0  }
0xa6: {  	[sflag:s22] =	ssyncadd.s32 s4;
	_ =	sdelay $0x1  }
0xa7: {  	s23 =	simm.s32 $0x1B8B  }
0xa8: {  	_ =	swait.ge [sflag:s23], $0x1  }
0xa9: {  	[sflag:s23] =	ssyncset.done $0x0  }
0xaa: {  	s25 =	simm.s32 $0x1B8E;
	s24 =	sld [smem:$0x3FFE];
	[sflag:s23] =	ssyncadd.s32 $0xFFFFFFFF  }
0xab: {  	s26 =	simm.s32 $execute0_lowered;
	[smem:$0x3FD2] =	sst s25  }
0xac: {  	s5 =	sshll.u32 s26, $0x1;
	_ =	strace $0x80000046;
	[dreg:$0x1] =	wrdreg $0xFFFFFFFF  }
0xad: {  	s28 =	simm.s32 $_size_execute0_lowered;
	s3 =	sadd.s32 s3, s5;
	[dreg:$0x0] =	wrdreg $0x0  }
0xae: {  	s5 =	sshll.u32 s28, $0x1;
	[dreg:$0x2] =	wrdreg s3  }
0xaf: {  	[dreg:$0x3] =	wrdreg s5  }
0xb0: {  	[dreg:$0x4] =	wrdreg $0xC0  }
0xb1: {  	_ =	task [dreg:s7], $0x5FFFF  }
0xb2: {  	[dreg:$0x1] =	wrdreg $0xFFFFFFFF  }
0xb3: {  	[dreg:$0x0] =	wrdreg $0x60  }
0xb4: {  	[dreg:$0x2] =	wrdreg s24  }
0xb5: {  	[dreg:$0x3] =	wrdreg s16  }
0xb6: {  	[dreg:$0x4] =	wrdreg $0x38000  }
0xb7: {  	[dreg:$0x5] =	wrdreg $0x3A800  }
0xb8: {  	[dreg:$0x6] =	wrdreg $0x3AA00  }
0xb9: {  	[dreg:$0x7] =	wrdreg $0x3AC00  }
0xba: {  	[dreg:$0x8] =	wrdreg $0x9  }
0xbb: {  	_ =	task.clear_ibuf [dreg:s7], $0x9FFFF;
	_ =	strace $0x90000046  }
0xbc: {  	s29 =	simm.s32 $0x9;
	_ =	strace $0x80000048  }
0xbd: {  	_ =	swait.ge [sflag:s29], $0x1  }
0xbe: {  	[sflag:s29] =	ssyncadd.s32 $0xFFFFFFFF  }
0xbf: {  	_ =	strace $0x90000048  }
0xc0: {  	_ =	sfence  }
0xc1: {  	s30 =	sld [smem:$0x0];
	_ =	sdelay $0x2  }
0xc2: {  	s31 =	sshll.u32 s1, $0xD;
	s1 =	sshrl.u32 s1, $0x2  }
0xc3: {  	s3 =	sand.u32 $0x4000, s31;
	s1 =	sadd.s32 s1, s30  }
0xc4: {  	s0 =	sor.u32 s3, s0;
	s1 =	sshll.u32 s1, $0x11  }
0xc5: {  	s0 =	sor.u32 s1, s0  }
0xc6: {  	s0 =	sadd.s32 $0x8F2B, s0  }
0xc7: {  	[sflag:s0] =	ssyncadd.remote.s32 $0x1  }
0xc8: {  	_ =	sfence.sel $0xFFFF  }
0xc9: {  	[dreg:$0x0] =	wrdreg $0xFFFFFFFF;
	(pc) =	sbr.abs _section_cstart, $3  }
0xca: {  	[dreg:$0x1] =	wrdreg $0xFFFFFFFF  }
0xcb: {  	_ =	task.clear_ibuf [dreg:s7], $0x2FFFF;
	_ =	strace $0x9FFFFFFF  }
0xcc: {  	(tm) =	ssettm $0x7FFFFFFF  }
0xcd: {  	_ =	shalt  }
tec
execute0_lowered:
.L_overlay_start_1:
0x0: {  	(tag) =	ssettag $0x1  }
0x1: {  	s1 =	rddreg [dreg:$0x0]  }
0x2: {  	s3 =	rddreg [dreg:$0x1]  }
0x3: {  	s0 =	rddreg [dreg:$0x2]  }
0x4: {  	s4 =	srdreg.scid;
	s2 =	rddreg [dreg:$0x3]  }
0x5: {  	s17 =	stileid.u32;
	s18 =	rddreg [dreg:$0x5]  }
0x6: {  	s7 =	simm.s32 $0x0;
	s5 =	sand.u32 $0x1, s4;
	s4 =	rddreg [dreg:$0x4]  }
0x7: {  	[smem:$0x7FF] =	sst s7;
	s10 =	sshrl.u32 s17, $0x3;
	s11 =	sshll.u32 s17, $0x6  }
0x8: {  	s12 =	sshll.u32 s17, $0x7;
	s19 =	sshll.u32 s17, $0x5;
	s20 =	smul.u32 $0xA00, s17  }
0x9: {  	s21 =	sadd.s32 $0x2C000, s1;
	s22 =	sadd.s32 $0x2C200, s1;
	s15 =	sshll.u32 s17, $0xB  }
0xa: {  	s26 =	sshll.u32 s17, $0xE;
	p0 =	seq.s32 s17, $0x0;
	s9 =	smul.u32 $0x2800, s5  }
0xb: {  	p1 =	sne.s32 s17, $0x1;
	s6 =	sshll.u32 s5, $0x4;
	s10 =	smul.u32 $0x1400, s10  }
0xc: {  	s13 =	sand.u32 $0x40, s11;
	s16 =	sand.u32 $0x380, s12;
	s14 =	sadd.s32 s19, s1  }
0xd: {  	s23 =	ssub.s32 $0x2, s5;
	s25 =	sadd.s32 s19, s2;
	s12 =	sadd.s32 s19, s4  }
0xe: {  	s3 =	sadd.s32 s3, s11;
	s11 =	simm.s32 $0xA00;
	[dreg:$0x7] =	wrdreg s6  }
0xf: {  	s6 =	sor.u32 s17, s6;
	_ =	strace $0x80000047;
	[dreg:$0x8] =	wrdreg s21  }
0x10: {  	s17 =	simm.s32 $0x2;
	s8 =	smul.u32 $0x500, s6;
	[dreg:$0x9] =	wrdreg s22  }
0x11: {  	s6 =	sshll.u32 s6, $0x6;
	s9 =	sadd.s32 s9, s10;
	[dreg:$0xa] =	wrdreg s25  }
0x12: {  	s10 =	sshrl.u32 s20, $0x2;
	[dreg:$0xb] =	wrdreg s12;
	s12 =	sshll.u32 s5, $0x9  }
0x13: {  	s5 =	sshll.u32 s5, $0xF;
	[dreg:$0xe] =	wrdreg s3;
	s6 =	sand.u32 $0x780, s6  }
0x14: {  	s9 =	sor.u32 s16, s9;
	s16 =	sshrl.u32 s23, $0x1;
	s10 =	sadd.s32 s10, s0  }
0x15: {  	s8 =	sadd.s32 s8, s1;
	s6 =	sor.u32 s13, s6;
	s9 =	sshrl.u32 s9, $0x3  }
0x16: {  	s24 =	ssub.s32 s23, s16;
	s13 =	sadd.s32 s26, s18;
	s16 =	sadd.s32 s12, s14  }
0x17: {  	s12 =	simm.s32 $0x3300;
	s14 =	simm.s32 $0xA80;
	s6 =	sadd.s32 s6, s1  }
0x18: {  	s9 =	sadd.s32 s9, s1;
	s1 =	sadd.s32 s15, s1;
	s8 =	sadd.s32 $0x7600, s8  }
0x19: {  	s18 =	sadd.s32 $0x7200, s16;
	s21 =	smax.u32 s24, $0x1;
	s29 =	sadd.s32 $0x800, s13  }
0x1a: {  	s30 =	sadd.s32 $0x1000, s13;
	s31 =	sadd.s32 $0x1800, s13;
	s3 =	sadd.s32 $0x2000, s13  }
0x1b: {  	s15 =	simm.s32 $0x3500;
	s16 =	simm.s32 $0x1;
	[dreg:$0xc] =	wrdreg s8  }
0x1c: {  	s6 =	sadd.s32 $0x6A00, s6;
	[dreg:$0xf] =	wrdreg s18;
	s1 =	sadd.s32 s5, s1  }
0x1d: {  	s19 =	sadd.s32 $0x1B600, s9;
	[dreg:$0x12] =	wrdreg s21;
	s9 =	sadd.s32 $0x3000, s13  }
0x1e: {  	s5 =	sadd.s32 $0x3800, s13;
	s8 =	simm.s32 $0x80;
	[dreg:$0xd] =	wrdreg s6  }
0x1f: {  	s18 =	simm.s32 $0x3;
	[dreg:$0x10] =	wrdreg s19;
	s20 =	sadd.s32 $0x1C000, s1  }
0x20: {  	s21 =	simm.s32 $0x400;
	s22 =	sadd.s32 $0x1C010, s1;
	[dreg:$0x11] =	wrdreg s20  }
0x21: {  	s23 =	sadd.s32 $0x1C020, s1;
	s24 =	sadd.s32 $0x1C030, s1;
	[dreg:$0x13] =	wrdreg s22  }
.Ltmp0:
0x22: {  	s25 =	sadd.s32 $0x1C040, s1;
	[dreg:$0x14] =	wrdreg s23;
	(pc) =	sbr.rel .LBB2_1-.Ltmp0, $4  }
0x23: {  	s26 =	sadd.s32 $0x1C050, s1;
	s28 =	sadd.s32 $0x1C070, s1;
	[dreg:$0x15] =	wrdreg s24  }
0x24: {  	s6 =	simm.s32 $0x4;
	s19 =	simm.s32 $0x3700;
	[dreg:$0x16] =	wrdreg s25  }
0x25: {  	[dreg:$0x17] =	wrdreg s26;
	s26 =	sadd.s32 $0x1C060, s1;
	s1 =	sadd.s32 $0x2800, s13  }
0x26: {  	v0 =	vimm.f32 $0.0e+00;
	v1 =	vimm.f32 $1.000000000e+00;
	s20 =	simm.s32 $0x50;
	s22 =	simm.s32 $0x0;
	s25 =	simm.s32 $0x800  }
.LBB2_7:
0x27: {  	s24 =	smov.u32 s4;
	s23 =	rddreg [dreg:$0x9]  }
.LBB2_8:
0x28: {  	[tilespmem:s25], [sflag:$0x4] =	stream.linear.gather [spmem:s24], $0x200, $0x38;
	[tilespmem:$0x7AC0] =	vst v63  }
0x29: {  	_ =	swait.ge [sflag:s6], $0x200  }
0x2a: {  	[sflag:s6] =	ssyncset.done $0x0;
	s24 =	rddreg [dreg:$0x7]  }
0x2b: {  	s23 =	sadd.s32 s23, s24;
	[sflag:s6] =	ssyncadd.s32 $0xFFFFFE00;
	s24 =	simm.s32 $0x100  }
0x2c: {  	[hbm4b:s23+s8] =	stream.strided.scatter [tilespmem:s25], [sflag:$0x4], $0x200, s24, s8, $0x38;
	[tilespmem:$0x7AC0] =	vst v63  }
0x2d: {  	_ =	swait.ge [sflag:s6], $0x200  }
0x2e: {  	[sflag:s6] =	ssyncset.done $0x0  }
0x2f: {  	[sflag:s6] =	ssyncadd.s32 $0xFFFFFE00  }
.LBB2_9:
0x30: {  	[tilespmem:s7], [sflag:$0x4] =	stream.linear.gather [spmem:s13], $0x800, $0x38;
	[tilespmem:$0x7AC0] =	vst v63  }
0x31: {  	_ =	swait.ge [sflag:s6], $0x800  }
0x32: {  	[sflag:s6] =	ssyncset.done $0x0  }
0x33: {  	s23 =	rddreg [dreg:$0x11];
	[sflag:s6] =	ssyncadd.s32 $0xFFFFF800  }
0x34: {  	[hbm4b:s23+s8] =	stream.strided.scatter [tilespmem:s7], [sflag:$0x4], $0x800, s21, s8, $0x38;
	[tilespmem:$0x7AC0] =	vst v63  }
0x35: {  	_ =	swait.ge [sflag:s6], $0x800  }
0x36: {  	[sflag:s6] =	ssyncset.done $0x0  }
0x37: {  	[sflag:s6] =	ssyncadd.s32 $0xFFFFF800  }
0x38: {  	[tilespmem:s7], [sflag:$0x4] =	stream.linear.gather [spmem:s29], $0x800, $0x38;
	[tilespmem:$0x7AC0] =	vst v63  }
0x39: {  	_ =	swait.ge [sflag:s6], $0x800  }
0x3a: {  	[sflag:s6] =	ssyncset.done $0x0  }
0x3b: {  	s24 =	rddreg [dreg:$0x13];
	[sflag:s6] =	ssyncadd.s32 $0xFFFFF800  }
0x3c: {  	[hbm4b:s24+s8] =	stream.strided.scatter [tilespmem:s7], [sflag:$0x4], $0x800, s21, s8, $0x38;
	[tilespmem:$0x7AC0] =	vst v63  }
0x3d: {  	_ =	swait.ge [sflag:s6], $0x800  }
0x3e: {  	[sflag:s6] =	ssyncset.done $0x0  }
0x3f: {  	[sflag:s6] =	ssyncadd.s32 $0xFFFFF800  }
0x40: {  	[tilespmem:s7], [sflag:$0x4] =	stream.linear.gather [spmem:s30], $0x800, $0x38;
	[tilespmem:$0x7AC0] =	vst v63  }
0x41: {  	_ =	swait.ge [sflag:s6], $0x800  }
0x42: {  	[sflag:s6] =	ssyncset.done $0x0  }
0x43: {  	s24 =	rddreg [dreg:$0x14];
	[sflag:s6] =	ssyncadd.s32 $0xFFFFF800  }
0x44: {  	[hbm4b:s24+s8] =	stream.strided.scatter [tilespmem:s7], [sflag:$0x4], $0x800, s21, s8, $0x38;
	[tilespmem:$0x7AC0] =	vst v63  }
0x45: {  	_ =	swait.ge [sflag:s6], $0x800  }
0x46: {  	[sflag:s6] =	ssyncset.done $0x0  }
0x47: {  	[sflag:s6] =	ssyncadd.s32 $0xFFFFF800  }
0x48: {  	[tilespmem:s7], [sflag:$0x4] =	stream.linear.gather [spmem:s31], $0x800, $0x38;
	[tilespmem:$0x7AC0] =	vst v63  }
0x49: {  	_ =	swait.ge [sflag:s6], $0x800  }
0x4a: {  	[sflag:s6] =	ssyncset.done $0x0  }
0x4b: {  	s24 =	rddreg [dreg:$0x15];
	[sflag:s6] =	ssyncadd.s32 $0xFFFFF800  }
0x4c: {  	[hbm4b:s24+s8] =	stream.strided.scatter [tilespmem:s7], [sflag:$0x4], $0x800, s21, s8, $0x38;
	[tilespmem:$0x7AC0] =	vst v63  }
0x4d: {  	_ =	swait.ge [sflag:s6], $0x800  }
0x4e: {  	[sflag:s6] =	ssyncset.done $0x0  }
0x4f: {  	[sflag:s6] =	ssyncadd.s32 $0xFFFFF800  }
0x50: {  	[tilespmem:s7], [sflag:$0x4] =	stream.linear.gather [spmem:s3], $0x800, $0x38;
	[tilespmem:$0x7AC0] =	vst v63  }
0x51: {  	_ =	swait.ge [sflag:s6], $0x800  }
0x52: {  	[sflag:s6] =	ssyncset.done $0x0  }
0x53: {  	s24 =	rddreg [dreg:$0x16];
	[sflag:s6] =	ssyncadd.s32 $0xFFFFF800  }
0x54: {  	[hbm4b:s24+s8] =	stream.strided.scatter [tilespmem:s7], [sflag:$0x4], $0x800, s21, s8, $0x38;
	[tilespmem:$0x7AC0] =	vst v63  }
0x55: {  	_ =	swait.ge [sflag:s6], $0x800  }
0x56: {  	[sflag:s6] =	ssyncset.done $0x0  }
0x57: {  	[sflag:s6] =	ssyncadd.s32 $0xFFFFF800  }
0x58: {  	[tilespmem:s7], [sflag:$0x4] =	stream.linear.gather [spmem:s1], $0x800, $0x38;
	[tilespmem:$0x7AC0] =	vst v63  }
0x59: {  	_ =	swait.ge [sflag:s6], $0x800  }
0x5a: {  	[sflag:s6] =	ssyncset.done $0x0  }
0x5b: {  	s24 =	rddreg [dreg:$0x17];
	[sflag:s6] =	ssyncadd.s32 $0xFFFFF800  }
0x5c: {  	[hbm4b:s24+s8] =	stream.strided.scatter [tilespmem:s7], [sflag:$0x4], $0x800, s21, s8, $0x38;
	[tilespmem:$0x7AC0] =	vst v63  }
0x5d: {  	_ =	swait.ge [sflag:s6], $0x800  }
0x5e: {  	[sflag:s6] =	ssyncset.done $0x0  }
0x5f: {  	[sflag:s6] =	ssyncadd.s32 $0xFFFFF800  }
0x60: {  	[tilespmem:s7], [sflag:$0x4] =	stream.linear.gather [spmem:s9], $0x800, $0x38;
	[tilespmem:$0x7AC0] =	vst v63  }
0x61: {  	_ =	swait.ge [sflag:s6], $0x800  }
0x62: {  	[sflag:s6] =	ssyncset.done $0x0  }
0x63: {  	[sflag:s6] =	ssyncadd.s32 $0xFFFFF800  }
0x64: {  	[hbm4b:s26+s8] =	stream.strided.scatter [tilespmem:s7], [sflag:$0x4], $0x800, s21, s8, $0x38;
	[tilespmem:$0x7AC0] =	vst v63  }
0x65: {  	_ =	swait.ge [sflag:s6], $0x800  }
0x66: {  	[sflag:s6] =	ssyncset.done $0x0  }
0x67: {  	[sflag:s6] =	ssyncadd.s32 $0xFFFFF800  }
0x68: {  	[tilespmem:s7], [sflag:$0x4] =	stream.linear.gather [spmem:s5], $0x800, $0x38;
	[tilespmem:$0x7AC0] =	vst v63  }
0x69: {  	_ =	swait.ge [sflag:s6], $0x800  }
0x6a: {  	[sflag:s6] =	ssyncset.done $0x0  }
0x6b: {  	[sflag:s6] =	ssyncadd.s32 $0xFFFFF800  }
0x6c: {  	[hbm4b:s28+s8] =	stream.strided.scatter [tilespmem:s7], [sflag:$0x4], $0x800, s21, s8, $0x38;
	[tilespmem:$0x7AC0] =	vst v63  }
0x6d: {  	_ =	swait.ge [sflag:s6], $0x800  }
0x6e: {  	s22 =	sadd.s32 $0x1, s22;
	s24 =	rddreg [dreg:$0x12]  }
0x6f: {  	p2 =	sne.s32 s22, s24  }
.Ltmp1:
0x70: {  	_ = 	snop;
	(pc) =	sbr.rel @!p2 .LBB2_10-.Ltmp1, $3  }
0x71: {  	_ =	sdelay $0x1  }
0x72: {  	[sflag:s6] =	ssyncset.done $0x0  }
0x73: {  	[sflag:s6] =	ssyncadd.s32 $0xFFFFF800  }
.LBB2_1:
0x74: {  	[tilespmem:$0x0] =	vst v0  }
0x75: {  	[tilespmem:$0x10] =	vst v0  }
0x76: {  	[tilespmem:$0x20] =	vst v0  }
0x77: {  	[tilespmem:$0x30] =	vst v0  }
0x78: {  	[tilespmem:$0x40] =	vst v0  }
0x79: {  	[tilespmem:$0x50] =	vst v0  }
0x7a: {  	[tilespmem:$0x60] =	vst v0  }
0x7b: {  	[tilespmem:$0x70] =	vst v0  }
0x7c: {  	[tilespmem:$0x80] =	vst v0  }
0x7d: {  	[tilespmem:$0x90] =	vst v0  }
0x7e: {  	[tilespmem:$0xA0] =	vst v0  }
0x7f: {  	[tilespmem:$0xB0] =	vst v0  }
0x80: {  	[tilespmem:$0xC0] =	vst v0  }
0x81: {  	[tilespmem:$0xD0] =	vst v0  }
0x82: {  	[tilespmem:$0xE0] =	vst v0  }
0x83: {  	[tilespmem:$0xF0] =	vst v0  }
0x84: {  	[tilespmem:$0x100] =	vst v0  }
0x85: {  	[tilespmem:$0x110] =	vst v0  }
0x86: {  	[tilespmem:$0x120] =	vst v0  }
0x87: {  	[tilespmem:$0x130] =	vst v0  }
0x88: {  	[tilespmem:$0x140] =	vst v0  }
0x89: {  	[tilespmem:$0x150] =	vst v0  }
0x8a: {  	[tilespmem:$0x160] =	vst v0  }
0x8b: {  	[tilespmem:$0x170] =	vst v0  }
0x8c: {  	[tilespmem:$0x180] =	vst v0  }
0x8d: {  	[tilespmem:$0x190] =	vst v0  }
0x8e: {  	[tilespmem:$0x1A0] =	vst v0  }
0x8f: {  	[tilespmem:$0x1B0] =	vst v0  }
0x90: {  	[tilespmem:$0x1C0] =	vst v0  }
0x91: {  	[tilespmem:$0x1D0] =	vst v0  }
0x92: {  	[tilespmem:$0x1E0] =	vst v0  }
0x93: {  	[tilespmem:$0x1F0] =	vst v0  }
0x94: {  	[tilespmem:$0x200] =	vst v0  }
0x95: {  	[tilespmem:$0x210] =	vst v0  }
0x96: {  	[tilespmem:$0x220] =	vst v0  }
0x97: {  	[tilespmem:$0x230] =	vst v0  }
0x98: {  	[tilespmem:$0x240] =	vst v0  }
0x99: {  	[tilespmem:$0x250] =	vst v0  }
0x9a: {  	[tilespmem:$0x260] =	vst v0  }
0x9b: {  	[tilespmem:$0x270] =	vst v0  }
0x9c: {  	[tilespmem:$0x280] =	vst v0  }
0x9d: {  	[tilespmem:$0x290] =	vst v0  }
0x9e: {  	[tilespmem:$0x2A0] =	vst v0  }
0x9f: {  	[tilespmem:$0x2B0] =	vst v0  }
0xa0: {  	[tilespmem:$0x2C0] =	vst v0  }
0xa1: {  	[tilespmem:$0x2D0] =	vst v0  }
0xa2: {  	[tilespmem:$0x2E0] =	vst v0  }
0xa3: {  	[tilespmem:$0x2F0] =	vst v0  }
0xa4: {  	[tilespmem:$0x300] =	vst v0  }
0xa5: {  	[tilespmem:$0x310] =	vst v0  }
0xa6: {  	[tilespmem:$0x320] =	vst v0  }
0xa7: {  	[tilespmem:$0x330] =	vst v0  }
0xa8: {  	[tilespmem:$0x340] =	vst v0  }
0xa9: {  	[tilespmem:$0x350] =	vst v0  }
0xaa: {  	[tilespmem:$0x360] =	vst v0  }
0xab: {  	[tilespmem:$0x370] =	vst v0  }
0xac: {  	[tilespmem:$0x380] =	vst v0  }
0xad: {  	[tilespmem:$0x390] =	vst v0  }
0xae: {  	[tilespmem:$0x3A0] =	vst v0  }
0xaf: {  	[tilespmem:$0x3B0] =	vst v0  }
0xb0: {  	[tilespmem:$0x3C0] =	vst v0  }
0xb1: {  	[tilespmem:$0x3D0] =	vst v0  }
0xb2: {  	[tilespmem:$0x3E0] =	vst v0  }
0xb3: {  	[tilespmem:$0x3F0] =	vst v0  }
0xb4: {  	[tilespmem:$0x400] =	vst v0  }
0xb5: {  	[tilespmem:$0x410] =	vst v0  }
0xb6: {  	[tilespmem:$0x420] =	vst v0  }
0xb7: {  	[tilespmem:$0x430] =	vst v0  }
0xb8: {  	[tilespmem:$0x440] =	vst v0  }
0xb9: {  	[tilespmem:$0x450] =	vst v0  }
0xba: {  	[tilespmem:$0x460] =	vst v0  }
0xbb: {  	[tilespmem:$0x470] =	vst v0  }
0xbc: {  	[tilespmem:$0x480] =	vst v0  }
0xbd: {  	[tilespmem:$0x490] =	vst v0  }
0xbe: {  	[tilespmem:$0x4A0] =	vst v0  }
0xbf: {  	[tilespmem:$0x4B0] =	vst v0  }
0xc0: {  	[tilespmem:$0x4C0] =	vst v0  }
0xc1: {  	[tilespmem:$0x4D0] =	vst v0  }
0xc2: {  	[tilespmem:$0x4E0] =	vst v0  }
0xc3: {  	[tilespmem:$0x4F0] =	vst v0  }
0xc4: {  	[tilespmem:$0x500] =	vst v0  }
0xc5: {  	[tilespmem:$0x510] =	vst v0  }
0xc6: {  	[tilespmem:$0x520] =	vst v0  }
0xc7: {  	[tilespmem:$0x530] =	vst v0  }
0xc8: {  	[tilespmem:$0x540] =	vst v0  }
0xc9: {  	[tilespmem:$0x550] =	vst v0  }
0xca: {  	[tilespmem:$0x560] =	vst v0  }
0xcb: {  	[tilespmem:$0x570] =	vst v0  }
0xcc: {  	[tilespmem:$0x580] =	vst v0  }
0xcd: {  	[tilespmem:$0x590] =	vst v0  }
0xce: {  	[tilespmem:$0x5A0] =	vst v0  }
0xcf: {  	[tilespmem:$0x5B0] =	vst v0  }
0xd0: {  	[tilespmem:$0x5C0] =	vst v0  }
0xd1: {  	[tilespmem:$0x5D0] =	vst v0  }
0xd2: {  	[tilespmem:$0x5E0] =	vst v0  }
0xd3: {  	[tilespmem:$0x5F0] =	vst v0  }
0xd4: {  	[tilespmem:$0x600] =	vst v0  }
0xd5: {  	[tilespmem:$0x610] =	vst v0  }
0xd6: {  	[tilespmem:$0x620] =	vst v0  }
0xd7: {  	[tilespmem:$0x630] =	vst v0  }
0xd8: {  	[tilespmem:$0x640] =	vst v0  }
0xd9: {  	[tilespmem:$0x650] =	vst v0  }
0xda: {  	[tilespmem:$0x660] =	vst v0  }
0xdb: {  	[tilespmem:$0x670] =	vst v0  }
0xdc: {  	[tilespmem:$0x680] =	vst v0  }
0xdd: {  	[tilespmem:$0x690] =	vst v0  }
0xde: {  	[tilespmem:$0x6A0] =	vst v0  }
0xdf: {  	[tilespmem:$0x6B0] =	vst v0  }
0xe0: {  	[tilespmem:$0x6C0] =	vst v0  }
0xe1: {  	[tilespmem:$0x6D0] =	vst v0  }
0xe2: {  	[tilespmem:$0x6E0] =	vst v0  }
0xe3: {  	[tilespmem:$0x6F0] =	vst v0  }
0xe4: {  	[tilespmem:$0x700] =	vst v0  }
0xe5: {  	[tilespmem:$0x710] =	vst v0  }
0xe6: {  	[tilespmem:$0x720] =	vst v0  }
0xe7: {  	[tilespmem:$0x730] =	vst v0  }
0xe8: {  	[tilespmem:$0x740] =	vst v0  }
0xe9: {  	[tilespmem:$0x750] =	vst v0  }
0xea: {  	[tilespmem:$0x760] =	vst v0  }
0xeb: {  	[tilespmem:$0x770] =	vst v0  }
0xec: {  	[tilespmem:$0x780] =	vst v0  }
0xed: {  	[tilespmem:$0x790] =	vst v0  }
0xee: {  	[tilespmem:$0x7A0] =	vst v0  }
0xef: {  	[tilespmem:$0x7B0] =	vst v0  }
0xf0: {  	[tilespmem:$0x7C0] =	vst v0  }
0xf1: {  	[tilespmem:$0x7D0] =	vst v0  }
0xf2: {  	[tilespmem:$0x7E0] =	vst v0  }
0xf3: {  	[tilespmem:$0x7F0] =	vst v0  }
0xf4: {  	[tilespmem:$0xA00] =	vst v1  }
0xf5: {  	[tilespmem:$0xA10] =	vst v1  }
0xf6: {  	[tilespmem:$0xA20] =	vst v1  }
0xf7: {  	[tilespmem:$0xA30] =	vst v1  }
0xf8: {  	[tilespmem:$0xA40] =	vst v1  }
0xf9: {  	[tilespmem:$0xA50] =	vst v1  }
0xfa: {  	[tilespmem:$0xA60] =	vst v1  }
0xfb: {  	[tilespmem:$0xA70] =	vst v1  }
0xfc: {  	[tilespmem:$0xA80] =	vst v1  }
0xfd: {  	[tilespmem:$0xA90] =	vst v1  }
0xfe: {  	[tilespmem:$0xAA0] =	vst v1  }
0xff: {  	[tilespmem:$0xAB0] =	vst v1  }
0x100: {  	[tilespmem:$0xAC0] =	vst v1  }
0x101: {  	[spmem:s10] =	stream.linear.scatter [tilespmem:s7], [sflag:$0x4], $0x280, $0x38;
	[tilespmem:$0x7AC0] =	vst v63  }
0x102: {  	_ =	swait.ge [sflag:s6], $0x280  }
0x103: {  	[sflag:s6] =	ssyncset.done $0x0  }
0x104: {  	s23 =	rddreg [dreg:$0xa];
	[sflag:s6] =	ssyncadd.s32 $0xFFFFFD80  }
0x105: {  	[spmem:s23] =	stream.linear.scatter [tilespmem:s7], [sflag:$0x4], $0x20, $0x38;
	[tilespmem:$0x7AC0] =	vst v63  }
0x106: {  	_ =	swait.ge [sflag:s6], $0x20  }
0x107: {  	[sflag:s6] =	ssyncset.done $0x0  }
0x108: {  	s24 =	rddreg [dreg:$0xb];
	[sflag:s6] =	ssyncadd.s32 $0xFFFFFFE0  }
0x109: {  	[spmem:s24] =	stream.linear.scatter [tilespmem:s7], [sflag:$0x4], $0x20, $0x38;
	[tilespmem:$0x7AC0] =	vst v63  }
0x10a: {  	_ =	swait.ge [sflag:s6], $0x20  }
0x10b: {  	[sflag:s6] =	ssyncset.done $0x0  }
0x10c: {  	[sflag:s6] =	ssyncadd.s32 $0xFFFFFFE0  }
0x10d: {  	[spmem:s13] =	stream.linear.scatter [tilespmem:s7], [sflag:$0x4], $0x800, $0x38;
	[tilespmem:$0x7AC0] =	vst v63  }
0x10e: {  	_ =	swait.ge [sflag:s6], $0x800  }
0x10f: {  	[sflag:s6] =	ssyncset.done $0x0  }
0x110: {  	[sflag:s6] =	ssyncadd.s32 $0xFFFFF800  }
0x111: {  	[spmem:s29] =	stream.linear.scatter [tilespmem:s7], [sflag:$0x4], $0x800, $0x38;
	[tilespmem:$0x7AC0] =	vst v63  }
0x112: {  	_ =	swait.ge [sflag:s6], $0x800  }
0x113: {  	[sflag:s6] =	ssyncset.done $0x0  }
0x114: {  	[sflag:s6] =	ssyncadd.s32 $0xFFFFF800  }
0x115: {  	[spmem:s30] =	stream.linear.scatter [tilespmem:s7], [sflag:$0x4], $0x800, $0x38;
	[tilespmem:$0x7AC0] =	vst v63  }
0x116: {  	_ =	swait.ge [sflag:s6], $0x800  }
0x117: {  	[sflag:s6] =	ssyncset.done $0x0  }
0x118: {  	[sflag:s6] =	ssyncadd.s32 $0xFFFFF800  }
0x119: {  	[spmem:s31] =	stream.linear.scatter [tilespmem:s7], [sflag:$0x4], $0x800, $0x38;
	[tilespmem:$0x7AC0] =	vst v63  }
0x11a: {  	_ =	swait.ge [sflag:s6], $0x800  }
0x11b: {  	[sflag:s6] =	ssyncset.done $0x0  }
0x11c: {  	[sflag:s6] =	ssyncadd.s32 $0xFFFFF800  }
0x11d: {  	[spmem:s3] =	stream.linear.scatter [tilespmem:s7], [sflag:$0x4], $0x800, $0x38;
	[tilespmem:$0x7AC0] =	vst v63  }
0x11e: {  	_ =	swait.ge [sflag:s6], $0x800  }
0x11f: {  	[sflag:s6] =	ssyncset.done $0x0  }
0x120: {  	[sflag:s6] =	ssyncadd.s32 $0xFFFFF800  }
0x121: {  	[spmem:s1] =	stream.linear.scatter [tilespmem:s7], [sflag:$0x4], $0x800, $0x38;
	[tilespmem:$0x7AC0] =	vst v63  }
0x122: {  	_ =	swait.ge [sflag:s6], $0x800  }
0x123: {  	[sflag:s6] =	ssyncset.done $0x0  }
0x124: {  	[sflag:s6] =	ssyncadd.s32 $0xFFFFF800  }
0x125: {  	[spmem:s9] =	stream.linear.scatter [tilespmem:s7], [sflag:$0x4], $0x800, $0x38;
	[tilespmem:$0x7AC0] =	vst v63  }
0x126: {  	_ =	swait.ge [sflag:s6], $0x800  }
0x127: {  	[sflag:s6] =	ssyncset.done $0x0  }
0x128: {  	[sflag:s6] =	ssyncadd.s32 $0xFFFFF800  }
0x129: {  	[spmem:s5] =	stream.linear.scatter [tilespmem:s7], [sflag:$0x4], $0x800, $0x38;
	[tilespmem:$0x7AC0] =	vst v63  }
0x12a: {  	_ =	swait.ge [sflag:s6], $0x800  }
0x12b: {  	[sflag:s6] =	ssyncset.done $0x0  }
0x12c: {  	[sflag:s6] =	ssyncadd.s32 $0xFFFFF800  }
0x12d: {  	[bflag:$0x0] =	sbarrier.arrive $0xFFFF  }
0x12e: {  	s24 =	simm.s32 $0xB00;
	s23 =	rddreg [dreg:$0xc]  }
0x12f: {  	[tilespmem:s24], [sflag:$0x4] =	stream.linear.gather [hbm4b:s23+s7], $0x2800, $0x38;
	[tilespmem:$0x7AC0] =	vst v63  }
0x130: {  	_ =	swait.ge [sflag:s6], $0x2800  }
0x131: {  	[sflag:s6] =	ssyncset.done $0x0  }
0x132: {  	s23 =	simm.s32 $0x200;
	s24 =	simm.s32 $0xB00;
	[sflag:s6] =	ssyncadd.s32 $0xFFFFD800  }
.LBB2_2:
0x133: {  	[spmem:s0] =	stream.indirect.scatter.add.f32 [tilespmem:s11], [sflag:$0x1], $0x1, s24, s8, $0xb8;
	[tilespmem:$0x7AC0] =	vst v63  }
0x134: {  	s24 =	smov.u32 s23;
	p2 =	sne.s32 s23, $0x9E00  }
.Ltmp2:
0x135: {  	s23 =	sadd.s32 $0x200, s23;
	(pc) =	sbr.rel @p2 .LBB2_2-.Ltmp2, $3  }
0x136: {  	_ =	sdelay $0x1  }
0x137: {  	s24 =	sshra.s32 s24, $0x2  }
0x138: {  	s24 =	sadd.s32 $0xB00, s24  }
0x139: {  	[spmem:s0] =	stream.indirect.scatter.add.f32 [tilespmem:s11], [sflag:$0x1], $0x1, s24, s8, $0xb8;
	[tilespmem:$0x7AC0] =	vst v63  }
0x13a: {  	s23 =	rddreg [dreg:$0xd]  }
0x13b: {  	[tilespmem:s12], [sflag:$0x4] =	stream.linear.gather [hbm4b:s23+s7], $0x200, $0x38;
	[tilespmem:$0x7AC0] =	vst v63  }
0x13c: {  	_ =	swait.ge [sflag:s6], $0x200  }
0x13d: {  	[sflag:s6] =	ssyncset.done $0x0  }
0x13e: {  	s23 =	simm.s32 $0x50;
	[sflag:s6] =	ssyncadd.s32 $0xFFFFFE00  }
0x13f: {  	[spmem:s2] =	stream.indirect.scatter.add.f32 [tilespmem:s14], [sflag:$0x2], $0x1, s12, s23, $0xb8;
	[tilespmem:$0x7AC0] =	vst v63  }
0x140: {  	s24 =	simm.s32 $0x3380  }
0x141: {  	[spmem:s2] =	stream.indirect.scatter.add.f32 [tilespmem:s14], [sflag:$0x2], $0x1, s24, s23, $0xb8;
	[tilespmem:$0x7AC0] =	vst v63  }
0x142: {  	s24 =	simm.s32 $0x3400  }
0x143: {  	[spmem:s2] =	stream.indirect.scatter.add.f32 [tilespmem:s14], [sflag:$0x2], $0x1, s24, s23, $0xb8;
	[tilespmem:$0x7AC0] =	vst v63  }
0x144: {  	s24 =	simm.s32 $0x3480  }
0x145: {  	[spmem:s2] =	stream.indirect.scatter.add.f32 [tilespmem:s14], [sflag:$0x2], $0x1, s24, s23, $0xb8;
	[tilespmem:$0x7AC0] =	vst v63  }
0x146: {  	s24 =	rddreg [dreg:$0xe]  }
0x147: {  	[tilespmem:s15], [sflag:$0x4] =	stream.linear.gather [hbm4b:s24+s7], $0x200, $0x38;
	[tilespmem:$0x7AC0] =	vst v63  }
0x148: {  	_ =	swait.ge [sflag:s6], $0x200  }
0x149: {  	[sflag:s6] =	ssyncset.done $0x0  }
0x14a: {  	[sflag:s6] =	ssyncadd.s32 $0xFFFFFE00  }
0x14b: {  	[spmem:s4] =	stream.indirect.scatter.add.f32 [tilespmem:s14], [sflag:$0x3], $0x1, s15, s23, $0xb8;
	[tilespmem:$0x7AC0] =	vst v63  }
0x14c: {  	s24 =	simm.s32 $0x3580  }
0x14d: {  	[spmem:s4] =	stream.indirect.scatter.add.f32 [tilespmem:s14], [sflag:$0x3], $0x1, s24, s23, $0xb8;
	[tilespmem:$0x7AC0] =	vst v63  }
0x14e: {  	s24 =	simm.s32 $0x3600  }
0x14f: {  	[spmem:s4] =	stream.indirect.scatter.add.f32 [tilespmem:s14], [sflag:$0x3], $0x1, s24, s23, $0xb8;
	[tilespmem:$0x7AC0] =	vst v63  }
0x150: {  	s24 =	simm.s32 $0x3680  }
0x151: {  	[spmem:s4] =	stream.indirect.scatter.add.f32 [tilespmem:s14], [sflag:$0x3], $0x1, s24, s23, $0xb8;
	[tilespmem:$0x7AC0] =	vst v63  }
0x152: {  	_ =	swait.ge [sflag:s16], $0x80  }
0x153: {  	s23 =	simm.s32 $0x4F;
	[sflag:s16] =	ssyncset.done $0x0  }
.LBB2_4:
0x154: {  	p2 =	sne.s32 s23, $0x1;
	s23 =	sadd.s32 $0xFFFFFFFF, s23;
	[sflag:s16] =	ssyncadd.s32 $0xFFFFFF80  }
.Ltmp3:
0x155: {  	(pc) =	sbr.rel @p2 .LBB2_4-.Ltmp3, $3  }
0x156: {  	_ =	sdelay $0x1  }
0x157: {  	_ =	swait.ge [sflag:s16], $0x80  }
0x158: {  	[sflag:s16] =	ssyncset.done $0x0  }
0x159: {  	[sflag:s16] =	ssyncadd.s32 $0xFFFFFF80  }
0x15a: {  	_ =	swait.ge [sflag:s17], $0x50  }
0x15b: {  	[sflag:s17] =	ssyncset.done $0x0  }
0x15c: {  	[sflag:s17] =	ssyncadd.s32 $0xFFFFFFB0  }
0x15d: {  	_ =	swait.ge [sflag:s18], $0x50  }
0x15e: {  	[sflag:s18] =	ssyncset.done $0x0  }
0x15f: {  	[sflag:s18] =	ssyncadd.s32 $0xFFFFFFB0  }
0x160: {  	_ =	swait.ge [sflag:s17], $0x50  }
0x161: {  	[sflag:s17] =	ssyncset.done $0x0  }
0x162: {  	[sflag:s17] =	ssyncadd.s32 $0xFFFFFFB0  }
0x163: {  	_ =	swait.ge [sflag:s18], $0x50  }
0x164: {  	[sflag:s18] =	ssyncset.done $0x0  }
0x165: {  	[sflag:s18] =	ssyncadd.s32 $0xFFFFFFB0  }
0x166: {  	_ =	swait.ge [sflag:s17], $0x50  }
0x167: {  	[sflag:s17] =	ssyncset.done $0x0  }
0x168: {  	[sflag:s17] =	ssyncadd.s32 $0xFFFFFFB0  }
0x169: {  	_ =	swait.ge [sflag:s18], $0x50  }
0x16a: {  	[sflag:s18] =	ssyncset.done $0x0  }
0x16b: {  	[sflag:s18] =	ssyncadd.s32 $0xFFFFFFB0  }
0x16c: {  	_ =	swait.ge [sflag:s17], $0x50  }
0x16d: {  	[sflag:s17] =	ssyncset.done $0x0  }
0x16e: {  	[sflag:s17] =	ssyncadd.s32 $0xFFFFFFB0  }
0x16f: {  	_ =	swait.ge [sflag:s18], $0x50  }
0x170: {  	[sflag:s18] =	ssyncset.done $0x0  }
0x171: {  	[sflag:s18] =	ssyncadd.s32 $0xFFFFFFB0  }
0x172: {  	[bflag:$0x0] =	sbarrier.arrive $0xFFFF  }
0x173: {  	s23 =	rddreg [dreg:$0xf]  }
0x174: {  	[tilespmem:s19], [sflag:$0x4] =	stream.linear.gather [hbm4b:s23+s7], $0x100, $0x38;
	[tilespmem:$0x7AC0] =	vst v63  }
0x175: {  	_ =	swait.ge [sflag:s6], $0x100  }
0x176: {  	[sflag:s6] =	ssyncset.done $0x0  }
0x177: {  	[sflag:s6] =	ssyncadd.s32 $0xFFFFFF00  }
0x178: {  	s23 =	rddreg [dreg:$0x5]  }
0x179: {  	[spmem:s23] =	stream.indirect.scatter.add.f32 [tilespmem:s14], [sflag:$0x4], $0x1, s19, s20, $0xb8;
	[tilespmem:$0x7AC0] =	vst v63  }
0x17a: {  	_ =	swait.ge [sflag:s6], $0x50  }
0x17b: {  	[sflag:s6] =	ssyncset.done $0x0  }
0x17c: {  	s24 =	simm.s32 $0x3780;
	[sflag:s6] =	ssyncadd.s32 $0xFFFFFFB0  }
0x17d: {  	[spmem:s23] =	stream.indirect.scatter.add.f32 [tilespmem:s14], [sflag:$0x4], $0x1, s24, s20, $0xb8;
	[tilespmem:$0x7AC0] =	vst v63  }
0x17e: {  	_ =	swait.ge [sflag:s6], $0x50  }
0x17f: {  	[sflag:s6] =	ssyncset.done $0x0  }
0x180: {  	[sflag:s6] =	ssyncadd.s32 $0xFFFFFFB0  }
0x181: {  	[bflag:$0x0] =	sbarrier.arrive $0xFFFF  }
0x182: {  	[tilespmem:s7], [sflag:$0x4] =	stream.linear.gather [spmem:s10], $0x280, $0x38;
	[tilespmem:$0x7AC0] =	vst v63  }
0x183: {  	_ =	swait.ge [sflag:s6], $0x280  }
0x184: {  	[sflag:s6] =	ssyncset.done $0x0  }
.Ltmp4:
0x185: {  	s24 =	rddreg [dreg:$0x10];
	[sflag:s6] =	ssyncadd.s32 $0xFFFFFD80;
	(pc) =	sbr.rel @p0 .LBB2_8-.Ltmp4, $4  }
0x186: {  	[hbm4b:s24+s8] =	stream.strided.scatter [tilespmem:s7], [sflag:$0x4], $0x280, s21, s8, $0x38;
	[tilespmem:$0x7AC0] =	vst v63  }
0x187: {  	_ =	swait.ge [sflag:s6], $0x280  }
0x188: {  	[sflag:s6] =	ssyncset.done $0x0  }
0x189: {  	s24 =	smov.u32 s2;
	s23 =	rddreg [dreg:$0x8];
	[sflag:s6] =	ssyncadd.s32 $0xFFFFFD80  }
.Ltmp5:
0x18a: {  	(pc) =	sbr.rel @!p1 .LBB2_7-.Ltmp5, $4  }
.Ltmp6:
0x18b: {  	(pc) =	sbr.rel @p1 .LBB2_9-.Ltmp6, $4  }
0x18c: {  	_ = 	snop  }
0x18d: {  	_ = 	snop  }
0x18e: {  	_ = 	snop  }
0x18f: {  	_ = 	snop  }
.LBB2_10:
0x190: {  	_ =	sfence.sel $0x180000  }
0x191: {  	[bflag:$0x0] =	sbarrier.arrive $0xFFFF  }
0x192: {  	_ =	strace $0x90000047  }
0x193: {  	s0 =	stileid.u32;
	[bflag:$0x2] =	sbarrier.arrive $0xFFFF  }
0x194: {  	p0 =	sne.s32 s0, $0x0;
	s0 =	rddreg [dreg:$0x6]  }
0x195: {  	s0 =	sadd.s32 @!p0 $0x100000, s0  }
0x196: {  	[sflag:s0] =	ssyncadd.tile.s32 @!p0 $0x1;
	_ =	shalt  }
.Lfunc_end2:
_tile_overlayer_lowered:
.L_overlay_start_2:
0x197: {  	(tag) =	ssettag $0x2  }
0x198: {  	s0 =	rddreg [dreg:$0x0];
	s2 =	stileid.u32  }
0x199: {  	s1 =	rddreg [dreg:$0x1];
	p0 =	sne.s32 s2, $0x0  }
0x19a: {  	s3 =	rddreg [dreg:$0x2];
	[bflag:$0x3] =	sbarrier.arrive $0xFFFF;
	s2 =	simm.s32 @!p0 $0x1C04  }
0x19b: {  	[timem:s3], [sflag:s2] =	dma.local @!p0 [hbm:s0], s1  }
0x19c: {  	s0 =	simm.s32 @!p0 $0x4  }
0x19d: {  	_ =	swait.ge @!p0 [sflag:s0], s1  }
0x19e: {  	s1 =	ssub.s32 @!p0 $0x0, s1;
	[sflag:s0] =	ssyncset.done @!p0 $0x0  }
0x19f: {  	[sflag:s0] =	ssyncadd.s32 @!p0 s1  }
0x1a0: {  	[bflag:$0x3] =	sbarrier.arrive $0xFFFF  }
0x1a1: {  	_ =	shalt  }

// kernel: kernel.13.cloned.1.call-start
scs
__scs_entry_jumppad:
0x0: {  	(pc) =	sbr.rel $0x88, $3  }
0x1: {  	(tag) =	ssettag $0x0;
	lr =	simm.s32 $0x1  }
0x2: {  	[smem:$0x3F88] =	sst lr;
	_ =	strace $0xD0000000  }
0x3: {  	_ = 	snop  }
0x4: {  	_ = 	snop  }
0x5: {  	_ = 	snop  }
0x6: {  	_ = 	snop  }
0x7: {  	_ = 	snop  }
__scs_overlays_trampoline_lowered:
0x8: {  	[smem:$0x3F97] =	sst s0  }
0x9: {  	[smem:$0x3F98] =	sst s1  }
0xa: {  	[smem:$0x3F99] =	sst s2  }
0xb: {  	[smem:$0x3F9A] =	sst s3  }
0xc: {  	[smem:$0x3F9B] =	sst s4  }
0xd: {  	[smem:$0x3F9C] =	sst s5  }
0xe: {  	[smem:$0x3F9D] =	sst s6  }
0xf: {  	[smem:$0x3F9E] =	sst s7  }
0x10: {  	[smem:$0x3F9F] =	sst s8  }
0x11: {  	[smem:$0x3FA0] =	sst s9;
	s0 =	simm.s32 @!p0 $0x0  }
0x12: {  	s1 =	sld [smem:$0x3F86];
	s0 =	simm.s32 @p0 $0x1  }
0x13: {  	[smem:$0x3FA1] =	sst s0;
	s0 =	simm.s32 @!p1 $0x0  }
0x14: {  	s2 =	sld [smem:$0x3F85];
	s0 =	simm.s32 @p1 $0x1  }
0x15: {  	[smem:$0x3FA2] =	sst s0;
	s0 =	simm.s32 @!p2 $0x0  }
0x16: {  	s3 =	sld [smem:$0x3FDB];
	s0 =	simm.s32 @p2 $0x1  }
0x17: {  	s4 =	simm.s32 $0x1BF5;
	[smem:$0x3FA4] =	sst s0  }
0x18: {  	s0 =	sld [smem:$0x3F87];
	_ =	swait.ge [sflag:s4], $0x0  }
0x19: {  	s7 =	sld [smem:$0x3F88]  }
0x1a: {  	s8 =	sadd.s32 $0xFFFFE003, lr  }
0x1b: {  	s9 =	sadd.s32 $0xFFFFFEF7, lr;
	s5 =	simm.s32 $0xFFFFFFFF;
	p2 =	slt.u32 s8, $0xFFFFF086  }
0x1c: {  	p1 =	slt.u32 s9, $0xF7A;
	s5 =	simm.s32 @!p2 $0x0  }
0x1d: {  	s5 =	simm.s32 @p1 $0x1;
	p0 =	seq.s32 s7, s2  }
0x1e: {  	s7 =	smul.u32 @!p0 $0xF7A, s2;
	p2 =	seq.s32 @!p0 s5, $0x0  }
0x1f: {  	s9 =	smul.u32 $0xF7A, s1;
	s8 =	simm.s32 @!p0 $0x1BF5;
	p2 =	por !p2, p0  }
0x20: {  	[sflag:s8] =	ssyncset.s32 @!p0 $0xFFFFF086;
	s6 =	sadd.s32 @!p0 s3, s7;
	s7 =	simm.s32 @!p0 $0x108  }
0x21: {  	s3 =	sadd.s32 s3, s9;
	s6 =	sadd.s32 @!p0 $0x88, s6;
	s7 =	simm.s32 @p2 $0x1082  }
0x22: {  	[simem:s7], [sflag:s8] =	dma.local @!p0 [hbm:s6], $0xF7A  }
0x23: {  	s9 =	sor.u32 $0xD0000000, s2;
	s6 =	simm.s32 $0x108;
	_ =	swait.ge @!p0 [sflag:s8], $0x0  }
0x24: {  	s3 =	sadd.s32 $0x88, s3;
	s6 =	simm.s32 @!p1 $0x1082;
	[sflag:s4] =	ssyncset.s32 $0xFFFFF086  }
0x25: {  	[simem:s6], [sflag:s4] =	dma.local [hbm:s3], $0xF7A  }
0x26: {  	[smem:$0x3F88] =	sst s1;
	(tag) =	ssettag s2;
	_ =	strace s9  }
0x27: {  	s1 =	sld [smem:$0x3F98]  }
0x28: {  	s2 =	sld [smem:$0x3F99]  }
0x29: {  	s4 =	sld [smem:$0x3F9B]  }
0x2a: {  	p0 =	seq.s32 s5, $0x0;
	s5 =	sld [smem:$0x3F9C]  }
0x2b: {  	s6 =	sld [smem:$0x3F9D]  }
0x2c: {  	s7 =	sld [smem:$0x3F9E]  }
0x2d: {  	s3 =	simm.s32 $0x108;
	s8 =	sld [smem:$0x3F9F]  }
0x2e: {  	s3 =	simm.s32 @!p0 $0x1082;
	s9 =	sld [smem:$0x3FA0]  }
0x2f: {  	lr =	sadd.s32 s0, s3;
	s0 =	sld [smem:$0x3F97]  }
0x30: {  	s3 =	sld [smem:$0x3F9A]  }
0x31: {  	[smem:$0x3FA3] =	sst s10  }
0x32: {  	s10 =	sld [smem:$0x3FA1];
	_ =	sdelay $0x3  }
0x33: {  	p0 =	seq.s32 s10, $0x1;
	s10 =	sld [smem:$0x3FA3];
	_ =	sdelay $0x3  }
0x34: {  	[smem:$0x3FA3] =	sst s10  }
0x35: {  	s10 =	sld [smem:$0x3FA2];
	_ =	sdelay $0x3  }
0x36: {  	p1 =	seq.s32 s10, $0x1;
	s10 =	sld [smem:$0x3FA3];
	_ =	sdelay $0x3  }
0x37: {  	[smem:$0x3FA3] =	sst s10  }
0x38: {  	s10 =	sld [smem:$0x3FA4]  }
0x39: {  	_ = 	snop;
	(pc) =	sbr.ind lr, $3  }
0x3a: {  	_ = 	snop  }
0x3b: {  	_ = 	snop  }
0x3c: {  	p2 =	seq.s32 s10, $0x1;
	s10 =	sld [smem:$0x3FA3]  }
0x3d: {  	_ =	shalt  }
0x3e: {  	_ =	shalt  }
0x3f: {  	_ =	shalt  }
0x40: {  	_ =	shalt  }
0x41: {  	_ =	shalt  }
0x42: {  	_ =	shalt  }
0x43: {  	_ =	shalt  }
0x44: {  	_ =	shalt  }
0x45: {  	_ =	shalt  }
0x46: {  	_ =	shalt  }
0x47: {  	_ =	shalt  }
0x48: {  	_ =	shalt  }
0x49: {  	_ =	shalt  }
0x4a: {  	_ =	shalt  }
0x4b: {  	_ =	shalt  }
0x4c: {  	_ =	shalt  }
0x4d: {  	_ =	shalt  }
0x4e: {  	_ =	shalt  }
0x4f: {  	_ =	shalt  }
0x50: {  	_ =	shalt  }
0x51: {  	_ =	shalt  }
0x52: {  	_ =	shalt  }
0x53: {  	_ =	shalt  }
0x54: {  	_ =	shalt  }
0x55: {  	_ =	shalt  }
0x56: {  	_ =	shalt  }
0x57: {  	_ =	shalt  }
0x58: {  	_ =	shalt  }
0x59: {  	_ =	shalt  }
0x5a: {  	_ =	shalt  }
0x5b: {  	_ =	shalt  }
0x5c: {  	_ =	shalt  }
0x5d: {  	_ =	shalt  }
0x5e: {  	_ =	shalt  }
0x5f: {  	_ =	shalt  }
0x60: {  	_ =	shalt  }
0x61: {  	_ =	shalt  }
0x62: {  	_ =	shalt  }
0x63: {  	_ =	shalt  }
0x64: {  	_ =	shalt  }
0x65: {  	_ =	shalt  }
0x66: {  	_ =	shalt  }
0x67: {  	_ =	shalt  }
0x68: {  	_ =	shalt  }
0x69: {  	_ =	shalt  }
0x6a: {  	_ =	shalt  }
0x6b: {  	_ =	shalt  }
0x6c: {  	_ =	shalt  }
0x6d: {  	_ =	shalt  }
0x6e: {  	_ =	shalt  }
0x6f: {  	_ =	shalt  }
0x70: {  	_ =	shalt  }
0x71: {  	_ =	shalt  }
0x72: {  	_ =	shalt  }
0x73: {  	_ =	shalt  }
0x74: {  	_ =	shalt  }
0x75: {  	_ =	shalt  }
0x76: {  	_ =	shalt  }
0x77: {  	_ =	shalt  }
0x78: {  	_ =	shalt  }
0x79: {  	_ =	shalt  }
0x7a: {  	_ =	shalt  }
0x7b: {  	_ =	shalt  }
0x7c: {  	_ =	shalt  }
0x7d: {  	_ =	shalt  }
0x7e: {  	_ =	shalt  }
0x7f: {  	_ =	shalt  }
0x80: {  	_ =	shalt  }
0x81: {  	_ =	shalt  }
0x82: {  	_ =	shalt  }
0x83: {  	_ =	shalt  }
0x84: {  	_ =	shalt  }
0x85: {  	_ =	shalt  }
0x86: {  	_ =	shalt  }
0x87: {  	_ =	shalt  }
.Lfunc_end0:
.L_simem_size_0:
called_computation.1_lowered:
.L_overlay_start_0:
0x88: {  	s2 =	sld [smem:$0x3FD9]  }
0x89: {  	s3 =	sld [smem:$0x3FFE];
	_ =	sdelay $0x1  }
0x8a: {  	s1 =	srdreg.scid  }
0x8b: {  	s0 =	sand.u32 $0x1, s1  }
0x8c: {  	s16 =	sshll.u32 s0, $0xA;
	s2 =	sadd.s32 s3, s2  }
0x8d: {  	s2 =	sadd.s32 s2, s16  }
0x8e: {  	[smem:$0x3FAF] =	sst s2  }
0x8f: {  	_ = 	snop  }
0x90: {  	(tm) =	ssettm $0x1  }
0x91: {  	s17 =	sld [smem:$0x3FFB];
	_ =	sdelay $0x3  }
0x92: {  	_ =	strace s17  }
0x93: {  	s2 =	sld [smem:$0x3FFC];
	_ =	sdelay $0x3  }
0x94: {  	_ =	strace s2  }
0x95: {  	s2 =	sld [smem:$0x3FFD];
	_ =	sdelay $0x3  }
0x96: {  	_ =	strace s2  }
0x97: {  	_ =	strace $0x8FFFFFFF  }
0x98: {  	s18 =	sld [smem:$0x3FDB];
	_ =	sdelay $0x1  }
0x99: {  	s19 =	simm.s32 $_scs_section_size  }
0x9a: {  	s4 =	simm.s32 $_size__tile_overlayer_lowered;
	s5 =	simm.s32 $_tile_overlayer_lowered  }
0x9b: {  	s22 =	simm.s32 $0x1BFF;
	s21 =	sshll.u32 s5, $0x1;
	s2 =	sadd.s32 s19, s18  }
0x9c: {  	s6 =	simm.s32 $0x0;
	s20 =	sshll.u32 s4, $0x1;
	s4 =	sadd.s32 s21, s2  }
0x9d: {  	[timem:s6], [sflag:s22] =	dma.local [hbm:s4], s20  }
0x9e: {  	_ =	swait.ge [sflag:s22], s20  }
0x9f: {  	s3 =	ssub.s32 $0x0, s20;
	[sflag:s22] =	ssyncset.done $0x0  }
0xa0: {  	[sflag:s22] =	ssyncadd.s32 s3;
	_ =	sdelay $0x1  }
0xa1: {  	s23 =	simm.s32 $0x1B8B  }
0xa2: {  	_ =	swait.ge [sflag:s23], $0x1  }
0xa3: {  	[sflag:s23] =	ssyncset.done $0x0  }
0xa4: {  	s25 =	simm.s32 $0x1B8E;
	s24 =	sld [smem:$0x3FFE];
	[sflag:s23] =	ssyncadd.s32 $0xFFFFFFFF  }
0xa5: {  	s26 =	simm.s32 $execute0_lowered;
	[smem:$0x3FD2] =	sst s25  }
0xa6: {  	s4 =	sshll.u32 s26, $0x1;
	_ =	strace $0x80000049;
	[dreg:$0x1] =	wrdreg $0xFFFFFFFF  }
0xa7: {  	s28 =	simm.s32 $_size_execute0_lowered;
	s2 =	sadd.s32 s2, s4;
	[dreg:$0x0] =	wrdreg $0x0  }
0xa8: {  	s4 =	sshll.u32 s28, $0x1;
	[dreg:$0x2] =	wrdreg s2  }
0xa9: {  	[dreg:$0x3] =	wrdreg s4  }
0xaa: {  	[dreg:$0x4] =	wrdreg $0xC0  }
0xab: {  	_ =	task [dreg:s6], $0x5FFFF  }
0xac: {  	[dreg:$0x1] =	wrdreg $0xFFFFFFFF  }
0xad: {  	[dreg:$0x0] =	wrdreg $0x60  }
0xae: {  	[dreg:$0x2] =	wrdreg s24  }
0xaf: {  	[dreg:$0x3] =	wrdreg $0xA4000  }
0xb0: {  	[dreg:$0x4] =	wrdreg $0x9  }
0xb1: {  	_ =	task.clear_ibuf [dreg:s6], $0x5FFFF;
	_ =	strace $0x90000049  }
0xb2: {  	s29 =	simm.s32 $0x9;
	_ =	strace $0x8000004B  }
0xb3: {  	_ =	swait.ge [sflag:s29], $0x1  }
0xb4: {  	[sflag:s29] =	ssyncadd.s32 $0xFFFFFFFF  }
0xb5: {  	_ =	strace $0x9000004B  }
0xb6: {  	_ =	sfence  }
0xb7: {  	s30 =	sld [smem:$0x0];
	_ =	sdelay $0x2  }
0xb8: {  	s31 =	sshll.u32 s1, $0xD;
	s1 =	sshrl.u32 s1, $0x2  }
0xb9: {  	s3 =	sand.u32 $0x4000, s31;
	s1 =	sadd.s32 s1, s30  }
0xba: {  	s0 =	sor.u32 s3, s0;
	s1 =	sshll.u32 s1, $0x11  }
0xbb: {  	s0 =	sor.u32 s1, s0  }
0xbc: {  	s0 =	sadd.s32 $0x8F2B, s0  }
0xbd: {  	[sflag:s0] =	ssyncadd.remote.s32 $0x1  }
0xbe: {  	_ =	sfence.sel $0xFFFF  }
0xbf: {  	[dreg:$0x0] =	wrdreg $0xFFFFFFFF;
	(pc) =	sbr.abs _section_cstart, $3  }
0xc0: {  	[dreg:$0x1] =	wrdreg $0xFFFFFFFF  }
0xc1: {  	_ =	task.clear_ibuf [dreg:s6], $0x2FFFF;
	_ =	strace $0x9FFFFFFF  }
0xc2: {  	(tm) =	ssettm $0x7FFFFFFF  }
0xc3: {  	_ =	shalt  }
tec
execute0_lowered:
.L_overlay_start_1:
0x0: {  	(tag) =	ssettag $0x1  }
0x1: {  	s2 =	rddreg [dreg:$0x0]  }
0x2: {  	s1 =	rddreg [dreg:$0x1]  }
0x3: {  	s3 =	simm.s32 $0x0;
	s0 =	srdreg.scid;
	s13 =	stileid.u32  }
0x4: {  	s30 =	simm.s32 $0xD;
	s28 =	simm.s32 $0xB;
	s5 =	sand.u32 $0x1, s0  }
0x5: {  	s29 =	simm.s32 $0xC;
	s7 =	smul.u32 $0x14000, s13;
	s0 =	sshll.u32 s5, $0x4  }
0x6: {  	[smem:$0x7FF] =	sst s3;
	s6 =	smul.u32 $0x140000, s5;
	s4 =	sor.u32 s13, s0  }
0x7: {  	s8 =	sadd.s32 $0x7600, s2;
	_ =	strace $0x8000004A;
	s9 =	smul.u32 $0x2800, s4  }
0x8: {  	s24 =	ssub.s32 $0x2, s5;
	s5 =	smul.u32 $0x28000, s5;
	s0 =	sadd.s32 $0x11600, s2  }
0x9: {  	s10 =	sshrl.u32 s24, $0x1;
	s6 =	sadd.s32 s7, s6;
	s9 =	sshrl.u32 s9, $0x3  }
0xa: {  	s4 =	sadd.s32 $0x2C400, s2;
	s6 =	sshrl.u32 s6, $0x3;
	s25 =	sadd.s32 s0, s9  }
0xb: {  	s2 =	sadd.s32 s6, s2;
	s26 =	sadd.s32 s8, s9;
	[dreg:$0xb] =	wrdreg s25  }
0xc: {  	s6 =	ssub.s32 s24, s10;
	s2 =	sadd.s32 $0x54400, s2;
	[dreg:$0xc] =	wrdreg s26  }
0xd: {  	s31 =	sor.u32 $0xA, s9;
	s6 =	smax.u32 s6, $0x1;
	[dreg:$0x1b] =	wrdreg s2  }
0xe: {  	s12 =	sor.u32 $0x14, s9;
	s11 =	sadd.s32 s0, s31;
	[dreg:$0x1d] =	wrdreg s6  }
0xf: {  	s15 =	sor.u32 $0x1E, s9;
	s7 =	sadd.s32 s8, s31;
	[dreg:$0xd] =	wrdreg s11  }
0x10: {  	s17 =	sor.u32 $0x28, s9;
	s14 =	sadd.s32 s0, s12;
	[dreg:$0xe] =	wrdreg s7  }
0x11: {  	s21 =	sor.u32 $0x32, s9;
	s10 =	sadd.s32 s8, s12;
	[dreg:$0xf] =	wrdreg s14  }
0x12: {  	s16 =	sadd.s32 s0, s15;
	s19 =	sadd.s32 s0, s17;
	[dreg:$0x10] =	wrdreg s10  }
0x13: {  	s24 =	sadd.s32 s0, s21;
	s31 =	sadd.s32 $0x4EC, s9;
	[dreg:$0x11] =	wrdreg s16  }
0x14: {  	s6 =	simm.s32 $0x80;
	s11 =	smul.u32 $0x2800, s13;
	[dreg:$0x13] =	wrdreg s19  }
0x15: {  	s7 =	sadd.s32 s8, s15;
	[dreg:$0x15] =	wrdreg s24;
	s10 =	sadd.s32 s8, s21  }
0x16: {  	s14 =	smul.u32 $0x50000, s13;
	s16 =	sadd.s32 s0, s31;
	[dreg:$0x12] =	wrdreg s7  }
0x17: {  	s13 =	simm.s32 $0x2C00;
	s7 =	sadd.s32 s8, s17;
	[dreg:$0x16] =	wrdreg s10  }
0x18: {  	[dreg:$0x17] =	wrdreg s16;
	s17 =	sadd.s32 $0x4F6, s9;
	s9 =	simm.s32 $0x50  }
0x19: {  	s10 =	simm.s32 $0x100;
	s16 =	simm.s32 $0x380;
	s5 =	sadd.s32 s11, s5  }
0x1a: {  	[dreg:$0x14] =	wrdreg s7;
	s19 =	sshrl.u32 s14, $0x2;
	s18 =	sor.u32 $0x2D0, s5  }
0x1b: {  	s12 =	sor.u32 $0x280, s5;
	s20 =	sshrl.u32 s18, $0x3;
	s18 =	sadd.s32 s8, s31  }
0x1c: {  	s26 =	sor.u32 $0x230, s5;
	s22 =	sadd.s32 s20, s8;
	[dreg:$0x18] =	wrdreg s18  }
0x1d: {  	s23 =	sshrl.u32 s12, $0x3;
	s7 =	sadd.s32 s20, s0;
	[dreg:$0x3] =	wrdreg s22  }
0x1e: {  	s5 =	sor.u32 $0x1E0, s5;
	s25 =	sadd.s32 s23, s8;
	[dreg:$0x4] =	wrdreg s7  }
0x1f: {  	s5 =	sshrl.u32 s5, $0x3;
	s11 =	sadd.s32 s23, s0;
	[dreg:$0x5] =	wrdreg s25  }
0x20: {  	s14 =	simm.s32 $0x5;
	s15 =	sadd.s32 s5, s8;
	[dreg:$0x6] =	wrdreg s11  }
0x21: {  	s20 =	sadd.s32 s19, s1;
	s18 =	simm.s32 $0x5400;
	[dreg:$0x9] =	wrdreg s15  }
0x22: {  	s19 =	simm.s32 $0x6;
	s21 =	sadd.s32 $0x2800, s20;
	[dreg:$0x1c] =	wrdreg s20  }
0x23: {  	s7 =	sshrl.u32 s26, $0x3;
	s22 =	sadd.s32 $0x5000, s20;
	[dreg:$0x1e] =	wrdreg s21  }
0x24: {  	s23 =	sadd.s32 $0x7800, s20;
	s24 =	sadd.s32 $0xA000, s20;
	[dreg:$0x1f] =	wrdreg s22  }
0x25: {  	s25 =	sadd.s32 $0xC800, s20;
	s26 =	sadd.s32 $0xF000, s20;
	[smem:$0x7F9] =	sst s23  }
0x26: {  	s31 =	sadd.s32 $0x11800, s20;
	s11 =	simm.s32 $0x300;
	[smem:$0x7FA] =	sst s24  }
0x27: {  	s15 =	simm.s32 $0x180;
	s20 =	simm.s32 $0x9;
	[smem:$0x7FB] =	sst s25  }
0x28: {  	s12 =	sadd.s32 s7, s8;
	s7 =	sadd.s32 s7, s0;
	[smem:$0x7FC] =	sst s26  }
0x29: {  	s8 =	sadd.s32 s8, s17;
	[smem:$0x7FD] =	sst s31;
	s21 =	simm.s32 $0x4  }
0x2a: {  	s23 =	simm.s32 $0x7C00;
	s24 =	simm.s32 $0x7;
	[dreg:$0x7] =	wrdreg s12  }
0x2b: {  	s25 =	simm.s32 $0xA;
	s26 =	simm.s32 $0x8;
	[dreg:$0x8] =	wrdreg s7  }
0x2c: {  	s22 =	simm.s32 $0x0;
	[dreg:$0x19] =	wrdreg s8;
	s7 =	sadd.s32 s0, s17  }
0x2d: {  	s0 =	sadd.s32 s5, s0;
	s5 =	simm.s32 $0x200;
	s8 =	simm.s32 $0x1  }
0x2e: {  	s12 =	simm.s32 $0x2;
	s17 =	simm.s32 $0x3;
	[dreg:$0x1a] =	wrdreg s7  }
0x2f: {  	v0 =	vimm.f32 $0.0e+00;
	[dreg:$0xa] =	wrdreg s0;
	s0 =	simm.s32 $0x400;
	s7 =	simm.s32 $0x280  }
.LBB2_1:
0x30: {  	[smem:$0x7F8] =	sst s22;
	s22 =	simm.s32 $0x0;
	s31 =	simm.s32 $0x200  }
.LBB2_2:
0x31: {  	p0 =	sne.s32 s31, $0x9E00;
	[tilespmem:s22+$0x470] =	vst v0  }
0x32: {  	[tilespmem:s22+$0x400] =	vst v0  }
0x33: {  	[tilespmem:s22+$0x410] =	vst v0  }
.Ltmp0:
0x34: {  	[tilespmem:s22+$0x420] =	vst v0;
	(pc) =	sbr.rel @p0 .LBB2_2-.Ltmp0, $4  }
0x35: {  	[tilespmem:s22+$0x430] =	vst v0  }
0x36: {  	[tilespmem:s22+$0x440] =	vst v0  }
0x37: {  	[tilespmem:s22+$0x450] =	vst v0  }
0x38: {  	[tilespmem:s22+$0x460] =	vst v0;
	s22 =	sshra.s32 s31, $0x2;
	s31 =	sadd.s32 $0x200, s31  }
0x39: {  	[tilespmem:s22+$0x470] =	vst v0  }
0x3a: {  	[tilespmem:s22+$0x400] =	vst v0  }
0x3b: {  	[tilespmem:s22+$0x410] =	vst v0  }
0x3c: {  	[tilespmem:s22+$0x420] =	vst v0  }
0x3d: {  	[tilespmem:s22+$0x430] =	vst v0  }
0x3e: {  	[tilespmem:s22+$0x440] =	vst v0  }
0x3f: {  	[tilespmem:s22+$0x450] =	vst v0  }
0x40: {  	[tilespmem:s22+$0x460] =	vst v0;
	s2 =	rddreg [dreg:$0x1c]  }
0x41: {  	[spmem:s2] =	stream.linear.scatter [tilespmem:s0], [sflag:$0xD], $0x2800, $0x38;
	[tilespmem:$0x1E400] =	vst v63  }
0x42: {  	_ =	swait.ge [sflag:s30], $0x2800  }
0x43: {  	[sflag:s30] =	ssyncset.done $0x0  }
0x44: {  	s22 =	rddreg [dreg:$0x1e];
	[sflag:s30] =	ssyncadd.s32 $0xFFFFD800  }
0x45: {  	[spmem:s22] =	stream.linear.scatter [tilespmem:s0], [sflag:$0xD], $0x2800, $0x38;
	[tilespmem:$0x1E400] =	vst v63  }
0x46: {  	_ =	swait.ge [sflag:s30], $0x2800  }
0x47: {  	[sflag:s30] =	ssyncset.done $0x0  }
0x48: {  	s22 =	rddreg [dreg:$0x1f];
	[sflag:s30] =	ssyncadd.s32 $0xFFFFD800  }
0x49: {  	[spmem:s22] =	stream.linear.scatter [tilespmem:s0], [sflag:$0xD], $0x2800, $0x38;
	[tilespmem:$0x1E400] =	vst v63  }
0x4a: {  	_ =	swait.ge [sflag:s30], $0x2800  }
0x4b: {  	s22 =	sld [smem:$0x7F9]  }
0x4c: {  	[sflag:s30] =	ssyncset.done $0x0  }
0x4d: {  	[sflag:s30] =	ssyncadd.s32 $0xFFFFD800  }
0x4e: {  	[spmem:s22] =	stream.linear.scatter [tilespmem:s0], [sflag:$0xD], $0x2800, $0x38;
	[tilespmem:$0x1E400] =	vst v63  }
0x4f: {  	_ =	swait.ge [sflag:s30], $0x2800  }
0x50: {  	s22 =	sld [smem:$0x7FA]  }
0x51: {  	[sflag:s30] =	ssyncset.done $0x0  }
0x52: {  	[sflag:s30] =	ssyncadd.s32 $0xFFFFD800  }
0x53: {  	[spmem:s22] =	stream.linear.scatter [tilespmem:s0], [sflag:$0xD], $0x2800, $0x38;
	[tilespmem:$0x1E400] =	vst v63  }
0x54: {  	_ =	swait.ge [sflag:s30], $0x2800  }
0x55: {  	s22 =	sld [smem:$0x7FB]  }
0x56: {  	[sflag:s30] =	ssyncset.done $0x0  }
0x57: {  	[sflag:s30] =	ssyncadd.s32 $0xFFFFD800  }
0x58: {  	[spmem:s22] =	stream.linear.scatter [tilespmem:s0], [sflag:$0xD], $0x2800, $0x38;
	[tilespmem:$0x1E400] =	vst v63  }
0x59: {  	_ =	swait.ge [sflag:s30], $0x2800  }
0x5a: {  	s22 =	sld [smem:$0x7FC]  }
0x5b: {  	[sflag:s30] =	ssyncset.done $0x0  }
0x5c: {  	[sflag:s30] =	ssyncadd.s32 $0xFFFFD800  }
0x5d: {  	[spmem:s22] =	stream.linear.scatter [tilespmem:s0], [sflag:$0xD], $0x2800, $0x38;
	[tilespmem:$0x1E400] =	vst v63  }
0x5e: {  	_ =	swait.ge [sflag:s30], $0x2800  }
0x5f: {  	s22 =	sld [smem:$0x7FD]  }
0x60: {  	[sflag:s30] =	ssyncset.done $0x0  }
0x61: {  	[sflag:s30] =	ssyncadd.s32 $0xFFFFD800  }
0x62: {  	[spmem:s22] =	stream.linear.scatter [tilespmem:s0], [sflag:$0xD], $0x2800, $0x38;
	[tilespmem:$0x1E400] =	vst v63  }
0x63: {  	_ =	swait.ge [sflag:s30], $0x2800  }
0x64: {  	[sflag:s30] =	ssyncset.done $0x0  }
0x65: {  	[sflag:s30] =	ssyncadd.s32 $0xFFFFD800  }
0x66: {  	[bflag:$0x0] =	sbarrier.arrive $0xFFFF  }
0x67: {  	s22 =	simm.s32 $0x0;
	s30 =	rddreg [dreg:$0xb]  }
0x68: {  	[tilespmem:s22], [sflag:$0x1] =	stream.linear.gather [hbm4b:s30+s22], $0x50, $0x38;
	[tilespmem:$0x1E400] =	vst v63  }
0x69: {  	s30 =	rddreg [dreg:$0xc]  }
0x6a: {  	[tilespmem:s5], [sflag:$0x1] =	stream.linear.gather [hbm4b:s30+s22], $0x50, $0x38;
	[tilespmem:$0x1E400] =	vst v63  }
0x6b: {  	s30 =	rddreg [dreg:$0xd]  }
0x6c: {  	[tilespmem:s6], [sflag:$0x2] =	stream.linear.gather [hbm4b:s30+s22], $0x50, $0x38;
	[tilespmem:$0x1E400] =	vst v63  }
0x6d: {  	s30 =	rddreg [dreg:$0xe]  }
0x6e: {  	[tilespmem:s7], [sflag:$0x2] =	stream.linear.gather [hbm4b:s30+s22], $0x50, $0x38;
	[tilespmem:$0x1E400] =	vst v63  }
0x6f: {  	_ =	swait.ge [sflag:s8], $0x50  }
0x70: {  	[sflag:s8] =	ssyncset.done $0x0  }
0x71: {  	[sflag:s8] =	ssyncadd.s32 $0xFFFFFFB0  }
0x72: {  	_ =	swait.ge [sflag:s8], $0x50  }
0x73: {  	[sflag:s8] =	ssyncset.done $0x0  }
0x74: {  	[sflag:s8] =	ssyncadd.s32 $0xFFFFFFB0  }
0x75: {  	[tilespmem:s0], [sflag:$0x5] =	stream.indirect.gather [hbm4b:s4+s9], $0x80, s22, s9, $0xb8;
	[tilespmem:$0x1E400] =	vst v63  }
0x76: {  	s30 =	rddreg [dreg:$0xf]  }
0x77: {  	[tilespmem:s10], [sflag:$0x3] =	stream.linear.gather [hbm4b:s30+s22], $0x50, $0x38;
	[tilespmem:$0x1E400] =	vst v63  }
0x78: {  	s30 =	rddreg [dreg:$0x10]  }
0x79: {  	[tilespmem:s11], [sflag:$0x3] =	stream.linear.gather [hbm4b:s30+s22], $0x50, $0x38;
	[tilespmem:$0x1E400] =	vst v63  }
0x7a: {  	_ =	swait.ge [sflag:s12], $0x50  }
0x7b: {  	[sflag:s12] =	ssyncset.done $0x0  }
0x7c: {  	[sflag:s12] =	ssyncadd.s32 $0xFFFFFFB0  }
0x7d: {  	_ =	swait.ge [sflag:s12], $0x50  }
0x7e: {  	[sflag:s12] =	ssyncset.done $0x0  }
0x7f: {  	[sflag:s12] =	ssyncadd.s32 $0xFFFFFFB0  }
0x80: {  	[tilespmem:s13], [sflag:$0x6] =	stream.indirect.gather [hbm4b:s4+s9], $0x80, s6, s9, $0xb8;
	[tilespmem:$0x1E400] =	vst v63  }
0x81: {  	_ =	swait.ge [sflag:s14], $0x2800  }
0x82: {  	[sflag:s14] =	ssyncset.done $0x0  }
0x83: {  	[sflag:s14] =	ssyncadd.s32 $0xFFFFD800  }
0x84: {  	[spmem:s1] =	stream.indirect.scatter.add.f32 [tilespmem:s0], [sflag:$0x9], $0x80, s5, s9, $0xb8;
	[tilespmem:$0x1E400] =	vst v63  }
0x85: {  	s30 =	rddreg [dreg:$0x11]  }
0x86: {  	[tilespmem:s15], [sflag:$0x4] =	stream.linear.gather [hbm4b:s30+s22], $0x50, $0x38;
	[tilespmem:$0x1E400] =	vst v63  }
0x87: {  	s30 =	rddreg [dreg:$0x12]  }
0x88: {  	[tilespmem:s16], [sflag:$0x4] =	stream.linear.gather [hbm4b:s30+s22], $0x50, $0x38;
	[tilespmem:$0x1E400] =	vst v63  }
0x89: {  	_ =	swait.ge [sflag:s17], $0x50  }
0x8a: {  	[sflag:s17] =	ssyncset.done $0x0  }
0x8b: {  	[sflag:s17] =	ssyncadd.s32 $0xFFFFFFB0  }
0x8c: {  	_ =	swait.ge [sflag:s17], $0x50  }
0x8d: {  	[sflag:s17] =	ssyncset.done $0x0  }
0x8e: {  	[sflag:s17] =	ssyncadd.s32 $0xFFFFFFB0  }
0x8f: {  	[tilespmem:s18], [sflag:$0x7] =	stream.indirect.gather [hbm4b:s4+s9], $0x80, s10, s9, $0xb8;
	[tilespmem:$0x1E400] =	vst v63  }
0x90: {  	_ =	swait.ge [sflag:s19], $0x2800  }
0x91: {  	[sflag:s19] =	ssyncset.done $0x0  }
0x92: {  	[sflag:s19] =	ssyncadd.s32 $0xFFFFD800  }
0x93: {  	[spmem:s1] =	stream.indirect.scatter.add.f32 [tilespmem:s13], [sflag:$0xA], $0x80, s7, s9, $0xb8;
	[tilespmem:$0x1E400] =	vst v63  }
0x94: {  	_ =	swait.ge [sflag:s20], $0x2800  }
0x95: {  	[sflag:s20] =	ssyncset.done $0x0  }
0x96: {  	s30 =	rddreg [dreg:$0x13];
	[sflag:s20] =	ssyncadd.s32 $0xFFFFD800  }
0x97: {  	[tilespmem:s22], [sflag:$0x1] =	stream.linear.gather [hbm4b:s30+s22], $0x50, $0x38;
	[tilespmem:$0x1E400] =	vst v63  }
0x98: {  	s30 =	rddreg [dreg:$0x14]  }
0x99: {  	[tilespmem:s5], [sflag:$0x1] =	stream.linear.gather [hbm4b:s30+s22], $0x50, $0x38;
	[tilespmem:$0x1E400] =	vst v63  }
0x9a: {  	_ =	swait.ge [sflag:s21], $0x50  }
0x9b: {  	[sflag:s21] =	ssyncset.done $0x0  }
0x9c: {  	[sflag:s21] =	ssyncadd.s32 $0xFFFFFFB0  }
0x9d: {  	_ =	swait.ge [sflag:s21], $0x50  }
0x9e: {  	[sflag:s21] =	ssyncset.done $0x0  }
0x9f: {  	[sflag:s21] =	ssyncadd.s32 $0xFFFFFFB0  }
0xa0: {  	[tilespmem:s23], [sflag:$0x8] =	stream.indirect.gather [hbm4b:s4+s9], $0x80, s15, s9, $0xb8;
	[tilespmem:$0x1E400] =	vst v63  }
0xa1: {  	_ =	swait.ge [sflag:s24], $0x2800  }
0xa2: {  	[sflag:s24] =	ssyncset.done $0x0  }
0xa3: {  	[sflag:s24] =	ssyncadd.s32 $0xFFFFD800  }
0xa4: {  	[spmem:s1] =	stream.indirect.scatter.add.f32 [tilespmem:s18], [sflag:$0xB], $0x80, s11, s9, $0xb8;
	[tilespmem:$0x1E400] =	vst v63  }
0xa5: {  	_ =	swait.ge [sflag:s25], $0x2800  }
0xa6: {  	[sflag:s25] =	ssyncset.done $0x0  }
0xa7: {  	s30 =	rddreg [dreg:$0x15];
	[sflag:s25] =	ssyncadd.s32 $0xFFFFD800  }
0xa8: {  	[tilespmem:s6], [sflag:$0x2] =	stream.linear.gather [hbm4b:s30+s22], $0x50, $0x38;
	[tilespmem:$0x1E400] =	vst v63  }
0xa9: {  	s30 =	rddreg [dreg:$0x16]  }
0xaa: {  	[tilespmem:s7], [sflag:$0x2] =	stream.linear.gather [hbm4b:s30+s22], $0x50, $0x38;
	[tilespmem:$0x1E400] =	vst v63  }
0xab: {  	_ =	swait.ge [sflag:s8], $0x50  }
0xac: {  	[sflag:s8] =	ssyncset.done $0x0  }
0xad: {  	[sflag:s8] =	ssyncadd.s32 $0xFFFFFFB0  }
0xae: {  	_ =	swait.ge [sflag:s8], $0x50  }
0xaf: {  	[sflag:s8] =	ssyncset.done $0x0  }
0xb0: {  	[sflag:s8] =	ssyncadd.s32 $0xFFFFFFB0  }
0xb1: {  	[tilespmem:s0], [sflag:$0x5] =	stream.indirect.gather [hbm4b:s4+s9], $0x80, s22, s9, $0xb8;
	[tilespmem:$0x1E400] =	vst v63  }
0xb2: {  	_ =	swait.ge [sflag:s26], $0x2800  }
0xb3: {  	[sflag:s26] =	ssyncset.done $0x0  }
0xb4: {  	[sflag:s26] =	ssyncadd.s32 $0xFFFFD800  }
0xb5: {  	[spmem:s1] =	stream.indirect.scatter.add.f32 [tilespmem:s23], [sflag:$0xC], $0x80, s16, s9, $0xb8;
	[tilespmem:$0x1E400] =	vst v63  }
0xb6: {  	_ =	swait.ge [sflag:s28], $0x2800  }
0xb7: {  	s2 =	rddreg [dreg:$0xa];
	[sflag:s28] =	ssyncset.done $0x0  }
0xb8: {  	s31 =	rddreg [dreg:$0x9];
	[sflag:s28] =	ssyncadd.s32 $0xFFFFD800;
	s22 =	sadd.s32 $0x0, s2  }
0xb9: {  	[tilespmem:s10], [sflag:$0x3] =	stream.linear.gather [hbm4b:s22+s3], $0x50, $0x38;
	[tilespmem:$0x1E400] =	vst v63  }
0xba: {  	s30 =	sadd.s32 $0x0, s31  }
0xbb: {  	[tilespmem:s11], [sflag:$0x3] =	stream.linear.gather [hbm4b:s30+s3], $0x50, $0x38;
	[tilespmem:$0x1E400] =	vst v63  }
0xbc: {  	_ =	swait.ge [sflag:s12], $0x50  }
0xbd: {  	[sflag:s12] =	ssyncset.done $0x0  }
0xbe: {  	[sflag:s12] =	ssyncadd.s32 $0xFFFFFFB0  }
0xbf: {  	_ =	swait.ge [sflag:s12], $0x50  }
0xc0: {  	[sflag:s12] =	ssyncset.done $0x0  }
0xc1: {  	[sflag:s12] =	ssyncadd.s32 $0xFFFFFFB0  }
0xc2: {  	[tilespmem:s13], [sflag:$0x6] =	stream.indirect.gather [hbm4b:s4+s9], $0x80, s6, s9, $0xb8;
	[tilespmem:$0x1E400] =	vst v63  }
0xc3: {  	_ =	swait.ge [sflag:s14], $0x2800  }
0xc4: {  	[sflag:s14] =	ssyncset.done $0x0  }
0xc5: {  	[sflag:s14] =	ssyncadd.s32 $0xFFFFD800  }
0xc6: {  	[spmem:s1] =	stream.indirect.scatter.add.f32 [tilespmem:s0], [sflag:$0x9], $0x80, s5, s9, $0xb8;
	[tilespmem:$0x1E400] =	vst v63  }
0xc7: {  	_ =	swait.ge [sflag:s29], $0x2800  }
0xc8: {  	s2 =	rddreg [dreg:$0x8];
	[sflag:s29] =	ssyncset.done $0x0  }
0xc9: {  	s31 =	rddreg [dreg:$0x7];
	[sflag:s29] =	ssyncadd.s32 $0xFFFFD800;
	s22 =	sadd.s32 $0x0, s2  }
0xca: {  	[tilespmem:s15], [sflag:$0x4] =	stream.linear.gather [hbm4b:s22+s3], $0x50, $0x38;
	[tilespmem:$0x1E400] =	vst v63  }
0xcb: {  	s30 =	sadd.s32 $0x0, s31  }
0xcc: {  	[tilespmem:s16], [sflag:$0x4] =	stream.linear.gather [hbm4b:s30+s3], $0x50, $0x38;
	[tilespmem:$0x1E400] =	vst v63  }
0xcd: {  	_ =	swait.ge [sflag:s17], $0x50  }
0xce: {  	[sflag:s17] =	ssyncset.done $0x0  }
0xcf: {  	[sflag:s17] =	ssyncadd.s32 $0xFFFFFFB0  }
0xd0: {  	_ =	swait.ge [sflag:s17], $0x50  }
0xd1: {  	[sflag:s17] =	ssyncset.done $0x0  }
0xd2: {  	[sflag:s17] =	ssyncadd.s32 $0xFFFFFFB0  }
0xd3: {  	[tilespmem:s18], [sflag:$0x7] =	stream.indirect.gather [hbm4b:s4+s9], $0x80, s10, s9, $0xb8;
	[tilespmem:$0x1E400] =	vst v63  }
0xd4: {  	_ =	swait.ge [sflag:s19], $0x2800  }
0xd5: {  	[sflag:s19] =	ssyncset.done $0x0  }
0xd6: {  	[sflag:s19] =	ssyncadd.s32 $0xFFFFD800  }
0xd7: {  	[spmem:s1] =	stream.indirect.scatter.add.f32 [tilespmem:s13], [sflag:$0xA], $0x80, s7, s9, $0xb8;
	[tilespmem:$0x1E400] =	vst v63  }
0xd8: {  	_ =	swait.ge [sflag:s20], $0x2800  }
0xd9: {  	s2 =	rddreg [dreg:$0x6];
	[sflag:s20] =	ssyncset.done $0x0  }
0xda: {  	s31 =	rddreg [dreg:$0x5];
	[sflag:s20] =	ssyncadd.s32 $0xFFFFD800;
	s22 =	sadd.s32 $0x0, s2  }
0xdb: {  	[tilespmem:s3], [sflag:$0x1] =	stream.linear.gather [hbm4b:s22+s3], $0x50, $0x38;
	[tilespmem:$0x1E400] =	vst v63  }
0xdc: {  	s30 =	sadd.s32 $0x0, s31  }
0xdd: {  	[tilespmem:s5], [sflag:$0x1] =	stream.linear.gather [hbm4b:s30+s3], $0x50, $0x38;
	[tilespmem:$0x1E400] =	vst v63  }
0xde: {  	_ =	swait.ge [sflag:s21], $0x50  }
0xdf: {  	[sflag:s21] =	ssyncset.done $0x0  }
0xe0: {  	[sflag:s21] =	ssyncadd.s32 $0xFFFFFFB0  }
0xe1: {  	_ =	swait.ge [sflag:s21], $0x50  }
0xe2: {  	[sflag:s21] =	ssyncset.done $0x0  }
0xe3: {  	[sflag:s21] =	ssyncadd.s32 $0xFFFFFFB0  }
0xe4: {  	[tilespmem:s23], [sflag:$0x8] =	stream.indirect.gather [hbm4b:s4+s9], $0x80, s15, s9, $0xb8;
	[tilespmem:$0x1E400] =	vst v63  }
0xe5: {  	_ =	swait.ge [sflag:s24], $0x2800  }
0xe6: {  	[sflag:s24] =	ssyncset.done $0x0  }
0xe7: {  	[sflag:s24] =	ssyncadd.s32 $0xFFFFD800  }
0xe8: {  	[spmem:s1] =	stream.indirect.scatter.add.f32 [tilespmem:s18], [sflag:$0xB], $0x80, s11, s9, $0xb8;
	[tilespmem:$0x1E400] =	vst v63  }
0xe9: {  	_ =	swait.ge [sflag:s25], $0x2800  }
0xea: {  	s2 =	rddreg [dreg:$0x4];
	[sflag:s25] =	ssyncset.done $0x0  }
0xeb: {  	s31 =	rddreg [dreg:$0x3];
	[sflag:s25] =	ssyncadd.s32 $0xFFFFD800;
	s22 =	sadd.s32 $0x0, s2  }
0xec: {  	[tilespmem:s6], [sflag:$0x2] =	stream.linear.gather [hbm4b:s22+s3], $0x50, $0x38;
	[tilespmem:$0x1E400] =	vst v63  }
0xed: {  	s30 =	sadd.s32 $0x0, s31  }
0xee: {  	[tilespmem:s7], [sflag:$0x2] =	stream.linear.gather [hbm4b:s30+s3], $0x50, $0x38;
	[tilespmem:$0x1E400] =	vst v63  }
0xef: {  	_ =	swait.ge [sflag:s8], $0x50  }
0xf0: {  	[sflag:s8] =	ssyncset.done $0x0  }
0xf1: {  	[sflag:s8] =	ssyncadd.s32 $0xFFFFFFB0  }
0xf2: {  	_ =	swait.ge [sflag:s8], $0x50  }
0xf3: {  	[sflag:s8] =	ssyncset.done $0x0  }
0xf4: {  	[sflag:s8] =	ssyncadd.s32 $0xFFFFFFB0  }
0xf5: {  	[tilespmem:s0], [sflag:$0x5] =	stream.indirect.gather [hbm4b:s4+s9], $0x80, s3, s9, $0xb8;
	[tilespmem:$0x1E400] =	vst v63  }
0xf6: {  	_ =	swait.ge [sflag:s26], $0x2800  }
0xf7: {  	[sflag:s26] =	ssyncset.done $0x0  }
0xf8: {  	s31 =	simm.s32 $0x28;
	[sflag:s26] =	ssyncadd.s32 $0xFFFFD800  }
.LBB2_4:
0xf9: {  	[spmem:s1] =	stream.indirect.scatter.add.f32 [tilespmem:s23], [sflag:$0xC], $0x80, s16, s9, $0xb8;
	[tilespmem:$0x1E400] =	vst v63  }
0xfa: {  	_ =	swait.ge [sflag:s28], $0x2800  }
0xfb: {  	s22 =	smov.u32 s31;
	s30 =	rddreg [dreg:$0xa];
	[sflag:s28] =	ssyncset.done $0x0  }
0xfc: {  	s2 =	rddreg [dreg:$0x9];
	[sflag:s28] =	ssyncadd.s32 $0xFFFFD800;
	s30 =	sadd.s32 s22, s30  }
0xfd: {  	[tilespmem:s10], [sflag:$0x3] =	stream.linear.gather [hbm4b:s30+s3], $0x50, $0x38;
	[tilespmem:$0x1E400] =	vst v63  }
0xfe: {  	s2 =	sadd.s32 s22, s2  }
0xff: {  	[tilespmem:s11], [sflag:$0x3] =	stream.linear.gather [hbm4b:s2+s3], $0x50, $0x38;
	[tilespmem:$0x1E400] =	vst v63  }
0x100: {  	_ =	swait.ge [sflag:s12], $0x50  }
0x101: {  	[sflag:s12] =	ssyncset.done $0x0  }
0x102: {  	[sflag:s12] =	ssyncadd.s32 $0xFFFFFFB0  }
0x103: {  	_ =	swait.ge [sflag:s12], $0x50  }
0x104: {  	[sflag:s12] =	ssyncset.done $0x0  }
0x105: {  	[sflag:s12] =	ssyncadd.s32 $0xFFFFFFB0  }
0x106: {  	[tilespmem:s13], [sflag:$0x6] =	stream.indirect.gather [hbm4b:s4+s9], $0x80, s6, s9, $0xb8;
	[tilespmem:$0x1E400] =	vst v63  }
0x107: {  	_ =	swait.ge [sflag:s14], $0x2800  }
0x108: {  	[sflag:s14] =	ssyncset.done $0x0  }
0x109: {  	[sflag:s14] =	ssyncadd.s32 $0xFFFFD800  }
0x10a: {  	[spmem:s1] =	stream.indirect.scatter.add.f32 [tilespmem:s0], [sflag:$0x9], $0x80, s5, s9, $0xb8;
	[tilespmem:$0x1E400] =	vst v63  }
0x10b: {  	_ =	swait.ge [sflag:s29], $0x2800  }
0x10c: {  	s2 =	rddreg [dreg:$0x8];
	[sflag:s29] =	ssyncset.done $0x0  }
0x10d: {  	s30 =	rddreg [dreg:$0x7];
	[sflag:s29] =	ssyncadd.s32 $0xFFFFD800;
	s2 =	sadd.s32 s22, s2  }
0x10e: {  	[tilespmem:s15], [sflag:$0x4] =	stream.linear.gather [hbm4b:s2+s3], $0x50, $0x38;
	[tilespmem:$0x1E400] =	vst v63  }
0x10f: {  	s30 =	sadd.s32 s22, s30  }
0x110: {  	[tilespmem:s16], [sflag:$0x4] =	stream.linear.gather [hbm4b:s30+s3], $0x50, $0x38;
	[tilespmem:$0x1E400] =	vst v63  }
0x111: {  	_ =	swait.ge [sflag:s17], $0x50  }
0x112: {  	[sflag:s17] =	ssyncset.done $0x0  }
0x113: {  	[sflag:s17] =	ssyncadd.s32 $0xFFFFFFB0  }
0x114: {  	_ =	swait.ge [sflag:s17], $0x50  }
0x115: {  	[sflag:s17] =	ssyncset.done $0x0  }
0x116: {  	[sflag:s17] =	ssyncadd.s32 $0xFFFFFFB0  }
0x117: {  	[tilespmem:s18], [sflag:$0x7] =	stream.indirect.gather [hbm4b:s4+s9], $0x80, s10, s9, $0xb8;
	[tilespmem:$0x1E400] =	vst v63  }
0x118: {  	_ =	swait.ge [sflag:s19], $0x2800  }
0x119: {  	[sflag:s19] =	ssyncset.done $0x0  }
0x11a: {  	[sflag:s19] =	ssyncadd.s32 $0xFFFFD800  }
0x11b: {  	[spmem:s1] =	stream.indirect.scatter.add.f32 [tilespmem:s13], [sflag:$0xA], $0x80, s7, s9, $0xb8;
	[tilespmem:$0x1E400] =	vst v63  }
0x11c: {  	_ =	swait.ge [sflag:s20], $0x2800  }
0x11d: {  	s2 =	rddreg [dreg:$0x6];
	[sflag:s20] =	ssyncset.done $0x0  }
0x11e: {  	s30 =	rddreg [dreg:$0x5];
	[sflag:s20] =	ssyncadd.s32 $0xFFFFD800;
	s2 =	sadd.s32 s22, s2  }
0x11f: {  	[tilespmem:s3], [sflag:$0x1] =	stream.linear.gather [hbm4b:s2+s3], $0x50, $0x38;
	[tilespmem:$0x1E400] =	vst v63  }
0x120: {  	s30 =	sadd.s32 s22, s30  }
0x121: {  	[tilespmem:s5], [sflag:$0x1] =	stream.linear.gather [hbm4b:s30+s3], $0x50, $0x38;
	[tilespmem:$0x1E400] =	vst v63  }
0x122: {  	_ =	swait.ge [sflag:s21], $0x50  }
0x123: {  	[sflag:s21] =	ssyncset.done $0x0  }
0x124: {  	[sflag:s21] =	ssyncadd.s32 $0xFFFFFFB0  }
0x125: {  	_ =	swait.ge [sflag:s21], $0x50  }
0x126: {  	[sflag:s21] =	ssyncset.done $0x0  }
0x127: {  	[sflag:s21] =	ssyncadd.s32 $0xFFFFFFB0  }
0x128: {  	[tilespmem:s23], [sflag:$0x8] =	stream.indirect.gather [hbm4b:s4+s9], $0x80, s15, s9, $0xb8;
	[tilespmem:$0x1E400] =	vst v63  }
0x129: {  	_ =	swait.ge [sflag:s24], $0x2800  }
0x12a: {  	[sflag:s24] =	ssyncset.done $0x0  }
0x12b: {  	[sflag:s24] =	ssyncadd.s32 $0xFFFFD800  }
0x12c: {  	[spmem:s1] =	stream.indirect.scatter.add.f32 [tilespmem:s18], [sflag:$0xB], $0x80, s11, s9, $0xb8;
	[tilespmem:$0x1E400] =	vst v63  }
0x12d: {  	_ =	swait.ge [sflag:s25], $0x2800  }
0x12e: {  	s2 =	rddreg [dreg:$0x4];
	[sflag:s25] =	ssyncset.done $0x0  }
0x12f: {  	s30 =	rddreg [dreg:$0x3];
	[sflag:s25] =	ssyncadd.s32 $0xFFFFD800;
	s2 =	sadd.s32 s22, s2  }
0x130: {  	[tilespmem:s6], [sflag:$0x2] =	stream.linear.gather [hbm4b:s2+s3], $0x50, $0x38;
	[tilespmem:$0x1E400] =	vst v63  }
0x131: {  	s30 =	sadd.s32 s22, s30  }
0x132: {  	[tilespmem:s7], [sflag:$0x2] =	stream.linear.gather [hbm4b:s30+s3], $0x50, $0x38;
	[tilespmem:$0x1E400] =	vst v63  }
0x133: {  	_ =	swait.ge [sflag:s8], $0x50  }
0x134: {  	[sflag:s8] =	ssyncset.done $0x0  }
0x135: {  	[sflag:s8] =	ssyncadd.s32 $0xFFFFFFB0  }
0x136: {  	_ =	swait.ge [sflag:s8], $0x50  }
0x137: {  	p0 =	sne.s32 s31, $0x488;
	[sflag:s8] =	ssyncset.done $0x0  }
.Ltmp1:
0x138: {  	[sflag:s8] =	ssyncadd.s32 $0xFFFFFFB0;
	(pc) =	sbr.rel @p0 .LBB2_4-.Ltmp1, $4  }
0x139: {  	[tilespmem:s0], [sflag:$0x5] =	stream.indirect.gather [hbm4b:s4+s9], $0x80, s3, s9, $0xb8;
	[tilespmem:$0x1E400] =	vst v63  }
0x13a: {  	_ =	swait.ge [sflag:s26], $0x2800  }
0x13b: {  	[sflag:s26] =	ssyncset.done $0x0  }
0x13c: {  	s31 =	sadd.s32 $0x28, s31;
	[sflag:s26] =	ssyncadd.s32 $0xFFFFD800  }
0x13d: {  	[spmem:s1] =	stream.indirect.scatter.add.f32 [tilespmem:s23], [sflag:$0xC], $0x80, s16, s9, $0xb8;
	[tilespmem:$0x1E400] =	vst v63  }
0x13e: {  	_ =	swait.ge [sflag:s28], $0x2800  }
0x13f: {  	[sflag:s28] =	ssyncset.done $0x0  }
0x140: {  	s2 =	rddreg [dreg:$0x17];
	[sflag:s28] =	ssyncadd.s32 $0xFFFFD800  }
0x141: {  	[tilespmem:s10], [sflag:$0x3] =	stream.linear.gather [hbm4b:s2+s3], $0x50, $0x38;
	[tilespmem:$0x1E400] =	vst v63  }
0x142: {  	s22 =	rddreg [dreg:$0x18]  }
0x143: {  	[tilespmem:s11], [sflag:$0x3] =	stream.linear.gather [hbm4b:s22+s3], $0x50, $0x38;
	[tilespmem:$0x1E400] =	vst v63  }
0x144: {  	_ =	swait.ge [sflag:s12], $0x50  }
0x145: {  	[sflag:s12] =	ssyncset.done $0x0  }
0x146: {  	[sflag:s12] =	ssyncadd.s32 $0xFFFFFFB0  }
0x147: {  	_ =	swait.ge [sflag:s12], $0x50  }
0x148: {  	[sflag:s12] =	ssyncset.done $0x0  }
0x149: {  	[sflag:s12] =	ssyncadd.s32 $0xFFFFFFB0  }
0x14a: {  	[tilespmem:s13], [sflag:$0x6] =	stream.indirect.gather [hbm4b:s4+s9], $0x80, s6, s9, $0xb8;
	[tilespmem:$0x1E400] =	vst v63  }
0x14b: {  	_ =	swait.ge [sflag:s14], $0x2800  }
0x14c: {  	[sflag:s14] =	ssyncset.done $0x0  }
0x14d: {  	[sflag:s14] =	ssyncadd.s32 $0xFFFFD800  }
0x14e: {  	[spmem:s1] =	stream.indirect.scatter.add.f32 [tilespmem:s0], [sflag:$0x9], $0x80, s5, s9, $0xb8;
	[tilespmem:$0x1E400] =	vst v63  }
0x14f: {  	_ =	swait.ge [sflag:s29], $0x2800  }
0x150: {  	[sflag:s29] =	ssyncset.done $0x0  }
0x151: {  	s31 =	rddreg [dreg:$0x1a];
	[sflag:s29] =	ssyncadd.s32 $0xFFFFD800  }
0x152: {  	[tilespmem:s15], [sflag:$0x4] =	stream.linear.gather [hbm4b:s31+s3], $0x50, $0x38;
	[tilespmem:$0x1E400] =	vst v63  }
0x153: {  	s22 =	rddreg [dreg:$0x19]  }
0x154: {  	[tilespmem:s16], [sflag:$0x4] =	stream.linear.gather [hbm4b:s22+s3], $0x50, $0x38;
	[tilespmem:$0x1E400] =	vst v63  }
0x155: {  	_ =	swait.ge [sflag:s17], $0x50  }
0x156: {  	[sflag:s17] =	ssyncset.done $0x0  }
0x157: {  	[sflag:s17] =	ssyncadd.s32 $0xFFFFFFB0  }
0x158: {  	_ =	swait.ge [sflag:s17], $0x50  }
0x159: {  	[sflag:s17] =	ssyncset.done $0x0  }
0x15a: {  	[sflag:s17] =	ssyncadd.s32 $0xFFFFFFB0  }
0x15b: {  	[tilespmem:s18], [sflag:$0x7] =	stream.indirect.gather [hbm4b:s4+s9], $0x80, s10, s9, $0xb8;
	[tilespmem:$0x1E400] =	vst v63  }
0x15c: {  	_ =	swait.ge [sflag:s19], $0x2800  }
0x15d: {  	[sflag:s19] =	ssyncset.done $0x0  }
0x15e: {  	[sflag:s19] =	ssyncadd.s32 $0xFFFFD800  }
0x15f: {  	[spmem:s1] =	stream.indirect.scatter.add.f32 [tilespmem:s13], [sflag:$0xA], $0x80, s7, s9, $0xb8;
	[tilespmem:$0x1E400] =	vst v63  }
0x160: {  	_ =	swait.ge [sflag:s21], $0x50  }
0x161: {  	[sflag:s21] =	ssyncset.done $0x0  }
0x162: {  	[sflag:s21] =	ssyncadd.s32 $0xFFFFFFB0  }
0x163: {  	_ =	swait.ge [sflag:s21], $0x50  }
0x164: {  	[sflag:s21] =	ssyncset.done $0x0  }
0x165: {  	[sflag:s21] =	ssyncadd.s32 $0xFFFFFFB0  }
0x166: {  	[tilespmem:s23], [sflag:$0x8] =	stream.indirect.gather [hbm4b:s4+s9], $0x80, s15, s9, $0xb8;
	[tilespmem:$0x1E400] =	vst v63  }
0x167: {  	_ =	swait.ge [sflag:s24], $0x2800  }
0x168: {  	[sflag:s24] =	ssyncset.done $0x0  }
0x169: {  	[sflag:s24] =	ssyncadd.s32 $0xFFFFD800  }
0x16a: {  	[spmem:s1] =	stream.indirect.scatter.add.f32 [tilespmem:s18], [sflag:$0xB], $0x80, s11, s9, $0xb8;
	[tilespmem:$0x1E400] =	vst v63  }
0x16b: {  	_ =	swait.ge [sflag:s26], $0x2800  }
0x16c: {  	[sflag:s26] =	ssyncset.done $0x0  }
0x16d: {  	[sflag:s26] =	ssyncadd.s32 $0xFFFFD800  }
0x16e: {  	[spmem:s1] =	stream.indirect.scatter.add.f32 [tilespmem:s23], [sflag:$0xC], $0x80, s16, s9, $0xb8;
	[tilespmem:$0x1E400] =	vst v63  }
0x16f: {  	_ =	swait.ge [sflag:s20], $0x2800  }
0x170: {  	[sflag:s20] =	ssyncset.done $0x0  }
0x171: {  	[sflag:s20] =	ssyncadd.s32 $0xFFFFD800  }
0x172: {  	_ =	swait.ge [sflag:s25], $0x2800  }
0x173: {  	[sflag:s25] =	ssyncset.done $0x0  }
0x174: {  	[sflag:s25] =	ssyncadd.s32 $0xFFFFD800  }
0x175: {  	_ =	swait.ge [sflag:s28], $0x2800  }
0x176: {  	[sflag:s28] =	ssyncset.done $0x0  }
0x177: {  	[sflag:s28] =	ssyncadd.s32 $0xFFFFD800  }
0x178: {  	_ =	swait.ge [sflag:s29], $0x2800  }
0x179: {  	[sflag:s29] =	ssyncset.done $0x0  }
0x17a: {  	[sflag:s29] =	ssyncadd.s32 $0xFFFFD800  }
0x17b: {  	s31 =	stileid.u32;
	[bflag:$0x0] =	sbarrier.arrive $0xFFFF  }
0x17c: {  	s2 =	sshll.u32 s31, $0x6;
	s22 =	rddreg [dreg:$0x1c]  }
0x17d: {  	s2 =	sor.u32 $0x1C0D, s2;
	s30 =	rddreg [dreg:$0x1b];
	s22 =	sshrl.u32 s22, $0x3  }
0x17e: {  	[hbm:s30], [sflag:s2] =	dma.local [spmem:s22], $0x2800  }
0x17f: {  	s30 =	simm.s32 $0xD  }
0x180: {  	_ =	swait.ge [sflag:s30], $0x2800  }
0x181: {  	s2 =	sld [smem:$0x7F8];
	_ =	sdelay $0x2  }
0x182: {  	s31 =	rddreg [dreg:$0x1d];
	s22 =	sadd.s32 $0x1, s2  }
0x183: {  	p0 =	sne.s32 s22, s31  }
.Ltmp2:
0x184: {  	_ = 	snop;
	(pc) =	sbr.rel @p0 .LBB2_1-.Ltmp2, $3  }
0x185: {  	_ =	sdelay $0x1  }
0x186: {  	[sflag:s30] =	ssyncset.done $0x0  }
0x187: {  	[sflag:s30] =	ssyncadd.s32 $0xFFFFD800  }
0x188: {  	_ =	sfence.sel $0x180000  }
0x189: {  	[bflag:$0x0] =	sbarrier.arrive $0xFFFF  }
0x18a: {  	_ =	strace $0x9000004A  }
0x18b: {  	s0 =	stileid.u32;
	[bflag:$0x2] =	sbarrier.arrive $0xFFFF  }
0x18c: {  	p0 =	sne.s32 s0, $0x0;
	s0 =	rddreg [dreg:$0x2]  }
0x18d: {  	s0 =	sadd.s32 @!p0 $0x100000, s0  }
0x18e: {  	[sflag:s0] =	ssyncadd.tile.s32 @!p0 $0x1;
	_ =	shalt  }
.Lfunc_end2:
_tile_overlayer_lowered:
.L_overlay_start_2:
0x18f: {  	(tag) =	ssettag $0x2  }
0x190: {  	s0 =	rddreg [dreg:$0x0];
	s2 =	stileid.u32  }
0x191: {  	s1 =	rddreg [dreg:$0x1];
	p0 =	sne.s32 s2, $0x0  }
0x192: {  	s3 =	rddreg [dreg:$0x2];
	[bflag:$0x3] =	sbarrier.arrive $0xFFFF;
	s2 =	simm.s32 @!p0 $0x1C0D  }
0x193: {  	[timem:s3], [sflag:s2] =	dma.local @!p0 [hbm:s0], s1  }
0x194: {  	s0 =	simm.s32 @!p0 $0xD  }
0x195: {  	_ =	swait.ge @!p0 [sflag:s0], s1  }
0x196: {  	s1 =	ssub.s32 @!p0 $0x0, s1;
	[sflag:s0] =	ssyncset.done @!p0 $0x0  }
0x197: {  	[sflag:s0] =	ssyncadd.s32 @!p0 s1  }
0x198: {  	[bflag:$0x3] =	sbarrier.arrive $0xFFFF  }
0x199: {  	_ =	shalt  }

// kernel: kernel.16.cloned.1.call-start
scs
__scs_entry_jumppad:
0x0: {  	(pc) =	sbr.rel $0x88, $3  }
0x1: {  	(tag) =	ssettag $0x0;
	lr =	simm.s32 $0x1  }
0x2: {  	[smem:$0x3F88] =	sst lr;
	_ =	strace $0xD0000000  }
0x3: {  	_ = 	snop  }
0x4: {  	_ = 	snop  }
0x5: {  	_ = 	snop  }
0x6: {  	_ = 	snop  }
0x7: {  	_ = 	snop  }
__scs_overlays_trampoline_lowered:
0x8: {  	[smem:$0x3F97] =	sst s0  }
0x9: {  	[smem:$0x3F98] =	sst s1  }
0xa: {  	[smem:$0x3F99] =	sst s2  }
0xb: {  	[smem:$0x3F9A] =	sst s3  }
0xc: {  	[smem:$0x3F9B] =	sst s4  }
0xd: {  	[smem:$0x3F9C] =	sst s5  }
0xe: {  	[smem:$0x3F9D] =	sst s6  }
0xf: {  	[smem:$0x3F9E] =	sst s7  }
0x10: {  	[smem:$0x3F9F] =	sst s8  }
0x11: {  	[smem:$0x3FA0] =	sst s9;
	s0 =	simm.s32 @!p0 $0x0  }
0x12: {  	s1 =	sld [smem:$0x3F86];
	s0 =	simm.s32 @p0 $0x1  }
0x13: {  	[smem:$0x3FA1] =	sst s0;
	s0 =	simm.s32 @!p1 $0x0  }
0x14: {  	s2 =	sld [smem:$0x3F85];
	s0 =	simm.s32 @p1 $0x1  }
0x15: {  	[smem:$0x3FA2] =	sst s0;
	s0 =	simm.s32 @!p2 $0x0  }
0x16: {  	s3 =	sld [smem:$0x3FDB];
	s0 =	simm.s32 @p2 $0x1  }
0x17: {  	s4 =	simm.s32 $0x1BF5;
	[smem:$0x3FA4] =	sst s0  }
0x18: {  	s0 =	sld [smem:$0x3F87];
	_ =	swait.ge [sflag:s4], $0x0  }
0x19: {  	s7 =	sld [smem:$0x3F88]  }
0x1a: {  	s8 =	sadd.s32 $0xFFFFE003, lr  }
0x1b: {  	s9 =	sadd.s32 $0xFFFFFEF7, lr;
	s5 =	simm.s32 $0xFFFFFFFF;
	p2 =	slt.u32 s8, $0xFFFFF086  }
0x1c: {  	p1 =	slt.u32 s9, $0xF7A;
	s5 =	simm.s32 @!p2 $0x0  }
0x1d: {  	s5 =	simm.s32 @p1 $0x1;
	p0 =	seq.s32 s7, s2  }
0x1e: {  	s7 =	smul.u32 @!p0 $0xF7A, s2;
	p2 =	seq.s32 @!p0 s5, $0x0  }
0x1f: {  	s9 =	smul.u32 $0xF7A, s1;
	s8 =	simm.s32 @!p0 $0x1BF5;
	p2 =	por !p2, p0  }
0x20: {  	[sflag:s8] =	ssyncset.s32 @!p0 $0xFFFFF086;
	s6 =	sadd.s32 @!p0 s3, s7;
	s7 =	simm.s32 @!p0 $0x108  }
0x21: {  	s3 =	sadd.s32 s3, s9;
	s6 =	sadd.s32 @!p0 $0x88, s6;
	s7 =	simm.s32 @p2 $0x1082  }
0x22: {  	[simem:s7], [sflag:s8] =	dma.local @!p0 [hbm:s6], $0xF7A  }
0x23: {  	s9 =	sor.u32 $0xD0000000, s2;
	s6 =	simm.s32 $0x108;
	_ =	swait.ge @!p0 [sflag:s8], $0x0  }
0x24: {  	s3 =	sadd.s32 $0x88, s3;
	s6 =	simm.s32 @!p1 $0x1082;
	[sflag:s4] =	ssyncset.s32 $0xFFFFF086  }
0x25: {  	[simem:s6], [sflag:s4] =	dma.local [hbm:s3], $0xF7A  }
0x26: {  	[smem:$0x3F88] =	sst s1;
	(tag) =	ssettag s2;
	_ =	strace s9  }
0x27: {  	s1 =	sld [smem:$0x3F98]  }
0x28: {  	s2 =	sld [smem:$0x3F99]  }
0x29: {  	s4 =	sld [smem:$0x3F9B]  }
0x2a: {  	p0 =	seq.s32 s5, $0x0;
	s5 =	sld [smem:$0x3F9C]  }
0x2b: {  	s6 =	sld [smem:$0x3F9D]  }
0x2c: {  	s7 =	sld [smem:$0x3F9E]  }
0x2d: {  	s3 =	simm.s32 $0x108;
	s8 =	sld [smem:$0x3F9F]  }
0x2e: {  	s3 =	simm.s32 @!p0 $0x1082;
	s9 =	sld [smem:$0x3FA0]  }
0x2f: {  	lr =	sadd.s32 s0, s3;
	s0 =	sld [smem:$0x3F97]  }
0x30: {  	s3 =	sld [smem:$0x3F9A]  }
0x31: {  	[smem:$0x3FA3] =	sst s10  }
0x32: {  	s10 =	sld [smem:$0x3FA1];
	_ =	sdelay $0x3  }
0x33: {  	p0 =	seq.s32 s10, $0x1;
	s10 =	sld [smem:$0x3FA3];
	_ =	sdelay $0x3  }
0x34: {  	[smem:$0x3FA3] =	sst s10  }
0x35: {  	s10 =	sld [smem:$0x3FA2];
	_ =	sdelay $0x3  }
0x36: {  	p1 =	seq.s32 s10, $0x1;
	s10 =	sld [smem:$0x3FA3];
	_ =	sdelay $0x3  }
0x37: {  	[smem:$0x3FA3] =	sst s10  }
0x38: {  	s10 =	sld [smem:$0x3FA4]  }
0x39: {  	_ = 	snop;
	(pc) =	sbr.ind lr, $3  }
0x3a: {  	_ = 	snop  }
0x3b: {  	_ = 	snop  }
0x3c: {  	p2 =	seq.s32 s10, $0x1;
	s10 =	sld [smem:$0x3FA3]  }
0x3d: {  	_ =	shalt  }
0x3e: {  	_ =	shalt  }
0x3f: {  	_ =	shalt  }
0x40: {  	_ =	shalt  }
0x41: {  	_ =	shalt  }
0x42: {  	_ =	shalt  }
0x43: {  	_ =	shalt  }
0x44: {  	_ =	shalt  }
0x45: {  	_ =	shalt  }
0x46: {  	_ =	shalt  }
0x47: {  	_ =	shalt  }
0x48: {  	_ =	shalt  }
0x49: {  	_ =	shalt  }
0x4a: {  	_ =	shalt  }
0x4b: {  	_ =	shalt  }
0x4c: {  	_ =	shalt  }
0x4d: {  	_ =	shalt  }
0x4e: {  	_ =	shalt  }
0x4f: {  	_ =	shalt  }
0x50: {  	_ =	shalt  }
0x51: {  	_ =	shalt  }
0x52: {  	_ =	shalt  }
0x53: {  	_ =	shalt  }
0x54: {  	_ =	shalt  }
0x55: {  	_ =	shalt  }
0x56: {  	_ =	shalt  }
0x57: {  	_ =	shalt  }
0x58: {  	_ =	shalt  }
0x59: {  	_ =	shalt  }
0x5a: {  	_ =	shalt  }
0x5b: {  	_ =	shalt  }
0x5c: {  	_ =	shalt  }
0x5d: {  	_ =	shalt  }
0x5e: {  	_ =	shalt  }
0x5f: {  	_ =	shalt  }
0x60: {  	_ =	shalt  }
0x61: {  	_ =	shalt  }
0x62: {  	_ =	shalt  }
0x63: {  	_ =	shalt  }
0x64: {  	_ =	shalt  }
0x65: {  	_ =	shalt  }
0x66: {  	_ =	shalt  }
0x67: {  	_ =	shalt  }
0x68: {  	_ =	shalt  }
0x69: {  	_ =	shalt  }
0x6a: {  	_ =	shalt  }
0x6b: {  	_ =	shalt  }
0x6c: {  	_ =	shalt  }
0x6d: {  	_ =	shalt  }
0x6e: {  	_ =	shalt  }
0x6f: {  	_ =	shalt  }
0x70: {  	_ =	shalt  }
0x71: {  	_ =	shalt  }
0x72: {  	_ =	shalt  }
0x73: {  	_ =	shalt  }
0x74: {  	_ =	shalt  }
0x75: {  	_ =	shalt  }
0x76: {  	_ =	shalt  }
0x77: {  	_ =	shalt  }
0x78: {  	_ =	shalt  }
0x79: {  	_ =	shalt  }
0x7a: {  	_ =	shalt  }
0x7b: {  	_ =	shalt  }
0x7c: {  	_ =	shalt  }
0x7d: {  	_ =	shalt  }
0x7e: {  	_ =	shalt  }
0x7f: {  	_ =	shalt  }
0x80: {  	_ =	shalt  }
0x81: {  	_ =	shalt  }
0x82: {  	_ =	shalt  }
0x83: {  	_ =	shalt  }
0x84: {  	_ =	shalt  }
0x85: {  	_ =	shalt  }
0x86: {  	_ =	shalt  }
0x87: {  	_ =	shalt  }
.Lfunc_end0:
.L_simem_size_0:
called_computation.2_lowered:
.L_overlay_start_0:
0x88: {  	s2 =	sld [smem:$0x3FD9]  }
0x89: {  	s3 =	sld [smem:$0x3FFE];
	_ =	sdelay $0x1  }
0x8a: {  	s1 =	srdreg.scid  }
0x8b: {  	s0 =	sand.u32 $0x1, s1  }
0x8c: {  	s16 =	sshll.u32 s0, $0xA;
	s2 =	sadd.s32 s3, s2  }
0x8d: {  	s2 =	sadd.s32 s2, s16  }
0x8e: {  	[smem:$0x3FAF] =	sst s2  }
0x8f: {  	_ = 	snop  }
0x90: {  	(tm) =	ssettm $0x1  }
0x91: {  	s17 =	sld [smem:$0x3FFB];
	_ =	sdelay $0x3  }
0x92: {  	_ =	strace s17  }
0x93: {  	s2 =	sld [smem:$0x3FFC];
	_ =	sdelay $0x3  }
0x94: {  	_ =	strace s2  }
0x95: {  	s2 =	sld [smem:$0x3FFD];
	_ =	sdelay $0x3  }
0x96: {  	_ =	strace s2  }
0x97: {  	_ =	strace $0x8FFFFFFF  }
0x98: {  	s18 =	sld [smem:$0x3FDB];
	_ =	sdelay $0x1  }
0x99: {  	s19 =	simm.s32 $_scs_section_size  }
0x9a: {  	s4 =	simm.s32 $_size__tile_overlayer_lowered;
	s5 =	simm.s32 $_tile_overlayer_lowered  }
0x9b: {  	s22 =	simm.s32 $0x1BFF;
	s21 =	sshll.u32 s5, $0x1;
	s2 =	sadd.s32 s19, s18  }
0x9c: {  	s6 =	simm.s32 $0x0;
	s20 =	sshll.u32 s4, $0x1;
	s4 =	sadd.s32 s21, s2  }
0x9d: {  	[timem:s6], [sflag:s22] =	dma.local [hbm:s4], s20  }
0x9e: {  	_ =	swait.ge [sflag:s22], s20  }
0x9f: {  	s3 =	ssub.s32 $0x0, s20;
	[sflag:s22] =	ssyncset.done $0x0  }
0xa0: {  	[sflag:s22] =	ssyncadd.s32 s3;
	_ =	sdelay $0x1  }
0xa1: {  	s23 =	simm.s32 $0x1B8B  }
0xa2: {  	_ =	swait.ge [sflag:s23], $0x1  }
0xa3: {  	[sflag:s23] =	ssyncset.done $0x0  }
0xa4: {  	s25 =	simm.s32 $0x1B8E;
	s24 =	sld [smem:$0x3FFE];
	[sflag:s23] =	ssyncadd.s32 $0xFFFFFFFF  }
0xa5: {  	s26 =	simm.s32 $execute0_lowered;
	[smem:$0x3FD2] =	sst s25  }
0xa6: {  	s4 =	sshll.u32 s26, $0x1;
	_ =	strace $0x8000004C;
	[dreg:$0x1] =	wrdreg $0xFFFFFFFF  }
0xa7: {  	s28 =	simm.s32 $_size_execute0_lowered;
	s2 =	sadd.s32 s2, s4;
	[dreg:$0x0] =	wrdreg $0x0  }
0xa8: {  	s4 =	sshll.u32 s28, $0x1;
	[dreg:$0x2] =	wrdreg s2  }
0xa9: {  	[dreg:$0x3] =	wrdreg s4  }
0xaa: {  	[dreg:$0x4] =	wrdreg $0xC0  }
0xab: {  	_ =	task [dreg:s6], $0x5FFFF  }
0xac: {  	[dreg:$0x1] =	wrdreg $0xFFFFFFFF  }
0xad: {  	[dreg:$0x0] =	wrdreg $0x60  }
0xae: {  	[dreg:$0x2] =	wrdreg s24  }
0xaf: {  	[dreg:$0x3] =	wrdreg $0xA4000  }
0xb0: {  	[dreg:$0x4] =	wrdreg $0x9  }
0xb1: {  	_ =	task.clear_ibuf [dreg:s6], $0x5FFFF;
	_ =	strace $0x9000004C  }
0xb2: {  	s29 =	simm.s32 $0x9;
	_ =	strace $0x8000004E  }
0xb3: {  	_ =	swait.ge [sflag:s29], $0x1  }
0xb4: {  	[sflag:s29] =	ssyncadd.s32 $0xFFFFFFFF  }
0xb5: {  	_ =	strace $0x9000004E  }
0xb6: {  	_ =	sfence  }
0xb7: {  	s30 =	sld [smem:$0x0];
	_ =	sdelay $0x2  }
0xb8: {  	s31 =	sshll.u32 s1, $0xD;
	s1 =	sshrl.u32 s1, $0x2  }
0xb9: {  	s3 =	sand.u32 $0x4000, s31;
	s1 =	sadd.s32 s1, s30  }
0xba: {  	s0 =	sor.u32 s3, s0;
	s1 =	sshll.u32 s1, $0x11  }
0xbb: {  	s0 =	sor.u32 s1, s0  }
0xbc: {  	s0 =	sadd.s32 $0x8F2B, s0  }
0xbd: {  	[sflag:s0] =	ssyncadd.remote.s32 $0x1  }
0xbe: {  	_ =	sfence.sel $0xFFFF  }
0xbf: {  	[dreg:$0x0] =	wrdreg $0xFFFFFFFF;
	(pc) =	sbr.abs _section_cstart, $3  }
0xc0: {  	[dreg:$0x1] =	wrdreg $0xFFFFFFFF  }
0xc1: {  	_ =	task.clear_ibuf [dreg:s6], $0x2FFFF;
	_ =	strace $0x9FFFFFFF  }
0xc2: {  	(tm) =	ssettm $0x7FFFFFFF  }
0xc3: {  	_ =	shalt  }
tec
execute0_lowered:
.L_overlay_start_1:
0x0: {  	(tag) =	ssettag $0x1  }
0x1: {  	s2 =	rddreg [dreg:$0x0]  }
0x2: {  	s1 =	rddreg [dreg:$0x1]  }
0x3: {  	s3 =	simm.s32 $0x0;
	s0 =	srdreg.scid;
	s13 =	stileid.u32  }
0x4: {  	s30 =	simm.s32 $0xD;
	s28 =	simm.s32 $0xB;
	s5 =	sand.u32 $0x1, s0  }
0x5: {  	s29 =	simm.s32 $0xC;
	s7 =	smul.u32 $0x14000, s13;
	s0 =	sshll.u32 s5, $0x4  }
0x6: {  	[smem:$0x7FF] =	sst s3;
	s6 =	smul.u32 $0x140000, s5;
	s4 =	sor.u32 s13, s0  }
0x7: {  	s8 =	sadd.s32 $0x7600, s2;
	_ =	strace $0x8000004D;
	s9 =	smul.u32 $0x2800, s4  }
0x8: {  	s24 =	ssub.s32 $0x2, s5;
	s5 =	smul.u32 $0x28000, s5;
	s0 =	sadd.s32 $0x11600, s2  }
0x9: {  	s10 =	sshrl.u32 s24, $0x1;
	s6 =	sadd.s32 s7, s6;
	s9 =	sshrl.u32 s9, $0x3  }
0xa: {  	s4 =	sadd.s32 $0x2C400, s2;
	s6 =	sshrl.u32 s6, $0x3;
	s25 =	sadd.s32 s0, s9  }
0xb: {  	s2 =	sadd.s32 s6, s2;
	s26 =	sadd.s32 s8, s9;
	[dreg:$0xb] =	wrdreg s25  }
0xc: {  	s6 =	ssub.s32 s24, s10;
	s2 =	sadd.s32 $0x54400, s2;
	[dreg:$0xc] =	wrdreg s26  }
0xd: {  	s31 =	sor.u32 $0xA, s9;
	s6 =	smax.u32 s6, $0x1;
	[dreg:$0x1b] =	wrdreg s2  }
0xe: {  	s12 =	sor.u32 $0x14, s9;
	s11 =	sadd.s32 s0, s31;
	[dreg:$0x1d] =	wrdreg s6  }
0xf: {  	s15 =	sor.u32 $0x1E, s9;
	s7 =	sadd.s32 s8, s31;
	[dreg:$0xd] =	wrdreg s11  }
0x10: {  	s17 =	sor.u32 $0x28, s9;
	s14 =	sadd.s32 s0, s12;
	[dreg:$0xe] =	wrdreg s7  }
0x11: {  	s21 =	sor.u32 $0x32, s9;
	s10 =	sadd.s32 s8, s12;
	[dreg:$0xf] =	wrdreg s14  }
0x12: {  	s16 =	sadd.s32 s0, s15;
	s19 =	sadd.s32 s0, s17;
	[dreg:$0x10] =	wrdreg s10  }
0x13: {  	s24 =	sadd.s32 s0, s21;
	s31 =	sadd.s32 $0x4EC, s9;
	[dreg:$0x11] =	wrdreg s16  }
0x14: {  	s6 =	simm.s32 $0x80;
	s11 =	smul.u32 $0x2800, s13;
	[dreg:$0x13] =	wrdreg s19  }
0x15: {  	s7 =	sadd.s32 s8, s15;
	[dreg:$0x15] =	wrdreg s24;
	s10 =	sadd.s32 s8, s21  }
0x16: {  	s14 =	smul.u32 $0x50000, s13;
	s16 =	sadd.s32 s0, s31;
	[dreg:$0x12] =	wrdreg s7  }
0x17: {  	s13 =	simm.s32 $0x2C00;
	s7 =	sadd.s32 s8, s17;
	[dreg:$0x16] =	wrdreg s10  }
0x18: {  	[dreg:$0x17] =	wrdreg s16;
	s17 =	sadd.s32 $0x4F6, s9;
	s9 =	simm.s32 $0x50  }
0x19: {  	s10 =	simm.s32 $0x100;
	s16 =	simm.s32 $0x380;
	s5 =	sadd.s32 s11, s5  }
0x1a: {  	[dreg:$0x14] =	wrdreg s7;
	s19 =	sshrl.u32 s14, $0x2;
	s18 =	sor.u32 $0x2D0, s5  }
0x1b: {  	s12 =	sor.u32 $0x280, s5;
	s20 =	sshrl.u32 s18, $0x3;
	s18 =	sadd.s32 s8, s31  }
0x1c: {  	s26 =	sor.u32 $0x230, s5;
	s22 =	sadd.s32 s20, s8;
	[dreg:$0x18] =	wrdreg s18  }
0x1d: {  	s23 =	sshrl.u32 s12, $0x3;
	s7 =	sadd.s32 s20, s0;
	[dreg:$0x3] =	wrdreg s22  }
0x1e: {  	s5 =	sor.u32 $0x1E0, s5;
	s25 =	sadd.s32 s23, s8;
	[dreg:$0x4] =	wrdreg s7  }
0x1f: {  	s5 =	sshrl.u32 s5, $0x3;
	s11 =	sadd.s32 s23, s0;
	[dreg:$0x5] =	wrdreg s25  }
0x20: {  	s14 =	simm.s32 $0x5;
	s15 =	sadd.s32 s5, s8;
	[dreg:$0x6] =	wrdreg s11  }
0x21: {  	s20 =	sadd.s32 s19, s1;
	s18 =	simm.s32 $0x5400;
	[dreg:$0x9] =	wrdreg s15  }
0x22: {  	s19 =	simm.s32 $0x6;
	s21 =	sadd.s32 $0x2800, s20;
	[dreg:$0x1c] =	wrdreg s20  }
0x23: {  	s7 =	sshrl.u32 s26, $0x3;
	s22 =	sadd.s32 $0x5000, s20;
	[dreg:$0x1e] =	wrdreg s21  }
0x24: {  	s23 =	sadd.s32 $0x7800, s20;
	s24 =	sadd.s32 $0xA000, s20;
	[dreg:$0x1f] =	wrdreg s22  }
0x25: {  	s25 =	sadd.s32 $0xC800, s20;
	s26 =	sadd.s32 $0xF000, s20;
	[smem:$0x7F9] =	sst s23  }
0x26: {  	s31 =	sadd.s32 $0x11800, s20;
	s11 =	simm.s32 $0x300;
	[smem:$0x7FA] =	sst s24  }
0x27: {  	s15 =	simm.s32 $0x180;
	s20 =	simm.s32 $0x9;
	[smem:$0x7FB] =	sst s25  }
0x28: {  	s12 =	sadd.s32 s7, s8;
	s7 =	sadd.s32 s7, s0;
	[smem:$0x7FC] =	sst s26  }
0x29: {  	s8 =	sadd.s32 s8, s17;
	[smem:$0x7FD] =	sst s31;
	s21 =	simm.s32 $0x4  }
0x2a: {  	s23 =	simm.s32 $0x7C00;
	s24 =	simm.s32 $0x7;
	[dreg:$0x7] =	wrdreg s12  }
0x2b: {  	s25 =	simm.s32 $0xA;
	s26 =	simm.s32 $0x8;
	[dreg:$0x8] =	wrdreg s7  }
0x2c: {  	s22 =	simm.s32 $0x0;
	[dreg:$0x19] =	wrdreg s8;
	s7 =	sadd.s32 s0, s17  }
0x2d: {  	s0 =	sadd.s32 s5, s0;
	s5 =	simm.s32 $0x200;
	s8 =	simm.s32 $0x1  }
0x2e: {  	s12 =	simm.s32 $0x2;
	s17 =	simm.s32 $0x3;
	[dreg:$0x1a] =	wrdreg s7  }
0x2f: {  	v0 =	vimm.f32 $0.0e+00;
	[dreg:$0xa] =	wrdreg s0;
	s0 =	simm.s32 $0x400;
	s7 =	simm.s32 $0x280  }
.LBB2_1:
0x30: {  	[smem:$0x7F8] =	sst s22;
	s22 =	simm.s32 $0x0;
	s31 =	simm.s32 $0x200  }
.LBB2_2:
0x31: {  	p0 =	sne.s32 s31, $0x9E00;
	[tilespmem:s22+$0x470] =	vst v0  }
0x32: {  	[tilespmem:s22+$0x400] =	vst v0  }
0x33: {  	[tilespmem:s22+$0x410] =	vst v0  }
.Ltmp0:
0x34: {  	[tilespmem:s22+$0x420] =	vst v0;
	(pc) =	sbr.rel @p0 .LBB2_2-.Ltmp0, $4  }
0x35: {  	[tilespmem:s22+$0x430] =	vst v0  }
0x36: {  	[tilespmem:s22+$0x440] =	vst v0  }
0x37: {  	[tilespmem:s22+$0x450] =	vst v0  }
0x38: {  	[tilespmem:s22+$0x460] =	vst v0;
	s22 =	sshra.s32 s31, $0x2;
	s31 =	sadd.s32 $0x200, s31  }
0x39: {  	[tilespmem:s22+$0x470] =	vst v0  }
0x3a: {  	[tilespmem:s22+$0x400] =	vst v0  }
0x3b: {  	[tilespmem:s22+$0x410] =	vst v0  }
0x3c: {  	[tilespmem:s22+$0x420] =	vst v0  }
0x3d: {  	[tilespmem:s22+$0x430] =	vst v0  }
0x3e: {  	[tilespmem:s22+$0x440] =	vst v0  }
0x3f: {  	[tilespmem:s22+$0x450] =	vst v0  }
0x40: {  	[tilespmem:s22+$0x460] =	vst v0;
	s2 =	rddreg [dreg:$0x1c]  }
0x41: {  	[spmem:s2] =	stream.linear.scatter [tilespmem:s0], [sflag:$0xD], $0x2800, $0x38;
	[tilespmem:$0x1E400] =	vst v63  }
0x42: {  	_ =	swait.ge [sflag:s30], $0x2800  }
0x43: {  	[sflag:s30] =	ssyncset.done $0x0  }
0x44: {  	s22 =	rddreg [dreg:$0x1e];
	[sflag:s30] =	ssyncadd.s32 $0xFFFFD800  }
0x45: {  	[spmem:s22] =	stream.linear.scatter [tilespmem:s0], [sflag:$0xD], $0x2800, $0x38;
	[tilespmem:$0x1E400] =	vst v63  }
0x46: {  	_ =	swait.ge [sflag:s30], $0x2800  }
0x47: {  	[sflag:s30] =	ssyncset.done $0x0  }
0x48: {  	s22 =	rddreg [dreg:$0x1f];
	[sflag:s30] =	ssyncadd.s32 $0xFFFFD800  }
0x49: {  	[spmem:s22] =	stream.linear.scatter [tilespmem:s0], [sflag:$0xD], $0x2800, $0x38;
	[tilespmem:$0x1E400] =	vst v63  }
0x4a: {  	_ =	swait.ge [sflag:s30], $0x2800  }
0x4b: {  	s22 =	sld [smem:$0x7F9]  }
0x4c: {  	[sflag:s30] =	ssyncset.done $0x0  }
0x4d: {  	[sflag:s30] =	ssyncadd.s32 $0xFFFFD800  }
0x4e: {  	[spmem:s22] =	stream.linear.scatter [tilespmem:s0], [sflag:$0xD], $0x2800, $0x38;
	[tilespmem:$0x1E400] =	vst v63  }
0x4f: {  	_ =	swait.ge [sflag:s30], $0x2800  }
0x50: {  	s22 =	sld [smem:$0x7FA]  }
0x51: {  	[sflag:s30] =	ssyncset.done $0x0  }
0x52: {  	[sflag:s30] =	ssyncadd.s32 $0xFFFFD800  }
0x53: {  	[spmem:s22] =	stream.linear.scatter [tilespmem:s0], [sflag:$0xD], $0x2800, $0x38;
	[tilespmem:$0x1E400] =	vst v63  }
0x54: {  	_ =	swait.ge [sflag:s30], $0x2800  }
0x55: {  	s22 =	sld [smem:$0x7FB]  }
0x56: {  	[sflag:s30] =	ssyncset.done $0x0  }
0x57: {  	[sflag:s30] =	ssyncadd.s32 $0xFFFFD800  }
0x58: {  	[spmem:s22] =	stream.linear.scatter [tilespmem:s0], [sflag:$0xD], $0x2800, $0x38;
	[tilespmem:$0x1E400] =	vst v63  }
0x59: {  	_ =	swait.ge [sflag:s30], $0x2800  }
0x5a: {  	s22 =	sld [smem:$0x7FC]  }
0x5b: {  	[sflag:s30] =	ssyncset.done $0x0  }
0x5c: {  	[sflag:s30] =	ssyncadd.s32 $0xFFFFD800  }
0x5d: {  	[spmem:s22] =	stream.linear.scatter [tilespmem:s0], [sflag:$0xD], $0x2800, $0x38;
	[tilespmem:$0x1E400] =	vst v63  }
0x5e: {  	_ =	swait.ge [sflag:s30], $0x2800  }
0x5f: {  	s22 =	sld [smem:$0x7FD]  }
0x60: {  	[sflag:s30] =	ssyncset.done $0x0  }
0x61: {  	[sflag:s30] =	ssyncadd.s32 $0xFFFFD800  }
0x62: {  	[spmem:s22] =	stream.linear.scatter [tilespmem:s0], [sflag:$0xD], $0x2800, $0x38;
	[tilespmem:$0x1E400] =	vst v63  }
0x63: {  	_ =	swait.ge [sflag:s30], $0x2800  }
0x64: {  	[sflag:s30] =	ssyncset.done $0x0  }
0x65: {  	[sflag:s30] =	ssyncadd.s32 $0xFFFFD800  }
0x66: {  	[bflag:$0x0] =	sbarrier.arrive $0xFFFF  }
0x67: {  	s22 =	simm.s32 $0x0;
	s30 =	rddreg [dreg:$0xb]  }
0x68: {  	[tilespmem:s22], [sflag:$0x1] =	stream.linear.gather [hbm4b:s30+s22], $0x50, $0x38;
	[tilespmem:$0x1E400] =	vst v63  }
0x69: {  	s30 =	rddreg [dreg:$0xc]  }
0x6a: {  	[tilespmem:s5], [sflag:$0x1] =	stream.linear.gather [hbm4b:s30+s22], $0x50, $0x38;
	[tilespmem:$0x1E400] =	vst v63  }
0x6b: {  	s30 =	rddreg [dreg:$0xd]  }
0x6c: {  	[tilespmem:s6], [sflag:$0x2] =	stream.linear.gather [hbm4b:s30+s22], $0x50, $0x38;
	[tilespmem:$0x1E400] =	vst v63  }
0x6d: {  	s30 =	rddreg [dreg:$0xe]  }
0x6e: {  	[tilespmem:s7], [sflag:$0x2] =	stream.linear.gather [hbm4b:s30+s22], $0x50, $0x38;
	[tilespmem:$0x1E400] =	vst v63  }
0x6f: {  	_ =	swait.ge [sflag:s8], $0x50  }
0x70: {  	[sflag:s8] =	ssyncset.done $0x0  }
0x71: {  	[sflag:s8] =	ssyncadd.s32 $0xFFFFFFB0  }
0x72: {  	_ =	swait.ge [sflag:s8], $0x50  }
0x73: {  	[sflag:s8] =	ssyncset.done $0x0  }
0x74: {  	[sflag:s8] =	ssyncadd.s32 $0xFFFFFFB0  }
0x75: {  	[tilespmem:s0], [sflag:$0x5] =	stream.indirect.gather [hbm4b:s4+s9], $0x80, s22, s9, $0xb8;
	[tilespmem:$0x1E400] =	vst v63  }
0x76: {  	s30 =	rddreg [dreg:$0xf]  }
0x77: {  	[tilespmem:s10], [sflag:$0x3] =	stream.linear.gather [hbm4b:s30+s22], $0x50, $0x38;
	[tilespmem:$0x1E400] =	vst v63  }
0x78: {  	s30 =	rddreg [dreg:$0x10]  }
0x79: {  	[tilespmem:s11], [sflag:$0x3] =	stream.linear.gather [hbm4b:s30+s22], $0x50, $0x38;
	[tilespmem:$0x1E400] =	vst v63  }
0x7a: {  	_ =	swait.ge [sflag:s12], $0x50  }
0x7b: {  	[sflag:s12] =	ssyncset.done $0x0  }
0x7c: {  	[sflag:s12] =	ssyncadd.s32 $0xFFFFFFB0  }
0x7d: {  	_ =	swait.ge [sflag:s12], $0x50  }
0x7e: {  	[sflag:s12] =	ssyncset.done $0x0  }
0x7f: {  	[sflag:s12] =	ssyncadd.s32 $0xFFFFFFB0  }
0x80: {  	[tilespmem:s13], [sflag:$0x6] =	stream.indirect.gather [hbm4b:s4+s9], $0x80, s6, s9, $0xb8;
	[tilespmem:$0x1E400] =	vst v63  }
0x81: {  	_ =	swait.ge [sflag:s14], $0x2800  }
0x82: {  	[sflag:s14] =	ssyncset.done $0x0  }
0x83: {  	[sflag:s14] =	ssyncadd.s32 $0xFFFFD800  }
0x84: {  	[spmem:s1] =	stream.indirect.scatter.add.f32 [tilespmem:s0], [sflag:$0x9], $0x80, s5, s9, $0xb8;
	[tilespmem:$0x1E400] =	vst v63  }
0x85: {  	s30 =	rddreg [dreg:$0x11]  }
0x86: {  	[tilespmem:s15], [sflag:$0x4] =	stream.linear.gather [hbm4b:s30+s22], $0x50, $0x38;
	[tilespmem:$0x1E400] =	vst v63  }
0x87: {  	s30 =	rddreg [dreg:$0x12]  }
0x88: {  	[tilespmem:s16], [sflag:$0x4] =	stream.linear.gather [hbm4b:s30+s22], $0x50, $0x38;
	[tilespmem:$0x1E400] =	vst v63  }
0x89: {  	_ =	swait.ge [sflag:s17], $0x50  }
0x8a: {  	[sflag:s17] =	ssyncset.done $0x0  }
0x8b: {  	[sflag:s17] =	ssyncadd.s32 $0xFFFFFFB0  }
0x8c: {  	_ =	swait.ge [sflag:s17], $0x50  }
0x8d: {  	[sflag:s17] =	ssyncset.done $0x0  }
0x8e: {  	[sflag:s17] =	ssyncadd.s32 $0xFFFFFFB0  }
0x8f: {  	[tilespmem:s18], [sflag:$0x7] =	stream.indirect.gather [hbm4b:s4+s9], $0x80, s10, s9, $0xb8;
	[tilespmem:$0x1E400] =	vst v63  }
0x90: {  	_ =	swait.ge [sflag:s19], $0x2800  }
0x91: {  	[sflag:s19] =	ssyncset.done $0x0  }
0x92: {  	[sflag:s19] =	ssyncadd.s32 $0xFFFFD800  }
0x93: {  	[spmem:s1] =	stream.indirect.scatter.add.f32 [tilespmem:s13], [sflag:$0xA], $0x80, s7, s9, $0xb8;
	[tilespmem:$0x1E400] =	vst v63  }
0x94: {  	_ =	swait.ge [sflag:s20], $0x2800  }
0x95: {  	[sflag:s20] =	ssyncset.done $0x0  }
0x96: {  	s30 =	rddreg [dreg:$0x13];
	[sflag:s20] =	ssyncadd.s32 $0xFFFFD800  }
0x97: {  	[tilespmem:s22], [sflag:$0x1] =	stream.linear.gather [hbm4b:s30+s22], $0x50, $0x38;
	[tilespmem:$0x1E400] =	vst v63  }
0x98: {  	s30 =	rddreg [dreg:$0x14]  }
0x99: {  	[tilespmem:s5], [sflag:$0x1] =	stream.linear.gather [hbm4b:s30+s22], $0x50, $0x38;
	[tilespmem:$0x1E400] =	vst v63  }
0x9a: {  	_ =	swait.ge [sflag:s21], $0x50  }
0x9b: {  	[sflag:s21] =	ssyncset.done $0x0  }
0x9c: {  	[sflag:s21] =	ssyncadd.s32 $0xFFFFFFB0  }
0x9d: {  	_ =	swait.ge [sflag:s21], $0x50  }
0x9e: {  	[sflag:s21] =	ssyncset.done $0x0  }
0x9f: {  	[sflag:s21] =	ssyncadd.s32 $0xFFFFFFB0  }
0xa0: {  	[tilespmem:s23], [sflag:$0x8] =	stream.indirect.gather [hbm4b:s4+s9], $0x80, s15, s9, $0xb8;
	[tilespmem:$0x1E400] =	vst v63  }
0xa1: {  	_ =	swait.ge [sflag:s24], $0x2800  }
0xa2: {  	[sflag:s24] =	ssyncset.done $0x0  }
0xa3: {  	[sflag:s24] =	ssyncadd.s32 $0xFFFFD800  }
0xa4: {  	[spmem:s1] =	stream.indirect.scatter.add.f32 [tilespmem:s18], [sflag:$0xB], $0x80, s11, s9, $0xb8;
	[tilespmem:$0x1E400] =	vst v63  }
0xa5: {  	_ =	swait.ge [sflag:s25], $0x2800  }
0xa6: {  	[sflag:s25] =	ssyncset.done $0x0  }
0xa7: {  	s30 =	rddreg [dreg:$0x15];
	[sflag:s25] =	ssyncadd.s32 $0xFFFFD800  }
0xa8: {  	[tilespmem:s6], [sflag:$0x2] =	stream.linear.gather [hbm4b:s30+s22], $0x50, $0x38;
	[tilespmem:$0x1E400] =	vst v63  }
0xa9: {  	s30 =	rddreg [dreg:$0x16]  }
0xaa: {  	[tilespmem:s7], [sflag:$0x2] =	stream.linear.gather [hbm4b:s30+s22], $0x50, $0x38;
	[tilespmem:$0x1E400] =	vst v63  }
0xab: {  	_ =	swait.ge [sflag:s8], $0x50  }
0xac: {  	[sflag:s8] =	ssyncset.done $0x0  }
0xad: {  	[sflag:s8] =	ssyncadd.s32 $0xFFFFFFB0  }
0xae: {  	_ =	swait.ge [sflag:s8], $0x50  }
0xaf: {  	[sflag:s8] =	ssyncset.done $0x0  }
0xb0: {  	[sflag:s8] =	ssyncadd.s32 $0xFFFFFFB0  }
0xb1: {  	[tilespmem:s0], [sflag:$0x5] =	stream.indirect.gather [hbm4b:s4+s9], $0x80, s22, s9, $0xb8;
	[tilespmem:$0x1E400] =	vst v63  }
0xb2: {  	_ =	swait.ge [sflag:s26], $0x2800  }
0xb3: {  	[sflag:s26] =	ssyncset.done $0x0  }
0xb4: {  	[sflag:s26] =	ssyncadd.s32 $0xFFFFD800  }
0xb5: {  	[spmem:s1] =	stream.indirect.scatter.add.f32 [tilespmem:s23], [sflag:$0xC], $0x80, s16, s9, $0xb8;
	[tilespmem:$0x1E400] =	vst v63  }
0xb6: {  	_ =	swait.ge [sflag:s28], $0x2800  }
0xb7: {  	s2 =	rddreg [dreg:$0xa];
	[sflag:s28] =	ssyncset.done $0x0  }
0xb8: {  	s31 =	rddreg [dreg:$0x9];
	[sflag:s28] =	ssyncadd.s32 $0xFFFFD800;
	s22 =	sadd.s32 $0x0, s2  }
0xb9: {  	[tilespmem:s10], [sflag:$0x3] =	stream.linear.gather [hbm4b:s22+s3], $0x50, $0x38;
	[tilespmem:$0x1E400] =	vst v63  }
0xba: {  	s30 =	sadd.s32 $0x0, s31  }
0xbb: {  	[tilespmem:s11], [sflag:$0x3] =	stream.linear.gather [hbm4b:s30+s3], $0x50, $0x38;
	[tilespmem:$0x1E400] =	vst v63  }
0xbc: {  	_ =	swait.ge [sflag:s12], $0x50  }
0xbd: {  	[sflag:s12] =	ssyncset.done $0x0  }
0xbe: {  	[sflag:s12] =	ssyncadd.s32 $0xFFFFFFB0  }
0xbf: {  	_ =	swait.ge [sflag:s12], $0x50  }
0xc0: {  	[sflag:s12] =	ssyncset.done $0x0  }
0xc1: {  	[sflag:s12] =	ssyncadd.s32 $0xFFFFFFB0  }
0xc2: {  	[tilespmem:s13], [sflag:$0x6] =	stream.indirect.gather [hbm4b:s4+s9], $0x80, s6, s9, $0xb8;
	[tilespmem:$0x1E400] =	vst v63  }
0xc3: {  	_ =	swait.ge [sflag:s14], $0x2800  }
0xc4: {  	[sflag:s14] =	ssyncset.done $0x0  }
0xc5: {  	[sflag:s14] =	ssyncadd.s32 $0xFFFFD800  }
0xc6: {  	[spmem:s1] =	stream.indirect.scatter.add.f32 [tilespmem:s0], [sflag:$0x9], $0x80, s5, s9, $0xb8;
	[tilespmem:$0x1E400] =	vst v63  }
0xc7: {  	_ =	swait.ge [sflag:s29], $0x2800  }
0xc8: {  	s2 =	rddreg [dreg:$0x8];
	[sflag:s29] =	ssyncset.done $0x0  }
0xc9: {  	s31 =	rddreg [dreg:$0x7];
	[sflag:s29] =	ssyncadd.s32 $0xFFFFD800;
	s22 =	sadd.s32 $0x0, s2  }
0xca: {  	[tilespmem:s15], [sflag:$0x4] =	stream.linear.gather [hbm4b:s22+s3], $0x50, $0x38;
	[tilespmem:$0x1E400] =	vst v63  }
0xcb: {  	s30 =	sadd.s32 $0x0, s31  }
0xcc: {  	[tilespmem:s16], [sflag:$0x4] =	stream.linear.gather [hbm4b:s30+s3], $0x50, $0x38;
	[tilespmem:$0x1E400] =	vst v63  }
0xcd: {  	_ =	swait.ge [sflag:s17], $0x50  }
0xce: {  	[sflag:s17] =	ssyncset.done $0x0  }
0xcf: {  	[sflag:s17] =	ssyncadd.s32 $0xFFFFFFB0  }
0xd0: {  	_ =	swait.ge [sflag:s17], $0x50  }
0xd1: {  	[sflag:s17] =	ssyncset.done $0x0  }
0xd2: {  	[sflag:s17] =	ssyncadd.s32 $0xFFFFFFB0  }
0xd3: {  	[tilespmem:s18], [sflag:$0x7] =	stream.indirect.gather [hbm4b:s4+s9], $0x80, s10, s9, $0xb8;
	[tilespmem:$0x1E400] =	vst v63  }
0xd4: {  	_ =	swait.ge [sflag:s19], $0x2800  }
0xd5: {  	[sflag:s19] =	ssyncset.done $0x0  }
0xd6: {  	[sflag:s19] =	ssyncadd.s32 $0xFFFFD800  }
0xd7: {  	[spmem:s1] =	stream.indirect.scatter.add.f32 [tilespmem:s13], [sflag:$0xA], $0x80, s7, s9, $0xb8;
	[tilespmem:$0x1E400] =	vst v63  }
0xd8: {  	_ =	swait.ge [sflag:s20], $0x2800  }
0xd9: {  	s2 =	rddreg [dreg:$0x6];
	[sflag:s20] =	ssyncset.done $0x0  }
0xda: {  	s31 =	rddreg [dreg:$0x5];
	[sflag:s20] =	ssyncadd.s32 $0xFFFFD800;
	s22 =	sadd.s32 $0x0, s2  }
0xdb: {  	[tilespmem:s3], [sflag:$0x1] =	stream.linear.gather [hbm4b:s22+s3], $0x50, $0x38;
	[tilespmem:$0x1E400] =	vst v63  }
0xdc: {  	s30 =	sadd.s32 $0x0, s31  }
0xdd: {  	[tilespmem:s5], [sflag:$0x1] =	stream.linear.gather [hbm4b:s30+s3], $0x50, $0x38;
	[tilespmem:$0x1E400] =	vst v63  }
0xde: {  	_ =	swait.ge [sflag:s21], $0x50  }
0xdf: {  	[sflag:s21] =	ssyncset.done $0x0  }
0xe0: {  	[sflag:s21] =	ssyncadd.s32 $0xFFFFFFB0  }
0xe1: {  	_ =	swait.ge [sflag:s21], $0x50  }
0xe2: {  	[sflag:s21] =	ssyncset.done $0x0  }
0xe3: {  	[sflag:s21] =	ssyncadd.s32 $0xFFFFFFB0  }
0xe4: {  	[tilespmem:s23], [sflag:$0x8] =	stream.indirect.gather [hbm4b:s4+s9], $0x80, s15, s9, $0xb8;
	[tilespmem:$0x1E400] =	vst v63  }
0xe5: {  	_ =	swait.ge [sflag:s24], $0x2800  }
0xe6: {  	[sflag:s24] =	ssyncset.done $0x0  }
0xe7: {  	[sflag:s24] =	ssyncadd.s32 $0xFFFFD800  }
0xe8: {  	[spmem:s1] =	stream.indirect.scatter.add.f32 [tilespmem:s18], [sflag:$0xB], $0x80, s11, s9, $0xb8;
	[tilespmem:$0x1E400] =	vst v63  }
0xe9: {  	_ =	swait.ge [sflag:s25], $0x2800  }
0xea: {  	s2 =	rddreg [dreg:$0x4];
	[sflag:s25] =	ssyncset.done $0x0  }
0xeb: {  	s31 =	rddreg [dreg:$0x3];
	[sflag:s25] =	ssyncadd.s32 $0xFFFFD800;
	s22 =	sadd.s32 $0x0, s2  }
0xec: {  	[tilespmem:s6], [sflag:$0x2] =	stream.linear.gather [hbm4b:s22+s3], $0x50, $0x38;
	[tilespmem:$0x1E400] =	vst v63  }
0xed: {  	s30 =	sadd.s32 $0x0, s31  }
0xee: {  	[tilespmem:s7], [sflag:$0x2] =	stream.linear.gather [hbm4b:s30+s3], $0x50, $0x38;
	[tilespmem:$0x1E400] =	vst v63  }
0xef: {  	_ =	swait.ge [sflag:s8], $0x50  }
0xf0: {  	[sflag:s8] =	ssyncset.done $0x0  }
0xf1: {  	[sflag:s8] =	ssyncadd.s32 $0xFFFFFFB0  }
0xf2: {  	_ =	swait.ge [sflag:s8], $0x50  }
0xf3: {  	[sflag:s8] =	ssyncset.done $0x0  }
0xf4: {  	[sflag:s8] =	ssyncadd.s32 $0xFFFFFFB0  }
0xf5: {  	[tilespmem:s0], [sflag:$0x5] =	stream.indirect.gather [hbm4b:s4+s9], $0x80, s3, s9, $0xb8;
	[tilespmem:$0x1E400] =	vst v63  }
0xf6: {  	_ =	swait.ge [sflag:s26], $0x2800  }
0xf7: {  	[sflag:s26] =	ssyncset.done $0x0  }
0xf8: {  	s31 =	simm.s32 $0x28;
	[sflag:s26] =	ssyncadd.s32 $0xFFFFD800  }
.LBB2_4:
0xf9: {  	[spmem:s1] =	stream.indirect.scatter.add.f32 [tilespmem:s23], [sflag:$0xC], $0x80, s16, s9, $0xb8;
	[tilespmem:$0x1E400] =	vst v63  }
0xfa: {  	_ =	swait.ge [sflag:s28], $0x2800  }
0xfb: {  	s22 =	smov.u32 s31;
	s30 =	rddreg [dreg:$0xa];
	[sflag:s28] =	ssyncset.done $0x0  }
0xfc: {  	s2 =	rddreg [dreg:$0x9];
	[sflag:s28] =	ssyncadd.s32 $0xFFFFD800;
	s30 =	sadd.s32 s22, s30  }
0xfd: {  	[tilespmem:s10], [sflag:$0x3] =	stream.linear.gather [hbm4b:s30+s3], $0x50, $0x38;
	[tilespmem:$0x1E400] =	vst v63  }
0xfe: {  	s2 =	sadd.s32 s22, s2  }
0xff: {  	[tilespmem:s11], [sflag:$0x3] =	stream.linear.gather [hbm4b:s2+s3], $0x50, $0x38;
	[tilespmem:$0x1E400] =	vst v63  }
0x100: {  	_ =	swait.ge [sflag:s12], $0x50  }
0x101: {  	[sflag:s12] =	ssyncset.done $0x0  }
0x102: {  	[sflag:s12] =	ssyncadd.s32 $0xFFFFFFB0  }
0x103: {  	_ =	swait.ge [sflag:s12], $0x50  }
0x104: {  	[sflag:s12] =	ssyncset.done $0x0  }
0x105: {  	[sflag:s12] =	ssyncadd.s32 $0xFFFFFFB0  }
0x106: {  	[tilespmem:s13], [sflag:$0x6] =	stream.indirect.gather [hbm4b:s4+s9], $0x80, s6, s9, $0xb8;
	[tilespmem:$0x1E400] =	vst v63  }
0x107: {  	_ =	swait.ge [sflag:s14], $0x2800  }
0x108: {  	[sflag:s14] =	ssyncset.done $0x0  }
0x109: {  	[sflag:s14] =	ssyncadd.s32 $0xFFFFD800  }
0x10a: {  	[spmem:s1] =	stream.indirect.scatter.add.f32 [tilespmem:s0], [sflag:$0x9], $0x80, s5, s9, $0xb8;
	[tilespmem:$0x1E400] =	vst v63  }
0x10b: {  	_ =	swait.ge [sflag:s29], $0x2800  }
0x10c: {  	s2 =	rddreg [dreg:$0x8];
	[sflag:s29] =	ssyncset.done $0x0  }
0x10d: {  	s30 =	rddreg [dreg:$0x7];
	[sflag:s29] =	ssyncadd.s32 $0xFFFFD800;
	s2 =	sadd.s32 s22, s2  }
0x10e: {  	[tilespmem:s15], [sflag:$0x4] =	stream.linear.gather [hbm4b:s2+s3], $0x50, $0x38;
	[tilespmem:$0x1E400] =	vst v63  }
0x10f: {  	s30 =	sadd.s32 s22, s30  }
0x110: {  	[tilespmem:s16], [sflag:$0x4] =	stream.linear.gather [hbm4b:s30+s3], $0x50, $0x38;
	[tilespmem:$0x1E400] =	vst v63  }
0x111: {  	_ =	swait.ge [sflag:s17], $0x50  }
0x112: {  	[sflag:s17] =	ssyncset.done $0x0  }
0x113: {  	[sflag:s17] =	ssyncadd.s32 $0xFFFFFFB0  }
0x114: {  	_ =	swait.ge [sflag:s17], $0x50  }
0x115: {  	[sflag:s17] =	ssyncset.done $0x0  }
0x116: {  	[sflag:s17] =	ssyncadd.s32 $0xFFFFFFB0  }
0x117: {  	[tilespmem:s18], [sflag:$0x7] =	stream.indirect.gather [hbm4b:s4+s9], $0x80, s10, s9, $0xb8;
	[tilespmem:$0x1E400] =	vst v63  }
0x118: {  	_ =	swait.ge [sflag:s19], $0x2800  }
0x119: {  	[sflag:s19] =	ssyncset.done $0x0  }
0x11a: {  	[sflag:s19] =	ssyncadd.s32 $0xFFFFD800  }
0x11b: {  	[spmem:s1] =	stream.indirect.scatter.add.f32 [tilespmem:s13], [sflag:$0xA], $0x80, s7, s9, $0xb8;
	[tilespmem:$0x1E400] =	vst v63  }
0x11c: {  	_ =	swait.ge [sflag:s20], $0x2800  }
0x11d: {  	s2 =	rddreg [dreg:$0x6];
	[sflag:s20] =	ssyncset.done $0x0  }
0x11e: {  	s30 =	rddreg [dreg:$0x5];
	[sflag:s20] =	ssyncadd.s32 $0xFFFFD800;
	s2 =	sadd.s32 s22, s2  }
0x11f: {  	[tilespmem:s3], [sflag:$0x1] =	stream.linear.gather [hbm4b:s2+s3], $0x50, $0x38;
	[tilespmem:$0x1E400] =	vst v63  }
0x120: {  	s30 =	sadd.s32 s22, s30  }
0x121: {  	[tilespmem:s5], [sflag:$0x1] =	stream.linear.gather [hbm4b:s30+s3], $0x50, $0x38;
	[tilespmem:$0x1E400] =	vst v63  }
0x122: {  	_ =	swait.ge [sflag:s21], $0x50  }
0x123: {  	[sflag:s21] =	ssyncset.done $0x0  }
0x124: {  	[sflag:s21] =	ssyncadd.s32 $0xFFFFFFB0  }
0x125: {  	_ =	swait.ge [sflag:s21], $0x50  }
0x126: {  	[sflag:s21] =	ssyncset.done $0x0  }
0x127: {  	[sflag:s21] =	ssyncadd.s32 $0xFFFFFFB0  }
0x128: {  	[tilespmem:s23], [sflag:$0x8] =	stream.indirect.gather [hbm4b:s4+s9], $0x80, s15, s9, $0xb8;
	[tilespmem:$0x1E400] =	vst v63  }
0x129: {  	_ =	swait.ge [sflag:s24], $0x2800  }
0x12a: {  	[sflag:s24] =	ssyncset.done $0x0  }
0x12b: {  	[sflag:s24] =	ssyncadd.s32 $0xFFFFD800  }
0x12c: {  	[spmem:s1] =	stream.indirect.scatter.add.f32 [tilespmem:s18], [sflag:$0xB], $0x80, s11, s9, $0xb8;
	[tilespmem:$0x1E400] =	vst v63  }
0x12d: {  	_ =	swait.ge [sflag:s25], $0x2800  }
0x12e: {  	s2 =	rddreg [dreg:$0x4];
	[sflag:s25] =	ssyncset.done $0x0  }
0x12f: {  	s30 =	rddreg [dreg:$0x3];
	[sflag:s25] =	ssyncadd.s32 $0xFFFFD800;
	s2 =	sadd.s32 s22, s2  }
0x130: {  	[tilespmem:s6], [sflag:$0x2] =	stream.linear.gather [hbm4b:s2+s3], $0x50, $0x38;
	[tilespmem:$0x1E400] =	vst v63  }
0x131: {  	s30 =	sadd.s32 s22, s30  }
0x132: {  	[tilespmem:s7], [sflag:$0x2] =	stream.linear.gather [hbm4b:s30+s3], $0x50, $0x38;
	[tilespmem:$0x1E400] =	vst v63  }
0x133: {  	_ =	swait.ge [sflag:s8], $0x50  }
0x134: {  	[sflag:s8] =	ssyncset.done $0x0  }
0x135: {  	[sflag:s8] =	ssyncadd.s32 $0xFFFFFFB0  }
0x136: {  	_ =	swait.ge [sflag:s8], $0x50  }
0x137: {  	p0 =	sne.s32 s31, $0x488;
	[sflag:s8] =	ssyncset.done $0x0  }
.Ltmp1:
0x138: {  	[sflag:s8] =	ssyncadd.s32 $0xFFFFFFB0;
	(pc) =	sbr.rel @p0 .LBB2_4-.Ltmp1, $4  }
0x139: {  	[tilespmem:s0], [sflag:$0x5] =	stream.indirect.gather [hbm4b:s4+s9], $0x80, s3, s9, $0xb8;
	[tilespmem:$0x1E400] =	vst v63  }
0x13a: {  	_ =	swait.ge [sflag:s26], $0x2800  }
0x13b: {  	[sflag:s26] =	ssyncset.done $0x0  }
0x13c: {  	s31 =	sadd.s32 $0x28, s31;
	[sflag:s26] =	ssyncadd.s32 $0xFFFFD800  }
0x13d: {  	[spmem:s1] =	stream.indirect.scatter.add.f32 [tilespmem:s23], [sflag:$0xC], $0x80, s16, s9, $0xb8;
	[tilespmem:$0x1E400] =	vst v63  }
0x13e: {  	_ =	swait.ge [sflag:s28], $0x2800  }
0x13f: {  	[sflag:s28] =	ssyncset.done $0x0  }
0x140: {  	s2 =	rddreg [dreg:$0x17];
	[sflag:s28] =	ssyncadd.s32 $0xFFFFD800  }
0x141: {  	[tilespmem:s10], [sflag:$0x3] =	stream.linear.gather [hbm4b:s2+s3], $0x50, $0x38;
	[tilespmem:$0x1E400] =	vst v63  }
0x142: {  	s22 =	rddreg [dreg:$0x18]  }
0x143: {  	[tilespmem:s11], [sflag:$0x3] =	stream.linear.gather [hbm4b:s22+s3], $0x50, $0x38;
	[tilespmem:$0x1E400] =	vst v63  }
0x144: {  	_ =	swait.ge [sflag:s12], $0x50  }
0x145: {  	[sflag:s12] =	ssyncset.done $0x0  }
0x146: {  	[sflag:s12] =	ssyncadd.s32 $0xFFFFFFB0  }
0x147: {  	_ =	swait.ge [sflag:s12], $0x50  }
0x148: {  	[sflag:s12] =	ssyncset.done $0x0  }
0x149: {  	[sflag:s12] =	ssyncadd.s32 $0xFFFFFFB0  }
0x14a: {  	[tilespmem:s13], [sflag:$0x6] =	stream.indirect.gather [hbm4b:s4+s9], $0x80, s6, s9, $0xb8;
	[tilespmem:$0x1E400] =	vst v63  }
0x14b: {  	_ =	swait.ge [sflag:s14], $0x2800  }
0x14c: {  	[sflag:s14] =	ssyncset.done $0x0  }
0x14d: {  	[sflag:s14] =	ssyncadd.s32 $0xFFFFD800  }
0x14e: {  	[spmem:s1] =	stream.indirect.scatter.add.f32 [tilespmem:s0], [sflag:$0x9], $0x80, s5, s9, $0xb8;
	[tilespmem:$0x1E400] =	vst v63  }
0x14f: {  	_ =	swait.ge [sflag:s29], $0x2800  }
0x150: {  	[sflag:s29] =	ssyncset.done $0x0  }
0x151: {  	s31 =	rddreg [dreg:$0x1a];
	[sflag:s29] =	ssyncadd.s32 $0xFFFFD800  }
0x152: {  	[tilespmem:s15], [sflag:$0x4] =	stream.linear.gather [hbm4b:s31+s3], $0x50, $0x38;
	[tilespmem:$0x1E400] =	vst v63  }
0x153: {  	s22 =	rddreg [dreg:$0x19]  }
0x154: {  	[tilespmem:s16], [sflag:$0x4] =	stream.linear.gather [hbm4b:s22+s3], $0x50, $0x38;
	[tilespmem:$0x1E400] =	vst v63  }
0x155: {  	_ =	swait.ge [sflag:s17], $0x50  }
0x156: {  	[sflag:s17] =	ssyncset.done $0x0  }
0x157: {  	[sflag:s17] =	ssyncadd.s32 $0xFFFFFFB0  }
0x158: {  	_ =	swait.ge [sflag:s17], $0x50  }
0x159: {  	[sflag:s17] =	ssyncset.done $0x0  }
0x15a: {  	[sflag:s17] =	ssyncadd.s32 $0xFFFFFFB0  }
0x15b: {  	[tilespmem:s18], [sflag:$0x7] =	stream.indirect.gather [hbm4b:s4+s9], $0x80, s10, s9, $0xb8;
	[tilespmem:$0x1E400] =	vst v63  }
0x15c: {  	_ =	swait.ge [sflag:s19], $0x2800  }
0x15d: {  	[sflag:s19] =	ssyncset.done $0x0  }
0x15e: {  	[sflag:s19] =	ssyncadd.s32 $0xFFFFD800  }
0x15f: {  	[spmem:s1] =	stream.indirect.scatter.add.f32 [tilespmem:s13], [sflag:$0xA], $0x80, s7, s9, $0xb8;
	[tilespmem:$0x1E400] =	vst v63  }
0x160: {  	_ =	swait.ge [sflag:s21], $0x50  }
0x161: {  	[sflag:s21] =	ssyncset.done $0x0  }
0x162: {  	[sflag:s21] =	ssyncadd.s32 $0xFFFFFFB0  }
0x163: {  	_ =	swait.ge [sflag:s21], $0x50  }
0x164: {  	[sflag:s21] =	ssyncset.done $0x0  }
0x165: {  	[sflag:s21] =	ssyncadd.s32 $0xFFFFFFB0  }
0x166: {  	[tilespmem:s23], [sflag:$0x8] =	stream.indirect.gather [hbm4b:s4+s9], $0x80, s15, s9, $0xb8;
	[tilespmem:$0x1E400] =	vst v63  }
0x167: {  	_ =	swait.ge [sflag:s24], $0x2800  }
0x168: {  	[sflag:s24] =	ssyncset.done $0x0  }
0x169: {  	[sflag:s24] =	ssyncadd.s32 $0xFFFFD800  }
0x16a: {  	[spmem:s1] =	stream.indirect.scatter.add.f32 [tilespmem:s18], [sflag:$0xB], $0x80, s11, s9, $0xb8;
	[tilespmem:$0x1E400] =	vst v63  }
0x16b: {  	_ =	swait.ge [sflag:s26], $0x2800  }
0x16c: {  	[sflag:s26] =	ssyncset.done $0x0  }
0x16d: {  	[sflag:s26] =	ssyncadd.s32 $0xFFFFD800  }
0x16e: {  	[spmem:s1] =	stream.indirect.scatter.add.f32 [tilespmem:s23], [sflag:$0xC], $0x80, s16, s9, $0xb8;
	[tilespmem:$0x1E400] =	vst v63  }
0x16f: {  	_ =	swait.ge [sflag:s20], $0x2800  }
0x170: {  	[sflag:s20] =	ssyncset.done $0x0  }
0x171: {  	[sflag:s20] =	ssyncadd.s32 $0xFFFFD800  }
0x172: {  	_ =	swait.ge [sflag:s25], $0x2800  }
0x173: {  	[sflag:s25] =	ssyncset.done $0x0  }
0x174: {  	[sflag:s25] =	ssyncadd.s32 $0xFFFFD800  }
0x175: {  	_ =	swait.ge [sflag:s28], $0x2800  }
0x176: {  	[sflag:s28] =	ssyncset.done $0x0  }
0x177: {  	[sflag:s28] =	ssyncadd.s32 $0xFFFFD800  }
0x178: {  	_ =	swait.ge [sflag:s29], $0x2800  }
0x179: {  	[sflag:s29] =	ssyncset.done $0x0  }
0x17a: {  	[sflag:s29] =	ssyncadd.s32 $0xFFFFD800  }
0x17b: {  	s31 =	stileid.u32;
	[bflag:$0x0] =	sbarrier.arrive $0xFFFF  }
0x17c: {  	s2 =	sshll.u32 s31, $0x6;
	s22 =	rddreg [dreg:$0x1c]  }
0x17d: {  	s2 =	sor.u32 $0x1C0D, s2;
	s30 =	rddreg [dreg:$0x1b];
	s22 =	sshrl.u32 s22, $0x3  }
0x17e: {  	[hbm:s30], [sflag:s2] =	dma.local [spmem:s22], $0x2800  }
0x17f: {  	s30 =	simm.s32 $0xD  }
0x180: {  	_ =	swait.ge [sflag:s30], $0x2800  }
0x181: {  	s2 =	sld [smem:$0x7F8];
	_ =	sdelay $0x2  }
0x182: {  	s31 =	rddreg [dreg:$0x1d];
	s22 =	sadd.s32 $0x1, s2  }
0x183: {  	p0 =	sne.s32 s22, s31  }
.Ltmp2:
0x184: {  	_ = 	snop;
	(pc) =	sbr.rel @p0 .LBB2_1-.Ltmp2, $3  }
0x185: {  	_ =	sdelay $0x1  }
0x186: {  	[sflag:s30] =	ssyncset.done $0x0  }
0x187: {  	[sflag:s30] =	ssyncadd.s32 $0xFFFFD800  }
0x188: {  	_ =	sfence.sel $0x180000  }
0x189: {  	[bflag:$0x0] =	sbarrier.arrive $0xFFFF  }
0x18a: {  	_ =	strace $0x9000004D  }
0x18b: {  	s0 =	stileid.u32;
	[bflag:$0x2] =	sbarrier.arrive $0xFFFF  }
0x18c: {  	p0 =	sne.s32 s0, $0x0;
	s0 =	rddreg [dreg:$0x2]  }
0x18d: {  	s0 =	sadd.s32 @!p0 $0x100000, s0  }
0x18e: {  	[sflag:s0] =	ssyncadd.tile.s32 @!p0 $0x1;
	_ =	shalt  }
.Lfunc_end2:
_tile_overlayer_lowered:
.L_overlay_start_2:
0x18f: {  	(tag) =	ssettag $0x2  }
0x190: {  	s0 =	rddreg [dreg:$0x0];
	s2 =	stileid.u32  }
0x191: {  	s1 =	rddreg [dreg:$0x1];
	p0 =	sne.s32 s2, $0x0  }
0x192: {  	s3 =	rddreg [dreg:$0x2];
	[bflag:$0x3] =	sbarrier.arrive $0xFFFF;
	s2 =	simm.s32 @!p0 $0x1C0D  }
0x193: {  	[timem:s3], [sflag:s2] =	dma.local @!p0 [hbm:s0], s1  }
0x194: {  	s0 =	simm.s32 @!p0 $0xD  }
0x195: {  	_ =	swait.ge @!p0 [sflag:s0], s1  }
0x196: {  	s1 =	ssub.s32 @!p0 $0x0, s1;
	[sflag:s0] =	ssyncset.done @!p0 $0x0  }
0x197: {  	[sflag:s0] =	ssyncadd.s32 @!p0 s1  }
0x198: {  	[bflag:$0x3] =	sbarrier.arrive $0xFFFF  }
0x199: {  	_ =	shalt  }

// kernel: kernel.19.cloned.1.call-start
scs
__scs_entry_jumppad:
0x0: {  	(pc) =	sbr.rel $0x88, $3  }
0x1: {  	(tag) =	ssettag $0x0;
	lr =	simm.s32 $0x1  }
0x2: {  	[smem:$0x3F88] =	sst lr;
	_ =	strace $0xD0000000  }
0x3: {  	_ = 	snop  }
0x4: {  	_ = 	snop  }
0x5: {  	_ = 	snop  }
0x6: {  	_ = 	snop  }
0x7: {  	_ = 	snop  }
__scs_overlays_trampoline_lowered:
0x8: {  	[smem:$0x3F97] =	sst s0  }
0x9: {  	[smem:$0x3F98] =	sst s1  }
0xa: {  	[smem:$0x3F99] =	sst s2  }
0xb: {  	[smem:$0x3F9A] =	sst s3  }
0xc: {  	[smem:$0x3F9B] =	sst s4  }
0xd: {  	[smem:$0x3F9C] =	sst s5  }
0xe: {  	[smem:$0x3F9D] =	sst s6  }
0xf: {  	[smem:$0x3F9E] =	sst s7  }
0x10: {  	[smem:$0x3F9F] =	sst s8  }
0x11: {  	[smem:$0x3FA0] =	sst s9;
	s0 =	simm.s32 @!p0 $0x0  }
0x12: {  	s1 =	sld [smem:$0x3F86];
	s0 =	simm.s32 @p0 $0x1  }
0x13: {  	[smem:$0x3FA1] =	sst s0;
	s0 =	simm.s32 @!p1 $0x0  }
0x14: {  	s2 =	sld [smem:$0x3F85];
	s0 =	simm.s32 @p1 $0x1  }
0x15: {  	[smem:$0x3FA2] =	sst s0;
	s0 =	simm.s32 @!p2 $0x0  }
0x16: {  	s3 =	sld [smem:$0x3FDB];
	s0 =	simm.s32 @p2 $0x1  }
0x17: {  	s4 =	simm.s32 $0x1BF5;
	[smem:$0x3FA4] =	sst s0  }
0x18: {  	s0 =	sld [smem:$0x3F87];
	_ =	swait.ge [sflag:s4], $0x0  }
0x19: {  	s7 =	sld [smem:$0x3F88]  }
0x1a: {  	s8 =	sadd.s32 $0xFFFFE003, lr  }
0x1b: {  	s9 =	sadd.s32 $0xFFFFFEF7, lr;
	s5 =	simm.s32 $0xFFFFFFFF;
	p2 =	slt.u32 s8, $0xFFFFF086  }
0x1c: {  	p1 =	slt.u32 s9, $0xF7A;
	s5 =	simm.s32 @!p2 $0x0  }
0x1d: {  	s5 =	simm.s32 @p1 $0x1;
	p0 =	seq.s32 s7, s2  }
0x1e: {  	s7 =	smul.u32 @!p0 $0xF7A, s2;
	p2 =	seq.s32 @!p0 s5, $0x0  }
0x1f: {  	s9 =	smul.u32 $0xF7A, s1;
	s8 =	simm.s32 @!p0 $0x1BF5;
	p2 =	por !p2, p0  }
0x20: {  	[sflag:s8] =	ssyncset.s32 @!p0 $0xFFFFF086;
	s6 =	sadd.s32 @!p0 s3, s7;
	s7 =	simm.s32 @!p0 $0x108  }
0x21: {  	s3 =	sadd.s32 s3, s9;
	s6 =	sadd.s32 @!p0 $0x88, s6;
	s7 =	simm.s32 @p2 $0x1082  }
0x22: {  	[simem:s7], [sflag:s8] =	dma.local @!p0 [hbm:s6], $0xF7A  }
0x23: {  	s9 =	sor.u32 $0xD0000000, s2;
	s6 =	simm.s32 $0x108;
	_ =	swait.ge @!p0 [sflag:s8], $0x0  }
0x24: {  	s3 =	sadd.s32 $0x88, s3;
	s6 =	simm.s32 @!p1 $0x1082;
	[sflag:s4] =	ssyncset.s32 $0xFFFFF086  }
0x25: {  	[simem:s6], [sflag:s4] =	dma.local [hbm:s3], $0xF7A  }
0x26: {  	[smem:$0x3F88] =	sst s1;
	(tag) =	ssettag s2;
	_ =	strace s9  }
0x27: {  	s1 =	sld [smem:$0x3F98]  }
0x28: {  	s2 =	sld [smem:$0x3F99]  }
0x29: {  	s4 =	sld [smem:$0x3F9B]  }
0x2a: {  	p0 =	seq.s32 s5, $0x0;
	s5 =	sld [smem:$0x3F9C]  }
0x2b: {  	s6 =	sld [smem:$0x3F9D]  }
0x2c: {  	s7 =	sld [smem:$0x3F9E]  }
0x2d: {  	s3 =	simm.s32 $0x108;
	s8 =	sld [smem:$0x3F9F]  }
0x2e: {  	s3 =	simm.s32 @!p0 $0x1082;
	s9 =	sld [smem:$0x3FA0]  }
0x2f: {  	lr =	sadd.s32 s0, s3;
	s0 =	sld [smem:$0x3F97]  }
0x30: {  	s3 =	sld [smem:$0x3F9A]  }
0x31: {  	[smem:$0x3FA3] =	sst s10  }
0x32: {  	s10 =	sld [smem:$0x3FA1];
	_ =	sdelay $0x3  }
0x33: {  	p0 =	seq.s32 s10, $0x1;
	s10 =	sld [smem:$0x3FA3];
	_ =	sdelay $0x3  }
0x34: {  	[smem:$0x3FA3] =	sst s10  }
0x35: {  	s10 =	sld [smem:$0x3FA2];
	_ =	sdelay $0x3  }
0x36: {  	p1 =	seq.s32 s10, $0x1;
	s10 =	sld [smem:$0x3FA3];
	_ =	sdelay $0x3  }
0x37: {  	[smem:$0x3FA3] =	sst s10  }
0x38: {  	s10 =	sld [smem:$0x3FA4]  }
0x39: {  	_ = 	snop;
	(pc) =	sbr.ind lr, $3  }
0x3a: {  	_ = 	snop  }
0x3b: {  	_ = 	snop  }
0x3c: {  	p2 =	seq.s32 s10, $0x1;
	s10 =	sld [smem:$0x3FA3]  }
0x3d: {  	_ =	shalt  }
0x3e: {  	_ =	shalt  }
0x3f: {  	_ =	shalt  }
0x40: {  	_ =	shalt  }
0x41: {  	_ =	shalt  }
0x42: {  	_ =	shalt  }
0x43: {  	_ =	shalt  }
0x44: {  	_ =	shalt  }
0x45: {  	_ =	shalt  }
0x46: {  	_ =	shalt  }
0x47: {  	_ =	shalt  }
0x48: {  	_ =	shalt  }
0x49: {  	_ =	shalt  }
0x4a: {  	_ =	shalt  }
0x4b: {  	_ =	shalt  }
0x4c: {  	_ =	shalt  }
0x4d: {  	_ =	shalt  }
0x4e: {  	_ =	shalt  }
0x4f: {  	_ =	shalt  }
0x50: {  	_ =	shalt  }
0x51: {  	_ =	shalt  }
0x52: {  	_ =	shalt  }
0x53: {  	_ =	shalt  }
0x54: {  	_ =	shalt  }
0x55: {  	_ =	shalt  }
0x56: {  	_ =	shalt  }
0x57: {  	_ =	shalt  }
0x58: {  	_ =	shalt  }
0x59: {  	_ =	shalt  }
0x5a: {  	_ =	shalt  }
0x5b: {  	_ =	shalt  }
0x5c: {  	_ =	shalt  }
0x5d: {  	_ =	shalt  }
0x5e: {  	_ =	shalt  }
0x5f: {  	_ =	shalt  }
0x60: {  	_ =	shalt  }
0x61: {  	_ =	shalt  }
0x62: {  	_ =	shalt  }
0x63: {  	_ =	shalt  }
0x64: {  	_ =	shalt  }
0x65: {  	_ =	shalt  }
0x66: {  	_ =	shalt  }
0x67: {  	_ =	shalt  }
0x68: {  	_ =	shalt  }
0x69: {  	_ =	shalt  }
0x6a: {  	_ =	shalt  }
0x6b: {  	_ =	shalt  }
0x6c: {  	_ =	shalt  }
0x6d: {  	_ =	shalt  }
0x6e: {  	_ =	shalt  }
0x6f: {  	_ =	shalt  }
0x70: {  	_ =	shalt  }
0x71: {  	_ =	shalt  }
0x72: {  	_ =	shalt  }
0x73: {  	_ =	shalt  }
0x74: {  	_ =	shalt  }
0x75: {  	_ =	shalt  }
0x76: {  	_ =	shalt  }
0x77: {  	_ =	shalt  }
0x78: {  	_ =	shalt  }
0x79: {  	_ =	shalt  }
0x7a: {  	_ =	shalt  }
0x7b: {  	_ =	shalt  }
0x7c: {  	_ =	shalt  }
0x7d: {  	_ =	shalt  }
0x7e: {  	_ =	shalt  }
0x7f: {  	_ =	shalt  }
0x80: {  	_ =	shalt  }
0x81: {  	_ =	shalt  }
0x82: {  	_ =	shalt  }
0x83: {  	_ =	shalt  }
0x84: {  	_ =	shalt  }
0x85: {  	_ =	shalt  }
0x86: {  	_ =	shalt  }
0x87: {  	_ =	shalt  }
.Lfunc_end0:
.L_simem_size_0:
called_computation.3_lowered:
.L_overlay_start_0:
0x88: {  	s2 =	sld [smem:$0x3FD9]  }
0x89: {  	s3 =	sld [smem:$0x3FFE];
	_ =	sdelay $0x1  }
0x8a: {  	s1 =	srdreg.scid  }
0x8b: {  	s0 =	sand.u32 $0x1, s1  }
0x8c: {  	s16 =	sshll.u32 s0, $0xA;
	s2 =	sadd.s32 s3, s2  }
0x8d: {  	s2 =	sadd.s32 s2, s16  }
0x8e: {  	[smem:$0x3FAF] =	sst s2  }
0x8f: {  	_ = 	snop  }
0x90: {  	(tm) =	ssettm $0x1  }
0x91: {  	s17 =	sld [smem:$0x3FFB];
	_ =	sdelay $0x3  }
0x92: {  	_ =	strace s17  }
0x93: {  	s2 =	sld [smem:$0x3FFC];
	_ =	sdelay $0x3  }
0x94: {  	_ =	strace s2  }
0x95: {  	s2 =	sld [smem:$0x3FFD];
	_ =	sdelay $0x3  }
0x96: {  	_ =	strace s2  }
0x97: {  	_ =	strace $0x8FFFFFFF  }
0x98: {  	s18 =	sld [smem:$0x3FDB];
	_ =	sdelay $0x1  }
0x99: {  	s19 =	simm.s32 $_scs_section_size  }
0x9a: {  	s4 =	simm.s32 $_size__tile_overlayer_lowered;
	s5 =	simm.s32 $_tile_overlayer_lowered  }
0x9b: {  	s22 =	simm.s32 $0x1BFF;
	s21 =	sshll.u32 s5, $0x1;
	s2 =	sadd.s32 s19, s18  }
0x9c: {  	s6 =	simm.s32 $0x0;
	s20 =	sshll.u32 s4, $0x1;
	s4 =	sadd.s32 s21, s2  }
0x9d: {  	[timem:s6], [sflag:s22] =	dma.local [hbm:s4], s20  }
0x9e: {  	_ =	swait.ge [sflag:s22], s20  }
0x9f: {  	s3 =	ssub.s32 $0x0, s20;
	[sflag:s22] =	ssyncset.done $0x0  }
0xa0: {  	[sflag:s22] =	ssyncadd.s32 s3;
	_ =	sdelay $0x1  }
0xa1: {  	s23 =	simm.s32 $0x1B8B  }
0xa2: {  	_ =	swait.ge [sflag:s23], $0x1  }
0xa3: {  	[sflag:s23] =	ssyncset.done $0x0  }
0xa4: {  	s25 =	simm.s32 $0x1B8E;
	s24 =	sld [smem:$0x3FFE];
	[sflag:s23] =	ssyncadd.s32 $0xFFFFFFFF  }
0xa5: {  	s26 =	simm.s32 $execute0_lowered;
	[smem:$0x3FD2] =	sst s25  }
0xa6: {  	s4 =	sshll.u32 s26, $0x1;
	_ =	strace $0x8000004F;
	[dreg:$0x1] =	wrdreg $0xFFFFFFFF  }
0xa7: {  	s28 =	simm.s32 $_size_execute0_lowered;
	s2 =	sadd.s32 s2, s4;
	[dreg:$0x0] =	wrdreg $0x0  }
0xa8: {  	s4 =	sshll.u32 s28, $0x1;
	[dreg:$0x2] =	wrdreg s2  }
0xa9: {  	[dreg:$0x3] =	wrdreg s4  }
0xaa: {  	[dreg:$0x4] =	wrdreg $0xC0  }
0xab: {  	_ =	task [dreg:s6], $0x5FFFF  }
0xac: {  	[dreg:$0x1] =	wrdreg $0xFFFFFFFF  }
0xad: {  	[dreg:$0x0] =	wrdreg $0x60  }
0xae: {  	[dreg:$0x2] =	wrdreg s24  }
0xaf: {  	[dreg:$0x3] =	wrdreg $0xA4000  }
0xb0: {  	[dreg:$0x4] =	wrdreg $0x9  }
0xb1: {  	_ =	task.clear_ibuf [dreg:s6], $0x5FFFF;
	_ =	strace $0x9000004F  }
0xb2: {  	s29 =	simm.s32 $0x9;
	_ =	strace $0x80000051  }
0xb3: {  	_ =	swait.ge [sflag:s29], $0x1  }
0xb4: {  	[sflag:s29] =	ssyncadd.s32 $0xFFFFFFFF  }
0xb5: {  	_ =	strace $0x90000051  }
0xb6: {  	_ =	sfence  }
0xb7: {  	s30 =	sld [smem:$0x0];
	_ =	sdelay $0x2  }
0xb8: {  	s31 =	sshll.u32 s1, $0xD;
	s1 =	sshrl.u32 s1, $0x2  }
0xb9: {  	s3 =	sand.u32 $0x4000, s31;
	s1 =	sadd.s32 s1, s30  }
0xba: {  	s0 =	sor.u32 s3, s0;
	s1 =	sshll.u32 s1, $0x11  }
0xbb: {  	s0 =	sor.u32 s1, s0  }
0xbc: {  	s0 =	sadd.s32 $0x8F2B, s0  }
0xbd: {  	[sflag:s0] =	ssyncadd.remote.s32 $0x1  }
0xbe: {  	_ =	sfence.sel $0xFFFF  }
0xbf: {  	[dreg:$0x0] =	wrdreg $0xFFFFFFFF;
	(pc) =	sbr.abs _section_cstart, $3  }
0xc0: {  	[dreg:$0x1] =	wrdreg $0xFFFFFFFF  }
0xc1: {  	_ =	task.clear_ibuf [dreg:s6], $0x2FFFF;
	_ =	strace $0x9FFFFFFF  }
0xc2: {  	(tm) =	ssettm $0x7FFFFFFF  }
0xc3: {  	_ =	shalt  }
tec
execute0_lowered:
.L_overlay_start_1:
0x0: {  	(tag) =	ssettag $0x1  }
0x1: {  	s0 =	rddreg [dreg:$0x0]  }
0x2: {  	s1 =	rddreg [dreg:$0x1]  }
0x3: {  	s2 =	simm.s32 $0x0;
	s3 =	srdreg.scid;
	s10 =	stileid.u32  }
0x4: {  	s28 =	simm.s32 $0x5;
	s29 =	simm.s32 $0x180;
	s30 =	simm.s32 $0x380  }
0x5: {  	s31 =	simm.s32 $0x3;
	s12 =	simm.s32 $0xB;
	s13 =	simm.s32 $0xC  }
0x6: {  	s14 =	simm.s32 $0x0;
	[smem:$0x7FF] =	sst s2;
	s3 =	sand.u32 $0x1, s3  }
0x7: {  	s6 =	sadd.s32 $0x6A00, s0;
	s7 =	sadd.s32 $0x6400, s0;
	s5 =	sshll.u32 s10, $0x9  }
0x8: {  	s17 =	sshll.u32 s10, $0xC;
	_ =	strace $0x80000050;
	s4 =	sshll.u32 s3, $0x4  }
0x9: {  	s8 =	ssub.s32 $0x2, s3;
	s3 =	sshll.u32 s3, $0xD;
	s4 =	sor.u32 s10, s4  }
0xa: {  	s16 =	sshrl.u32 s8, $0x1;
	s9 =	smul.u32 $0x140, s4;
	s4 =	sadd.s32 $0x2C400, s0  }
0xb: {  	s0 =	sadd.s32 s5, s0;
	s8 =	ssub.s32 s8, s16;
	s5 =	sadd.s32 s17, s1  }
0xc: {  	s16 =	simm.s32 $0x400;
	s17 =	simm.s32 $0xD;
	s0 =	sadd.s32 s3, s0  }
0xd: {  	s26 =	smax.u32 s8, $0x1;
	s3 =	simm.s32 $0x6;
	s8 =	simm.s32 $0x7  }
0xe: {  	s9 =	sshrl.u32 s9, $0x3;
	s0 =	sadd.s32 $0x7000, s0;
	[dreg:$0xc] =	wrdreg s26  }
0xf: {  	s26 =	simm.s32 $0x2C00;
	s18 =	sadd.s32 s6, s9;
	[dreg:$0xb] =	wrdreg s0  }
0x10: {  	s19 =	sadd.s32 $0xA, s9;
	s11 =	sadd.s32 s7, s9;
	[dreg:$0x3] =	wrdreg s18  }
0x11: {  	s21 =	sadd.s32 $0x14, s9;
	[dreg:$0x4] =	wrdreg s11;
	s20 =	sadd.s32 s6, s19  }
0x12: {  	s9 =	sadd.s32 $0x1E, s9;
	s10 =	sadd.s32 s7, s19;
	[dreg:$0x5] =	wrdreg s20  }
0x13: {  	s0 =	simm.s32 $0x5400;
	s22 =	sadd.s32 s6, s21;
	[dreg:$0x6] =	wrdreg s10  }
0x14: {  	s23 =	sadd.s32 s7, s21;
	s24 =	sadd.s32 s6, s9;
	[dreg:$0x7] =	wrdreg s22  }
0x15: {  	s25 =	sadd.s32 s7, s9;
	s21 =	simm.s32 $0x1;
	[dreg:$0x8] =	wrdreg s23  }
0x16: {  	s6 =	simm.s32 $0x4;
	s7 =	simm.s32 $0x7C00;
	[dreg:$0x9] =	wrdreg s24  }
0x17: {  	s9 =	simm.s32 $0x8;
	s11 =	simm.s32 $0xA;
	[dreg:$0xa] =	wrdreg s25  }
0x18: {  	s20 =	simm.s32 $0x280;
	s22 =	simm.s32 $0x50;
	s23 =	simm.s32 $0x100  }
0x19: {  	v0 =	vimm.f32 $0.0e+00;
	s24 =	simm.s32 $0x300;
	s25 =	simm.s32 $0x2;
	s10 =	simm.s32 $0x9  }
.LBB2_1:
0x1a: {  	s15 =	simm.s32 $0x0;
	s18 =	simm.s32 $0x200  }
.LBB2_2:
0x1b: {  	p0 =	sne.s32 s18, $0x3E00;
	[tilespmem:s15+$0x470] =	vst v0  }
0x1c: {  	[tilespmem:s15+$0x400] =	vst v0  }
0x1d: {  	[tilespmem:s15+$0x410] =	vst v0  }
.Ltmp0:
0x1e: {  	[tilespmem:s15+$0x420] =	vst v0;
	(pc) =	sbr.rel @p0 .LBB2_2-.Ltmp0, $4  }
0x1f: {  	[tilespmem:s15+$0x430] =	vst v0  }
0x20: {  	[tilespmem:s15+$0x440] =	vst v0  }
0x21: {  	[tilespmem:s15+$0x450] =	vst v0  }
0x22: {  	[tilespmem:s15+$0x460] =	vst v0;
	s15 =	sshra.s32 s18, $0x2;
	s18 =	sadd.s32 $0x200, s18  }
0x23: {  	[tilespmem:s15+$0x470] =	vst v0  }
0x24: {  	[tilespmem:s15+$0x400] =	vst v0  }
0x25: {  	[tilespmem:s15+$0x410] =	vst v0  }
0x26: {  	[tilespmem:s15+$0x420] =	vst v0  }
0x27: {  	[tilespmem:s15+$0x430] =	vst v0  }
0x28: {  	[tilespmem:s15+$0x440] =	vst v0  }
0x29: {  	[tilespmem:s15+$0x450] =	vst v0  }
0x2a: {  	[tilespmem:s15+$0x460] =	vst v0  }
0x2b: {  	[spmem:s5] =	stream.linear.scatter [tilespmem:s16], [sflag:$0xD], $0x1000, $0x38;
	[tilespmem:$0xB400] =	vst v63  }
0x2c: {  	_ =	swait.ge [sflag:s17], $0x1000  }
0x2d: {  	[sflag:s17] =	ssyncset.done $0x0  }
0x2e: {  	[sflag:s17] =	ssyncadd.s32 $0xFFFFF000  }
0x2f: {  	[bflag:$0x0] =	sbarrier.arrive $0xFFFF  }
0x30: {  	s18 =	rddreg [dreg:$0x3]  }
0x31: {  	[tilespmem:s2], [sflag:$0x1] =	stream.linear.gather [hbm4b:s18+s2], $0x50, $0x38;
	[tilespmem:$0xB400] =	vst v63  }
0x32: {  	s19 =	rddreg [dreg:$0x4];
	s18 =	simm.s32 $0x200  }
0x33: {  	[tilespmem:s18], [sflag:$0x1] =	stream.linear.gather [hbm4b:s19+s2], $0x50, $0x38;
	[tilespmem:$0xB400] =	vst v63  }
0x34: {  	s15 =	rddreg [dreg:$0x5];
	s19 =	simm.s32 $0x80  }
0x35: {  	[tilespmem:s19], [sflag:$0x2] =	stream.linear.gather [hbm4b:s15+s2], $0x50, $0x38;
	[tilespmem:$0xB400] =	vst v63  }
0x36: {  	s15 =	rddreg [dreg:$0x6]  }
0x37: {  	[tilespmem:s20], [sflag:$0x2] =	stream.linear.gather [hbm4b:s15+s2], $0x50, $0x38;
	[tilespmem:$0xB400] =	vst v63  }
0x38: {  	_ =	swait.ge [sflag:s21], $0x50  }
0x39: {  	[sflag:s21] =	ssyncset.done $0x0  }
0x3a: {  	[sflag:s21] =	ssyncadd.s32 $0xFFFFFFB0  }
0x3b: {  	_ =	swait.ge [sflag:s21], $0x50  }
0x3c: {  	[sflag:s21] =	ssyncset.done $0x0  }
0x3d: {  	[sflag:s21] =	ssyncadd.s32 $0xFFFFFFB0  }
0x3e: {  	[tilespmem:s16], [sflag:$0x5] =	stream.indirect.gather [hbm4b:s4+s22], $0x80, s2, s22, $0xb8;
	[tilespmem:$0xB400] =	vst v63  }
0x3f: {  	s15 =	rddreg [dreg:$0x7]  }
0x40: {  	[tilespmem:s23], [sflag:$0x3] =	stream.linear.gather [hbm4b:s15+s2], $0x50, $0x38;
	[tilespmem:$0xB400] =	vst v63  }
0x41: {  	s15 =	rddreg [dreg:$0x8]  }
0x42: {  	[tilespmem:s24], [sflag:$0x3] =	stream.linear.gather [hbm4b:s15+s2], $0x50, $0x38;
	[tilespmem:$0xB400] =	vst v63  }
0x43: {  	_ =	swait.ge [sflag:s25], $0x50  }
0x44: {  	[sflag:s25] =	ssyncset.done $0x0  }
0x45: {  	[sflag:s25] =	ssyncadd.s32 $0xFFFFFFB0  }
0x46: {  	_ =	swait.ge [sflag:s25], $0x50  }
0x47: {  	[sflag:s25] =	ssyncset.done $0x0  }
0x48: {  	[sflag:s25] =	ssyncadd.s32 $0xFFFFFFB0  }
0x49: {  	[tilespmem:s26], [sflag:$0x6] =	stream.indirect.gather [hbm4b:s4+s22], $0x80, s19, s22, $0xb8;
	[tilespmem:$0xB400] =	vst v63  }
0x4a: {  	_ =	swait.ge [sflag:s28], $0x2800  }
0x4b: {  	[sflag:s28] =	ssyncset.done $0x0  }
0x4c: {  	[sflag:s28] =	ssyncadd.s32 $0xFFFFD800  }
0x4d: {  	[spmem:s1] =	stream.indirect.scatter.add.f32 [tilespmem:s16], [sflag:$0x9], $0x80, s18, s22, $0xb8;
	[tilespmem:$0xB400] =	vst v63  }
0x4e: {  	s18 =	rddreg [dreg:$0x9]  }
0x4f: {  	[tilespmem:s29], [sflag:$0x4] =	stream.linear.gather [hbm4b:s18+s2], $0x50, $0x38;
	[tilespmem:$0xB400] =	vst v63  }
0x50: {  	s19 =	rddreg [dreg:$0xa]  }
0x51: {  	[tilespmem:s30], [sflag:$0x4] =	stream.linear.gather [hbm4b:s19+s2], $0x50, $0x38;
	[tilespmem:$0xB400] =	vst v63  }
0x52: {  	_ =	swait.ge [sflag:s31], $0x50  }
0x53: {  	[sflag:s31] =	ssyncset.done $0x0  }
0x54: {  	[sflag:s31] =	ssyncadd.s32 $0xFFFFFFB0  }
0x55: {  	_ =	swait.ge [sflag:s31], $0x50  }
0x56: {  	[sflag:s31] =	ssyncset.done $0x0  }
0x57: {  	[sflag:s31] =	ssyncadd.s32 $0xFFFFFFB0  }
0x58: {  	[tilespmem:s0], [sflag:$0x7] =	stream.indirect.gather [hbm4b:s4+s22], $0x80, s23, s22, $0xb8;
	[tilespmem:$0xB400] =	vst v63  }
0x59: {  	_ =	swait.ge [sflag:s3], $0x2800  }
0x5a: {  	[sflag:s3] =	ssyncset.done $0x0  }
0x5b: {  	[sflag:s3] =	ssyncadd.s32 $0xFFFFD800  }
0x5c: {  	[spmem:s1] =	stream.indirect.scatter.add.f32 [tilespmem:s26], [sflag:$0xA], $0x80, s20, s22, $0xb8;
	[tilespmem:$0xB400] =	vst v63  }
0x5d: {  	_ =	swait.ge [sflag:s6], $0x50  }
0x5e: {  	[sflag:s6] =	ssyncset.done $0x0  }
0x5f: {  	[sflag:s6] =	ssyncadd.s32 $0xFFFFFFB0  }
0x60: {  	_ =	swait.ge [sflag:s6], $0x50  }
0x61: {  	[sflag:s6] =	ssyncset.done $0x0  }
0x62: {  	[sflag:s6] =	ssyncadd.s32 $0xFFFFFFB0  }
0x63: {  	[tilespmem:s7], [sflag:$0x8] =	stream.indirect.gather [hbm4b:s4+s22], $0x80, s29, s22, $0xb8;
	[tilespmem:$0xB400] =	vst v63  }
0x64: {  	_ =	swait.ge [sflag:s8], $0x2800  }
0x65: {  	[sflag:s8] =	ssyncset.done $0x0  }
0x66: {  	[sflag:s8] =	ssyncadd.s32 $0xFFFFD800  }
0x67: {  	[spmem:s1] =	stream.indirect.scatter.add.f32 [tilespmem:s0], [sflag:$0xB], $0x80, s24, s22, $0xb8;
	[tilespmem:$0xB400] =	vst v63  }
0x68: {  	_ =	swait.ge [sflag:s9], $0x2800  }
0x69: {  	[sflag:s9] =	ssyncset.done $0x0  }
0x6a: {  	[sflag:s9] =	ssyncadd.s32 $0xFFFFD800  }
0x6b: {  	[spmem:s1] =	stream.indirect.scatter.add.f32 [tilespmem:s7], [sflag:$0xC], $0x80, s30, s22, $0xb8;
	[tilespmem:$0xB400] =	vst v63  }
0x6c: {  	_ =	swait.ge [sflag:s10], $0x2800  }
0x6d: {  	[sflag:s10] =	ssyncset.done $0x0  }
0x6e: {  	[sflag:s10] =	ssyncadd.s32 $0xFFFFD800  }
0x6f: {  	_ =	swait.ge [sflag:s11], $0x2800  }
0x70: {  	[sflag:s11] =	ssyncset.done $0x0  }
0x71: {  	[sflag:s11] =	ssyncadd.s32 $0xFFFFD800  }
0x72: {  	_ =	swait.ge [sflag:s12], $0x2800  }
0x73: {  	[sflag:s12] =	ssyncset.done $0x0  }
0x74: {  	[sflag:s12] =	ssyncadd.s32 $0xFFFFD800  }
0x75: {  	_ =	swait.ge [sflag:s13], $0x2800  }
0x76: {  	[sflag:s13] =	ssyncset.done $0x0  }
0x77: {  	s18 =	stileid.u32;
	[sflag:s13] =	ssyncadd.s32 $0xFFFFD800  }
0x78: {  	s15 =	sshll.u32 s18, $0x6;
	[bflag:$0x0] =	sbarrier.arrive $0xFFFF  }
0x79: {  	s18 =	sshrl.u32 s5, $0x3;
	s15 =	sor.u32 $0x1C0D, s15;
	s19 =	rddreg [dreg:$0xb]  }
0x7a: {  	[hbm:s19], [sflag:s15] =	dma.local [spmem:s18], $0x200  }
0x7b: {  	_ =	swait.ge [sflag:s17], $0x200  }
0x7c: {  	s14 =	sadd.s32 $0x1, s14;
	s19 =	rddreg [dreg:$0xc]  }
0x7d: {  	p0 =	sne.s32 s14, s19  }
.Ltmp1:
0x7e: {  	_ = 	snop;
	(pc) =	sbr.rel @p0 .LBB2_1-.Ltmp1, $3  }
0x7f: {  	_ =	sdelay $0x1  }
0x80: {  	[sflag:s17] =	ssyncset.done $0x0  }
0x81: {  	[sflag:s17] =	ssyncadd.s32 $0xFFFFFE00  }
0x82: {  	_ =	sfence.sel $0x180000  }
0x83: {  	[bflag:$0x0] =	sbarrier.arrive $0xFFFF  }
0x84: {  	_ =	strace $0x90000050  }
0x85: {  	s0 =	stileid.u32;
	[bflag:$0x2] =	sbarrier.arrive $0xFFFF  }
0x86: {  	p0 =	sne.s32 s0, $0x0;
	s0 =	rddreg [dreg:$0x2]  }
0x87: {  	s0 =	sadd.s32 @!p0 $0x100000, s0  }
0x88: {  	[sflag:s0] =	ssyncadd.tile.s32 @!p0 $0x1;
	_ =	shalt  }
.Lfunc_end2:
_tile_overlayer_lowered:
.L_overlay_start_2:
0x89: {  	(tag) =	ssettag $0x2  }
0x8a: {  	s0 =	rddreg [dreg:$0x0];
	s2 =	stileid.u32  }
0x8b: {  	s1 =	rddreg [dreg:$0x1];
	p0 =	sne.s32 s2, $0x0  }
0x8c: {  	s3 =	rddreg [dreg:$0x2];
	[bflag:$0x3] =	sbarrier.arrive $0xFFFF;
	s2 =	simm.s32 @!p0 $0x1C0D  }
0x8d: {  	[timem:s3], [sflag:s2] =	dma.local @!p0 [hbm:s0], s1  }
0x8e: {  	s0 =	simm.s32 @!p0 $0xD  }
0x8f: {  	_ =	swait.ge @!p0 [sflag:s0], s1  }
0x90: {  	s1 =	ssub.s32 @!p0 $0x0, s1;
	[sflag:s0] =	ssyncset.done @!p0 $0x0  }
0x91: {  	[sflag:s0] =	ssyncadd.s32 @!p0 s1  }
0x92: {  	[bflag:$0x3] =	sbarrier.arrive $0xFFFF  }
0x93: {  	_ =	shalt  }

</sc_bundles>
